<compile_context>
chip_gen: v7x
topology: tpu7x:2x2x1
jax: 0.10.2.dev20260603
libtpu: 0.0.44.dev20260713+nightly
codegen_flags: <defaults>
</compile_context>

<pallas_src>
import functools

import jax
import jax.numpy as jnp
from jax import lax
from jax.experimental import pallas as pl
from jax.experimental.pallas import tpu as pltpu
from jax.experimental.pallas import tpu_sc as plsc

NC = 2
NS = 16
LANES = 16
CHUNK = 128
ROW_BLK = 400
DEG_W = 128
UNROLL = 8


def _mesh():
    return plsc.VectorSubcoreMesh(
        core_axis_name="c", subcore_axis_name="s", num_cores=NC, num_subcores=NS
    )




def _deg_body(k_per_tile, stripe, hn, npass, width,
              dst2d, ones, zeros, out, dstv, dstl, onesv, acc):
    c = lax.axis_index("c")
    s = lax.axis_index("s")
    base = (c * NS + s) * k_per_tile
    pltpu.sync_copy(dst2d.at[pl.ds(base, k_per_tile)], dstv)
    pltpu.sync_copy(ones, onesv)

    iota = lax.iota(jnp.int32, LANES)
    for p in range(npass):
        lo = jnp.full((LANES,), p * hn, jnp.int32)

        def remap(r, carry):
            for kk in range(CHUNK // LANES):
                sl = pl.ds(kk * LANES, LANES)
                local = dstv[r, sl] - lo
                oob = (local < 0) | (local >= hn)
                dummy = hn + kk * LANES + iota
                dstl[r, sl] = jnp.where(oob, dummy, local)
            return carry

        lax.fori_loop(0, k_per_tile, remap, 0)
        pltpu.sync_copy(zeros, acc.at[pl.ds(s * stripe, stripe)])
        plsc.subcore_barrier()

        def step(j, carry):
            pltpu.sync_copy(onesv, acc.at[dstl.at[j]], add=True)
            return carry

        lax.fori_loop(0, k_per_tile, step, 0)
        plsc.subcore_barrier()
        pltpu.sync_copy(acc.at[pl.ds(s * stripe, stripe)],
                        out.at[c, pl.ds(p * hn + s * stripe, stripe)])


@functools.lru_cache(maxsize=None)
def _make_deg_kernel(nchunks, rpad, width, hn, npass):
    stripe = hn // NS
    k = nchunks // (NC * NS)
    return pl.kernel(
        functools.partial(_deg_body, k, stripe, hn, npass, width),
        out_type=jax.ShapeDtypeStruct((NC, rpad, width), jnp.float32),
        mesh=_mesh(),
        scratch_types=[
            pltpu.VMEM((k, CHUNK), jnp.int32),
            pltpu.VMEM((k, CHUNK), jnp.int32),
            pltpu.VMEM((CHUNK, width), jnp.float32),
            pltpu.VMEM_SHARED((hn + CHUNK, width), jnp.float32),
        ],
    )


def _scatter_body(feature_split, n, k_per_tile, stripe, hn, npass,
                  src2d, dst2d, table, zeros, out,
                  srcv, dstv, cdst, rows0, acc, sem0):
    c = lax.axis_index("c")
    s = lax.axis_index("s")
    if feature_split:
        base = s * k_per_tile
    else:
        base = (c * NS + s) * k_per_tile
    pltpu.sync_copy(src2d.at[pl.ds(base, k_per_tile)], srcv)
    pltpu.sync_copy(dst2d.at[pl.ds(base, k_per_tile)], dstv)
    if feature_split:
        off = jnp.full((LANES,), c * n, jnp.int32)

        def adj(r, carry):
            for kk in range(CHUNK // LANES):
                sl = pl.ds(kk * LANES, LANES)
                srcv[r, sl] = srcv[r, sl] + off
            return carry

        lax.fori_loop(0, k_per_tile, adj, 0)

    iota = lax.iota(jnp.int32, LANES)
    for p in range(npass):
        lo = jnp.full((LANES,), p * hn, jnp.int32)

        def remap(r, carry):
            for kk in range(CHUNK // LANES):
                sl = pl.ds(kk * LANES, LANES)
                local = dstv[r, sl] - lo
                oob = (local < 0) | (local >= hn)
                dummy = hn + kk * LANES + iota
                cdst[r, sl] = jnp.where(oob, dummy, local)
            return carry

        lax.fori_loop(0, k_per_tile, remap, 0)

        pltpu.sync_copy(zeros, acc.at[pl.ds(s * stripe, stripe)])
        plsc.subcore_barrier()

        def step(j, carry):
            pltpu.async_copy(table.at[srcv.at[j]], rows0, sem0).wait()
            pltpu.sync_copy(rows0, acc.at[cdst.at[j]], add=True)
            return carry

        lax.fori_loop(0, k_per_tile, step, 0)
        plsc.subcore_barrier()
        pltpu.sync_copy(acc.at[pl.ds(s * stripe, stripe)],
                        out.at[c, pl.ds(p * hn + s * stripe, stripe)])


@functools.lru_cache(maxsize=None)
def _make_scatter_kernel(feature_split, n, nchunks, rpad, width, hn, npass):
    stripe = hn // NS
    k = nchunks // NS if feature_split else nchunks // (NC * NS)
    return pl.kernel(
        functools.partial(_scatter_body, feature_split, n, k, stripe, hn,
                          npass),
        out_type=jax.ShapeDtypeStruct((NC, rpad, width), jnp.float32),
        mesh=_mesh(),
        scratch_types=[
            pltpu.VMEM((k, CHUNK), jnp.int32),
            pltpu.VMEM((k, CHUNK), jnp.int32),
            pltpu.VMEM((k, CHUNK), jnp.int32),
            pltpu.VMEM((CHUNK, width), jnp.float32),
            pltpu.VMEM_SHARED((hn + CHUNK, width), jnp.float32),
            pltpu.SemaphoreType.DMA,
        ],
    )




def _dis(degp_ref):
    deg = degp_ref[0, :, 0:1] + degp_ref[1, :, 0:1] + 1.0
    return lax.rsqrt(deg)


def _tc_first_body(x_ref, degp_ref, w_ref, hp_ref):
    dis = _dis(degp_ref)
    h = jnp.dot(x_ref[...], w_ref[...], preferred_element_type=jnp.float32)
    hp = h * dis
    half = hp.shape[1] // 2
    hp_ref[0] = hp[:, :half]
    hp_ref[1] = hp[:, half:]


def _tc_mid_body(split_out, degp_ref, acc_ref, hpp_ref, b_ref, w_ref, hp_ref):
    dis = _dis(degp_ref)
    cat = jnp.concatenate([acc_ref[0] + hpp_ref[0], acc_ref[1] + hpp_ref[1]],
                          axis=1)
    x = jnp.maximum(cat * dis + b_ref[...], 0.0)
    hp = jnp.dot(x, w_ref[...], preferred_element_type=jnp.float32) * dis
    if split_out:
        half = hp.shape[1] // 2
        hp_ref[0] = hp[:, :half]
        hp_ref[1] = hp[:, half:]
    else:
        hp_ref[...] = hp


def _tc_last_body(degp_ref, accp_ref, hp_ref, b_ref, out_ref):
    dis = _dis(degp_ref)
    t = (accp_ref[0] + accp_ref[1] + hp_ref[...]) * dis + b_ref[...]
    out_ref[0] = jnp.maximum(t, 0.0)


def _tc_first(x, degp, w):
    n, d_in = x.shape
    d_out = w.shape[1]
    grid = n // ROW_BLK
    return pl.pallas_call(
        _tc_first_body,
        grid=(grid,),
        in_specs=[
            pl.BlockSpec((ROW_BLK, d_in), lambda i: (i, 0)),
            pl.BlockSpec((NC, ROW_BLK, DEG_W), lambda i: (0, i, 0)),
            pl.BlockSpec((d_in, d_out), lambda i: (0, 0)),
        ],
        out_specs=pl.BlockSpec((NC, ROW_BLK, d_out // 2), lambda i: (0, i, 0)),
        out_shape=jax.ShapeDtypeStruct((NC, n, d_out // 2), jnp.float32),
    )(x, degp, w)


def _tc_mid(degp, acc, hpp, b, w, split_out):
    n = acc.shape[1]
    d_in = 2 * acc.shape[2]
    d_out = w.shape[1]
    grid = n // ROW_BLK
    if split_out:
        out_spec = pl.BlockSpec((NC, ROW_BLK, d_out // 2), lambda i: (0, i, 0))
        out_shape = jax.ShapeDtypeStruct((NC, n, d_out // 2), jnp.float32)
    else:
        out_spec = pl.BlockSpec((ROW_BLK, d_out), lambda i: (i, 0))
        out_shape = jax.ShapeDtypeStruct((n, d_out), jnp.float32)
    return pl.pallas_call(
        functools.partial(_tc_mid_body, split_out),
        grid=(grid,),
        in_specs=[
            pl.BlockSpec((NC, ROW_BLK, DEG_W), lambda i: (0, i, 0)),
            pl.BlockSpec((NC, ROW_BLK, d_in // 2), lambda i: (0, i, 0)),
            pl.BlockSpec((NC, ROW_BLK, d_in // 2), lambda i: (0, i, 0)),
            pl.BlockSpec((1, d_in), lambda i: (0, 0)),
            pl.BlockSpec((d_in, d_out), lambda i: (0, 0)),
        ],
        out_specs=out_spec,
        out_shape=out_shape,
    )(degp, acc, hpp, b, w)


def _tc_last(degp, accp, hp, b):
    n, d = hp.shape
    grid = n // ROW_BLK
    return pl.pallas_call(
        _tc_last_body,
        grid=(grid,),
        in_specs=[
            pl.BlockSpec((NC, ROW_BLK, DEG_W), lambda i: (0, i, 0)),
            pl.BlockSpec((NC, ROW_BLK, d), lambda i: (0, i, 0)),
            pl.BlockSpec((ROW_BLK, d), lambda i: (i, 0)),
            pl.BlockSpec((1, d), lambda i: (0, 0)),
        ],
        out_specs=pl.BlockSpec((1, ROW_BLK, d), lambda i: (0, i, 0)),
        out_shape=jax.ShapeDtypeStruct((1, n, d), jnp.float32),
    )(degp, accp, hp, b)




def kernel(mesh_node_features, edge_index, W1, b1, W2, b2, W3, b3):
    x = mesh_node_features[0]
    n = x.shape[0]
    e = edge_index.shape[1]
    h_dim = W1.shape[1]

    npass = 2
    hn = -(-(-(-(n + 1) // npass)) // (NS * 8)) * (NS * 8)
    rpad = npass * hn
    nchunks = -(-e // CHUNK)
    nchunks = -(-nchunks // (NC * NS * 8)) * (NC * NS * 8)
    pad_e = nchunks * CHUNK - e

    src = jnp.concatenate([edge_index[0], jnp.zeros((pad_e,), jnp.int32)])
    dst = jnp.concatenate([edge_index[1], jnp.full((pad_e,), n, jnp.int32)])
    src2d = src.reshape(nchunks, CHUNK)
    dst2d = dst.reshape(nchunks, CHUNK)

    zeros_h = jnp.zeros((hn // NS, h_dim // 2), jnp.float32)
    ones_deg = jnp.ones((CHUNK, DEG_W), jnp.float32)
    b1r = b1.reshape(1, -1)
    b2r = b2.reshape(1, -1)
    b3r = b3.reshape(1, -1)

    degp = _make_deg_kernel(nchunks, rpad, DEG_W, hn, npass)(
        dst2d, ones_deg, zeros_h)[:, :n, :]

    scat_f = _make_scatter_kernel(True, n, nchunks, rpad, h_dim // 2, hn,
                                  npass)
    scat_e = _make_scatter_kernel(False, n, nchunks, rpad, h_dim // 2, hn,
                                  npass)

    hp1 = _tc_first(x, degp, W1)
    acc1 = scat_f(src2d, dst2d, hp1.reshape(NC * n, -1), zeros_h)[:, :n, :]
    hp2 = _tc_mid(degp, acc1, hp1, b1r, W2, split_out=True)
    acc2 = scat_f(src2d, dst2d, hp2.reshape(NC * n, -1), zeros_h)[:, :n, :]
    hp3 = _tc_mid(degp, acc2, hp2, b2r, W3, split_out=False)
    acc3 = scat_e(src2d, dst2d, hp3, zeros_h)[:, :n, :]
    return _tc_last(degp, acc3, hp3, b3r)

# --- scband reference (transcript-rebuilt; emitter-appended) ---
"""Pipeline reference for scband-simple-processor-41437844471979 (READ-ONLY COPY).

The authoritative reference and input builder live on the scoring server;
editing this copy changes nothing except your own understanding.
"""

import jax, jax.numpy as jnp
import numpy as np

N = 10000
E = 320000
D_IN = 128
H = 256


def _glorot(key, shape):
    lim = float(np.sqrt(6.0 / (shape[0] + shape[1])))
    return jax.random.uniform(key, shape, jnp.float32, -lim, lim)


def setup_inputs(seed: int = 0) -> dict:
    key = jax.random.key(seed)
    ks = jax.random.split(key, 8)
    mesh_node_features = jax.random.normal(ks[0], (1, N, D_IN), jnp.float32)
    edge_index = jax.random.randint(ks[1], (2, E), 0, N, jnp.int32)
    W1 = _glorot(ks[2], (D_IN, H))
    b1 = jnp.zeros((H,), jnp.float32)
    W2 = _glorot(ks[3], (H, H))
    b2 = jnp.zeros((H,), jnp.float32)
    W3 = _glorot(ks[4], (H, D_IN))
    b3 = jnp.zeros((D_IN,), jnp.float32)
    return {"mesh_node_features": mesh_node_features, "edge_index": edge_index,
            "W1": W1, "b1": b1, "W2": W2, "b2": b2, "W3": W3, "b3": b3}


def _gcn_layer(x, edge_index, W, b):
    # Faithful GCNConv: add self-loops, symmetric normalization, lin -> propagate -> bias
    src = edge_index[0]
    dst = edge_index[1]
    n = x.shape[1]
    loop = jnp.arange(n, dtype=src.dtype)
    src_a = jnp.concatenate([src, loop])
    dst_a = jnp.concatenate([dst, loop])
    deg = jnp.zeros((n,), jnp.float32).at[dst_a].add(1.0)
    dis = jnp.where(deg > 0, jax.lax.rsqrt(jnp.maximum(deg, 1e-12)), 0.0)
    norm = dis[src_a] * dis[dst_a]
    h = x @ W
    msg = h[:, src_a, :] * norm[None, :, None]
    out = jnp.zeros_like(h).at[:, dst_a, :].add(msg)
    return out + b


def reference(mesh_node_features, edge_index, W1, b1, W2, b2, W3, b3):
    h = jax.nn.relu(_gcn_layer(mesh_node_features, edge_index, W1, b1))
    h = jax.nn.relu(_gcn_layer(h, edge_index, W2, b2))
    h = jax.nn.relu(_gcn_layer(h, edge_index, W3, b3))
    return h

if __name__ == "__main__":
    import jax
    _d = setup_inputs()
    print(jax.jit(kernel)(*tuple(_d.values())))

</pallas_src>

<mosaic_0001>
#map = affine_map<(d0, d1) -> (0, 0)>
#map1 = affine_map<(d0, d1) -> (0, 0, 0)>
module attributes {stable_mosaic.version = 14 : i64} {
  func.func @_deg_body(%arg0: i32, %arg1: i32, %arg2: memref<2560x128xi32, #tpu.memory_space<hbm>>, %arg3: memref<128x128xf32, #tpu.memory_space<hbm>>, %arg4: memref<320x128xf32, #tpu.memory_space<hbm>>, %arg5: memref<2x10240x128xf32, #tpu.memory_space<hbm>>, %arg6: memref<80x128xi32, #tpu.memory_space<vmem>>, %arg7: memref<80x128xi32, #tpu.memory_space<vmem>>, %arg8: memref<128x128xf32, #tpu.memory_space<vmem>>, %arg9: memref<5248x128xf32, #tpu.memory_space<vmem_shared>>) attributes {dimension_semantics = [#tpu.dimension_semantics<core_parallel>, #tpu.dimension_semantics<subcore_parallel>], iteration_bounds = array<i64: 2, 16>, scalar_prefetch = 0 : i64, scratch_operands = 4 : i64, tpu.core_type = #tpu.core_type<sc_vector_subcore>, window_params = [{transform_indices = #map}, {transform_indices = #map}, {transform_indices = #map}, {transform_indices = #map1}]} {
    %mul3A = arith.constant 16 : i32
    %mul3A_0 = arith.muli %arg0, %mul3A : i32
    %add3A = arith.addi %mul3A_0, %arg1 : i32
    %mul3A_1 = arith.constant 80 : i32
    %mul3A_2 = arith.muli %add3A, %mul3A_1 : i32
    "tpu.region"() ({
      %run_scoped3A = tpu.sem_alloc : memref<!tpu.dma_semaphore, #tpu.memory_space<semaphore_mem>>
      %dma_start3A = arith.constant 0 : i32
      %dma_start3A_48 = tpu.memref_slice %arg2[%mul3A_2, %dma_start3A] : memref<2560x128xi32, #tpu.memory_space<hbm>> -> memref<80x128xi32, #tpu.memory_space<hbm>>
      %dma_start3A_49 = arith.constant 0 : i32
      %dma_start3A_50 = tpu.memref_slice %arg2[%mul3A_2, %dma_start3A_49] : memref<2560x128xi32, #tpu.memory_space<hbm>> -> memref<80x128xi32, #tpu.memory_space<hbm>>
      tpu.enqueue_dma source(%dma_start3A_50 : memref<80x128xi32, #tpu.memory_space<hbm>>) target(%arg6 : memref<80x128xi32, #tpu.memory_space<vmem>>) target_semaphore(%run_scoped3A : memref<!tpu.dma_semaphore, #tpu.memory_space<semaphore_mem>>)
      %dma_wait3A = arith.constant 0 : i32
      %dma_wait3A_51 = tpu.memref_slice %arg2[%mul3A_2, %dma_wait3A] : memref<2560x128xi32, #tpu.memory_space<hbm>> -> memref<80x128xi32, #tpu.memory_space<hbm>>
      %dma_wait3A_52 = arith.constant 0 : i32
      %dma_wait3A_53 = tpu.memref_slice %arg2[%mul3A_2, %dma_wait3A_52] : memref<2560x128xi32, #tpu.memory_space<hbm>> -> memref<80x128xi32, #tpu.memory_space<hbm>>
      tpu.wait_dma2 semaphore(%run_scoped3A : memref<!tpu.dma_semaphore, #tpu.memory_space<semaphore_mem>>) src(%dma_wait3A_53 : memref<80x128xi32, #tpu.memory_space<hbm>>) dst(%arg6 : memref<80x128xi32, #tpu.memory_space<vmem>>)
      tpu.yield
    }) : () -> ()
    "tpu.region"() ({
      %run_scoped3A = tpu.sem_alloc : memref<!tpu.dma_semaphore, #tpu.memory_space<semaphore_mem>>
      tpu.enqueue_dma source(%arg3 : memref<128x128xf32, #tpu.memory_space<hbm>>) target(%arg8 : memref<128x128xf32, #tpu.memory_space<vmem>>) target_semaphore(%run_scoped3A : memref<!tpu.dma_semaphore, #tpu.memory_space<semaphore_mem>>)
      tpu.wait_dma2 semaphore(%run_scoped3A : memref<!tpu.dma_semaphore, #tpu.memory_space<semaphore_mem>>) src(%arg3 : memref<128x128xf32, #tpu.memory_space<hbm>>) dst(%arg8 : memref<128x128xf32, #tpu.memory_space<vmem>>)
      tpu.yield
    }) : () -> ()
    %iota3A = tpu.iota {dimensions = array<i32: 0>} : vector<16xi32>
    %broadcast_in_dim3A = arith.constant 0 : i32
    %broadcast_in_dim3A_3 = vector.broadcast %broadcast_in_dim3A : i32 to vector<16xi32>
    %scan3A = arith.constant 0 : i32
    %scan3A_4 = arith.constant 0 : i32
    %scan3A_5 = arith.constant 80 : i32
    %scan3A_6 = arith.addi %scan3A_4, %scan3A_5 : i32
    %scan3A_7 = arith.constant 1 : i32
    scf.for %scan3A_48 = %scan3A_4 to %scan3A_6 step %scan3A_7  : i32 {
      %get3A = arith.index_cast %scan3A_48 : i32 to index
      %get3A_49 = arith.constant 0 : index
      %get3A_50 = tpu.vector_load %arg6[%get3A, %get3A_49] {strides = array<i32>} : memref<80x128xi32, #tpu.memory_space<vmem>>, vector<1x16xi32>,
      %get3A_51 = vector.shape_cast %get3A_50 : vector<1x16xi32> to vector<16xi32>
      %sub3A = arith.subi %get3A_51, %broadcast_in_dim3A_3 : vector<16xi32>
      %lt3A = arith.constant 0 : i32
      %lt3A_52 = vector.broadcast %lt3A : i32 to vector<16xi32>
      %lt3A_53 = arith.cmpi slt, %sub3A, %lt3A_52 : vector<16xi32>
      %ge3A = arith.constant 5120 : i32
      %ge3A_54 = vector.broadcast %ge3A : i32 to vector<16xi32>
      %ge3A_55 = arith.cmpi sge, %sub3A, %ge3A_54 : vector<16xi32>
      %or3A = arith.ori %lt3A_53, %ge3A_55 : vector<16xi1>
      %add3A_56 = arith.constant 5120 : i32
      %add3A_57 = vector.broadcast %add3A_56 : i32 to vector<16xi32>
      %add3A_58 = arith.addi %add3A_57, %iota3A : vector<16xi32>
      %select_n3A = arith.select %or3A, %add3A_58, %sub3A : vector<16xi1>, vector<16xi32>
      %swap3A = arith.index_cast %scan3A_48 : i32 to index
      %swap3A_59 = arith.constant 0 : index
      %swap3A_60 = tpu.vector_load %arg7[%swap3A, %swap3A_59] {strides = array<i32>} : memref<80x128xi32, #tpu.memory_space<vmem>>, vector<1x16xi32>,
      %swap3A_61 = vector.shape_cast %swap3A_60 : vector<1x16xi32> to vector<16xi32>
      %swap3A_62 = vector.shape_cast %select_n3A : vector<16xi32> to vector<1x16xi32>
      tpu.vector_store %arg7[%swap3A, %swap3A_59], %swap3A_62 {strides = array<i32>} : memref<80x128xi32, #tpu.memory_space<vmem>>, vector<1x16xi32>,
      %get3A_63 = arith.index_cast %scan3A_48 : i32 to index
      %get3A_64 = arith.constant 16 : index
      %get3A_65 = tpu.vector_load %arg6[%get3A_63, %get3A_64] {strides = array<i32>} : memref<80x128xi32, #tpu.memory_space<vmem>>, vector<1x16xi32>,
      %get3A_66 = vector.shape_cast %get3A_65 : vector<1x16xi32> to vector<16xi32>
      %sub3A_67 = arith.subi %get3A_66, %broadcast_in_dim3A_3 : vector<16xi32>
      %lt3A_68 = arith.constant 0 : i32
      %lt3A_69 = vector.broadcast %lt3A_68 : i32 to vector<16xi32>
      %lt3A_70 = arith.cmpi slt, %sub3A_67, %lt3A_69 : vector<16xi32>
      %ge3A_71 = arith.constant 5120 : i32
      %ge3A_72 = vector.broadcast %ge3A_71 : i32 to vector<16xi32>
      %ge3A_73 = arith.cmpi sge, %sub3A_67, %ge3A_72 : vector<16xi32>
      %or3A_74 = arith.ori %lt3A_70, %ge3A_73 : vector<16xi1>
      %add3A_75 = arith.constant 5136 : i32
      %add3A_76 = vector.broadcast %add3A_75 : i32 to vector<16xi32>
      %add3A_77 = arith.addi %add3A_76, %iota3A : vector<16xi32>
      %select_n3A_78 = arith.select %or3A_74, %add3A_77, %sub3A_67 : vector<16xi1>, vector<16xi32>
      %swap3A_79 = arith.index_cast %scan3A_48 : i32 to index
      %swap3A_80 = arith.constant 16 : index
      %swap3A_81 = tpu.vector_load %arg7[%swap3A_79, %swap3A_80] {strides = array<i32>} : memref<80x128xi32, #tpu.memory_space<vmem>>, vector<1x16xi32>,
      %swap3A_82 = vector.shape_cast %swap3A_81 : vector<1x16xi32> to vector<16xi32>
      %swap3A_83 = vector.shape_cast %select_n3A_78 : vector<16xi32> to vector<1x16xi32>
      tpu.vector_store %arg7[%swap3A_79, %swap3A_80], %swap3A_83 {strides = array<i32>} : memref<80x128xi32, #tpu.memory_space<vmem>>, vector<1x16xi32>,
      %get3A_84 = arith.index_cast %scan3A_48 : i32 to index
      %get3A_85 = arith.constant 32 : index
      %get3A_86 = tpu.vector_load %arg6[%get3A_84, %get3A_85] {strides = array<i32>} : memref<80x128xi32, #tpu.memory_space<vmem>>, vector<1x16xi32>,
      %get3A_87 = vector.shape_cast %get3A_86 : vector<1x16xi32> to vector<16xi32>
      %sub3A_88 = arith.subi %get3A_87, %broadcast_in_dim3A_3 : vector<16xi32>
      %lt3A_89 = arith.constant 0 : i32
      %lt3A_90 = vector.broadcast %lt3A_89 : i32 to vector<16xi32>
      %lt3A_91 = arith.cmpi slt, %sub3A_88, %lt3A_90 : vector<16xi32>
      %ge3A_92 = arith.constant 5120 : i32
      %ge3A_93 = vector.broadcast %ge3A_92 : i32 to vector<16xi32>
      %ge3A_94 = arith.cmpi sge, %sub3A_88, %ge3A_93 : vector<16xi32>
      %or3A_95 = arith.ori %lt3A_91, %ge3A_94 : vector<16xi1>
      %add3A_96 = arith.constant 5152 : i32
      %add3A_97 = vector.broadcast %add3A_96 : i32 to vector<16xi32>
      %add3A_98 = arith.addi %add3A_97, %iota3A : vector<16xi32>
      %select_n3A_99 = arith.select %or3A_95, %add3A_98, %sub3A_88 : vector<16xi1>, vector<16xi32>
      %swap3A_100 = arith.index_cast %scan3A_48 : i32 to index
      %swap3A_101 = arith.constant 32 : index
      %swap3A_102 = tpu.vector_load %arg7[%swap3A_100, %swap3A_101] {strides = array<i32>} : memref<80x128xi32, #tpu.memory_space<vmem>>, vector<1x16xi32>,
      %swap3A_103 = vector.shape_cast %swap3A_102 : vector<1x16xi32> to vector<16xi32>
      %swap3A_104 = vector.shape_cast %select_n3A_99 : vector<16xi32> to vector<1x16xi32>
      tpu.vector_store %arg7[%swap3A_100, %swap3A_101], %swap3A_104 {strides = array<i32>} : memref<80x128xi32, #tpu.memory_space<vmem>>, vector<1x16xi32>,
      %get3A_105 = arith.index_cast %scan3A_48 : i32 to index
      %get3A_106 = arith.constant 48 : index
      %get3A_107 = tpu.vector_load %arg6[%get3A_105, %get3A_106] {strides = array<i32>} : memref<80x128xi32, #tpu.memory_space<vmem>>, vector<1x16xi32>,
      %get3A_108 = vector.shape_cast %get3A_107 : vector<1x16xi32> to vector<16xi32>
      %sub3A_109 = arith.subi %get3A_108, %broadcast_in_dim3A_3 : vector<16xi32>
      %lt3A_110 = arith.constant 0 : i32
      %lt3A_111 = vector.broadcast %lt3A_110 : i32 to vector<16xi32>
      %lt3A_112 = arith.cmpi slt, %sub3A_109, %lt3A_111 : vector<16xi32>
      %ge3A_113 = arith.constant 5120 : i32
      %ge3A_114 = vector.broadcast %ge3A_113 : i32 to vector<16xi32>
      %ge3A_115 = arith.cmpi sge, %sub3A_109, %ge3A_114 : vector<16xi32>
      %or3A_116 = arith.ori %lt3A_112, %ge3A_115 : vector<16xi1>
      %add3A_117 = arith.constant 5168 : i32
      %add3A_118 = vector.broadcast %add3A_117 : i32 to vector<16xi32>
      %add3A_119 = arith.addi %add3A_118, %iota3A : vector<16xi32>
      %select_n3A_120 = arith.select %or3A_116, %add3A_119, %sub3A_109 : vector<16xi1>, vector<16xi32>
      %swap3A_121 = arith.index_cast %scan3A_48 : i32 to index
      %swap3A_122 = arith.constant 48 : index
      %swap3A_123 = tpu.vector_load %arg7[%swap3A_121, %swap3A_122] {strides = array<i32>} : memref<80x128xi32, #tpu.memory_space<vmem>>, vector<1x16xi32>,
      %swap3A_124 = vector.shape_cast %swap3A_123 : vector<1x16xi32> to vector<16xi32>
      %swap3A_125 = vector.shape_cast %select_n3A_120 : vector<16xi32> to vector<1x16xi32>
      tpu.vector_store %arg7[%swap3A_121, %swap3A_122], %swap3A_125 {strides = array<i32>} : memref<80x128xi32, #tpu.memory_space<vmem>>, vector<1x16xi32>,
      %get3A_126 = arith.index_cast %scan3A_48 : i32 to index
      %get3A_127 = arith.constant 64 : index
      %get3A_128 = tpu.vector_load %arg6[%get3A_126, %get3A_127] {strides = array<i32>} : memref<80x128xi32, #tpu.memory_space<vmem>>, vector<1x16xi32>,
      %get3A_129 = vector.shape_cast %get3A_128 : vector<1x16xi32> to vector<16xi32>
      %sub3A_130 = arith.subi %get3A_129, %broadcast_in_dim3A_3 : vector<16xi32>
      %lt3A_131 = arith.constant 0 : i32
      %lt3A_132 = vector.broadcast %lt3A_131 : i32 to vector<16xi32>
      %lt3A_133 = arith.cmpi slt, %sub3A_130, %lt3A_132 : vector<16xi32>
      %ge3A_134 = arith.constant 5120 : i32
      %ge3A_135 = vector.broadcast %ge3A_134 : i32 to vector<16xi32>
      %ge3A_136 = arith.cmpi sge, %sub3A_130, %ge3A_135 : vector<16xi32>
      %or3A_137 = arith.ori %lt3A_133, %ge3A_136 : vector<16xi1>
      %add3A_138 = arith.constant 5184 : i32
      %add3A_139 = vector.broadcast %add3A_138 : i32 to vector<16xi32>
      %add3A_140 = arith.addi %add3A_139, %iota3A : vector<16xi32>
      %select_n3A_141 = arith.select %or3A_137, %add3A_140, %sub3A_130 : vector<16xi1>, vector<16xi32>
      %swap3A_142 = arith.index_cast %scan3A_48 : i32 to index
      %swap3A_143 = arith.constant 64 : index
      %swap3A_144 = tpu.vector_load %arg7[%swap3A_142, %swap3A_143] {strides = array<i32>} : memref<80x128xi32, #tpu.memory_space<vmem>>, vector<1x16xi32>,
      %swap3A_145 = vector.shape_cast %swap3A_144 : vector<1x16xi32> to vector<16xi32>
      %swap3A_146 = vector.shape_cast %select_n3A_141 : vector<16xi32> to vector<1x16xi32>
      tpu.vector_store %arg7[%swap3A_142, %swap3A_143], %swap3A_146 {strides = array<i32>} : memref<80x128xi32, #tpu.memory_space<vmem>>, vector<1x16xi32>,
      %get3A_147 = arith.index_cast %scan3A_48 : i32 to index
      %get3A_148 = arith.constant 80 : index
      %get3A_149 = tpu.vector_load %arg6[%get3A_147, %get3A_148] {strides = array<i32>} : memref<80x128xi32, #tpu.memory_space<vmem>>, vector<1x16xi32>,
      %get3A_150 = vector.shape_cast %get3A_149 : vector<1x16xi32> to vector<16xi32>
      %sub3A_151 = arith.subi %get3A_150, %broadcast_in_dim3A_3 : vector<16xi32>
      %lt3A_152 = arith.constant 0 : i32
      %lt3A_153 = vector.broadcast %lt3A_152 : i32 to vector<16xi32>
      %lt3A_154 = arith.cmpi slt, %sub3A_151, %lt3A_153 : vector<16xi32>
      %ge3A_155 = arith.constant 5120 : i32
      %ge3A_156 = vector.broadcast %ge3A_155 : i32 to vector<16xi32>
      %ge3A_157 = arith.cmpi sge, %sub3A_151, %ge3A_156 : vector<16xi32>
      %or3A_158 = arith.ori %lt3A_154, %ge3A_157 : vector<16xi1>
      %add3A_159 = arith.constant 5200 : i32
      %add3A_160 = vector.broadcast %add3A_159 : i32 to vector<16xi32>
      %add3A_161 = arith.addi %add3A_160, %iota3A : vector<16xi32>
      %select_n3A_162 = arith.select %or3A_158, %add3A_161, %sub3A_151 : vector<16xi1>, vector<16xi32>
      %swap3A_163 = arith.index_cast %scan3A_48 : i32 to index
      %swap3A_164 = arith.constant 80 : index
      %swap3A_165 = tpu.vector_load %arg7[%swap3A_163, %swap3A_164] {strides = array<i32>} : memref<80x128xi32, #tpu.memory_space<vmem>>, vector<1x16xi32>,
      %swap3A_166 = vector.shape_cast %swap3A_165 : vector<1x16xi32> to vector<16xi32>
      %swap3A_167 = vector.shape_cast %select_n3A_162 : vector<16xi32> to vector<1x16xi32>
      tpu.vector_store %arg7[%swap3A_163, %swap3A_164], %swap3A_167 {strides = array<i32>} : memref<80x128xi32, #tpu.memory_space<vmem>>, vector<1x16xi32>,
      %get3A_168 = arith.index_cast %scan3A_48 : i32 to index
      %get3A_169 = arith.constant 96 : index
      %get3A_170 = tpu.vector_load %arg6[%get3A_168, %get3A_169] {strides = array<i32>} : memref<80x128xi32, #tpu.memory_space<vmem>>, vector<1x16xi32>,
      %get3A_171 = vector.shape_cast %get3A_170 : vector<1x16xi32> to vector<16xi32>
      %sub3A_172 = arith.subi %get3A_171, %broadcast_in_dim3A_3 : vector<16xi32>
      %lt3A_173 = arith.constant 0 : i32
      %lt3A_174 = vector.broadcast %lt3A_173 : i32 to vector<16xi32>
      %lt3A_175 = arith.cmpi slt, %sub3A_172, %lt3A_174 : vector<16xi32>
      %ge3A_176 = arith.constant 5120 : i32
      %ge3A_177 = vector.broadcast %ge3A_176 : i32 to vector<16xi32>
      %ge3A_178 = arith.cmpi sge, %sub3A_172, %ge3A_177 : vector<16xi32>
      %or3A_179 = arith.ori %lt3A_175, %ge3A_178 : vector<16xi1>
      %add3A_180 = arith.constant 5216 : i32
      %add3A_181 = vector.broadcast %add3A_180 : i32 to vector<16xi32>
      %add3A_182 = arith.addi %add3A_181, %iota3A : vector<16xi32>
      %select_n3A_183 = arith.select %or3A_179, %add3A_182, %sub3A_172 : vector<16xi1>, vector<16xi32>
      %swap3A_184 = arith.index_cast %scan3A_48 : i32 to index
      %swap3A_185 = arith.constant 96 : index
      %swap3A_186 = tpu.vector_load %arg7[%swap3A_184, %swap3A_185] {strides = array<i32>} : memref<80x128xi32, #tpu.memory_space<vmem>>, vector<1x16xi32>,
      %swap3A_187 = vector.shape_cast %swap3A_186 : vector<1x16xi32> to vector<16xi32>
      %swap3A_188 = vector.shape_cast %select_n3A_183 : vector<16xi32> to vector<1x16xi32>
      tpu.vector_store %arg7[%swap3A_184, %swap3A_185], %swap3A_188 {strides = array<i32>} : memref<80x128xi32, #tpu.memory_space<vmem>>, vector<1x16xi32>,
      %get3A_189 = arith.index_cast %scan3A_48 : i32 to index
      %get3A_190 = arith.constant 112 : index
      %get3A_191 = tpu.vector_load %arg6[%get3A_189, %get3A_190] {strides = array<i32>} : memref<80x128xi32, #tpu.memory_space<vmem>>, vector<1x16xi32>,
      %get3A_192 = vector.shape_cast %get3A_191 : vector<1x16xi32> to vector<16xi32>
      %sub3A_193 = arith.subi %get3A_192, %broadcast_in_dim3A_3 : vector<16xi32>
      %lt3A_194 = arith.constant 0 : i32
      %lt3A_195 = vector.broadcast %lt3A_194 : i32 to vector<16xi32>
      %lt3A_196 = arith.cmpi slt, %sub3A_193, %lt3A_195 : vector<16xi32>
      %ge3A_197 = arith.constant 5120 : i32
      %ge3A_198 = vector.broadcast %ge3A_197 : i32 to vector<16xi32>
      %ge3A_199 = arith.cmpi sge, %sub3A_193, %ge3A_198 : vector<16xi32>
      %or3A_200 = arith.ori %lt3A_196, %ge3A_199 : vector<16xi1>
      %add3A_201 = arith.constant 5232 : i32
      %add3A_202 = vector.broadcast %add3A_201 : i32 to vector<16xi32>
      %add3A_203 = arith.addi %add3A_202, %iota3A : vector<16xi32>
      %select_n3A_204 = arith.select %or3A_200, %add3A_203, %sub3A_193 : vector<16xi1>, vector<16xi32>
      %swap3A_205 = arith.index_cast %scan3A_48 : i32 to index
      %swap3A_206 = arith.constant 112 : index
      %swap3A_207 = tpu.vector_load %arg7[%swap3A_205, %swap3A_206] {strides = array<i32>} : memref<80x128xi32, #tpu.memory_space<vmem>>, vector<1x16xi32>,
      %swap3A_208 = vector.shape_cast %swap3A_207 : vector<1x16xi32> to vector<16xi32>
      %swap3A_209 = vector.shape_cast %select_n3A_204 : vector<16xi32> to vector<1x16xi32>
      tpu.vector_store %arg7[%swap3A_205, %swap3A_206], %swap3A_209 {strides = array<i32>} : memref<80x128xi32, #tpu.memory_space<vmem>>, vector<1x16xi32>,
    }
    %scan3A_8 = arith.constant 80 : i32
    %mul3A_9 = arith.constant 320 : i32
    %mul3A_10 = arith.muli %arg1, %mul3A_9 : i32
    "tpu.region"() ({
      %run_scoped3A = tpu.sem_alloc : memref<!tpu.dma_semaphore, #tpu.memory_space<semaphore_mem>>
      %dma_start3A = arith.constant 0 : i32
      %dma_start3A_48 = tpu.memref_slice %arg9[%mul3A_10, %dma_start3A] : memref<5248x128xf32, #tpu.memory_space<vmem_shared>> -> memref<320x128xf32, #tpu.memory_space<vmem_shared>>
      tpu.enqueue_dma source(%arg4 : memref<320x128xf32, #tpu.memory_space<hbm>>) target(%dma_start3A_48 : memref<320x128xf32, #tpu.memory_space<vmem_shared>>) target_semaphore(%run_scoped3A : memref<!tpu.dma_semaphore, #tpu.memory_space<semaphore_mem>>)
      %dma_wait3A = arith.constant 0 : i32
      %dma_wait3A_49 = tpu.memref_slice %arg9[%mul3A_10, %dma_wait3A] : memref<5248x128xf32, #tpu.memory_space<vmem_shared>> -> memref<320x128xf32, #tpu.memory_space<vmem_shared>>
      tpu.wait_dma2 semaphore(%run_scoped3A : memref<!tpu.dma_semaphore, #tpu.memory_space<semaphore_mem>>) src(%arg4 : memref<320x128xf32, #tpu.memory_space<hbm>>) dst(%dma_wait3A_49 : memref<320x128xf32, #tpu.memory_space<vmem_shared>>)
      tpu.yield
    }) : () -> ()
    %barrier3A = arith.constant 0 : index
    tpu.barrier barrier_id(%barrier3A)
    %scan3A_11 = arith.constant 0 : i32
    %scan3A_12 = arith.constant 0 : i32
    %scan3A_13 = arith.constant 80 : i32
    %scan3A_14 = arith.addi %scan3A_12, %scan3A_13 : i32
    %scan3A_15 = arith.constant 1 : i32
    scf.for %scan3A_48 = %scan3A_12 to %scan3A_14 step %scan3A_15  : i32 {
      "tpu.region"() ({
        %run_scoped3A = tpu.sem_alloc : memref<!tpu.dma_semaphore, #tpu.memory_space<semaphore_mem>>
        %dma_start3A = arith.constant 0 : i32
        %dma_start3A_49 = tpu.memref_slice %arg7[%scan3A_48, %dma_start3A] : memref<80x128xi32, #tpu.memory_space<vmem>> -> memref<1x128xi32, #tpu.memory_space<vmem>>
        %dma_start3A_50 = tpu.memref_squeeze %dma_start3A_49 : memref<1x128xi32, #tpu.memory_space<vmem>> -> memref<128xi32, #tpu.memory_space<vmem>>
        %dma_start3A_51 = arith.constant 0 : i32
        %dma_start3A_52 = arith.constant 0 : i32
        %dma_start3A_53 = tpu.memref_slice %arg9[%dma_start3A_51, %dma_start3A_52] : memref<5248x128xf32, #tpu.memory_space<vmem_shared>> -> memref<5248x128xf32, #tpu.memory_space<vmem_shared>>
        tpu.enqueue_indirect_dma source(%arg8 : memref<128x128xf32, #tpu.memory_space<vmem>>) target(%dma_start3A_53 : memref<5248x128xf32, #tpu.memory_space<vmem_shared>>) offsets(%dma_start3A_50 : memref<128xi32, #tpu.memory_space<vmem>>) semaphore(%run_scoped3A : memref<!tpu.dma_semaphore, #tpu.memory_space<semaphore_mem>>) {add = true}
        %dma_wait3A = arith.constant 0 : i32
        %dma_wait3A_54 = tpu.memref_slice %arg7[%scan3A_48, %dma_wait3A] : memref<80x128xi32, #tpu.memory_space<vmem>> -> memref<1x128xi32, #tpu.memory_space<vmem>>
        %dma_wait3A_55 = tpu.memref_squeeze %dma_wait3A_54 : memref<1x128xi32, #tpu.memory_space<vmem>> -> memref<128xi32, #tpu.memory_space<vmem>>
        %dma_wait3A_56 = arith.constant 0 : i32
        %dma_wait3A_57 = arith.constant 0 : i32
        %dma_wait3A_58 = tpu.memref_slice %arg9[%dma_wait3A_56, %dma_wait3A_57] : memref<5248x128xf32, #tpu.memory_space<vmem_shared>> -> memref<5248x128xf32, #tpu.memory_space<vmem_shared>>
        tpu.wait_indirect_dma semaphore(%run_scoped3A : memref<!tpu.dma_semaphore, #tpu.memory_space<semaphore_mem>>) src(%arg8 : memref<128x128xf32, #tpu.memory_space<vmem>>) dst(%dma_wait3A_58 : memref<5248x128xf32, #tpu.memory_space<vmem_shared>>)
        tpu.yield
      }) : () -> ()
    }
    %scan3A_16 = arith.constant 80 : i32
    %barrier3A_17 = arith.constant 0 : index
    tpu.barrier barrier_id(%barrier3A_17)
    %mul3A_18 = arith.constant 320 : i32
    %mul3A_19 = arith.muli %arg1, %mul3A_18 : i32
    %mul3A_20 = arith.constant 320 : i32
    %mul3A_21 = arith.muli %arg1, %mul3A_20 : i32
    %add3A_22 = arith.constant 0 : i32
    %add3A_23 = arith.addi %add3A_22, %mul3A_21 : i32
    "tpu.region"() ({
      %run_scoped3A = tpu.sem_alloc : memref<!tpu.dma_semaphore, #tpu.memory_space<semaphore_mem>>
      %dma_start3A = arith.constant 0 : i32
      %dma_start3A_48 = tpu.memref_slice %arg5[%arg0, %add3A_23, %dma_start3A] : memref<2x10240x128xf32, #tpu.memory_space<hbm>> -> memref<1x320x128xf32, #tpu.memory_space<hbm>>
      %dma_start3A_49 = tpu.memref_squeeze %dma_start3A_48 : memref<1x320x128xf32, #tpu.memory_space<hbm>> -> memref<320x128xf32, #tpu.memory_space<hbm>>
      %dma_start3A_50 = arith.constant 0 : i32
      %dma_start3A_51 = tpu.memref_slice %arg9[%mul3A_19, %dma_start3A_50] : memref<5248x128xf32, #tpu.memory_space<vmem_shared>> -> memref<320x128xf32, #tpu.memory_space<vmem_shared>>
      tpu.enqueue_dma source(%dma_start3A_51 : memref<320x128xf32, #tpu.memory_space<vmem_shared>>) target(%dma_start3A_49 : memref<320x128xf32, #tpu.memory_space<hbm>>) target_semaphore(%run_scoped3A : memref<!tpu.dma_semaphore, #tpu.memory_space<semaphore_mem>>)
      %dma_wait3A = arith.constant 0 : i32
      %dma_wait3A_52 = tpu.memref_slice %arg5[%arg0, %add3A_23, %dma_wait3A] : memref<2x10240x128xf32, #tpu.memory_space<hbm>> -> memref<1x320x128xf32, #tpu.memory_space<hbm>>
      %dma_wait3A_53 = tpu.memref_squeeze %dma_wait3A_52 : memref<1x320x128xf32, #tpu.memory_space<hbm>> -> memref<320x128xf32, #tpu.memory_space<hbm>>
      %dma_wait3A_54 = arith.constant 0 : i32
      %dma_wait3A_55 = tpu.memref_slice %arg9[%mul3A_19, %dma_wait3A_54] : memref<5248x128xf32, #tpu.memory_space<vmem_shared>> -> memref<320x128xf32, #tpu.memory_space<vmem_shared>>
      tpu.wait_dma2 semaphore(%run_scoped3A : memref<!tpu.dma_semaphore, #tpu.memory_space<semaphore_mem>>) src(%dma_wait3A_55 : memref<320x128xf32, #tpu.memory_space<vmem_shared>>) dst(%dma_wait3A_53 : memref<320x128xf32, #tpu.memory_space<hbm>>)
      tpu.yield
    }) : () -> ()
    %broadcast_in_dim3A_24 = arith.constant 5120 : i32
    %broadcast_in_dim3A_25 = vector.broadcast %broadcast_in_dim3A_24 : i32 to vector<16xi32>
    %scan3A_26 = arith.constant 0 : i32
    %scan3A_27 = arith.constant 0 : i32
    %scan3A_28 = arith.constant 80 : i32
    %scan3A_29 = arith.addi %scan3A_27, %scan3A_28 : i32
    %scan3A_30 = arith.constant 1 : i32
    scf.for %scan3A_48 = %scan3A_27 to %scan3A_29 step %scan3A_30  : i32 {
      %get3A = arith.index_cast %scan3A_48 : i32 to index
      %get3A_49 = arith.constant 0 : index
      %get3A_50 = tpu.vector_load %arg6[%get3A, %get3A_49] {strides = array<i32>} : memref<80x128xi32, #tpu.memory_space<vmem>>, vector<1x16xi32>,
      %get3A_51 = vector.shape_cast %get3A_50 : vector<1x16xi32> to vector<16xi32>
      %sub3A = arith.subi %get3A_51, %broadcast_in_dim3A_25 : vector<16xi32>
      %lt3A = arith.constant 0 : i32
      %lt3A_52 = vector.broadcast %lt3A : i32 to vector<16xi32>
      %lt3A_53 = arith.cmpi slt, %sub3A, %lt3A_52 : vector<16xi32>
      %ge3A = arith.constant 5120 : i32
      %ge3A_54 = vector.broadcast %ge3A : i32 to vector<16xi32>
      %ge3A_55 = arith.cmpi sge, %sub3A, %ge3A_54 : vector<16xi32>
      %or3A = arith.ori %lt3A_53, %ge3A_55 : vector<16xi1>
      %add3A_56 = arith.constant 5120 : i32
      %add3A_57 = vector.broadcast %add3A_56 : i32 to vector<16xi32>
      %add3A_58 = arith.addi %add3A_57, %iota3A : vector<16xi32>
      %select_n3A = arith.select %or3A, %add3A_58, %sub3A : vector<16xi1>, vector<16xi32>
      %swap3A = arith.index_cast %scan3A_48 : i32 to index
      %swap3A_59 = arith.constant 0 : index
      %swap3A_60 = tpu.vector_load %arg7[%swap3A, %swap3A_59] {strides = array<i32>} : memref<80x128xi32, #tpu.memory_space<vmem>>, vector<1x16xi32>,
      %swap3A_61 = vector.shape_cast %swap3A_60 : vector<1x16xi32> to vector<16xi32>
      %swap3A_62 = vector.shape_cast %select_n3A : vector<16xi32> to vector<1x16xi32>
      tpu.vector_store %arg7[%swap3A, %swap3A_59], %swap3A_62 {strides = array<i32>} : memref<80x128xi32, #tpu.memory_space<vmem>>, vector<1x16xi32>,
      %get3A_63 = arith.index_cast %scan3A_48 : i32 to index
      %get3A_64 = arith.constant 16 : index
      %get3A_65 = tpu.vector_load %arg6[%get3A_63, %get3A_64] {strides = array<i32>} : memref<80x128xi32, #tpu.memory_space<vmem>>, vector<1x16xi32>,
      %get3A_66 = vector.shape_cast %get3A_65 : vector<1x16xi32> to vector<16xi32>
      %sub3A_67 = arith.subi %get3A_66, %broadcast_in_dim3A_25 : vector<16xi32>
      %lt3A_68 = arith.constant 0 : i32
      %lt3A_69 = vector.broadcast %lt3A_68 : i32 to vector<16xi32>
      %lt3A_70 = arith.cmpi slt, %sub3A_67, %lt3A_69 : vector<16xi32>
      %ge3A_71 = arith.constant 5120 : i32
      %ge3A_72 = vector.broadcast %ge3A_71 : i32 to vector<16xi32>
      %ge3A_73 = arith.cmpi sge, %sub3A_67, %ge3A_72 : vector<16xi32>
      %or3A_74 = arith.ori %lt3A_70, %ge3A_73 : vector<16xi1>
      %add3A_75 = arith.constant 5136 : i32
      %add3A_76 = vector.broadcast %add3A_75 : i32 to vector<16xi32>
      %add3A_77 = arith.addi %add3A_76, %iota3A : vector<16xi32>
      %select_n3A_78 = arith.select %or3A_74, %add3A_77, %sub3A_67 : vector<16xi1>, vector<16xi32>
      %swap3A_79 = arith.index_cast %scan3A_48 : i32 to index
      %swap3A_80 = arith.constant 16 : index
      %swap3A_81 = tpu.vector_load %arg7[%swap3A_79, %swap3A_80] {strides = array<i32>} : memref<80x128xi32, #tpu.memory_space<vmem>>, vector<1x16xi32>,
      %swap3A_82 = vector.shape_cast %swap3A_81 : vector<1x16xi32> to vector<16xi32>
      %swap3A_83 = vector.shape_cast %select_n3A_78 : vector<16xi32> to vector<1x16xi32>
      tpu.vector_store %arg7[%swap3A_79, %swap3A_80], %swap3A_83 {strides = array<i32>} : memref<80x128xi32, #tpu.memory_space<vmem>>, vector<1x16xi32>,
      %get3A_84 = arith.index_cast %scan3A_48 : i32 to index
      %get3A_85 = arith.constant 32 : index
      %get3A_86 = tpu.vector_load %arg6[%get3A_84, %get3A_85] {strides = array<i32>} : memref<80x128xi32, #tpu.memory_space<vmem>>, vector<1x16xi32>,
      %get3A_87 = vector.shape_cast %get3A_86 : vector<1x16xi32> to vector<16xi32>
      %sub3A_88 = arith.subi %get3A_87, %broadcast_in_dim3A_25 : vector<16xi32>
      %lt3A_89 = arith.constant 0 : i32
      %lt3A_90 = vector.broadcast %lt3A_89 : i32 to vector<16xi32>
      %lt3A_91 = arith.cmpi slt, %sub3A_88, %lt3A_90 : vector<16xi32>
      %ge3A_92 = arith.constant 5120 : i32
      %ge3A_93 = vector.broadcast %ge3A_92 : i32 to vector<16xi32>
      %ge3A_94 = arith.cmpi sge, %sub3A_88, %ge3A_93 : vector<16xi32>
      %or3A_95 = arith.ori %lt3A_91, %ge3A_94 : vector<16xi1>
      %add3A_96 = arith.constant 5152 : i32
      %add3A_97 = vector.broadcast %add3A_96 : i32 to vector<16xi32>
      %add3A_98 = arith.addi %add3A_97, %iota3A : vector<16xi32>
      %select_n3A_99 = arith.select %or3A_95, %add3A_98, %sub3A_88 : vector<16xi1>, vector<16xi32>
      %swap3A_100 = arith.index_cast %scan3A_48 : i32 to index
      %swap3A_101 = arith.constant 32 : index
      %swap3A_102 = tpu.vector_load %arg7[%swap3A_100, %swap3A_101] {strides = array<i32>} : memref<80x128xi32, #tpu.memory_space<vmem>>, vector<1x16xi32>,
      %swap3A_103 = vector.shape_cast %swap3A_102 : vector<1x16xi32> to vector<16xi32>
      %swap3A_104 = vector.shape_cast %select_n3A_99 : vector<16xi32> to vector<1x16xi32>
      tpu.vector_store %arg7[%swap3A_100, %swap3A_101], %swap3A_104 {strides = array<i32>} : memref<80x128xi32, #tpu.memory_space<vmem>>, vector<1x16xi32>,
      %get3A_105 = arith.index_cast %scan3A_48 : i32 to index
      %get3A_106 = arith.constant 48 : index
      %get3A_107 = tpu.vector_load %arg6[%get3A_105, %get3A_106] {strides = array<i32>} : memref<80x128xi32, #tpu.memory_space<vmem>>, vector<1x16xi32>,
      %get3A_108 = vector.shape_cast %get3A_107 : vector<1x16xi32> to vector<16xi32>
      %sub3A_109 = arith.subi %get3A_108, %broadcast_in_dim3A_25 : vector<16xi32>
      %lt3A_110 = arith.constant 0 : i32
      %lt3A_111 = vector.broadcast %lt3A_110 : i32 to vector<16xi32>
      %lt3A_112 = arith.cmpi slt, %sub3A_109, %lt3A_111 : vector<16xi32>
      %ge3A_113 = arith.constant 5120 : i32
      %ge3A_114 = vector.broadcast %ge3A_113 : i32 to vector<16xi32>
      %ge3A_115 = arith.cmpi sge, %sub3A_109, %ge3A_114 : vector<16xi32>
      %or3A_116 = arith.ori %lt3A_112, %ge3A_115 : vector<16xi1>
      %add3A_117 = arith.constant 5168 : i32
      %add3A_118 = vector.broadcast %add3A_117 : i32 to vector<16xi32>
      %add3A_119 = arith.addi %add3A_118, %iota3A : vector<16xi32>
      %select_n3A_120 = arith.select %or3A_116, %add3A_119, %sub3A_109 : vector<16xi1>, vector<16xi32>
      %swap3A_121 = arith.index_cast %scan3A_48 : i32 to index
      %swap3A_122 = arith.constant 48 : index
      %swap3A_123 = tpu.vector_load %arg7[%swap3A_121, %swap3A_122] {strides = array<i32>} : memref<80x128xi32, #tpu.memory_space<vmem>>, vector<1x16xi32>,
      %swap3A_124 = vector.shape_cast %swap3A_123 : vector<1x16xi32> to vector<16xi32>
      %swap3A_125 = vector.shape_cast %select_n3A_120 : vector<16xi32> to vector<1x16xi32>
      tpu.vector_store %arg7[%swap3A_121, %swap3A_122], %swap3A_125 {strides = array<i32>} : memref<80x128xi32, #tpu.memory_space<vmem>>, vector<1x16xi32>,
      %get3A_126 = arith.index_cast %scan3A_48 : i32 to index
      %get3A_127 = arith.constant 64 : index
      %get3A_128 = tpu.vector_load %arg6[%get3A_126, %get3A_127] {strides = array<i32>} : memref<80x128xi32, #tpu.memory_space<vmem>>, vector<1x16xi32>,
      %get3A_129 = vector.shape_cast %get3A_128 : vector<1x16xi32> to vector<16xi32>
      %sub3A_130 = arith.subi %get3A_129, %broadcast_in_dim3A_25 : vector<16xi32>
      %lt3A_131 = arith.constant 0 : i32
      %lt3A_132 = vector.broadcast %lt3A_131 : i32 to vector<16xi32>
      %lt3A_133 = arith.cmpi slt, %sub3A_130, %lt3A_132 : vector<16xi32>
      %ge3A_134 = arith.constant 5120 : i32
      %ge3A_135 = vector.broadcast %ge3A_134 : i32 to vector<16xi32>
      %ge3A_136 = arith.cmpi sge, %sub3A_130, %ge3A_135 : vector<16xi32>
      %or3A_137 = arith.ori %lt3A_133, %ge3A_136 : vector<16xi1>
      %add3A_138 = arith.constant 5184 : i32
      %add3A_139 = vector.broadcast %add3A_138 : i32 to vector<16xi32>
      %add3A_140 = arith.addi %add3A_139, %iota3A : vector<16xi32>
      %select_n3A_141 = arith.select %or3A_137, %add3A_140, %sub3A_130 : vector<16xi1>, vector<16xi32>
      %swap3A_142 = arith.index_cast %scan3A_48 : i32 to index
      %swap3A_143 = arith.constant 64 : index
      %swap3A_144 = tpu.vector_load %arg7[%swap3A_142, %swap3A_143] {strides = array<i32>} : memref<80x128xi32, #tpu.memory_space<vmem>>, vector<1x16xi32>,
      %swap3A_145 = vector.shape_cast %swap3A_144 : vector<1x16xi32> to vector<16xi32>
      %swap3A_146 = vector.shape_cast %select_n3A_141 : vector<16xi32> to vector<1x16xi32>
      tpu.vector_store %arg7[%swap3A_142, %swap3A_143], %swap3A_146 {strides = array<i32>} : memref<80x128xi32, #tpu.memory_space<vmem>>, vector<1x16xi32>,
      %get3A_147 = arith.index_cast %scan3A_48 : i32 to index
      %get3A_148 = arith.constant 80 : index
      %get3A_149 = tpu.vector_load %arg6[%get3A_147, %get3A_148] {strides = array<i32>} : memref<80x128xi32, #tpu.memory_space<vmem>>, vector<1x16xi32>,
      %get3A_150 = vector.shape_cast %get3A_149 : vector<1x16xi32> to vector<16xi32>
      %sub3A_151 = arith.subi %get3A_150, %broadcast_in_dim3A_25 : vector<16xi32>
      %lt3A_152 = arith.constant 0 : i32
      %lt3A_153 = vector.broadcast %lt3A_152 : i32 to vector<16xi32>
      %lt3A_154 = arith.cmpi slt, %sub3A_151, %lt3A_153 : vector<16xi32>
      %ge3A_155 = arith.constant 5120 : i32
      %ge3A_156 = vector.broadcast %ge3A_155 : i32 to vector<16xi32>
      %ge3A_157 = arith.cmpi sge, %sub3A_151, %ge3A_156 : vector<16xi32>
      %or3A_158 = arith.ori %lt3A_154, %ge3A_157 : vector<16xi1>
      %add3A_159 = arith.constant 5200 : i32
      %add3A_160 = vector.broadcast %add3A_159 : i32 to vector<16xi32>
      %add3A_161 = arith.addi %add3A_160, %iota3A : vector<16xi32>
      %select_n3A_162 = arith.select %or3A_158, %add3A_161, %sub3A_151 : vector<16xi1>, vector<16xi32>
      %swap3A_163 = arith.index_cast %scan3A_48 : i32 to index
      %swap3A_164 = arith.constant 80 : index
      %swap3A_165 = tpu.vector_load %arg7[%swap3A_163, %swap3A_164] {strides = array<i32>} : memref<80x128xi32, #tpu.memory_space<vmem>>, vector<1x16xi32>,
      %swap3A_166 = vector.shape_cast %swap3A_165 : vector<1x16xi32> to vector<16xi32>
      %swap3A_167 = vector.shape_cast %select_n3A_162 : vector<16xi32> to vector<1x16xi32>
      tpu.vector_store %arg7[%swap3A_163, %swap3A_164], %swap3A_167 {strides = array<i32>} : memref<80x128xi32, #tpu.memory_space<vmem>>, vector<1x16xi32>,
      %get3A_168 = arith.index_cast %scan3A_48 : i32 to index
      %get3A_169 = arith.constant 96 : index
      %get3A_170 = tpu.vector_load %arg6[%get3A_168, %get3A_169] {strides = array<i32>} : memref<80x128xi32, #tpu.memory_space<vmem>>, vector<1x16xi32>,
      %get3A_171 = vector.shape_cast %get3A_170 : vector<1x16xi32> to vector<16xi32>
      %sub3A_172 = arith.subi %get3A_171, %broadcast_in_dim3A_25 : vector<16xi32>
      %lt3A_173 = arith.constant 0 : i32
      %lt3A_174 = vector.broadcast %lt3A_173 : i32 to vector<16xi32>
      %lt3A_175 = arith.cmpi slt, %sub3A_172, %lt3A_174 : vector<16xi32>
      %ge3A_176 = arith.constant 5120 : i32
      %ge3A_177 = vector.broadcast %ge3A_176 : i32 to vector<16xi32>
      %ge3A_178 = arith.cmpi sge, %sub3A_172, %ge3A_177 : vector<16xi32>
      %or3A_179 = arith.ori %lt3A_175, %ge3A_178 : vector<16xi1>
      %add3A_180 = arith.constant 5216 : i32
      %add3A_181 = vector.broadcast %add3A_180 : i32 to vector<16xi32>
      %add3A_182 = arith.addi %add3A_181, %iota3A : vector<16xi32>
      %select_n3A_183 = arith.select %or3A_179, %add3A_182, %sub3A_172 : vector<16xi1>, vector<16xi32>
      %swap3A_184 = arith.index_cast %scan3A_48 : i32 to index
      %swap3A_185 = arith.constant 96 : index
      %swap3A_186 = tpu.vector_load %arg7[%swap3A_184, %swap3A_185] {strides = array<i32>} : memref<80x128xi32, #tpu.memory_space<vmem>>, vector<1x16xi32>,
      %swap3A_187 = vector.shape_cast %swap3A_186 : vector<1x16xi32> to vector<16xi32>
      %swap3A_188 = vector.shape_cast %select_n3A_183 : vector<16xi32> to vector<1x16xi32>
      tpu.vector_store %arg7[%swap3A_184, %swap3A_185], %swap3A_188 {strides = array<i32>} : memref<80x128xi32, #tpu.memory_space<vmem>>, vector<1x16xi32>,
      %get3A_189 = arith.index_cast %scan3A_48 : i32 to index
      %get3A_190 = arith.constant 112 : index
      %get3A_191 = tpu.vector_load %arg6[%get3A_189, %get3A_190] {strides = array<i32>} : memref<80x128xi32, #tpu.memory_space<vmem>>, vector<1x16xi32>,
      %get3A_192 = vector.shape_cast %get3A_191 : vector<1x16xi32> to vector<16xi32>
      %sub3A_193 = arith.subi %get3A_192, %broadcast_in_dim3A_25 : vector<16xi32>
      %lt3A_194 = arith.constant 0 : i32
      %lt3A_195 = vector.broadcast %lt3A_194 : i32 to vector<16xi32>
      %lt3A_196 = arith.cmpi slt, %sub3A_193, %lt3A_195 : vector<16xi32>
      %ge3A_197 = arith.constant 5120 : i32
      %ge3A_198 = vector.broadcast %ge3A_197 : i32 to vector<16xi32>
      %ge3A_199 = arith.cmpi sge, %sub3A_193, %ge3A_198 : vector<16xi32>
      %or3A_200 = arith.ori %lt3A_196, %ge3A_199 : vector<16xi1>
      %add3A_201 = arith.constant 5232 : i32
      %add3A_202 = vector.broadcast %add3A_201 : i32 to vector<16xi32>
      %add3A_203 = arith.addi %add3A_202, %iota3A : vector<16xi32>
      %select_n3A_204 = arith.select %or3A_200, %add3A_203, %sub3A_193 : vector<16xi1>, vector<16xi32>
      %swap3A_205 = arith.index_cast %scan3A_48 : i32 to index
      %swap3A_206 = arith.constant 112 : index
      %swap3A_207 = tpu.vector_load %arg7[%swap3A_205, %swap3A_206] {strides = array<i32>} : memref<80x128xi32, #tpu.memory_space<vmem>>, vector<1x16xi32>,
      %swap3A_208 = vector.shape_cast %swap3A_207 : vector<1x16xi32> to vector<16xi32>
      %swap3A_209 = vector.shape_cast %select_n3A_204 : vector<16xi32> to vector<1x16xi32>
      tpu.vector_store %arg7[%swap3A_205, %swap3A_206], %swap3A_209 {strides = array<i32>} : memref<80x128xi32, #tpu.memory_space<vmem>>, vector<1x16xi32>,
    }
    %scan3A_31 = arith.constant 80 : i32
    %mul3A_32 = arith.constant 320 : i32
    %mul3A_33 = arith.muli %arg1, %mul3A_32 : i32
    "tpu.region"() ({
      %run_scoped3A = tpu.sem_alloc : memref<!tpu.dma_semaphore, #tpu.memory_space<semaphore_mem>>
      %dma_start3A = arith.constant 0 : i32
      %dma_start3A_48 = tpu.memref_slice %arg9[%mul3A_33, %dma_start3A] : memref<5248x128xf32, #tpu.memory_space<vmem_shared>> -> memref<320x128xf32, #tpu.memory_space<vmem_shared>>
      tpu.enqueue_dma source(%arg4 : memref<320x128xf32, #tpu.memory_space<hbm>>) target(%dma_start3A_48 : memref<320x128xf32, #tpu.memory_space<vmem_shared>>) target_semaphore(%run_scoped3A : memref<!tpu.dma_semaphore, #tpu.memory_space<semaphore_mem>>)
      %dma_wait3A = arith.constant 0 : i32
      %dma_wait3A_49 = tpu.memref_slice %arg9[%mul3A_33, %dma_wait3A] : memref<5248x128xf32, #tpu.memory_space<vmem_shared>> -> memref<320x128xf32, #tpu.memory_space<vmem_shared>>
      tpu.wait_dma2 semaphore(%run_scoped3A : memref<!tpu.dma_semaphore, #tpu.memory_space<semaphore_mem>>) src(%arg4 : memref<320x128xf32, #tpu.memory_space<hbm>>) dst(%dma_wait3A_49 : memref<320x128xf32, #tpu.memory_space<vmem_shared>>)
      tpu.yield
    }) : () -> ()
    %barrier3A_34 = arith.constant 0 : index
    tpu.barrier barrier_id(%barrier3A_34)
    %scan3A_35 = arith.constant 0 : i32
    %scan3A_36 = arith.constant 0 : i32
    %scan3A_37 = arith.constant 80 : i32
    %scan3A_38 = arith.addi %scan3A_36, %scan3A_37 : i32
    %scan3A_39 = arith.constant 1 : i32
    scf.for %scan3A_48 = %scan3A_36 to %scan3A_38 step %scan3A_39  : i32 {
      "tpu.region"() ({
        %run_scoped3A = tpu.sem_alloc : memref<!tpu.dma_semaphore, #tpu.memory_space<semaphore_mem>>
        %dma_start3A = arith.constant 0 : i32
        %dma_start3A_49 = tpu.memref_slice %arg7[%scan3A_48, %dma_start3A] : memref<80x128xi32, #tpu.memory_space<vmem>> -> memref<1x128xi32, #tpu.memory_space<vmem>>
        %dma_start3A_50 = tpu.memref_squeeze %dma_start3A_49 : memref<1x128xi32, #tpu.memory_space<vmem>> -> memref<128xi32, #tpu.memory_space<vmem>>
        %dma_start3A_51 = arith.constant 0 : i32
        %dma_start3A_52 = arith.constant 0 : i32
        %dma_start3A_53 = tpu.memref_slice %arg9[%dma_start3A_51, %dma_start3A_52] : memref<5248x128xf32, #tpu.memory_space<vmem_shared>> -> memref<5248x128xf32, #tpu.memory_space<vmem_shared>>
        tpu.enqueue_indirect_dma source(%arg8 : memref<128x128xf32, #tpu.memory_space<vmem>>) target(%dma_start3A_53 : memref<5248x128xf32, #tpu.memory_space<vmem_shared>>) offsets(%dma_start3A_50 : memref<128xi32, #tpu.memory_space<vmem>>) semaphore(%run_scoped3A : memref<!tpu.dma_semaphore, #tpu.memory_space<semaphore_mem>>) {add = true}
        %dma_wait3A = arith.constant 0 : i32
        %dma_wait3A_54 = tpu.memref_slice %arg7[%scan3A_48, %dma_wait3A] : memref<80x128xi32, #tpu.memory_space<vmem>> -> memref<1x128xi32, #tpu.memory_space<vmem>>
        %dma_wait3A_55 = tpu.memref_squeeze %dma_wait3A_54 : memref<1x128xi32, #tpu.memory_space<vmem>> -> memref<128xi32, #tpu.memory_space<vmem>>
        %dma_wait3A_56 = arith.constant 0 : i32
        %dma_wait3A_57 = arith.constant 0 : i32
        %dma_wait3A_58 = tpu.memref_slice %arg9[%dma_wait3A_56, %dma_wait3A_57] : memref<5248x128xf32, #tpu.memory_space<vmem_shared>> -> memref<5248x128xf32, #tpu.memory_space<vmem_shared>>
        tpu.wait_indirect_dma semaphore(%run_scoped3A : memref<!tpu.dma_semaphore, #tpu.memory_space<semaphore_mem>>) src(%arg8 : memref<128x128xf32, #tpu.memory_space<vmem>>) dst(%dma_wait3A_58 : memref<5248x128xf32, #tpu.memory_space<vmem_shared>>)
        tpu.yield
      }) : () -> ()
    }
    %scan3A_40 = arith.constant 80 : i32
    %barrier3A_41 = arith.constant 0 : index
    tpu.barrier barrier_id(%barrier3A_41)
    %mul3A_42 = arith.constant 320 : i32
    %mul3A_43 = arith.muli %arg1, %mul3A_42 : i32
    %mul3A_44 = arith.constant 320 : i32
    %mul3A_45 = arith.muli %arg1, %mul3A_44 : i32
    %add3A_46 = arith.constant 5120 : i32
    %add3A_47 = arith.addi %add3A_46, %mul3A_45 : i32
    "tpu.region"() ({
      %run_scoped3A = tpu.sem_alloc : memref<!tpu.dma_semaphore, #tpu.memory_space<semaphore_mem>>
      %dma_start3A = arith.constant 0 : i32
      %dma_start3A_48 = tpu.memref_slice %arg5[%arg0, %add3A_47, %dma_start3A] : memref<2x10240x128xf32, #tpu.memory_space<hbm>> -> memref<1x320x128xf32, #tpu.memory_space<hbm>>
      %dma_start3A_49 = tpu.memref_squeeze %dma_start3A_48 : memref<1x320x128xf32, #tpu.memory_space<hbm>> -> memref<320x128xf32, #tpu.memory_space<hbm>>
      %dma_start3A_50 = arith.constant 0 : i32
      %dma_start3A_51 = tpu.memref_slice %arg9[%mul3A_43, %dma_start3A_50] : memref<5248x128xf32, #tpu.memory_space<vmem_shared>> -> memref<320x128xf32, #tpu.memory_space<vmem_shared>>
      tpu.enqueue_dma source(%dma_start3A_51 : memref<320x128xf32, #tpu.memory_space<vmem_shared>>) target(%dma_start3A_49 : memref<320x128xf32, #tpu.memory_space<hbm>>) target_semaphore(%run_scoped3A : memref<!tpu.dma_semaphore, #tpu.memory_space<semaphore_mem>>)
      %dma_wait3A = arith.constant 0 : i32
      %dma_wait3A_52 = tpu.memref_slice %arg5[%arg0, %add3A_47, %dma_wait3A] : memref<2x10240x128xf32, #tpu.memory_space<hbm>> -> memref<1x320x128xf32, #tpu.memory_space<hbm>>
      %dma_wait3A_53 = tpu.memref_squeeze %dma_wait3A_52 : memref<1x320x128xf32, #tpu.memory_space<hbm>> -> memref<320x128xf32, #tpu.memory_space<hbm>>
      %dma_wait3A_54 = arith.constant 0 : i32
      %dma_wait3A_55 = tpu.memref_slice %arg9[%mul3A_43, %dma_wait3A_54] : memref<5248x128xf32, #tpu.memory_space<vmem_shared>> -> memref<320x128xf32, #tpu.memory_space<vmem_shared>>
      tpu.wait_dma2 semaphore(%run_scoped3A : memref<!tpu.dma_semaphore, #tpu.memory_space<semaphore_mem>>) src(%dma_wait3A_55 : memref<320x128xf32, #tpu.memory_space<vmem_shared>>) dst(%dma_wait3A_53 : memref<320x128xf32, #tpu.memory_space<hbm>>)
      tpu.yield
    }) : () -> ()
    return
  }
}

#map = affine_map<(d0, d1) -> (0, 0)>
#map1 = affine_map<(d0, d1) -> (0, 0, 0)>
module attributes {stable_mosaic.version = 14 : i64} {
  func.func @_scatter_body(%arg0: i32, %arg1: i32, %arg2: memref<2560x128xi32, #tpu.memory_space<hbm>>, %arg3: memref<2560x128xi32, #tpu.memory_space<hbm>>, %arg4: memref<10000x128xf32, #tpu.memory_space<hbm>>, %arg5: memref<320x128xf32, #tpu.memory_space<hbm>>, %arg6: memref<2x10240x128xf32, #tpu.memory_space<hbm>>, %arg7: memref<80x128xi32, #tpu.memory_space<vmem>>, %arg8: memref<80x128xi32, #tpu.memory_space<vmem>>, %arg9: memref<80x128xi32, #tpu.memory_space<vmem>>, %arg10: memref<128x128xf32, #tpu.memory_space<vmem>>, %arg11: memref<5248x128xf32, #tpu.memory_space<vmem_shared>>, %arg12: memref<!tpu.dma_semaphore, #tpu.memory_space<semaphore_mem>>) attributes {dimension_semantics = [#tpu.dimension_semantics<core_parallel>, #tpu.dimension_semantics<subcore_parallel>], iteration_bounds = array<i64: 2, 16>, scalar_prefetch = 0 : i64, scratch_operands = 6 : i64, tpu.core_type = #tpu.core_type<sc_vector_subcore>, window_params = [{transform_indices = #map}, {transform_indices = #map}, {transform_indices = #map}, {transform_indices = #map}, {transform_indices = #map1}]} {
    %mul3A = arith.constant 16 : i32
    %mul3A_0 = arith.muli %arg0, %mul3A : i32
    %add3A = arith.addi %mul3A_0, %arg1 : i32
    %mul3A_1 = arith.constant 80 : i32
    %mul3A_2 = arith.muli %add3A, %mul3A_1 : i32
    "tpu.region"() ({
      %run_scoped3A = tpu.sem_alloc : memref<!tpu.dma_semaphore, #tpu.memory_space<semaphore_mem>>
      %dma_start3A = arith.constant 0 : i32
      %dma_start3A_48 = tpu.memref_slice %arg2[%mul3A_2, %dma_start3A] : memref<2560x128xi32, #tpu.memory_space<hbm>> -> memref<80x128xi32, #tpu.memory_space<hbm>>
      %dma_start3A_49 = arith.constant 0 : i32
      %dma_start3A_50 = tpu.memref_slice %arg2[%mul3A_2, %dma_start3A_49] : memref<2560x128xi32, #tpu.memory_space<hbm>> -> memref<80x128xi32, #tpu.memory_space<hbm>>
      tpu.enqueue_dma source(%dma_start3A_50 : memref<80x128xi32, #tpu.memory_space<hbm>>) target(%arg7 : memref<80x128xi32, #tpu.memory_space<vmem>>) target_semaphore(%run_scoped3A : memref<!tpu.dma_semaphore, #tpu.memory_space<semaphore_mem>>)
      %dma_wait3A = arith.constant 0 : i32
      %dma_wait3A_51 = tpu.memref_slice %arg2[%mul3A_2, %dma_wait3A] : memref<2560x128xi32, #tpu.memory_space<hbm>> -> memref<80x128xi32, #tpu.memory_space<hbm>>
      %dma_wait3A_52 = arith.constant 0 : i32
      %dma_wait3A_53 = tpu.memref_slice %arg2[%mul3A_2, %dma_wait3A_52] : memref<2560x128xi32, #tpu.memory_space<hbm>> -> memref<80x128xi32, #tpu.memory_space<hbm>>
      tpu.wait_dma2 semaphore(%run_scoped3A : memref<!tpu.dma_semaphore, #tpu.memory_space<semaphore_mem>>) src(%dma_wait3A_53 : memref<80x128xi32, #tpu.memory_space<hbm>>) dst(%arg7 : memref<80x128xi32, #tpu.memory_space<vmem>>)
      tpu.yield
    }) : () -> ()
    "tpu.region"() ({
      %run_scoped3A = tpu.sem_alloc : memref<!tpu.dma_semaphore, #tpu.memory_space<semaphore_mem>>
      %dma_start3A = arith.constant 0 : i32
      %dma_start3A_48 = tpu.memref_slice %arg3[%mul3A_2, %dma_start3A] : memref<2560x128xi32, #tpu.memory_space<hbm>> -> memref<80x128xi32, #tpu.memory_space<hbm>>
      %dma_start3A_49 = arith.constant 0 : i32
      %dma_start3A_50 = tpu.memref_slice %arg3[%mul3A_2, %dma_start3A_49] : memref<2560x128xi32, #tpu.memory_space<hbm>> -> memref<80x128xi32, #tpu.memory_space<hbm>>
      tpu.enqueue_dma source(%dma_start3A_50 : memref<80x128xi32, #tpu.memory_space<hbm>>) target(%arg8 : memref<80x128xi32, #tpu.memory_space<vmem>>) target_semaphore(%run_scoped3A : memref<!tpu.dma_semaphore, #tpu.memory_space<semaphore_mem>>)
      %dma_wait3A = arith.constant 0 : i32
      %dma_wait3A_51 = tpu.memref_slice %arg3[%mul3A_2, %dma_wait3A] : memref<2560x128xi32, #tpu.memory_space<hbm>> -> memref<80x128xi32, #tpu.memory_space<hbm>>
      %dma_wait3A_52 = arith.constant 0 : i32
      %dma_wait3A_53 = tpu.memref_slice %arg3[%mul3A_2, %dma_wait3A_52] : memref<2560x128xi32, #tpu.memory_space<hbm>> -> memref<80x128xi32, #tpu.memory_space<hbm>>
      tpu.wait_dma2 semaphore(%run_scoped3A : memref<!tpu.dma_semaphore, #tpu.memory_space<semaphore_mem>>) src(%dma_wait3A_53 : memref<80x128xi32, #tpu.memory_space<hbm>>) dst(%arg8 : memref<80x128xi32, #tpu.memory_space<vmem>>)
      tpu.yield
    }) : () -> ()
    %iota3A = tpu.iota {dimensions = array<i32: 0>} : vector<16xi32>
    %broadcast_in_dim3A = arith.constant 0 : i32
    %broadcast_in_dim3A_3 = vector.broadcast %broadcast_in_dim3A : i32 to vector<16xi32>
    %scan3A = arith.constant 0 : i32
    %scan3A_4 = arith.constant 0 : i32
    %scan3A_5 = arith.constant 80 : i32
    %scan3A_6 = arith.addi %scan3A_4, %scan3A_5 : i32
    %scan3A_7 = arith.constant 1 : i32
    scf.for %scan3A_48 = %scan3A_4 to %scan3A_6 step %scan3A_7  : i32 {
      %get3A = arith.index_cast %scan3A_48 : i32 to index
      %get3A_49 = arith.constant 0 : index
      %get3A_50 = tpu.vector_load %arg8[%get3A, %get3A_49] {strides = array<i32>} : memref<80x128xi32, #tpu.memory_space<vmem>>, vector<1x16xi32>,
      %get3A_51 = vector.shape_cast %get3A_50 : vector<1x16xi32> to vector<16xi32>
      %sub3A = arith.subi %get3A_51, %broadcast_in_dim3A_3 : vector<16xi32>
      %lt3A = arith.constant 0 : i32
      %lt3A_52 = vector.broadcast %lt3A : i32 to vector<16xi32>
      %lt3A_53 = arith.cmpi slt, %sub3A, %lt3A_52 : vector<16xi32>
      %ge3A = arith.constant 5120 : i32
      %ge3A_54 = vector.broadcast %ge3A : i32 to vector<16xi32>
      %ge3A_55 = arith.cmpi sge, %sub3A, %ge3A_54 : vector<16xi32>
      %or3A = arith.ori %lt3A_53, %ge3A_55 : vector<16xi1>
      %add3A_56 = arith.constant 5120 : i32
      %add3A_57 = vector.broadcast %add3A_56 : i32 to vector<16xi32>
      %add3A_58 = arith.addi %add3A_57, %iota3A : vector<16xi32>
      %select_n3A = arith.select %or3A, %add3A_58, %sub3A : vector<16xi1>, vector<16xi32>
      %swap3A = arith.index_cast %scan3A_48 : i32 to index
      %swap3A_59 = arith.constant 0 : index
      %swap3A_60 = tpu.vector_load %arg9[%swap3A, %swap3A_59] {strides = array<i32>} : memref<80x128xi32, #tpu.memory_space<vmem>>, vector<1x16xi32>,
      %swap3A_61 = vector.shape_cast %swap3A_60 : vector<1x16xi32> to vector<16xi32>
      %swap3A_62 = vector.shape_cast %select_n3A : vector<16xi32> to vector<1x16xi32>
      tpu.vector_store %arg9[%swap3A, %swap3A_59], %swap3A_62 {strides = array<i32>} : memref<80x128xi32, #tpu.memory_space<vmem>>, vector<1x16xi32>,
      %get3A_63 = arith.index_cast %scan3A_48 : i32 to index
      %get3A_64 = arith.constant 16 : index
      %get3A_65 = tpu.vector_load %arg8[%get3A_63, %get3A_64] {strides = array<i32>} : memref<80x128xi32, #tpu.memory_space<vmem>>, vector<1x16xi32>,
      %get3A_66 = vector.shape_cast %get3A_65 : vector<1x16xi32> to vector<16xi32>
      %sub3A_67 = arith.subi %get3A_66, %broadcast_in_dim3A_3 : vector<16xi32>
      %lt3A_68 = arith.constant 0 : i32
      %lt3A_69 = vector.broadcast %lt3A_68 : i32 to vector<16xi32>
      %lt3A_70 = arith.cmpi slt, %sub3A_67, %lt3A_69 : vector<16xi32>
      %ge3A_71 = arith.constant 5120 : i32
      %ge3A_72 = vector.broadcast %ge3A_71 : i32 to vector<16xi32>
      %ge3A_73 = arith.cmpi sge, %sub3A_67, %ge3A_72 : vector<16xi32>
      %or3A_74 = arith.ori %lt3A_70, %ge3A_73 : vector<16xi1>
      %add3A_75 = arith.constant 5136 : i32
      %add3A_76 = vector.broadcast %add3A_75 : i32 to vector<16xi32>
      %add3A_77 = arith.addi %add3A_76, %iota3A : vector<16xi32>
      %select_n3A_78 = arith.select %or3A_74, %add3A_77, %sub3A_67 : vector<16xi1>, vector<16xi32>
      %swap3A_79 = arith.index_cast %scan3A_48 : i32 to index
      %swap3A_80 = arith.constant 16 : index
      %swap3A_81 = tpu.vector_load %arg9[%swap3A_79, %swap3A_80] {strides = array<i32>} : memref<80x128xi32, #tpu.memory_space<vmem>>, vector<1x16xi32>,
      %swap3A_82 = vector.shape_cast %swap3A_81 : vector<1x16xi32> to vector<16xi32>
      %swap3A_83 = vector.shape_cast %select_n3A_78 : vector<16xi32> to vector<1x16xi32>
      tpu.vector_store %arg9[%swap3A_79, %swap3A_80], %swap3A_83 {strides = array<i32>} : memref<80x128xi32, #tpu.memory_space<vmem>>, vector<1x16xi32>,
      %get3A_84 = arith.index_cast %scan3A_48 : i32 to index
      %get3A_85 = arith.constant 32 : index
      %get3A_86 = tpu.vector_load %arg8[%get3A_84, %get3A_85] {strides = array<i32>} : memref<80x128xi32, #tpu.memory_space<vmem>>, vector<1x16xi32>,
      %get3A_87 = vector.shape_cast %get3A_86 : vector<1x16xi32> to vector<16xi32>
      %sub3A_88 = arith.subi %get3A_87, %broadcast_in_dim3A_3 : vector<16xi32>
      %lt3A_89 = arith.constant 0 : i32
      %lt3A_90 = vector.broadcast %lt3A_89 : i32 to vector<16xi32>
      %lt3A_91 = arith.cmpi slt, %sub3A_88, %lt3A_90 : vector<16xi32>
      %ge3A_92 = arith.constant 5120 : i32
      %ge3A_93 = vector.broadcast %ge3A_92 : i32 to vector<16xi32>
      %ge3A_94 = arith.cmpi sge, %sub3A_88, %ge3A_93 : vector<16xi32>
      %or3A_95 = arith.ori %lt3A_91, %ge3A_94 : vector<16xi1>
      %add3A_96 = arith.constant 5152 : i32
      %add3A_97 = vector.broadcast %add3A_96 : i32 to vector<16xi32>
      %add3A_98 = arith.addi %add3A_97, %iota3A : vector<16xi32>
      %select_n3A_99 = arith.select %or3A_95, %add3A_98, %sub3A_88 : vector<16xi1>, vector<16xi32>
      %swap3A_100 = arith.index_cast %scan3A_48 : i32 to index
      %swap3A_101 = arith.constant 32 : index
      %swap3A_102 = tpu.vector_load %arg9[%swap3A_100, %swap3A_101] {strides = array<i32>} : memref<80x128xi32, #tpu.memory_space<vmem>>, vector<1x16xi32>,
      %swap3A_103 = vector.shape_cast %swap3A_102 : vector<1x16xi32> to vector<16xi32>
      %swap3A_104 = vector.shape_cast %select_n3A_99 : vector<16xi32> to vector<1x16xi32>
      tpu.vector_store %arg9[%swap3A_100, %swap3A_101], %swap3A_104 {strides = array<i32>} : memref<80x128xi32, #tpu.memory_space<vmem>>, vector<1x16xi32>,
      %get3A_105 = arith.index_cast %scan3A_48 : i32 to index
      %get3A_106 = arith.constant 48 : index
      %get3A_107 = tpu.vector_load %arg8[%get3A_105, %get3A_106] {strides = array<i32>} : memref<80x128xi32, #tpu.memory_space<vmem>>, vector<1x16xi32>,
      %get3A_108 = vector.shape_cast %get3A_107 : vector<1x16xi32> to vector<16xi32>
      %sub3A_109 = arith.subi %get3A_108, %broadcast_in_dim3A_3 : vector<16xi32>
      %lt3A_110 = arith.constant 0 : i32
      %lt3A_111 = vector.broadcast %lt3A_110 : i32 to vector<16xi32>
      %lt3A_112 = arith.cmpi slt, %sub3A_109, %lt3A_111 : vector<16xi32>
      %ge3A_113 = arith.constant 5120 : i32
      %ge3A_114 = vector.broadcast %ge3A_113 : i32 to vector<16xi32>
      %ge3A_115 = arith.cmpi sge, %sub3A_109, %ge3A_114 : vector<16xi32>
      %or3A_116 = arith.ori %lt3A_112, %ge3A_115 : vector<16xi1>
      %add3A_117 = arith.constant 5168 : i32
      %add3A_118 = vector.broadcast %add3A_117 : i32 to vector<16xi32>
      %add3A_119 = arith.addi %add3A_118, %iota3A : vector<16xi32>
      %select_n3A_120 = arith.select %or3A_116, %add3A_119, %sub3A_109 : vector<16xi1>, vector<16xi32>
      %swap3A_121 = arith.index_cast %scan3A_48 : i32 to index
      %swap3A_122 = arith.constant 48 : index
      %swap3A_123 = tpu.vector_load %arg9[%swap3A_121, %swap3A_122] {strides = array<i32>} : memref<80x128xi32, #tpu.memory_space<vmem>>, vector<1x16xi32>,
      %swap3A_124 = vector.shape_cast %swap3A_123 : vector<1x16xi32> to vector<16xi32>
      %swap3A_125 = vector.shape_cast %select_n3A_120 : vector<16xi32> to vector<1x16xi32>
      tpu.vector_store %arg9[%swap3A_121, %swap3A_122], %swap3A_125 {strides = array<i32>} : memref<80x128xi32, #tpu.memory_space<vmem>>, vector<1x16xi32>,
      %get3A_126 = arith.index_cast %scan3A_48 : i32 to index
      %get3A_127 = arith.constant 64 : index
      %get3A_128 = tpu.vector_load %arg8[%get3A_126, %get3A_127] {strides = array<i32>} : memref<80x128xi32, #tpu.memory_space<vmem>>, vector<1x16xi32>,
      %get3A_129 = vector.shape_cast %get3A_128 : vector<1x16xi32> to vector<16xi32>
      %sub3A_130 = arith.subi %get3A_129, %broadcast_in_dim3A_3 : vector<16xi32>
      %lt3A_131 = arith.constant 0 : i32
      %lt3A_132 = vector.broadcast %lt3A_131 : i32 to vector<16xi32>
      %lt3A_133 = arith.cmpi slt, %sub3A_130, %lt3A_132 : vector<16xi32>
      %ge3A_134 = arith.constant 5120 : i32
      %ge3A_135 = vector.broadcast %ge3A_134 : i32 to vector<16xi32>
      %ge3A_136 = arith.cmpi sge, %sub3A_130, %ge3A_135 : vector<16xi32>
      %or3A_137 = arith.ori %lt3A_133, %ge3A_136 : vector<16xi1>
      %add3A_138 = arith.constant 5184 : i32
      %add3A_139 = vector.broadcast %add3A_138 : i32 to vector<16xi32>
      %add3A_140 = arith.addi %add3A_139, %iota3A : vector<16xi32>
      %select_n3A_141 = arith.select %or3A_137, %add3A_140, %sub3A_130 : vector<16xi1>, vector<16xi32>
      %swap3A_142 = arith.index_cast %scan3A_48 : i32 to index
      %swap3A_143 = arith.constant 64 : index
      %swap3A_144 = tpu.vector_load %arg9[%swap3A_142, %swap3A_143] {strides = array<i32>} : memref<80x128xi32, #tpu.memory_space<vmem>>, vector<1x16xi32>,
      %swap3A_145 = vector.shape_cast %swap3A_144 : vector<1x16xi32> to vector<16xi32>
      %swap3A_146 = vector.shape_cast %select_n3A_141 : vector<16xi32> to vector<1x16xi32>
      tpu.vector_store %arg9[%swap3A_142, %swap3A_143], %swap3A_146 {strides = array<i32>} : memref<80x128xi32, #tpu.memory_space<vmem>>, vector<1x16xi32>,
      %get3A_147 = arith.index_cast %scan3A_48 : i32 to index
      %get3A_148 = arith.constant 80 : index
      %get3A_149 = tpu.vector_load %arg8[%get3A_147, %get3A_148] {strides = array<i32>} : memref<80x128xi32, #tpu.memory_space<vmem>>, vector<1x16xi32>,
      %get3A_150 = vector.shape_cast %get3A_149 : vector<1x16xi32> to vector<16xi32>
      %sub3A_151 = arith.subi %get3A_150, %broadcast_in_dim3A_3 : vector<16xi32>
      %lt3A_152 = arith.constant 0 : i32
      %lt3A_153 = vector.broadcast %lt3A_152 : i32 to vector<16xi32>
      %lt3A_154 = arith.cmpi slt, %sub3A_151, %lt3A_153 : vector<16xi32>
      %ge3A_155 = arith.constant 5120 : i32
      %ge3A_156 = vector.broadcast %ge3A_155 : i32 to vector<16xi32>
      %ge3A_157 = arith.cmpi sge, %sub3A_151, %ge3A_156 : vector<16xi32>
      %or3A_158 = arith.ori %lt3A_154, %ge3A_157 : vector<16xi1>
      %add3A_159 = arith.constant 5200 : i32
      %add3A_160 = vector.broadcast %add3A_159 : i32 to vector<16xi32>
      %add3A_161 = arith.addi %add3A_160, %iota3A : vector<16xi32>
      %select_n3A_162 = arith.select %or3A_158, %add3A_161, %sub3A_151 : vector<16xi1>, vector<16xi32>
      %swap3A_163 = arith.index_cast %scan3A_48 : i32 to index
      %swap3A_164 = arith.constant 80 : index
      %swap3A_165 = tpu.vector_load %arg9[%swap3A_163, %swap3A_164] {strides = array<i32>} : memref<80x128xi32, #tpu.memory_space<vmem>>, vector<1x16xi32>,
      %swap3A_166 = vector.shape_cast %swap3A_165 : vector<1x16xi32> to vector<16xi32>
      %swap3A_167 = vector.shape_cast %select_n3A_162 : vector<16xi32> to vector<1x16xi32>
      tpu.vector_store %arg9[%swap3A_163, %swap3A_164], %swap3A_167 {strides = array<i32>} : memref<80x128xi32, #tpu.memory_space<vmem>>, vector<1x16xi32>,
      %get3A_168 = arith.index_cast %scan3A_48 : i32 to index
      %get3A_169 = arith.constant 96 : index
      %get3A_170 = tpu.vector_load %arg8[%get3A_168, %get3A_169] {strides = array<i32>} : memref<80x128xi32, #tpu.memory_space<vmem>>, vector<1x16xi32>,
      %get3A_171 = vector.shape_cast %get3A_170 : vector<1x16xi32> to vector<16xi32>
      %sub3A_172 = arith.subi %get3A_171, %broadcast_in_dim3A_3 : vector<16xi32>
      %lt3A_173 = arith.constant 0 : i32
      %lt3A_174 = vector.broadcast %lt3A_173 : i32 to vector<16xi32>
      %lt3A_175 = arith.cmpi slt, %sub3A_172, %lt3A_174 : vector<16xi32>
      %ge3A_176 = arith.constant 5120 : i32
      %ge3A_177 = vector.broadcast %ge3A_176 : i32 to vector<16xi32>
      %ge3A_178 = arith.cmpi sge, %sub3A_172, %ge3A_177 : vector<16xi32>
      %or3A_179 = arith.ori %lt3A_175, %ge3A_178 : vector<16xi1>
      %add3A_180 = arith.constant 5216 : i32
      %add3A_181 = vector.broadcast %add3A_180 : i32 to vector<16xi32>
      %add3A_182 = arith.addi %add3A_181, %iota3A : vector<16xi32>
      %select_n3A_183 = arith.select %or3A_179, %add3A_182, %sub3A_172 : vector<16xi1>, vector<16xi32>
      %swap3A_184 = arith.index_cast %scan3A_48 : i32 to index
      %swap3A_185 = arith.constant 96 : index
      %swap3A_186 = tpu.vector_load %arg9[%swap3A_184, %swap3A_185] {strides = array<i32>} : memref<80x128xi32, #tpu.memory_space<vmem>>, vector<1x16xi32>,
      %swap3A_187 = vector.shape_cast %swap3A_186 : vector<1x16xi32> to vector<16xi32>
      %swap3A_188 = vector.shape_cast %select_n3A_183 : vector<16xi32> to vector<1x16xi32>
      tpu.vector_store %arg9[%swap3A_184, %swap3A_185], %swap3A_188 {strides = array<i32>} : memref<80x128xi32, #tpu.memory_space<vmem>>, vector<1x16xi32>,
      %get3A_189 = arith.index_cast %scan3A_48 : i32 to index
      %get3A_190 = arith.constant 112 : index
      %get3A_191 = tpu.vector_load %arg8[%get3A_189, %get3A_190] {strides = array<i32>} : memref<80x128xi32, #tpu.memory_space<vmem>>, vector<1x16xi32>,
      %get3A_192 = vector.shape_cast %get3A_191 : vector<1x16xi32> to vector<16xi32>
      %sub3A_193 = arith.subi %get3A_192, %broadcast_in_dim3A_3 : vector<16xi32>
      %lt3A_194 = arith.constant 0 : i32
      %lt3A_195 = vector.broadcast %lt3A_194 : i32 to vector<16xi32>
      %lt3A_196 = arith.cmpi slt, %sub3A_193, %lt3A_195 : vector<16xi32>
      %ge3A_197 = arith.constant 5120 : i32
      %ge3A_198 = vector.broadcast %ge3A_197 : i32 to vector<16xi32>
      %ge3A_199 = arith.cmpi sge, %sub3A_193, %ge3A_198 : vector<16xi32>
      %or3A_200 = arith.ori %lt3A_196, %ge3A_199 : vector<16xi1>
      %add3A_201 = arith.constant 5232 : i32
      %add3A_202 = vector.broadcast %add3A_201 : i32 to vector<16xi32>
      %add3A_203 = arith.addi %add3A_202, %iota3A : vector<16xi32>
      %select_n3A_204 = arith.select %or3A_200, %add3A_203, %sub3A_193 : vector<16xi1>, vector<16xi32>
      %swap3A_205 = arith.index_cast %scan3A_48 : i32 to index
      %swap3A_206 = arith.constant 112 : index
      %swap3A_207 = tpu.vector_load %arg9[%swap3A_205, %swap3A_206] {strides = array<i32>} : memref<80x128xi32, #tpu.memory_space<vmem>>, vector<1x16xi32>,
      %swap3A_208 = vector.shape_cast %swap3A_207 : vector<1x16xi32> to vector<16xi32>
      %swap3A_209 = vector.shape_cast %select_n3A_204 : vector<16xi32> to vector<1x16xi32>
      tpu.vector_store %arg9[%swap3A_205, %swap3A_206], %swap3A_209 {strides = array<i32>} : memref<80x128xi32, #tpu.memory_space<vmem>>, vector<1x16xi32>,
    }
    %scan3A_8 = arith.constant 80 : i32
    %mul3A_9 = arith.constant 320 : i32
    %mul3A_10 = arith.muli %arg1, %mul3A_9 : i32
    "tpu.region"() ({
      %run_scoped3A = tpu.sem_alloc : memref<!tpu.dma_semaphore, #tpu.memory_space<semaphore_mem>>
      %dma_start3A = arith.constant 0 : i32
      %dma_start3A_48 = tpu.memref_slice %arg11[%mul3A_10, %dma_start3A] : memref<5248x128xf32, #tpu.memory_space<vmem_shared>> -> memref<320x128xf32, #tpu.memory_space<vmem_shared>>
      tpu.enqueue_dma source(%arg5 : memref<320x128xf32, #tpu.memory_space<hbm>>) target(%dma_start3A_48 : memref<320x128xf32, #tpu.memory_space<vmem_shared>>) target_semaphore(%run_scoped3A : memref<!tpu.dma_semaphore, #tpu.memory_space<semaphore_mem>>)
      %dma_wait3A = arith.constant 0 : i32
      %dma_wait3A_49 = tpu.memref_slice %arg11[%mul3A_10, %dma_wait3A] : memref<5248x128xf32, #tpu.memory_space<vmem_shared>> -> memref<320x128xf32, #tpu.memory_space<vmem_shared>>
      tpu.wait_dma2 semaphore(%run_scoped3A : memref<!tpu.dma_semaphore, #tpu.memory_space<semaphore_mem>>) src(%arg5 : memref<320x128xf32, #tpu.memory_space<hbm>>) dst(%dma_wait3A_49 : memref<320x128xf32, #tpu.memory_space<vmem_shared>>)
      tpu.yield
    }) : () -> ()
    %barrier3A = arith.constant 0 : index
    tpu.barrier barrier_id(%barrier3A)
    %scan3A_11 = arith.constant 0 : i32
    %scan3A_12 = arith.constant 0 : i32
    %scan3A_13 = arith.constant 80 : i32
    %scan3A_14 = arith.addi %scan3A_12, %scan3A_13 : i32
    %scan3A_15 = arith.constant 1 : i32
    scf.for %scan3A_48 = %scan3A_12 to %scan3A_14 step %scan3A_15  : i32 {
      %dma_start3A = arith.constant 0 : i32
      %dma_start3A_49 = tpu.memref_slice %arg7[%scan3A_48, %dma_start3A] : memref<80x128xi32, #tpu.memory_space<vmem>> -> memref<1x128xi32, #tpu.memory_space<vmem>>
      %dma_start3A_50 = tpu.memref_squeeze %dma_start3A_49 : memref<1x128xi32, #tpu.memory_space<vmem>> -> memref<128xi32, #tpu.memory_space<vmem>>
      %dma_start3A_51 = arith.constant 0 : i32
      %dma_start3A_52 = arith.constant 0 : i32
      %dma_start3A_53 = tpu.memref_slice %arg4[%dma_start3A_51, %dma_start3A_52] : memref<10000x128xf32, #tpu.memory_space<hbm>> -> memref<10000x128xf32, #tpu.memory_space<hbm>>
      tpu.enqueue_indirect_dma source(%dma_start3A_53 : memref<10000x128xf32, #tpu.memory_space<hbm>>) target(%arg10 : memref<128x128xf32, #tpu.memory_space<vmem>>) offsets(%dma_start3A_50 : memref<128xi32, #tpu.memory_space<vmem>>) semaphore(%arg12 : memref<!tpu.dma_semaphore, #tpu.memory_space<semaphore_mem>>)
      %dma_wait3A = arith.constant 0 : i32
      %dma_wait3A_54 = tpu.memref_slice %arg7[%scan3A_48, %dma_wait3A] : memref<80x128xi32, #tpu.memory_space<vmem>> -> memref<1x128xi32, #tpu.memory_space<vmem>>
      %dma_wait3A_55 = tpu.memref_squeeze %dma_wait3A_54 : memref<1x128xi32, #tpu.memory_space<vmem>> -> memref<128xi32, #tpu.memory_space<vmem>>
      %dma_wait3A_56 = arith.constant 0 : i32
      %dma_wait3A_57 = arith.constant 0 : i32
      %dma_wait3A_58 = tpu.memref_slice %arg4[%dma_wait3A_56, %dma_wait3A_57] : memref<10000x128xf32, #tpu.memory_space<hbm>> -> memref<10000x128xf32, #tpu.memory_space<hbm>>
      tpu.wait_indirect_dma semaphore(%arg12 : memref<!tpu.dma_semaphore, #tpu.memory_space<semaphore_mem>>) src(%dma_wait3A_58 : memref<10000x128xf32, #tpu.memory_space<hbm>>) dst(%arg10 : memref<128x128xf32, #tpu.memory_space<vmem>>)
      "tpu.region"() ({
        %run_scoped3A = tpu.sem_alloc : memref<!tpu.dma_semaphore, #tpu.memory_space<semaphore_mem>>
        %dma_start3A_59 = arith.constant 0 : i32
        %dma_start3A_60 = tpu.memref_slice %arg9[%scan3A_48, %dma_start3A_59] : memref<80x128xi32, #tpu.memory_space<vmem>> -> memref<1x128xi32, #tpu.memory_space<vmem>>
        %dma_start3A_61 = tpu.memref_squeeze %dma_start3A_60 : memref<1x128xi32, #tpu.memory_space<vmem>> -> memref<128xi32, #tpu.memory_space<vmem>>
        %dma_start3A_62 = arith.constant 0 : i32
        %dma_start3A_63 = arith.constant 0 : i32
        %dma_start3A_64 = tpu.memref_slice %arg11[%dma_start3A_62, %dma_start3A_63] : memref<5248x128xf32, #tpu.memory_space<vmem_shared>> -> memref<5248x128xf32, #tpu.memory_space<vmem_shared>>
        tpu.enqueue_indirect_dma source(%arg10 : memref<128x128xf32, #tpu.memory_space<vmem>>) target(%dma_start3A_64 : memref<5248x128xf32, #tpu.memory_space<vmem_shared>>) offsets(%dma_start3A_61 : memref<128xi32, #tpu.memory_space<vmem>>) semaphore(%run_scoped3A : memref<!tpu.dma_semaphore, #tpu.memory_space<semaphore_mem>>) {add = true}
        %dma_wait3A_65 = arith.constant 0 : i32
        %dma_wait3A_66 = tpu.memref_slice %arg9[%scan3A_48, %dma_wait3A_65] : memref<80x128xi32, #tpu.memory_space<vmem>> -> memref<1x128xi32, #tpu.memory_space<vmem>>
        %dma_wait3A_67 = tpu.memref_squeeze %dma_wait3A_66 : memref<1x128xi32, #tpu.memory_space<vmem>> -> memref<128xi32, #tpu.memory_space<vmem>>
        %dma_wait3A_68 = arith.constant 0 : i32
        %dma_wait3A_69 = arith.constant 0 : i32
        %dma_wait3A_70 = tpu.memref_slice %arg11[%dma_wait3A_68, %dma_wait3A_69] : memref<5248x128xf32, #tpu.memory_space<vmem_shared>> -> memref<5248x128xf32, #tpu.memory_space<vmem_shared>>
        tpu.wait_indirect_dma semaphore(%run_scoped3A : memref<!tpu.dma_semaphore, #tpu.memory_space<semaphore_mem>>) src(%arg10 : memref<128x128xf32, #tpu.memory_space<vmem>>) dst(%dma_wait3A_70 : memref<5248x128xf32, #tpu.memory_space<vmem_shared>>)
        tpu.yield
      }) : () -> ()
    }
    %scan3A_16 = arith.constant 80 : i32
    %barrier3A_17 = arith.constant 0 : index
    tpu.barrier barrier_id(%barrier3A_17)
    %mul3A_18 = arith.constant 320 : i32
    %mul3A_19 = arith.muli %arg1, %mul3A_18 : i32
    %mul3A_20 = arith.constant 320 : i32
    %mul3A_21 = arith.muli %arg1, %mul3A_20 : i32
    %add3A_22 = arith.constant 0 : i32
    %add3A_23 = arith.addi %add3A_22, %mul3A_21 : i32
    "tpu.region"() ({
      %run_scoped3A = tpu.sem_alloc : memref<!tpu.dma_semaphore, #tpu.memory_space<semaphore_mem>>
      %dma_start3A = arith.constant 0 : i32
      %dma_start3A_48 = tpu.memref_slice %arg6[%arg0, %add3A_23, %dma_start3A] : memref<2x10240x128xf32, #tpu.memory_space<hbm>> -> memref<1x320x128xf32, #tpu.memory_space<hbm>>
      %dma_start3A_49 = tpu.memref_squeeze %dma_start3A_48 : memref<1x320x128xf32, #tpu.memory_space<hbm>> -> memref<320x128xf32, #tpu.memory_space<hbm>>
      %dma_start3A_50 = arith.constant 0 : i32
      %dma_start3A_51 = tpu.memref_slice %arg11[%mul3A_19, %dma_start3A_50] : memref<5248x128xf32, #tpu.memory_space<vmem_shared>> -> memref<320x128xf32, #tpu.memory_space<vmem_shared>>
      tpu.enqueue_dma source(%dma_start3A_51 : memref<320x128xf32, #tpu.memory_space<vmem_shared>>) target(%dma_start3A_49 : memref<320x128xf32, #tpu.memory_space<hbm>>) target_semaphore(%run_scoped3A : memref<!tpu.dma_semaphore, #tpu.memory_space<semaphore_mem>>)
      %dma_wait3A = arith.constant 0 : i32
      %dma_wait3A_52 = tpu.memref_slice %arg6[%arg0, %add3A_23, %dma_wait3A] : memref<2x10240x128xf32, #tpu.memory_space<hbm>> -> memref<1x320x128xf32, #tpu.memory_space<hbm>>
      %dma_wait3A_53 = tpu.memref_squeeze %dma_wait3A_52 : memref<1x320x128xf32, #tpu.memory_space<hbm>> -> memref<320x128xf32, #tpu.memory_space<hbm>>
      %dma_wait3A_54 = arith.constant 0 : i32
      %dma_wait3A_55 = tpu.memref_slice %arg11[%mul3A_19, %dma_wait3A_54] : memref<5248x128xf32, #tpu.memory_space<vmem_shared>> -> memref<320x128xf32, #tpu.memory_space<vmem_shared>>
      tpu.wait_dma2 semaphore(%run_scoped3A : memref<!tpu.dma_semaphore, #tpu.memory_space<semaphore_mem>>) src(%dma_wait3A_55 : memref<320x128xf32, #tpu.memory_space<vmem_shared>>) dst(%dma_wait3A_53 : memref<320x128xf32, #tpu.memory_space<hbm>>)
      tpu.yield
    }) : () -> ()
    %broadcast_in_dim3A_24 = arith.constant 5120 : i32
    %broadcast_in_dim3A_25 = vector.broadcast %broadcast_in_dim3A_24 : i32 to vector<16xi32>
    %scan3A_26 = arith.constant 0 : i32
    %scan3A_27 = arith.constant 0 : i32
    %scan3A_28 = arith.constant 80 : i32
    %scan3A_29 = arith.addi %scan3A_27, %scan3A_28 : i32
    %scan3A_30 = arith.constant 1 : i32
    scf.for %scan3A_48 = %scan3A_27 to %scan3A_29 step %scan3A_30  : i32 {
      %get3A = arith.index_cast %scan3A_48 : i32 to index
      %get3A_49 = arith.constant 0 : index
      %get3A_50 = tpu.vector_load %arg8[%get3A, %get3A_49] {strides = array<i32>} : memref<80x128xi32, #tpu.memory_space<vmem>>, vector<1x16xi32>,
      %get3A_51 = vector.shape_cast %get3A_50 : vector<1x16xi32> to vector<16xi32>
      %sub3A = arith.subi %get3A_51, %broadcast_in_dim3A_25 : vector<16xi32>
      %lt3A = arith.constant 0 : i32
      %lt3A_52 = vector.broadcast %lt3A : i32 to vector<16xi32>
      %lt3A_53 = arith.cmpi slt, %sub3A, %lt3A_52 : vector<16xi32>
      %ge3A = arith.constant 5120 : i32
      %ge3A_54 = vector.broadcast %ge3A : i32 to vector<16xi32>
      %ge3A_55 = arith.cmpi sge, %sub3A, %ge3A_54 : vector<16xi32>
      %or3A = arith.ori %lt3A_53, %ge3A_55 : vector<16xi1>
      %add3A_56 = arith.constant 5120 : i32
      %add3A_57 = vector.broadcast %add3A_56 : i32 to vector<16xi32>
      %add3A_58 = arith.addi %add3A_57, %iota3A : vector<16xi32>
      %select_n3A = arith.select %or3A, %add3A_58, %sub3A : vector<16xi1>, vector<16xi32>
      %swap3A = arith.index_cast %scan3A_48 : i32 to index
      %swap3A_59 = arith.constant 0 : index
      %swap3A_60 = tpu.vector_load %arg9[%swap3A, %swap3A_59] {strides = array<i32>} : memref<80x128xi32, #tpu.memory_space<vmem>>, vector<1x16xi32>,
      %swap3A_61 = vector.shape_cast %swap3A_60 : vector<1x16xi32> to vector<16xi32>
      %swap3A_62 = vector.shape_cast %select_n3A : vector<16xi32> to vector<1x16xi32>
      tpu.vector_store %arg9[%swap3A, %swap3A_59], %swap3A_62 {strides = array<i32>} : memref<80x128xi32, #tpu.memory_space<vmem>>, vector<1x16xi32>,
      %get3A_63 = arith.index_cast %scan3A_48 : i32 to index
      %get3A_64 = arith.constant 16 : index
      %get3A_65 = tpu.vector_load %arg8[%get3A_63, %get3A_64] {strides = array<i32>} : memref<80x128xi32, #tpu.memory_space<vmem>>, vector<1x16xi32>,
      %get3A_66 = vector.shape_cast %get3A_65 : vector<1x16xi32> to vector<16xi32>
      %sub3A_67 = arith.subi %get3A_66, %broadcast_in_dim3A_25 : vector<16xi32>
      %lt3A_68 = arith.constant 0 : i32
      %lt3A_69 = vector.broadcast %lt3A_68 : i32 to vector<16xi32>
      %lt3A_70 = arith.cmpi slt, %sub3A_67, %lt3A_69 : vector<16xi32>
      %ge3A_71 = arith.constant 5120 : i32
      %ge3A_72 = vector.broadcast %ge3A_71 : i32 to vector<16xi32>
      %ge3A_73 = arith.cmpi sge, %sub3A_67, %ge3A_72 : vector<16xi32>
      %or3A_74 = arith.ori %lt3A_70, %ge3A_73 : vector<16xi1>
      %add3A_75 = arith.constant 5136 : i32
      %add3A_76 = vector.broadcast %add3A_75 : i32 to vector<16xi32>
      %add3A_77 = arith.addi %add3A_76, %iota3A : vector<16xi32>
      %select_n3A_78 = arith.select %or3A_74, %add3A_77, %sub3A_67 : vector<16xi1>, vector<16xi32>
      %swap3A_79 = arith.index_cast %scan3A_48 : i32 to index
      %swap3A_80 = arith.constant 16 : index
      %swap3A_81 = tpu.vector_load %arg9[%swap3A_79, %swap3A_80] {strides = array<i32>} : memref<80x128xi32, #tpu.memory_space<vmem>>, vector<1x16xi32>,
      %swap3A_82 = vector.shape_cast %swap3A_81 : vector<1x16xi32> to vector<16xi32>
      %swap3A_83 = vector.shape_cast %select_n3A_78 : vector<16xi32> to vector<1x16xi32>
      tpu.vector_store %arg9[%swap3A_79, %swap3A_80], %swap3A_83 {strides = array<i32>} : memref<80x128xi32, #tpu.memory_space<vmem>>, vector<1x16xi32>,
      %get3A_84 = arith.index_cast %scan3A_48 : i32 to index
      %get3A_85 = arith.constant 32 : index
      %get3A_86 = tpu.vector_load %arg8[%get3A_84, %get3A_85] {strides = array<i32>} : memref<80x128xi32, #tpu.memory_space<vmem>>, vector<1x16xi32>,
      %get3A_87 = vector.shape_cast %get3A_86 : vector<1x16xi32> to vector<16xi32>
      %sub3A_88 = arith.subi %get3A_87, %broadcast_in_dim3A_25 : vector<16xi32>
      %lt3A_89 = arith.constant 0 : i32
      %lt3A_90 = vector.broadcast %lt3A_89 : i32 to vector<16xi32>
      %lt3A_91 = arith.cmpi slt, %sub3A_88, %lt3A_90 : vector<16xi32>
      %ge3A_92 = arith.constant 5120 : i32
      %ge3A_93 = vector.broadcast %ge3A_92 : i32 to vector<16xi32>
      %ge3A_94 = arith.cmpi sge, %sub3A_88, %ge3A_93 : vector<16xi32>
      %or3A_95 = arith.ori %lt3A_91, %ge3A_94 : vector<16xi1>
      %add3A_96 = arith.constant 5152 : i32
      %add3A_97 = vector.broadcast %add3A_96 : i32 to vector<16xi32>
      %add3A_98 = arith.addi %add3A_97, %iota3A : vector<16xi32>
      %select_n3A_99 = arith.select %or3A_95, %add3A_98, %sub3A_88 : vector<16xi1>, vector<16xi32>
      %swap3A_100 = arith.index_cast %scan3A_48 : i32 to index
      %swap3A_101 = arith.constant 32 : index
      %swap3A_102 = tpu.vector_load %arg9[%swap3A_100, %swap3A_101] {strides = array<i32>} : memref<80x128xi32, #tpu.memory_space<vmem>>, vector<1x16xi32>,
      %swap3A_103 = vector.shape_cast %swap3A_102 : vector<1x16xi32> to vector<16xi32>
      %swap3A_104 = vector.shape_cast %select_n3A_99 : vector<16xi32> to vector<1x16xi32>
      tpu.vector_store %arg9[%swap3A_100, %swap3A_101], %swap3A_104 {strides = array<i32>} : memref<80x128xi32, #tpu.memory_space<vmem>>, vector<1x16xi32>,
      %get3A_105 = arith.index_cast %scan3A_48 : i32 to index
      %get3A_106 = arith.constant 48 : index
      %get3A_107 = tpu.vector_load %arg8[%get3A_105, %get3A_106] {strides = array<i32>} : memref<80x128xi32, #tpu.memory_space<vmem>>, vector<1x16xi32>,
      %get3A_108 = vector.shape_cast %get3A_107 : vector<1x16xi32> to vector<16xi32>
      %sub3A_109 = arith.subi %get3A_108, %broadcast_in_dim3A_25 : vector<16xi32>
      %lt3A_110 = arith.constant 0 : i32
      %lt3A_111 = vector.broadcast %lt3A_110 : i32 to vector<16xi32>
      %lt3A_112 = arith.cmpi slt, %sub3A_109, %lt3A_111 : vector<16xi32>
      %ge3A_113 = arith.constant 5120 : i32
      %ge3A_114 = vector.broadcast %ge3A_113 : i32 to vector<16xi32>
      %ge3A_115 = arith.cmpi sge, %sub3A_109, %ge3A_114 : vector<16xi32>
      %or3A_116 = arith.ori %lt3A_112, %ge3A_115 : vector<16xi1>
      %add3A_117 = arith.constant 5168 : i32
      %add3A_118 = vector.broadcast %add3A_117 : i32 to vector<16xi32>
      %add3A_119 = arith.addi %add3A_118, %iota3A : vector<16xi32>
      %select_n3A_120 = arith.select %or3A_116, %add3A_119, %sub3A_109 : vector<16xi1>, vector<16xi32>
      %swap3A_121 = arith.index_cast %scan3A_48 : i32 to index
      %swap3A_122 = arith.constant 48 : index
      %swap3A_123 = tpu.vector_load %arg9[%swap3A_121, %swap3A_122] {strides = array<i32>} : memref<80x128xi32, #tpu.memory_space<vmem>>, vector<1x16xi32>,
      %swap3A_124 = vector.shape_cast %swap3A_123 : vector<1x16xi32> to vector<16xi32>
      %swap3A_125 = vector.shape_cast %select_n3A_120 : vector<16xi32> to vector<1x16xi32>
      tpu.vector_store %arg9[%swap3A_121, %swap3A_122], %swap3A_125 {strides = array<i32>} : memref<80x128xi32, #tpu.memory_space<vmem>>, vector<1x16xi32>,
      %get3A_126 = arith.index_cast %scan3A_48 : i32 to index
      %get3A_127 = arith.constant 64 : index
      %get3A_128 = tpu.vector_load %arg8[%get3A_126, %get3A_127] {strides = array<i32>} : memref<80x128xi32, #tpu.memory_space<vmem>>, vector<1x16xi32>,
      %get3A_129 = vector.shape_cast %get3A_128 : vector<1x16xi32> to vector<16xi32>
      %sub3A_130 = arith.subi %get3A_129, %broadcast_in_dim3A_25 : vector<16xi32>
      %lt3A_131 = arith.constant 0 : i32
      %lt3A_132 = vector.broadcast %lt3A_131 : i32 to vector<16xi32>
      %lt3A_133 = arith.cmpi slt, %sub3A_130, %lt3A_132 : vector<16xi32>
      %ge3A_134 = arith.constant 5120 : i32
      %ge3A_135 = vector.broadcast %ge3A_134 : i32 to vector<16xi32>
      %ge3A_136 = arith.cmpi sge, %sub3A_130, %ge3A_135 : vector<16xi32>
      %or3A_137 = arith.ori %lt3A_133, %ge3A_136 : vector<16xi1>
      %add3A_138 = arith.constant 5184 : i32
      %add3A_139 = vector.broadcast %add3A_138 : i32 to vector<16xi32>
      %add3A_140 = arith.addi %add3A_139, %iota3A : vector<16xi32>
      %select_n3A_141 = arith.select %or3A_137, %add3A_140, %sub3A_130 : vector<16xi1>, vector<16xi32>
      %swap3A_142 = arith.index_cast %scan3A_48 : i32 to index
      %swap3A_143 = arith.constant 64 : index
      %swap3A_144 = tpu.vector_load %arg9[%swap3A_142, %swap3A_143] {strides = array<i32>} : memref<80x128xi32, #tpu.memory_space<vmem>>, vector<1x16xi32>,
      %swap3A_145 = vector.shape_cast %swap3A_144 : vector<1x16xi32> to vector<16xi32>
      %swap3A_146 = vector.shape_cast %select_n3A_141 : vector<16xi32> to vector<1x16xi32>
      tpu.vector_store %arg9[%swap3A_142, %swap3A_143], %swap3A_146 {strides = array<i32>} : memref<80x128xi32, #tpu.memory_space<vmem>>, vector<1x16xi32>,
      %get3A_147 = arith.index_cast %scan3A_48 : i32 to index
      %get3A_148 = arith.constant 80 : index
      %get3A_149 = tpu.vector_load %arg8[%get3A_147, %get3A_148] {strides = array<i32>} : memref<80x128xi32, #tpu.memory_space<vmem>>, vector<1x16xi32>,
      %get3A_150 = vector.shape_cast %get3A_149 : vector<1x16xi32> to vector<16xi32>
      %sub3A_151 = arith.subi %get3A_150, %broadcast_in_dim3A_25 : vector<16xi32>
      %lt3A_152 = arith.constant 0 : i32
      %lt3A_153 = vector.broadcast %lt3A_152 : i32 to vector<16xi32>
      %lt3A_154 = arith.cmpi slt, %sub3A_151, %lt3A_153 : vector<16xi32>
      %ge3A_155 = arith.constant 5120 : i32
      %ge3A_156 = vector.broadcast %ge3A_155 : i32 to vector<16xi32>
      %ge3A_157 = arith.cmpi sge, %sub3A_151, %ge3A_156 : vector<16xi32>
      %or3A_158 = arith.ori %lt3A_154, %ge3A_157 : vector<16xi1>
      %add3A_159 = arith.constant 5200 : i32
      %add3A_160 = vector.broadcast %add3A_159 : i32 to vector<16xi32>
      %add3A_161 = arith.addi %add3A_160, %iota3A : vector<16xi32>
      %select_n3A_162 = arith.select %or3A_158, %add3A_161, %sub3A_151 : vector<16xi1>, vector<16xi32>
      %swap3A_163 = arith.index_cast %scan3A_48 : i32 to index
      %swap3A_164 = arith.constant 80 : index
      %swap3A_165 = tpu.vector_load %arg9[%swap3A_163, %swap3A_164] {strides = array<i32>} : memref<80x128xi32, #tpu.memory_space<vmem>>, vector<1x16xi32>,
      %swap3A_166 = vector.shape_cast %swap3A_165 : vector<1x16xi32> to vector<16xi32>
      %swap3A_167 = vector.shape_cast %select_n3A_162 : vector<16xi32> to vector<1x16xi32>
      tpu.vector_store %arg9[%swap3A_163, %swap3A_164], %swap3A_167 {strides = array<i32>} : memref<80x128xi32, #tpu.memory_space<vmem>>, vector<1x16xi32>,
      %get3A_168 = arith.index_cast %scan3A_48 : i32 to index
      %get3A_169 = arith.constant 96 : index
      %get3A_170 = tpu.vector_load %arg8[%get3A_168, %get3A_169] {strides = array<i32>} : memref<80x128xi32, #tpu.memory_space<vmem>>, vector<1x16xi32>,
      %get3A_171 = vector.shape_cast %get3A_170 : vector<1x16xi32> to vector<16xi32>
      %sub3A_172 = arith.subi %get3A_171, %broadcast_in_dim3A_25 : vector<16xi32>
      %lt3A_173 = arith.constant 0 : i32
      %lt3A_174 = vector.broadcast %lt3A_173 : i32 to vector<16xi32>
      %lt3A_175 = arith.cmpi slt, %sub3A_172, %lt3A_174 : vector<16xi32>
      %ge3A_176 = arith.constant 5120 : i32
      %ge3A_177 = vector.broadcast %ge3A_176 : i32 to vector<16xi32>
      %ge3A_178 = arith.cmpi sge, %sub3A_172, %ge3A_177 : vector<16xi32>
      %or3A_179 = arith.ori %lt3A_175, %ge3A_178 : vector<16xi1>
      %add3A_180 = arith.constant 5216 : i32
      %add3A_181 = vector.broadcast %add3A_180 : i32 to vector<16xi32>
      %add3A_182 = arith.addi %add3A_181, %iota3A : vector<16xi32>
      %select_n3A_183 = arith.select %or3A_179, %add3A_182, %sub3A_172 : vector<16xi1>, vector<16xi32>
      %swap3A_184 = arith.index_cast %scan3A_48 : i32 to index
      %swap3A_185 = arith.constant 96 : index
      %swap3A_186 = tpu.vector_load %arg9[%swap3A_184, %swap3A_185] {strides = array<i32>} : memref<80x128xi32, #tpu.memory_space<vmem>>, vector<1x16xi32>,
      %swap3A_187 = vector.shape_cast %swap3A_186 : vector<1x16xi32> to vector<16xi32>
      %swap3A_188 = vector.shape_cast %select_n3A_183 : vector<16xi32> to vector<1x16xi32>
      tpu.vector_store %arg9[%swap3A_184, %swap3A_185], %swap3A_188 {strides = array<i32>} : memref<80x128xi32, #tpu.memory_space<vmem>>, vector<1x16xi32>,
      %get3A_189 = arith.index_cast %scan3A_48 : i32 to index
      %get3A_190 = arith.constant 112 : index
      %get3A_191 = tpu.vector_load %arg8[%get3A_189, %get3A_190] {strides = array<i32>} : memref<80x128xi32, #tpu.memory_space<vmem>>, vector<1x16xi32>,
      %get3A_192 = vector.shape_cast %get3A_191 : vector<1x16xi32> to vector<16xi32>
      %sub3A_193 = arith.subi %get3A_192, %broadcast_in_dim3A_25 : vector<16xi32>
      %lt3A_194 = arith.constant 0 : i32
      %lt3A_195 = vector.broadcast %lt3A_194 : i32 to vector<16xi32>
      %lt3A_196 = arith.cmpi slt, %sub3A_193, %lt3A_195 : vector<16xi32>
      %ge3A_197 = arith.constant 5120 : i32
      %ge3A_198 = vector.broadcast %ge3A_197 : i32 to vector<16xi32>
      %ge3A_199 = arith.cmpi sge, %sub3A_193, %ge3A_198 : vector<16xi32>
      %or3A_200 = arith.ori %lt3A_196, %ge3A_199 : vector<16xi1>
      %add3A_201 = arith.constant 5232 : i32
      %add3A_202 = vector.broadcast %add3A_201 : i32 to vector<16xi32>
      %add3A_203 = arith.addi %add3A_202, %iota3A : vector<16xi32>
      %select_n3A_204 = arith.select %or3A_200, %add3A_203, %sub3A_193 : vector<16xi1>, vector<16xi32>
      %swap3A_205 = arith.index_cast %scan3A_48 : i32 to index
      %swap3A_206 = arith.constant 112 : index
      %swap3A_207 = tpu.vector_load %arg9[%swap3A_205, %swap3A_206] {strides = array<i32>} : memref<80x128xi32, #tpu.memory_space<vmem>>, vector<1x16xi32>,
      %swap3A_208 = vector.shape_cast %swap3A_207 : vector<1x16xi32> to vector<16xi32>
      %swap3A_209 = vector.shape_cast %select_n3A_204 : vector<16xi32> to vector<1x16xi32>
      tpu.vector_store %arg9[%swap3A_205, %swap3A_206], %swap3A_209 {strides = array<i32>} : memref<80x128xi32, #tpu.memory_space<vmem>>, vector<1x16xi32>,
    }
    %scan3A_31 = arith.constant 80 : i32
    %mul3A_32 = arith.constant 320 : i32
    %mul3A_33 = arith.muli %arg1, %mul3A_32 : i32
    "tpu.region"() ({
      %run_scoped3A = tpu.sem_alloc : memref<!tpu.dma_semaphore, #tpu.memory_space<semaphore_mem>>
      %dma_start3A = arith.constant 0 : i32
      %dma_start3A_48 = tpu.memref_slice %arg11[%mul3A_33, %dma_start3A] : memref<5248x128xf32, #tpu.memory_space<vmem_shared>> -> memref<320x128xf32, #tpu.memory_space<vmem_shared>>
      tpu.enqueue_dma source(%arg5 : memref<320x128xf32, #tpu.memory_space<hbm>>) target(%dma_start3A_48 : memref<320x128xf32, #tpu.memory_space<vmem_shared>>) target_semaphore(%run_scoped3A : memref<!tpu.dma_semaphore, #tpu.memory_space<semaphore_mem>>)
      %dma_wait3A = arith.constant 0 : i32
      %dma_wait3A_49 = tpu.memref_slice %arg11[%mul3A_33, %dma_wait3A] : memref<5248x128xf32, #tpu.memory_space<vmem_shared>> -> memref<320x128xf32, #tpu.memory_space<vmem_shared>>
      tpu.wait_dma2 semaphore(%run_scoped3A : memref<!tpu.dma_semaphore, #tpu.memory_space<semaphore_mem>>) src(%arg5 : memref<320x128xf32, #tpu.memory_space<hbm>>) dst(%dma_wait3A_49 : memref<320x128xf32, #tpu.memory_space<vmem_shared>>)
      tpu.yield
    }) : () -> ()
    %barrier3A_34 = arith.constant 0 : index
    tpu.barrier barrier_id(%barrier3A_34)
    %scan3A_35 = arith.constant 0 : i32
    %scan3A_36 = arith.constant 0 : i32
    %scan3A_37 = arith.constant 80 : i32
    %scan3A_38 = arith.addi %scan3A_36, %scan3A_37 : i32
    %scan3A_39 = arith.constant 1 : i32
    scf.for %scan3A_48 = %scan3A_36 to %scan3A_38 step %scan3A_39  : i32 {
      %dma_start3A = arith.constant 0 : i32
      %dma_start3A_49 = tpu.memref_slice %arg7[%scan3A_48, %dma_start3A] : memref<80x128xi32, #tpu.memory_space<vmem>> -> memref<1x128xi32, #tpu.memory_space<vmem>>
      %dma_start3A_50 = tpu.memref_squeeze %dma_start3A_49 : memref<1x128xi32, #tpu.memory_space<vmem>> -> memref<128xi32, #tpu.memory_space<vmem>>
      %dma_start3A_51 = arith.constant 0 : i32
      %dma_start3A_52 = arith.constant 0 : i32
      %dma_start3A_53 = tpu.memref_slice %arg4[%dma_start3A_51, %dma_start3A_52] : memref<10000x128xf32, #tpu.memory_space<hbm>> -> memref<10000x128xf32, #tpu.memory_space<hbm>>
      tpu.enqueue_indirect_dma source(%dma_start3A_53 : memref<10000x128xf32, #tpu.memory_space<hbm>>) target(%arg10 : memref<128x128xf32, #tpu.memory_space<vmem>>) offsets(%dma_start3A_50 : memref<128xi32, #tpu.memory_space<vmem>>) semaphore(%arg12 : memref<!tpu.dma_semaphore, #tpu.memory_space<semaphore_mem>>)
      %dma_wait3A = arith.constant 0 : i32
      %dma_wait3A_54 = tpu.memref_slice %arg7[%scan3A_48, %dma_wait3A] : memref<80x128xi32, #tpu.memory_space<vmem>> -> memref<1x128xi32, #tpu.memory_space<vmem>>
      %dma_wait3A_55 = tpu.memref_squeeze %dma_wait3A_54 : memref<1x128xi32, #tpu.memory_space<vmem>> -> memref<128xi32, #tpu.memory_space<vmem>>
      %dma_wait3A_56 = arith.constant 0 : i32
      %dma_wait3A_57 = arith.constant 0 : i32
      %dma_wait3A_58 = tpu.memref_slice %arg4[%dma_wait3A_56, %dma_wait3A_57] : memref<10000x128xf32, #tpu.memory_space<hbm>> -> memref<10000x128xf32, #tpu.memory_space<hbm>>
      tpu.wait_indirect_dma semaphore(%arg12 : memref<!tpu.dma_semaphore, #tpu.memory_space<semaphore_mem>>) src(%dma_wait3A_58 : memref<10000x128xf32, #tpu.memory_space<hbm>>) dst(%arg10 : memref<128x128xf32, #tpu.memory_space<vmem>>)
      "tpu.region"() ({
        %run_scoped3A = tpu.sem_alloc : memref<!tpu.dma_semaphore, #tpu.memory_space<semaphore_mem>>
        %dma_start3A_59 = arith.constant 0 : i32
        %dma_start3A_60 = tpu.memref_slice %arg9[%scan3A_48, %dma_start3A_59] : memref<80x128xi32, #tpu.memory_space<vmem>> -> memref<1x128xi32, #tpu.memory_space<vmem>>
        %dma_start3A_61 = tpu.memref_squeeze %dma_start3A_60 : memref<1x128xi32, #tpu.memory_space<vmem>> -> memref<128xi32, #tpu.memory_space<vmem>>
        %dma_start3A_62 = arith.constant 0 : i32
        %dma_start3A_63 = arith.constant 0 : i32
        %dma_start3A_64 = tpu.memref_slice %arg11[%dma_start3A_62, %dma_start3A_63] : memref<5248x128xf32, #tpu.memory_space<vmem_shared>> -> memref<5248x128xf32, #tpu.memory_space<vmem_shared>>
        tpu.enqueue_indirect_dma source(%arg10 : memref<128x128xf32, #tpu.memory_space<vmem>>) target(%dma_start3A_64 : memref<5248x128xf32, #tpu.memory_space<vmem_shared>>) offsets(%dma_start3A_61 : memref<128xi32, #tpu.memory_space<vmem>>) semaphore(%run_scoped3A : memref<!tpu.dma_semaphore, #tpu.memory_space<semaphore_mem>>) {add = true}
        %dma_wait3A_65 = arith.constant 0 : i32
        %dma_wait3A_66 = tpu.memref_slice %arg9[%scan3A_48, %dma_wait3A_65] : memref<80x128xi32, #tpu.memory_space<vmem>> -> memref<1x128xi32, #tpu.memory_space<vmem>>
        %dma_wait3A_67 = tpu.memref_squeeze %dma_wait3A_66 : memref<1x128xi32, #tpu.memory_space<vmem>> -> memref<128xi32, #tpu.memory_space<vmem>>
        %dma_wait3A_68 = arith.constant 0 : i32
        %dma_wait3A_69 = arith.constant 0 : i32
        %dma_wait3A_70 = tpu.memref_slice %arg11[%dma_wait3A_68, %dma_wait3A_69] : memref<5248x128xf32, #tpu.memory_space<vmem_shared>> -> memref<5248x128xf32, #tpu.memory_space<vmem_shared>>
        tpu.wait_indirect_dma semaphore(%run_scoped3A : memref<!tpu.dma_semaphore, #tpu.memory_space<semaphore_mem>>) src(%arg10 : memref<128x128xf32, #tpu.memory_space<vmem>>) dst(%dma_wait3A_70 : memref<5248x128xf32, #tpu.memory_space<vmem_shared>>)
        tpu.yield
      }) : () -> ()
    }
    %scan3A_40 = arith.constant 80 : i32
    %barrier3A_41 = arith.constant 0 : index
    tpu.barrier barrier_id(%barrier3A_41)
    %mul3A_42 = arith.constant 320 : i32
    %mul3A_43 = arith.muli %arg1, %mul3A_42 : i32
    %mul3A_44 = arith.constant 320 : i32
    %mul3A_45 = arith.muli %arg1, %mul3A_44 : i32
    %add3A_46 = arith.constant 5120 : i32
    %add3A_47 = arith.addi %add3A_46, %mul3A_45 : i32
    "tpu.region"() ({
      %run_scoped3A = tpu.sem_alloc : memref<!tpu.dma_semaphore, #tpu.memory_space<semaphore_mem>>
      %dma_start3A = arith.constant 0 : i32
      %dma_start3A_48 = tpu.memref_slice %arg6[%arg0, %add3A_47, %dma_start3A] : memref<2x10240x128xf32, #tpu.memory_space<hbm>> -> memref<1x320x128xf32, #tpu.memory_space<hbm>>
      %dma_start3A_49 = tpu.memref_squeeze %dma_start3A_48 : memref<1x320x128xf32, #tpu.memory_space<hbm>> -> memref<320x128xf32, #tpu.memory_space<hbm>>
      %dma_start3A_50 = arith.constant 0 : i32
      %dma_start3A_51 = tpu.memref_slice %arg11[%mul3A_43, %dma_start3A_50] : memref<5248x128xf32, #tpu.memory_space<vmem_shared>> -> memref<320x128xf32, #tpu.memory_space<vmem_shared>>
      tpu.enqueue_dma source(%dma_start3A_51 : memref<320x128xf32, #tpu.memory_space<vmem_shared>>) target(%dma_start3A_49 : memref<320x128xf32, #tpu.memory_space<hbm>>) target_semaphore(%run_scoped3A : memref<!tpu.dma_semaphore, #tpu.memory_space<semaphore_mem>>)
      %dma_wait3A = arith.constant 0 : i32
      %dma_wait3A_52 = tpu.memref_slice %arg6[%arg0, %add3A_47, %dma_wait3A] : memref<2x10240x128xf32, #tpu.memory_space<hbm>> -> memref<1x320x128xf32, #tpu.memory_space<hbm>>
      %dma_wait3A_53 = tpu.memref_squeeze %dma_wait3A_52 : memref<1x320x128xf32, #tpu.memory_space<hbm>> -> memref<320x128xf32, #tpu.memory_space<hbm>>
      %dma_wait3A_54 = arith.constant 0 : i32
      %dma_wait3A_55 = tpu.memref_slice %arg11[%mul3A_43, %dma_wait3A_54] : memref<5248x128xf32, #tpu.memory_space<vmem_shared>> -> memref<320x128xf32, #tpu.memory_space<vmem_shared>>
      tpu.wait_dma2 semaphore(%run_scoped3A : memref<!tpu.dma_semaphore, #tpu.memory_space<semaphore_mem>>) src(%dma_wait3A_55 : memref<320x128xf32, #tpu.memory_space<vmem_shared>>) dst(%dma_wait3A_53 : memref<320x128xf32, #tpu.memory_space<hbm>>)
      tpu.yield
    }) : () -> ()
    return
  }
}

#map = affine_map<(d0, d1) -> (0, 0)>
#map1 = affine_map<(d0, d1) -> (0, 0, 0)>
module attributes {stable_mosaic.version = 14 : i64} {
  func.func @_scatter_body(%arg0: i32, %arg1: i32, %arg2: memref<2560x128xi32, #tpu.memory_space<hbm>>, %arg3: memref<2560x128xi32, #tpu.memory_space<hbm>>, %arg4: memref<20000x128xf32, #tpu.memory_space<hbm>>, %arg5: memref<320x128xf32, #tpu.memory_space<hbm>>, %arg6: memref<2x10240x128xf32, #tpu.memory_space<hbm>>, %arg7: memref<160x128xi32, #tpu.memory_space<vmem>>, %arg8: memref<160x128xi32, #tpu.memory_space<vmem>>, %arg9: memref<160x128xi32, #tpu.memory_space<vmem>>, %arg10: memref<128x128xf32, #tpu.memory_space<vmem>>, %arg11: memref<5248x128xf32, #tpu.memory_space<vmem_shared>>, %arg12: memref<!tpu.dma_semaphore, #tpu.memory_space<semaphore_mem>>) attributes {dimension_semantics = [#tpu.dimension_semantics<core_parallel>, #tpu.dimension_semantics<subcore_parallel>], iteration_bounds = array<i64: 2, 16>, scalar_prefetch = 0 : i64, scratch_operands = 6 : i64, tpu.core_type = #tpu.core_type<sc_vector_subcore>, window_params = [{transform_indices = #map}, {transform_indices = #map}, {transform_indices = #map}, {transform_indices = #map}, {transform_indices = #map1}]} {
    %mul3A = arith.constant 160 : i32
    %mul3A_0 = arith.muli %arg1, %mul3A : i32
    "tpu.region"() ({
      %run_scoped3A = tpu.sem_alloc : memref<!tpu.dma_semaphore, #tpu.memory_space<semaphore_mem>>
      %dma_start3A = arith.constant 0 : i32
      %dma_start3A_54 = tpu.memref_slice %arg2[%mul3A_0, %dma_start3A] : memref<2560x128xi32, #tpu.memory_space<hbm>> -> memref<160x128xi32, #tpu.memory_space<hbm>>
      %dma_start3A_55 = arith.constant 0 : i32
      %dma_start3A_56 = tpu.memref_slice %arg2[%mul3A_0, %dma_start3A_55] : memref<2560x128xi32, #tpu.memory_space<hbm>> -> memref<160x128xi32, #tpu.memory_space<hbm>>
      tpu.enqueue_dma source(%dma_start3A_56 : memref<160x128xi32, #tpu.memory_space<hbm>>) target(%arg7 : memref<160x128xi32, #tpu.memory_space<vmem>>) target_semaphore(%run_scoped3A : memref<!tpu.dma_semaphore, #tpu.memory_space<semaphore_mem>>)
      %dma_wait3A = arith.constant 0 : i32
      %dma_wait3A_57 = tpu.memref_slice %arg2[%mul3A_0, %dma_wait3A] : memref<2560x128xi32, #tpu.memory_space<hbm>> -> memref<160x128xi32, #tpu.memory_space<hbm>>
      %dma_wait3A_58 = arith.constant 0 : i32
      %dma_wait3A_59 = tpu.memref_slice %arg2[%mul3A_0, %dma_wait3A_58] : memref<2560x128xi32, #tpu.memory_space<hbm>> -> memref<160x128xi32, #tpu.memory_space<hbm>>
      tpu.wait_dma2 semaphore(%run_scoped3A : memref<!tpu.dma_semaphore, #tpu.memory_space<semaphore_mem>>) src(%dma_wait3A_59 : memref<160x128xi32, #tpu.memory_space<hbm>>) dst(%arg7 : memref<160x128xi32, #tpu.memory_space<vmem>>)
      tpu.yield
    }) : () -> ()
    "tpu.region"() ({
      %run_scoped3A = tpu.sem_alloc : memref<!tpu.dma_semaphore, #tpu.memory_space<semaphore_mem>>
      %dma_start3A = arith.constant 0 : i32
      %dma_start3A_54 = tpu.memref_slice %arg3[%mul3A_0, %dma_start3A] : memref<2560x128xi32, #tpu.memory_space<hbm>> -> memref<160x128xi32, #tpu.memory_space<hbm>>
      %dma_start3A_55 = arith.constant 0 : i32
      %dma_start3A_56 = tpu.memref_slice %arg3[%mul3A_0, %dma_start3A_55] : memref<2560x128xi32, #tpu.memory_space<hbm>> -> memref<160x128xi32, #tpu.memory_space<hbm>>
      tpu.enqueue_dma source(%dma_start3A_56 : memref<160x128xi32, #tpu.memory_space<hbm>>) target(%arg8 : memref<160x128xi32, #tpu.memory_space<vmem>>) target_semaphore(%run_scoped3A : memref<!tpu.dma_semaphore, #tpu.memory_space<semaphore_mem>>)
      %dma_wait3A = arith.constant 0 : i32
      %dma_wait3A_57 = tpu.memref_slice %arg3[%mul3A_0, %dma_wait3A] : memref<2560x128xi32, #tpu.memory_space<hbm>> -> memref<160x128xi32, #tpu.memory_space<hbm>>
      %dma_wait3A_58 = arith.constant 0 : i32
      %dma_wait3A_59 = tpu.memref_slice %arg3[%mul3A_0, %dma_wait3A_58] : memref<2560x128xi32, #tpu.memory_space<hbm>> -> memref<160x128xi32, #tpu.memory_space<hbm>>
      tpu.wait_dma2 semaphore(%run_scoped3A : memref<!tpu.dma_semaphore, #tpu.memory_space<semaphore_mem>>) src(%dma_wait3A_59 : memref<160x128xi32, #tpu.memory_space<hbm>>) dst(%arg8 : memref<160x128xi32, #tpu.memory_space<vmem>>)
      tpu.yield
    }) : () -> ()
    %mul3A_1 = arith.constant 10000 : i32
    %mul3A_2 = arith.muli %arg0, %mul3A_1 : i32
    %broadcast_in_dim3A = vector.broadcast %mul3A_2 : i32 to vector<16xi32>
    %scan3A = arith.constant 0 : i32
    %scan3A_3 = arith.constant 0 : i32
    %scan3A_4 = arith.constant 160 : i32
    %scan3A_5 = arith.addi %scan3A_3, %scan3A_4 : i32
    %scan3A_6 = arith.constant 1 : i32
    scf.for %scan3A_54 = %scan3A_3 to %scan3A_5 step %scan3A_6  : i32 {
      %get3A = arith.index_cast %scan3A_54 : i32 to index
      %get3A_55 = arith.constant 0 : index
      %get3A_56 = tpu.vector_load %arg7[%get3A, %get3A_55] {strides = array<i32>} : memref<160x128xi32, #tpu.memory_space<vmem>>, vector<1x16xi32>,
      %get3A_57 = vector.shape_cast %get3A_56 : vector<1x16xi32> to vector<16xi32>
      %add3A_58 = arith.addi %get3A_57, %broadcast_in_dim3A : vector<16xi32>
      %swap3A = arith.index_cast %scan3A_54 : i32 to index
      %swap3A_59 = arith.constant 0 : index
      %swap3A_60 = tpu.vector_load %arg7[%swap3A, %swap3A_59] {strides = array<i32>} : memref<160x128xi32, #tpu.memory_space<vmem>>, vector<1x16xi32>,
      %swap3A_61 = vector.shape_cast %swap3A_60 : vector<1x16xi32> to vector<16xi32>
      %swap3A_62 = vector.shape_cast %add3A_58 : vector<16xi32> to vector<1x16xi32>
      tpu.vector_store %arg7[%swap3A, %swap3A_59], %swap3A_62 {strides = array<i32>} : memref<160x128xi32, #tpu.memory_space<vmem>>, vector<1x16xi32>,
      %get3A_63 = arith.index_cast %scan3A_54 : i32 to index
      %get3A_64 = arith.constant 16 : index
      %get3A_65 = tpu.vector_load %arg7[%get3A_63, %get3A_64] {strides = array<i32>} : memref<160x128xi32, #tpu.memory_space<vmem>>, vector<1x16xi32>,
      %get3A_66 = vector.shape_cast %get3A_65 : vector<1x16xi32> to vector<16xi32>
      %add3A_67 = arith.addi %get3A_66, %broadcast_in_dim3A : vector<16xi32>
      %swap3A_68 = arith.index_cast %scan3A_54 : i32 to index
      %swap3A_69 = arith.constant 16 : index
      %swap3A_70 = tpu.vector_load %arg7[%swap3A_68, %swap3A_69] {strides = array<i32>} : memref<160x128xi32, #tpu.memory_space<vmem>>, vector<1x16xi32>,
      %swap3A_71 = vector.shape_cast %swap3A_70 : vector<1x16xi32> to vector<16xi32>
      %swap3A_72 = vector.shape_cast %add3A_67 : vector<16xi32> to vector<1x16xi32>
      tpu.vector_store %arg7[%swap3A_68, %swap3A_69], %swap3A_72 {strides = array<i32>} : memref<160x128xi32, #tpu.memory_space<vmem>>, vector<1x16xi32>,
      %get3A_73 = arith.index_cast %scan3A_54 : i32 to index
      %get3A_74 = arith.constant 32 : index
      %get3A_75 = tpu.vector_load %arg7[%get3A_73, %get3A_74] {strides = array<i32>} : memref<160x128xi32, #tpu.memory_space<vmem>>, vector<1x16xi32>,
      %get3A_76 = vector.shape_cast %get3A_75 : vector<1x16xi32> to vector<16xi32>
      %add3A_77 = arith.addi %get3A_76, %broadcast_in_dim3A : vector<16xi32>
      %swap3A_78 = arith.index_cast %scan3A_54 : i32 to index
      %swap3A_79 = arith.constant 32 : index
      %swap3A_80 = tpu.vector_load %arg7[%swap3A_78, %swap3A_79] {strides = array<i32>} : memref<160x128xi32, #tpu.memory_space<vmem>>, vector<1x16xi32>,
      %swap3A_81 = vector.shape_cast %swap3A_80 : vector<1x16xi32> to vector<16xi32>
      %swap3A_82 = vector.shape_cast %add3A_77 : vector<16xi32> to vector<1x16xi32>
      tpu.vector_store %arg7[%swap3A_78, %swap3A_79], %swap3A_82 {strides = array<i32>} : memref<160x128xi32, #tpu.memory_space<vmem>>, vector<1x16xi32>,
      %get3A_83 = arith.index_cast %scan3A_54 : i32 to index
      %get3A_84 = arith.constant 48 : index
      %get3A_85 = tpu.vector_load %arg7[%get3A_83, %get3A_84] {strides = array<i32>} : memref<160x128xi32, #tpu.memory_space<vmem>>, vector<1x16xi32>,
      %get3A_86 = vector.shape_cast %get3A_85 : vector<1x16xi32> to vector<16xi32>
      %add3A_87 = arith.addi %get3A_86, %broadcast_in_dim3A : vector<16xi32>
      %swap3A_88 = arith.index_cast %scan3A_54 : i32 to index
      %swap3A_89 = arith.constant 48 : index
      %swap3A_90 = tpu.vector_load %arg7[%swap3A_88, %swap3A_89] {strides = array<i32>} : memref<160x128xi32, #tpu.memory_space<vmem>>, vector<1x16xi32>,
      %swap3A_91 = vector.shape_cast %swap3A_90 : vector<1x16xi32> to vector<16xi32>
      %swap3A_92 = vector.shape_cast %add3A_87 : vector<16xi32> to vector<1x16xi32>
      tpu.vector_store %arg7[%swap3A_88, %swap3A_89], %swap3A_92 {strides = array<i32>} : memref<160x128xi32, #tpu.memory_space<vmem>>, vector<1x16xi32>,
      %get3A_93 = arith.index_cast %scan3A_54 : i32 to index
      %get3A_94 = arith.constant 64 : index
      %get3A_95 = tpu.vector_load %arg7[%get3A_93, %get3A_94] {strides = array<i32>} : memref<160x128xi32, #tpu.memory_space<vmem>>, vector<1x16xi32>,
      %get3A_96 = vector.shape_cast %get3A_95 : vector<1x16xi32> to vector<16xi32>
      %add3A_97 = arith.addi %get3A_96, %broadcast_in_dim3A : vector<16xi32>
      %swap3A_98 = arith.index_cast %scan3A_54 : i32 to index
      %swap3A_99 = arith.constant 64 : index
      %swap3A_100 = tpu.vector_load %arg7[%swap3A_98, %swap3A_99] {strides = array<i32>} : memref<160x128xi32, #tpu.memory_space<vmem>>, vector<1x16xi32>,
      %swap3A_101 = vector.shape_cast %swap3A_100 : vector<1x16xi32> to vector<16xi32>
      %swap3A_102 = vector.shape_cast %add3A_97 : vector<16xi32> to vector<1x16xi32>
      tpu.vector_store %arg7[%swap3A_98, %swap3A_99], %swap3A_102 {strides = array<i32>} : memref<160x128xi32, #tpu.memory_space<vmem>>, vector<1x16xi32>,
      %get3A_103 = arith.index_cast %scan3A_54 : i32 to index
      %get3A_104 = arith.constant 80 : index
      %get3A_105 = tpu.vector_load %arg7[%get3A_103, %get3A_104] {strides = array<i32>} : memref<160x128xi32, #tpu.memory_space<vmem>>, vector<1x16xi32>,
      %get3A_106 = vector.shape_cast %get3A_105 : vector<1x16xi32> to vector<16xi32>
      %add3A_107 = arith.addi %get3A_106, %broadcast_in_dim3A : vector<16xi32>
      %swap3A_108 = arith.index_cast %scan3A_54 : i32 to index
      %swap3A_109 = arith.constant 80 : index
      %swap3A_110 = tpu.vector_load %arg7[%swap3A_108, %swap3A_109] {strides = array<i32>} : memref<160x128xi32, #tpu.memory_space<vmem>>, vector<1x16xi32>,
      %swap3A_111 = vector.shape_cast %swap3A_110 : vector<1x16xi32> to vector<16xi32>
      %swap3A_112 = vector.shape_cast %add3A_107 : vector<16xi32> to vector<1x16xi32>
      tpu.vector_store %arg7[%swap3A_108, %swap3A_109], %swap3A_112 {strides = array<i32>} : memref<160x128xi32, #tpu.memory_space<vmem>>, vector<1x16xi32>,
      %get3A_113 = arith.index_cast %scan3A_54 : i32 to index
      %get3A_114 = arith.constant 96 : index
      %get3A_115 = tpu.vector_load %arg7[%get3A_113, %get3A_114] {strides = array<i32>} : memref<160x128xi32, #tpu.memory_space<vmem>>, vector<1x16xi32>,
      %get3A_116 = vector.shape_cast %get3A_115 : vector<1x16xi32> to vector<16xi32>
      %add3A_117 = arith.addi %get3A_116, %broadcast_in_dim3A : vector<16xi32>
      %swap3A_118 = arith.index_cast %scan3A_54 : i32 to index
      %swap3A_119 = arith.constant 96 : index
      %swap3A_120 = tpu.vector_load %arg7[%swap3A_118, %swap3A_119] {strides = array<i32>} : memref<160x128xi32, #tpu.memory_space<vmem>>, vector<1x16xi32>,
      %swap3A_121 = vector.shape_cast %swap3A_120 : vector<1x16xi32> to vector<16xi32>
      %swap3A_122 = vector.shape_cast %add3A_117 : vector<16xi32> to vector<1x16xi32>
      tpu.vector_store %arg7[%swap3A_118, %swap3A_119], %swap3A_122 {strides = array<i32>} : memref<160x128xi32, #tpu.memory_space<vmem>>, vector<1x16xi32>,
      %get3A_123 = arith.index_cast %scan3A_54 : i32 to index
      %get3A_124 = arith.constant 112 : index
      %get3A_125 = tpu.vector_load %arg7[%get3A_123, %get3A_124] {strides = array<i32>} : memref<160x128xi32, #tpu.memory_space<vmem>>, vector<1x16xi32>,
      %get3A_126 = vector.shape_cast %get3A_125 : vector<1x16xi32> to vector<16xi32>
      %add3A_127 = arith.addi %get3A_126, %broadcast_in_dim3A : vector<16xi32>
      %swap3A_128 = arith.index_cast %scan3A_54 : i32 to index
      %swap3A_129 = arith.constant 112 : index
      %swap3A_130 = tpu.vector_load %arg7[%swap3A_128, %swap3A_129] {strides = array<i32>} : memref<160x128xi32, #tpu.memory_space<vmem>>, vector<1x16xi32>,
      %swap3A_131 = vector.shape_cast %swap3A_130 : vector<1x16xi32> to vector<16xi32>
      %swap3A_132 = vector.shape_cast %add3A_127 : vector<16xi32> to vector<1x16xi32>
      tpu.vector_store %arg7[%swap3A_128, %swap3A_129], %swap3A_132 {strides = array<i32>} : memref<160x128xi32, #tpu.memory_space<vmem>>, vector<1x16xi32>,
    }
    %scan3A_7 = arith.constant 160 : i32
    %iota3A = tpu.iota {dimensions = array<i32: 0>} : vector<16xi32>
    %broadcast_in_dim3A_8 = arith.constant 0 : i32
    %broadcast_in_dim3A_9 = vector.broadcast %broadcast_in_dim3A_8 : i32 to vector<16xi32>
    %scan3A_10 = arith.constant 0 : i32
    %scan3A_11 = arith.constant 0 : i32
    %scan3A_12 = arith.constant 160 : i32
    %scan3A_13 = arith.addi %scan3A_11, %scan3A_12 : i32
    %scan3A_14 = arith.constant 1 : i32
    scf.for %scan3A_54 = %scan3A_11 to %scan3A_13 step %scan3A_14  : i32 {
      %get3A = arith.index_cast %scan3A_54 : i32 to index
      %get3A_55 = arith.constant 0 : index
      %get3A_56 = tpu.vector_load %arg8[%get3A, %get3A_55] {strides = array<i32>} : memref<160x128xi32, #tpu.memory_space<vmem>>, vector<1x16xi32>,
      %get3A_57 = vector.shape_cast %get3A_56 : vector<1x16xi32> to vector<16xi32>
      %sub3A = arith.subi %get3A_57, %broadcast_in_dim3A_9 : vector<16xi32>
      %lt3A = arith.constant 0 : i32
      %lt3A_58 = vector.broadcast %lt3A : i32 to vector<16xi32>
      %lt3A_59 = arith.cmpi slt, %sub3A, %lt3A_58 : vector<16xi32>
      %ge3A = arith.constant 5120 : i32
      %ge3A_60 = vector.broadcast %ge3A : i32 to vector<16xi32>
      %ge3A_61 = arith.cmpi sge, %sub3A, %ge3A_60 : vector<16xi32>
      %or3A = arith.ori %lt3A_59, %ge3A_61 : vector<16xi1>
      %add3A_62 = arith.constant 5120 : i32
      %add3A_63 = vector.broadcast %add3A_62 : i32 to vector<16xi32>
      %add3A_64 = arith.addi %add3A_63, %iota3A : vector<16xi32>
      %select_n3A = arith.select %or3A, %add3A_64, %sub3A : vector<16xi1>, vector<16xi32>
      %swap3A = arith.index_cast %scan3A_54 : i32 to index
      %swap3A_65 = arith.constant 0 : index
      %swap3A_66 = tpu.vector_load %arg9[%swap3A, %swap3A_65] {strides = array<i32>} : memref<160x128xi32, #tpu.memory_space<vmem>>, vector<1x16xi32>,
      %swap3A_67 = vector.shape_cast %swap3A_66 : vector<1x16xi32> to vector<16xi32>
      %swap3A_68 = vector.shape_cast %select_n3A : vector<16xi32> to vector<1x16xi32>
      tpu.vector_store %arg9[%swap3A, %swap3A_65], %swap3A_68 {strides = array<i32>} : memref<160x128xi32, #tpu.memory_space<vmem>>, vector<1x16xi32>,
      %get3A_69 = arith.index_cast %scan3A_54 : i32 to index
      %get3A_70 = arith.constant 16 : index
      %get3A_71 = tpu.vector_load %arg8[%get3A_69, %get3A_70] {strides = array<i32>} : memref<160x128xi32, #tpu.memory_space<vmem>>, vector<1x16xi32>,
      %get3A_72 = vector.shape_cast %get3A_71 : vector<1x16xi32> to vector<16xi32>
      %sub3A_73 = arith.subi %get3A_72, %broadcast_in_dim3A_9 : vector<16xi32>
      %lt3A_74 = arith.constant 0 : i32
      %lt3A_75 = vector.broadcast %lt3A_74 : i32 to vector<16xi32>
      %lt3A_76 = arith.cmpi slt, %sub3A_73, %lt3A_75 : vector<16xi32>
      %ge3A_77 = arith.constant 5120 : i32
      %ge3A_78 = vector.broadcast %ge3A_77 : i32 to vector<16xi32>
      %ge3A_79 = arith.cmpi sge, %sub3A_73, %ge3A_78 : vector<16xi32>
      %or3A_80 = arith.ori %lt3A_76, %ge3A_79 : vector<16xi1>
      %add3A_81 = arith.constant 5136 : i32
      %add3A_82 = vector.broadcast %add3A_81 : i32 to vector<16xi32>
      %add3A_83 = arith.addi %add3A_82, %iota3A : vector<16xi32>
      %select_n3A_84 = arith.select %or3A_80, %add3A_83, %sub3A_73 : vector<16xi1>, vector<16xi32>
      %swap3A_85 = arith.index_cast %scan3A_54 : i32 to index
      %swap3A_86 = arith.constant 16 : index
      %swap3A_87 = tpu.vector_load %arg9[%swap3A_85, %swap3A_86] {strides = array<i32>} : memref<160x128xi32, #tpu.memory_space<vmem>>, vector<1x16xi32>,
      %swap3A_88 = vector.shape_cast %swap3A_87 : vector<1x16xi32> to vector<16xi32>
      %swap3A_89 = vector.shape_cast %select_n3A_84 : vector<16xi32> to vector<1x16xi32>
      tpu.vector_store %arg9[%swap3A_85, %swap3A_86], %swap3A_89 {strides = array<i32>} : memref<160x128xi32, #tpu.memory_space<vmem>>, vector<1x16xi32>,
      %get3A_90 = arith.index_cast %scan3A_54 : i32 to index
      %get3A_91 = arith.constant 32 : index
      %get3A_92 = tpu.vector_load %arg8[%get3A_90, %get3A_91] {strides = array<i32>} : memref<160x128xi32, #tpu.memory_space<vmem>>, vector<1x16xi32>,
      %get3A_93 = vector.shape_cast %get3A_92 : vector<1x16xi32> to vector<16xi32>
      %sub3A_94 = arith.subi %get3A_93, %broadcast_in_dim3A_9 : vector<16xi32>
      %lt3A_95 = arith.constant 0 : i32
      %lt3A_96 = vector.broadcast %lt3A_95 : i32 to vector<16xi32>
      %lt3A_97 = arith.cmpi slt, %sub3A_94, %lt3A_96 : vector<16xi32>
      %ge3A_98 = arith.constant 5120 : i32
      %ge3A_99 = vector.broadcast %ge3A_98 : i32 to vector<16xi32>
      %ge3A_100 = arith.cmpi sge, %sub3A_94, %ge3A_99 : vector<16xi32>
      %or3A_101 = arith.ori %lt3A_97, %ge3A_100 : vector<16xi1>
      %add3A_102 = arith.constant 5152 : i32
      %add3A_103 = vector.broadcast %add3A_102 : i32 to vector<16xi32>
      %add3A_104 = arith.addi %add3A_103, %iota3A : vector<16xi32>
      %select_n3A_105 = arith.select %or3A_101, %add3A_104, %sub3A_94 : vector<16xi1>, vector<16xi32>
      %swap3A_106 = arith.index_cast %scan3A_54 : i32 to index
      %swap3A_107 = arith.constant 32 : index
      %swap3A_108 = tpu.vector_load %arg9[%swap3A_106, %swap3A_107] {strides = array<i32>} : memref<160x128xi32, #tpu.memory_space<vmem>>, vector<1x16xi32>,
      %swap3A_109 = vector.shape_cast %swap3A_108 : vector<1x16xi32> to vector<16xi32>
      %swap3A_110 = vector.shape_cast %select_n3A_105 : vector<16xi32> to vector<1x16xi32>
      tpu.vector_store %arg9[%swap3A_106, %swap3A_107], %swap3A_110 {strides = array<i32>} : memref<160x128xi32, #tpu.memory_space<vmem>>, vector<1x16xi32>,
      %get3A_111 = arith.index_cast %scan3A_54 : i32 to index
      %get3A_112 = arith.constant 48 : index
      %get3A_113 = tpu.vector_load %arg8[%get3A_111, %get3A_112] {strides = array<i32>} : memref<160x128xi32, #tpu.memory_space<vmem>>, vector<1x16xi32>,
      %get3A_114 = vector.shape_cast %get3A_113 : vector<1x16xi32> to vector<16xi32>
      %sub3A_115 = arith.subi %get3A_114, %broadcast_in_dim3A_9 : vector<16xi32>
      %lt3A_116 = arith.constant 0 : i32
      %lt3A_117 = vector.broadcast %lt3A_116 : i32 to vector<16xi32>
      %lt3A_118 = arith.cmpi slt, %sub3A_115, %lt3A_117 : vector<16xi32>
      %ge3A_119 = arith.constant 5120 : i32
      %ge3A_120 = vector.broadcast %ge3A_119 : i32 to vector<16xi32>
      %ge3A_121 = arith.cmpi sge, %sub3A_115, %ge3A_120 : vector<16xi32>
      %or3A_122 = arith.ori %lt3A_118, %ge3A_121 : vector<16xi1>
      %add3A_123 = arith.constant 5168 : i32
      %add3A_124 = vector.broadcast %add3A_123 : i32 to vector<16xi32>
      %add3A_125 = arith.addi %add3A_124, %iota3A : vector<16xi32>
      %select_n3A_126 = arith.select %or3A_122, %add3A_125, %sub3A_115 : vector<16xi1>, vector<16xi32>
      %swap3A_127 = arith.index_cast %scan3A_54 : i32 to index
      %swap3A_128 = arith.constant 48 : index
      %swap3A_129 = tpu.vector_load %arg9[%swap3A_127, %swap3A_128] {strides = array<i32>} : memref<160x128xi32, #tpu.memory_space<vmem>>, vector<1x16xi32>,
      %swap3A_130 = vector.shape_cast %swap3A_129 : vector<1x16xi32> to vector<16xi32>
      %swap3A_131 = vector.shape_cast %select_n3A_126 : vector<16xi32> to vector<1x16xi32>
      tpu.vector_store %arg9[%swap3A_127, %swap3A_128], %swap3A_131 {strides = array<i32>} : memref<160x128xi32, #tpu.memory_space<vmem>>, vector<1x16xi32>,
      %get3A_132 = arith.index_cast %scan3A_54 : i32 to index
      %get3A_133 = arith.constant 64 : index
      %get3A_134 = tpu.vector_load %arg8[%get3A_132, %get3A_133] {strides = array<i32>} : memref<160x128xi32, #tpu.memory_space<vmem>>, vector<1x16xi32>,
      %get3A_135 = vector.shape_cast %get3A_134 : vector<1x16xi32> to vector<16xi32>
      %sub3A_136 = arith.subi %get3A_135, %broadcast_in_dim3A_9 : vector<16xi32>
      %lt3A_137 = arith.constant 0 : i32
      %lt3A_138 = vector.broadcast %lt3A_137 : i32 to vector<16xi32>
      %lt3A_139 = arith.cmpi slt, %sub3A_136, %lt3A_138 : vector<16xi32>
      %ge3A_140 = arith.constant 5120 : i32
      %ge3A_141 = vector.broadcast %ge3A_140 : i32 to vector<16xi32>
      %ge3A_142 = arith.cmpi sge, %sub3A_136, %ge3A_141 : vector<16xi32>
      %or3A_143 = arith.ori %lt3A_139, %ge3A_142 : vector<16xi1>
      %add3A_144 = arith.constant 5184 : i32
      %add3A_145 = vector.broadcast %add3A_144 : i32 to vector<16xi32>
      %add3A_146 = arith.addi %add3A_145, %iota3A : vector<16xi32>
      %select_n3A_147 = arith.select %or3A_143, %add3A_146, %sub3A_136 : vector<16xi1>, vector<16xi32>
      %swap3A_148 = arith.index_cast %scan3A_54 : i32 to index
      %swap3A_149 = arith.constant 64 : index
      %swap3A_150 = tpu.vector_load %arg9[%swap3A_148, %swap3A_149] {strides = array<i32>} : memref<160x128xi32, #tpu.memory_space<vmem>>, vector<1x16xi32>,
      %swap3A_151 = vector.shape_cast %swap3A_150 : vector<1x16xi32> to vector<16xi32>
      %swap3A_152 = vector.shape_cast %select_n3A_147 : vector<16xi32> to vector<1x16xi32>
      tpu.vector_store %arg9[%swap3A_148, %swap3A_149], %swap3A_152 {strides = array<i32>} : memref<160x128xi32, #tpu.memory_space<vmem>>, vector<1x16xi32>,
      %get3A_153 = arith.index_cast %scan3A_54 : i32 to index
      %get3A_154 = arith.constant 80 : index
      %get3A_155 = tpu.vector_load %arg8[%get3A_153, %get3A_154] {strides = array<i32>} : memref<160x128xi32, #tpu.memory_space<vmem>>, vector<1x16xi32>,
      %get3A_156 = vector.shape_cast %get3A_155 : vector<1x16xi32> to vector<16xi32>
      %sub3A_157 = arith.subi %get3A_156, %broadcast_in_dim3A_9 : vector<16xi32>
      %lt3A_158 = arith.constant 0 : i32
      %lt3A_159 = vector.broadcast %lt3A_158 : i32 to vector<16xi32>
      %lt3A_160 = arith.cmpi slt, %sub3A_157, %lt3A_159 : vector<16xi32>
      %ge3A_161 = arith.constant 5120 : i32
      %ge3A_162 = vector.broadcast %ge3A_161 : i32 to vector<16xi32>
      %ge3A_163 = arith.cmpi sge, %sub3A_157, %ge3A_162 : vector<16xi32>
      %or3A_164 = arith.ori %lt3A_160, %ge3A_163 : vector<16xi1>
      %add3A_165 = arith.constant 5200 : i32
      %add3A_166 = vector.broadcast %add3A_165 : i32 to vector<16xi32>
      %add3A_167 = arith.addi %add3A_166, %iota3A : vector<16xi32>
      %select_n3A_168 = arith.select %or3A_164, %add3A_167, %sub3A_157 : vector<16xi1>, vector<16xi32>
      %swap3A_169 = arith.index_cast %scan3A_54 : i32 to index
      %swap3A_170 = arith.constant 80 : index
      %swap3A_171 = tpu.vector_load %arg9[%swap3A_169, %swap3A_170] {strides = array<i32>} : memref<160x128xi32, #tpu.memory_space<vmem>>, vector<1x16xi32>,
      %swap3A_172 = vector.shape_cast %swap3A_171 : vector<1x16xi32> to vector<16xi32>
      %swap3A_173 = vector.shape_cast %select_n3A_168 : vector<16xi32> to vector<1x16xi32>
      tpu.vector_store %arg9[%swap3A_169, %swap3A_170], %swap3A_173 {strides = array<i32>} : memref<160x128xi32, #tpu.memory_space<vmem>>, vector<1x16xi32>,
      %get3A_174 = arith.index_cast %scan3A_54 : i32 to index
      %get3A_175 = arith.constant 96 : index
      %get3A_176 = tpu.vector_load %arg8[%get3A_174, %get3A_175] {strides = array<i32>} : memref<160x128xi32, #tpu.memory_space<vmem>>, vector<1x16xi32>,
      %get3A_177 = vector.shape_cast %get3A_176 : vector<1x16xi32> to vector<16xi32>
      %sub3A_178 = arith.subi %get3A_177, %broadcast_in_dim3A_9 : vector<16xi32>
      %lt3A_179 = arith.constant 0 : i32
      %lt3A_180 = vector.broadcast %lt3A_179 : i32 to vector<16xi32>
      %lt3A_181 = arith.cmpi slt, %sub3A_178, %lt3A_180 : vector<16xi32>
      %ge3A_182 = arith.constant 5120 : i32
      %ge3A_183 = vector.broadcast %ge3A_182 : i32 to vector<16xi32>
      %ge3A_184 = arith.cmpi sge, %sub3A_178, %ge3A_183 : vector<16xi32>
      %or3A_185 = arith.ori %lt3A_181, %ge3A_184 : vector<16xi1>
      %add3A_186 = arith.constant 5216 : i32
      %add3A_187 = vector.broadcast %add3A_186 : i32 to vector<16xi32>
      %add3A_188 = arith.addi %add3A_187, %iota3A : vector<16xi32>
      %select_n3A_189 = arith.select %or3A_185, %add3A_188, %sub3A_178 : vector<16xi1>, vector<16xi32>
      %swap3A_190 = arith.index_cast %scan3A_54 : i32 to index
      %swap3A_191 = arith.constant 96 : index
      %swap3A_192 = tpu.vector_load %arg9[%swap3A_190, %swap3A_191] {strides = array<i32>} : memref<160x128xi32, #tpu.memory_space<vmem>>, vector<1x16xi32>,
      %swap3A_193 = vector.shape_cast %swap3A_192 : vector<1x16xi32> to vector<16xi32>
      %swap3A_194 = vector.shape_cast %select_n3A_189 : vector<16xi32> to vector<1x16xi32>
      tpu.vector_store %arg9[%swap3A_190, %swap3A_191], %swap3A_194 {strides = array<i32>} : memref<160x128xi32, #tpu.memory_space<vmem>>, vector<1x16xi32>,
      %get3A_195 = arith.index_cast %scan3A_54 : i32 to index
      %get3A_196 = arith.constant 112 : index
      %get3A_197 = tpu.vector_load %arg8[%get3A_195, %get3A_196] {strides = array<i32>} : memref<160x128xi32, #tpu.memory_space<vmem>>, vector<1x16xi32>,
      %get3A_198 = vector.shape_cast %get3A_197 : vector<1x16xi32> to vector<16xi32>
      %sub3A_199 = arith.subi %get3A_198, %broadcast_in_dim3A_9 : vector<16xi32>
      %lt3A_200 = arith.constant 0 : i32
      %lt3A_201 = vector.broadcast %lt3A_200 : i32 to vector<16xi32>
      %lt3A_202 = arith.cmpi slt, %sub3A_199, %lt3A_201 : vector<16xi32>
      %ge3A_203 = arith.constant 5120 : i32
      %ge3A_204 = vector.broadcast %ge3A_203 : i32 to vector<16xi32>
      %ge3A_205 = arith.cmpi sge, %sub3A_199, %ge3A_204 : vector<16xi32>
      %or3A_206 = arith.ori %lt3A_202, %ge3A_205 : vector<16xi1>
      %add3A_207 = arith.constant 5232 : i32
      %add3A_208 = vector.broadcast %add3A_207 : i32 to vector<16xi32>
      %add3A_209 = arith.addi %add3A_208, %iota3A : vector<16xi32>
      %select_n3A_210 = arith.select %or3A_206, %add3A_209, %sub3A_199 : vector<16xi1>, vector<16xi32>
      %swap3A_211 = arith.index_cast %scan3A_54 : i32 to index
      %swap3A_212 = arith.constant 112 : index
      %swap3A_213 = tpu.vector_load %arg9[%swap3A_211, %swap3A_212] {strides = array<i32>} : memref<160x128xi32, #tpu.memory_space<vmem>>, vector<1x16xi32>,
      %swap3A_214 = vector.shape_cast %swap3A_213 : vector<1x16xi32> to vector<16xi32>
      %swap3A_215 = vector.shape_cast %select_n3A_210 : vector<16xi32> to vector<1x16xi32>
      tpu.vector_store %arg9[%swap3A_211, %swap3A_212], %swap3A_215 {strides = array<i32>} : memref<160x128xi32, #tpu.memory_space<vmem>>, vector<1x16xi32>,
    }
    %scan3A_15 = arith.constant 160 : i32
    %mul3A_16 = arith.constant 320 : i32
    %mul3A_17 = arith.muli %arg1, %mul3A_16 : i32
    "tpu.region"() ({
      %run_scoped3A = tpu.sem_alloc : memref<!tpu.dma_semaphore, #tpu.memory_space<semaphore_mem>>
      %dma_start3A = arith.constant 0 : i32
      %dma_start3A_54 = tpu.memref_slice %arg11[%mul3A_17, %dma_start3A] : memref<5248x128xf32, #tpu.memory_space<vmem_shared>> -> memref<320x128xf32, #tpu.memory_space<vmem_shared>>
      tpu.enqueue_dma source(%arg5 : memref<320x128xf32, #tpu.memory_space<hbm>>) target(%dma_start3A_54 : memref<320x128xf32, #tpu.memory_space<vmem_shared>>) target_semaphore(%run_scoped3A : memref<!tpu.dma_semaphore, #tpu.memory_space<semaphore_mem>>)
      %dma_wait3A = arith.constant 0 : i32
      %dma_wait3A_55 = tpu.memref_slice %arg11[%mul3A_17, %dma_wait3A] : memref<5248x128xf32, #tpu.memory_space<vmem_shared>> -> memref<320x128xf32, #tpu.memory_space<vmem_shared>>
      tpu.wait_dma2 semaphore(%run_scoped3A : memref<!tpu.dma_semaphore, #tpu.memory_space<semaphore_mem>>) src(%arg5 : memref<320x128xf32, #tpu.memory_space<hbm>>) dst(%dma_wait3A_55 : memref<320x128xf32, #tpu.memory_space<vmem_shared>>)
      tpu.yield
    }) : () -> ()
    %barrier3A = arith.constant 0 : index
    tpu.barrier barrier_id(%barrier3A)
    %scan3A_18 = arith.constant 0 : i32
    %scan3A_19 = arith.constant 0 : i32
    %scan3A_20 = arith.constant 160 : i32
    %scan3A_21 = arith.addi %scan3A_19, %scan3A_20 : i32
    %scan3A_22 = arith.constant 1 : i32
    scf.for %scan3A_54 = %scan3A_19 to %scan3A_21 step %scan3A_22  : i32 {
      %dma_start3A = arith.constant 0 : i32
      %dma_start3A_55 = tpu.memref_slice %arg7[%scan3A_54, %dma_start3A] : memref<160x128xi32, #tpu.memory_space<vmem>> -> memref<1x128xi32, #tpu.memory_space<vmem>>
      %dma_start3A_56 = tpu.memref_squeeze %dma_start3A_55 : memref<1x128xi32, #tpu.memory_space<vmem>> -> memref<128xi32, #tpu.memory_space<vmem>>
      %dma_start3A_57 = arith.constant 0 : i32
      %dma_start3A_58 = arith.constant 0 : i32
      %dma_start3A_59 = tpu.memref_slice %arg4[%dma_start3A_57, %dma_start3A_58] : memref<20000x128xf32, #tpu.memory_space<hbm>> -> memref<20000x128xf32, #tpu.memory_space<hbm>>
      tpu.enqueue_indirect_dma source(%dma_start3A_59 : memref<20000x128xf32, #tpu.memory_space<hbm>>) target(%arg10 : memref<128x128xf32, #tpu.memory_space<vmem>>) offsets(%dma_start3A_56 : memref<128xi32, #tpu.memory_space<vmem>>) semaphore(%arg12 : memref<!tpu.dma_semaphore, #tpu.memory_space<semaphore_mem>>)
      %dma_wait3A = arith.constant 0 : i32
      %dma_wait3A_60 = tpu.memref_slice %arg7[%scan3A_54, %dma_wait3A] : memref<160x128xi32, #tpu.memory_space<vmem>> -> memref<1x128xi32, #tpu.memory_space<vmem>>
      %dma_wait3A_61 = tpu.memref_squeeze %dma_wait3A_60 : memref<1x128xi32, #tpu.memory_space<vmem>> -> memref<128xi32, #tpu.memory_space<vmem>>
      %dma_wait3A_62 = arith.constant 0 : i32
      %dma_wait3A_63 = arith.constant 0 : i32
      %dma_wait3A_64 = tpu.memref_slice %arg4[%dma_wait3A_62, %dma_wait3A_63] : memref<20000x128xf32, #tpu.memory_space<hbm>> -> memref<20000x128xf32, #tpu.memory_space<hbm>>
      tpu.wait_indirect_dma semaphore(%arg12 : memref<!tpu.dma_semaphore, #tpu.memory_space<semaphore_mem>>) src(%dma_wait3A_64 : memref<20000x128xf32, #tpu.memory_space<hbm>>) dst(%arg10 : memref<128x128xf32, #tpu.memory_space<vmem>>)
      "tpu.region"() ({
        %run_scoped3A = tpu.sem_alloc : memref<!tpu.dma_semaphore, #tpu.memory_space<semaphore_mem>>
        %dma_start3A_65 = arith.constant 0 : i32
        %dma_start3A_66 = tpu.memref_slice %arg9[%scan3A_54, %dma_start3A_65] : memref<160x128xi32, #tpu.memory_space<vmem>> -> memref<1x128xi32, #tpu.memory_space<vmem>>
        %dma_start3A_67 = tpu.memref_squeeze %dma_start3A_66 : memref<1x128xi32, #tpu.memory_space<vmem>> -> memref<128xi32, #tpu.memory_space<vmem>>
        %dma_start3A_68 = arith.constant 0 : i32
        %dma_start3A_69 = arith.constant 0 : i32
        %dma_start3A_70 = tpu.memref_slice %arg11[%dma_start3A_68, %dma_start3A_69] : memref<5248x128xf32, #tpu.memory_space<vmem_shared>> -> memref<5248x128xf32, #tpu.memory_space<vmem_shared>>
        tpu.enqueue_indirect_dma source(%arg10 : memref<128x128xf32, #tpu.memory_space<vmem>>) target(%dma_start3A_70 : memref<5248x128xf32, #tpu.memory_space<vmem_shared>>) offsets(%dma_start3A_67 : memref<128xi32, #tpu.memory_space<vmem>>) semaphore(%run_scoped3A : memref<!tpu.dma_semaphore, #tpu.memory_space<semaphore_mem>>) {add = true}
        %dma_wait3A_71 = arith.constant 0 : i32
        %dma_wait3A_72 = tpu.memref_slice %arg9[%scan3A_54, %dma_wait3A_71] : memref<160x128xi32, #tpu.memory_space<vmem>> -> memref<1x128xi32, #tpu.memory_space<vmem>>
        %dma_wait3A_73 = tpu.memref_squeeze %dma_wait3A_72 : memref<1x128xi32, #tpu.memory_space<vmem>> -> memref<128xi32, #tpu.memory_space<vmem>>
        %dma_wait3A_74 = arith.constant 0 : i32
        %dma_wait3A_75 = arith.constant 0 : i32
        %dma_wait3A_76 = tpu.memref_slice %arg11[%dma_wait3A_74, %dma_wait3A_75] : memref<5248x128xf32, #tpu.memory_space<vmem_shared>> -> memref<5248x128xf32, #tpu.memory_space<vmem_shared>>
        tpu.wait_indirect_dma semaphore(%run_scoped3A : memref<!tpu.dma_semaphore, #tpu.memory_space<semaphore_mem>>) src(%arg10 : memref<128x128xf32, #tpu.memory_space<vmem>>) dst(%dma_wait3A_76 : memref<5248x128xf32, #tpu.memory_space<vmem_shared>>)
        tpu.yield
      }) : () -> ()
    }
    %scan3A_23 = arith.constant 160 : i32
    %barrier3A_24 = arith.constant 0 : index
    tpu.barrier barrier_id(%barrier3A_24)
    %mul3A_25 = arith.constant 320 : i32
    %mul3A_26 = arith.muli %arg1, %mul3A_25 : i32
    %mul3A_27 = arith.constant 320 : i32
    %mul3A_28 = arith.muli %arg1, %mul3A_27 : i32
    %add3A = arith.constant 0 : i32
    %add3A_29 = arith.addi %add3A, %mul3A_28 : i32
    "tpu.region"() ({
      %run_scoped3A = tpu.sem_alloc : memref<!tpu.dma_semaphore, #tpu.memory_space<semaphore_mem>>
      %dma_start3A = arith.constant 0 : i32
      %dma_start3A_54 = tpu.memref_slice %arg6[%arg0, %add3A_29, %dma_start3A] : memref<2x10240x128xf32, #tpu.memory_space<hbm>> -> memref<1x320x128xf32, #tpu.memory_space<hbm>>
      %dma_start3A_55 = tpu.memref_squeeze %dma_start3A_54 : memref<1x320x128xf32, #tpu.memory_space<hbm>> -> memref<320x128xf32, #tpu.memory_space<hbm>>
      %dma_start3A_56 = arith.constant 0 : i32
      %dma_start3A_57 = tpu.memref_slice %arg11[%mul3A_26, %dma_start3A_56] : memref<5248x128xf32, #tpu.memory_space<vmem_shared>> -> memref<320x128xf32, #tpu.memory_space<vmem_shared>>
      tpu.enqueue_dma source(%dma_start3A_57 : memref<320x128xf32, #tpu.memory_space<vmem_shared>>) target(%dma_start3A_55 : memref<320x128xf32, #tpu.memory_space<hbm>>) target_semaphore(%run_scoped3A : memref<!tpu.dma_semaphore, #tpu.memory_space<semaphore_mem>>)
      %dma_wait3A = arith.constant 0 : i32
      %dma_wait3A_58 = tpu.memref_slice %arg6[%arg0, %add3A_29, %dma_wait3A] : memref<2x10240x128xf32, #tpu.memory_space<hbm>> -> memref<1x320x128xf32, #tpu.memory_space<hbm>>
      %dma_wait3A_59 = tpu.memref_squeeze %dma_wait3A_58 : memref<1x320x128xf32, #tpu.memory_space<hbm>> -> memref<320x128xf32, #tpu.memory_space<hbm>>
      %dma_wait3A_60 = arith.constant 0 : i32
      %dma_wait3A_61 = tpu.memref_slice %arg11[%mul3A_26, %dma_wait3A_60] : memref<5248x128xf32, #tpu.memory_space<vmem_shared>> -> memref<320x128xf32, #tpu.memory_space<vmem_shared>>
      tpu.wait_dma2 semaphore(%run_scoped3A : memref<!tpu.dma_semaphore, #tpu.memory_space<semaphore_mem>>) src(%dma_wait3A_61 : memref<320x128xf32, #tpu.memory_space<vmem_shared>>) dst(%dma_wait3A_59 : memref<320x128xf32, #tpu.memory_space<hbm>>)
      tpu.yield
    }) : () -> ()
    %broadcast_in_dim3A_30 = arith.constant 5120 : i32
    %broadcast_in_dim3A_31 = vector.broadcast %broadcast_in_dim3A_30 : i32 to vector<16xi32>
    %scan3A_32 = arith.constant 0 : i32
    %scan3A_33 = arith.constant 0 : i32
    %scan3A_34 = arith.constant 160 : i32
    %scan3A_35 = arith.addi %scan3A_33, %scan3A_34 : i32
    %scan3A_36 = arith.constant 1 : i32
    scf.for %scan3A_54 = %scan3A_33 to %scan3A_35 step %scan3A_36  : i32 {
      %get3A = arith.index_cast %scan3A_54 : i32 to index
      %get3A_55 = arith.constant 0 : index
      %get3A_56 = tpu.vector_load %arg8[%get3A, %get3A_55] {strides = array<i32>} : memref<160x128xi32, #tpu.memory_space<vmem>>, vector<1x16xi32>,
      %get3A_57 = vector.shape_cast %get3A_56 : vector<1x16xi32> to vector<16xi32>
      %sub3A = arith.subi %get3A_57, %broadcast_in_dim3A_31 : vector<16xi32>
      %lt3A = arith.constant 0 : i32
      %lt3A_58 = vector.broadcast %lt3A : i32 to vector<16xi32>
      %lt3A_59 = arith.cmpi slt, %sub3A, %lt3A_58 : vector<16xi32>
      %ge3A = arith.constant 5120 : i32
      %ge3A_60 = vector.broadcast %ge3A : i32 to vector<16xi32>
      %ge3A_61 = arith.cmpi sge, %sub3A, %ge3A_60 : vector<16xi32>
      %or3A = arith.ori %lt3A_59, %ge3A_61 : vector<16xi1>
      %add3A_62 = arith.constant 5120 : i32
      %add3A_63 = vector.broadcast %add3A_62 : i32 to vector<16xi32>
      %add3A_64 = arith.addi %add3A_63, %iota3A : vector<16xi32>
      %select_n3A = arith.select %or3A, %add3A_64, %sub3A : vector<16xi1>, vector<16xi32>
      %swap3A = arith.index_cast %scan3A_54 : i32 to index
      %swap3A_65 = arith.constant 0 : index
      %swap3A_66 = tpu.vector_load %arg9[%swap3A, %swap3A_65] {strides = array<i32>} : memref<160x128xi32, #tpu.memory_space<vmem>>, vector<1x16xi32>,
      %swap3A_67 = vector.shape_cast %swap3A_66 : vector<1x16xi32> to vector<16xi32>
      %swap3A_68 = vector.shape_cast %select_n3A : vector<16xi32> to vector<1x16xi32>
      tpu.vector_store %arg9[%swap3A, %swap3A_65], %swap3A_68 {strides = array<i32>} : memref<160x128xi32, #tpu.memory_space<vmem>>, vector<1x16xi32>,
      %get3A_69 = arith.index_cast %scan3A_54 : i32 to index
      %get3A_70 = arith.constant 16 : index
      %get3A_71 = tpu.vector_load %arg8[%get3A_69, %get3A_70] {strides = array<i32>} : memref<160x128xi32, #tpu.memory_space<vmem>>, vector<1x16xi32>,
      %get3A_72 = vector.shape_cast %get3A_71 : vector<1x16xi32> to vector<16xi32>
      %sub3A_73 = arith.subi %get3A_72, %broadcast_in_dim3A_31 : vector<16xi32>
      %lt3A_74 = arith.constant 0 : i32
      %lt3A_75 = vector.broadcast %lt3A_74 : i32 to vector<16xi32>
      %lt3A_76 = arith.cmpi slt, %sub3A_73, %lt3A_75 : vector<16xi32>
      %ge3A_77 = arith.constant 5120 : i32
      %ge3A_78 = vector.broadcast %ge3A_77 : i32 to vector<16xi32>
      %ge3A_79 = arith.cmpi sge, %sub3A_73, %ge3A_78 : vector<16xi32>
      %or3A_80 = arith.ori %lt3A_76, %ge3A_79 : vector<16xi1>
      %add3A_81 = arith.constant 5136 : i32
      %add3A_82 = vector.broadcast %add3A_81 : i32 to vector<16xi32>
      %add3A_83 = arith.addi %add3A_82, %iota3A : vector<16xi32>
      %select_n3A_84 = arith.select %or3A_80, %add3A_83, %sub3A_73 : vector<16xi1>, vector<16xi32>
      %swap3A_85 = arith.index_cast %scan3A_54 : i32 to index
      %swap3A_86 = arith.constant 16 : index
      %swap3A_87 = tpu.vector_load %arg9[%swap3A_85, %swap3A_86] {strides = array<i32>} : memref<160x128xi32, #tpu.memory_space<vmem>>, vector<1x16xi32>,
      %swap3A_88 = vector.shape_cast %swap3A_87 : vector<1x16xi32> to vector<16xi32>
      %swap3A_89 = vector.shape_cast %select_n3A_84 : vector<16xi32> to vector<1x16xi32>
      tpu.vector_store %arg9[%swap3A_85, %swap3A_86], %swap3A_89 {strides = array<i32>} : memref<160x128xi32, #tpu.memory_space<vmem>>, vector<1x16xi32>,
      %get3A_90 = arith.index_cast %scan3A_54 : i32 to index
      %get3A_91 = arith.constant 32 : index
      %get3A_92 = tpu.vector_load %arg8[%get3A_90, %get3A_91] {strides = array<i32>} : memref<160x128xi32, #tpu.memory_space<vmem>>, vector<1x16xi32>,
      %get3A_93 = vector.shape_cast %get3A_92 : vector<1x16xi32> to vector<16xi32>
      %sub3A_94 = arith.subi %get3A_93, %broadcast_in_dim3A_31 : vector<16xi32>
      %lt3A_95 = arith.constant 0 : i32
      %lt3A_96 = vector.broadcast %lt3A_95 : i32 to vector<16xi32>
      %lt3A_97 = arith.cmpi slt, %sub3A_94, %lt3A_96 : vector<16xi32>
      %ge3A_98 = arith.constant 5120 : i32
      %ge3A_99 = vector.broadcast %ge3A_98 : i32 to vector<16xi32>
      %ge3A_100 = arith.cmpi sge, %sub3A_94, %ge3A_99 : vector<16xi32>
      %or3A_101 = arith.ori %lt3A_97, %ge3A_100 : vector<16xi1>
      %add3A_102 = arith.constant 5152 : i32
      %add3A_103 = vector.broadcast %add3A_102 : i32 to vector<16xi32>
      %add3A_104 = arith.addi %add3A_103, %iota3A : vector<16xi32>
      %select_n3A_105 = arith.select %or3A_101, %add3A_104, %sub3A_94 : vector<16xi1>, vector<16xi32>
      %swap3A_106 = arith.index_cast %scan3A_54 : i32 to index
      %swap3A_107 = arith.constant 32 : index
      %swap3A_108 = tpu.vector_load %arg9[%swap3A_106, %swap3A_107] {strides = array<i32>} : memref<160x128xi32, #tpu.memory_space<vmem>>, vector<1x16xi32>,
      %swap3A_109 = vector.shape_cast %swap3A_108 : vector<1x16xi32> to vector<16xi32>
      %swap3A_110 = vector.shape_cast %select_n3A_105 : vector<16xi32> to vector<1x16xi32>
      tpu.vector_store %arg9[%swap3A_106, %swap3A_107], %swap3A_110 {strides = array<i32>} : memref<160x128xi32, #tpu.memory_space<vmem>>, vector<1x16xi32>,
      %get3A_111 = arith.index_cast %scan3A_54 : i32 to index
      %get3A_112 = arith.constant 48 : index
      %get3A_113 = tpu.vector_load %arg8[%get3A_111, %get3A_112] {strides = array<i32>} : memref<160x128xi32, #tpu.memory_space<vmem>>, vector<1x16xi32>,
      %get3A_114 = vector.shape_cast %get3A_113 : vector<1x16xi32> to vector<16xi32>
      %sub3A_115 = arith.subi %get3A_114, %broadcast_in_dim3A_31 : vector<16xi32>
      %lt3A_116 = arith.constant 0 : i32
      %lt3A_117 = vector.broadcast %lt3A_116 : i32 to vector<16xi32>
      %lt3A_118 = arith.cmpi slt, %sub3A_115, %lt3A_117 : vector<16xi32>
      %ge3A_119 = arith.constant 5120 : i32
      %ge3A_120 = vector.broadcast %ge3A_119 : i32 to vector<16xi32>
      %ge3A_121 = arith.cmpi sge, %sub3A_115, %ge3A_120 : vector<16xi32>
      %or3A_122 = arith.ori %lt3A_118, %ge3A_121 : vector<16xi1>
      %add3A_123 = arith.constant 5168 : i32
      %add3A_124 = vector.broadcast %add3A_123 : i32 to vector<16xi32>
      %add3A_125 = arith.addi %add3A_124, %iota3A : vector<16xi32>
      %select_n3A_126 = arith.select %or3A_122, %add3A_125, %sub3A_115 : vector<16xi1>, vector<16xi32>
      %swap3A_127 = arith.index_cast %scan3A_54 : i32 to index
      %swap3A_128 = arith.constant 48 : index
      %swap3A_129 = tpu.vector_load %arg9[%swap3A_127, %swap3A_128] {strides = array<i32>} : memref<160x128xi32, #tpu.memory_space<vmem>>, vector<1x16xi32>,
      %swap3A_130 = vector.shape_cast %swap3A_129 : vector<1x16xi32> to vector<16xi32>
      %swap3A_131 = vector.shape_cast %select_n3A_126 : vector<16xi32> to vector<1x16xi32>
      tpu.vector_store %arg9[%swap3A_127, %swap3A_128], %swap3A_131 {strides = array<i32>} : memref<160x128xi32, #tpu.memory_space<vmem>>, vector<1x16xi32>,
      %get3A_132 = arith.index_cast %scan3A_54 : i32 to index
      %get3A_133 = arith.constant 64 : index
      %get3A_134 = tpu.vector_load %arg8[%get3A_132, %get3A_133] {strides = array<i32>} : memref<160x128xi32, #tpu.memory_space<vmem>>, vector<1x16xi32>,
      %get3A_135 = vector.shape_cast %get3A_134 : vector<1x16xi32> to vector<16xi32>
      %sub3A_136 = arith.subi %get3A_135, %broadcast_in_dim3A_31 : vector<16xi32>
      %lt3A_137 = arith.constant 0 : i32
      %lt3A_138 = vector.broadcast %lt3A_137 : i32 to vector<16xi32>
      %lt3A_139 = arith.cmpi slt, %sub3A_136, %lt3A_138 : vector<16xi32>
      %ge3A_140 = arith.constant 5120 : i32
      %ge3A_141 = vector.broadcast %ge3A_140 : i32 to vector<16xi32>
      %ge3A_142 = arith.cmpi sge, %sub3A_136, %ge3A_141 : vector<16xi32>
      %or3A_143 = arith.ori %lt3A_139, %ge3A_142 : vector<16xi1>
      %add3A_144 = arith.constant 5184 : i32
      %add3A_145 = vector.broadcast %add3A_144 : i32 to vector<16xi32>
      %add3A_146 = arith.addi %add3A_145, %iota3A : vector<16xi32>
      %select_n3A_147 = arith.select %or3A_143, %add3A_146, %sub3A_136 : vector<16xi1>, vector<16xi32>
      %swap3A_148 = arith.index_cast %scan3A_54 : i32 to index
      %swap3A_149 = arith.constant 64 : index
      %swap3A_150 = tpu.vector_load %arg9[%swap3A_148, %swap3A_149] {strides = array<i32>} : memref<160x128xi32, #tpu.memory_space<vmem>>, vector<1x16xi32>,
      %swap3A_151 = vector.shape_cast %swap3A_150 : vector<1x16xi32> to vector<16xi32>
      %swap3A_152 = vector.shape_cast %select_n3A_147 : vector<16xi32> to vector<1x16xi32>
      tpu.vector_store %arg9[%swap3A_148, %swap3A_149], %swap3A_152 {strides = array<i32>} : memref<160x128xi32, #tpu.memory_space<vmem>>, vector<1x16xi32>,
      %get3A_153 = arith.index_cast %scan3A_54 : i32 to index
      %get3A_154 = arith.constant 80 : index
      %get3A_155 = tpu.vector_load %arg8[%get3A_153, %get3A_154] {strides = array<i32>} : memref<160x128xi32, #tpu.memory_space<vmem>>, vector<1x16xi32>,
      %get3A_156 = vector.shape_cast %get3A_155 : vector<1x16xi32> to vector<16xi32>
      %sub3A_157 = arith.subi %get3A_156, %broadcast_in_dim3A_31 : vector<16xi32>
      %lt3A_158 = arith.constant 0 : i32
      %lt3A_159 = vector.broadcast %lt3A_158 : i32 to vector<16xi32>
      %lt3A_160 = arith.cmpi slt, %sub3A_157, %lt3A_159 : vector<16xi32>
      %ge3A_161 = arith.constant 5120 : i32
      %ge3A_162 = vector.broadcast %ge3A_161 : i32 to vector<16xi32>
      %ge3A_163 = arith.cmpi sge, %sub3A_157, %ge3A_162 : vector<16xi32>
      %or3A_164 = arith.ori %lt3A_160, %ge3A_163 : vector<16xi1>
      %add3A_165 = arith.constant 5200 : i32
      %add3A_166 = vector.broadcast %add3A_165 : i32 to vector<16xi32>
      %add3A_167 = arith.addi %add3A_166, %iota3A : vector<16xi32>
      %select_n3A_168 = arith.select %or3A_164, %add3A_167, %sub3A_157 : vector<16xi1>, vector<16xi32>
      %swap3A_169 = arith.index_cast %scan3A_54 : i32 to index
      %swap3A_170 = arith.constant 80 : index
      %swap3A_171 = tpu.vector_load %arg9[%swap3A_169, %swap3A_170] {strides = array<i32>} : memref<160x128xi32, #tpu.memory_space<vmem>>, vector<1x16xi32>,
      %swap3A_172 = vector.shape_cast %swap3A_171 : vector<1x16xi32> to vector<16xi32>
      %swap3A_173 = vector.shape_cast %select_n3A_168 : vector<16xi32> to vector<1x16xi32>
      tpu.vector_store %arg9[%swap3A_169, %swap3A_170], %swap3A_173 {strides = array<i32>} : memref<160x128xi32, #tpu.memory_space<vmem>>, vector<1x16xi32>,
      %get3A_174 = arith.index_cast %scan3A_54 : i32 to index
      %get3A_175 = arith.constant 96 : index
      %get3A_176 = tpu.vector_load %arg8[%get3A_174, %get3A_175] {strides = array<i32>} : memref<160x128xi32, #tpu.memory_space<vmem>>, vector<1x16xi32>,
      %get3A_177 = vector.shape_cast %get3A_176 : vector<1x16xi32> to vector<16xi32>
      %sub3A_178 = arith.subi %get3A_177, %broadcast_in_dim3A_31 : vector<16xi32>
      %lt3A_179 = arith.constant 0 : i32
      %lt3A_180 = vector.broadcast %lt3A_179 : i32 to vector<16xi32>
      %lt3A_181 = arith.cmpi slt, %sub3A_178, %lt3A_180 : vector<16xi32>
      %ge3A_182 = arith.constant 5120 : i32
      %ge3A_183 = vector.broadcast %ge3A_182 : i32 to vector<16xi32>
      %ge3A_184 = arith.cmpi sge, %sub3A_178, %ge3A_183 : vector<16xi32>
      %or3A_185 = arith.ori %lt3A_181, %ge3A_184 : vector<16xi1>
      %add3A_186 = arith.constant 5216 : i32
      %add3A_187 = vector.broadcast %add3A_186 : i32 to vector<16xi32>
      %add3A_188 = arith.addi %add3A_187, %iota3A : vector<16xi32>
      %select_n3A_189 = arith.select %or3A_185, %add3A_188, %sub3A_178 : vector<16xi1>, vector<16xi32>
      %swap3A_190 = arith.index_cast %scan3A_54 : i32 to index
      %swap3A_191 = arith.constant 96 : index
      %swap3A_192 = tpu.vector_load %arg9[%swap3A_190, %swap3A_191] {strides = array<i32>} : memref<160x128xi32, #tpu.memory_space<vmem>>, vector<1x16xi32>,
      %swap3A_193 = vector.shape_cast %swap3A_192 : vector<1x16xi32> to vector<16xi32>
      %swap3A_194 = vector.shape_cast %select_n3A_189 : vector<16xi32> to vector<1x16xi32>
      tpu.vector_store %arg9[%swap3A_190, %swap3A_191], %swap3A_194 {strides = array<i32>} : memref<160x128xi32, #tpu.memory_space<vmem>>, vector<1x16xi32>,
      %get3A_195 = arith.index_cast %scan3A_54 : i32 to index
      %get3A_196 = arith.constant 112 : index
      %get3A_197 = tpu.vector_load %arg8[%get3A_195, %get3A_196] {strides = array<i32>} : memref<160x128xi32, #tpu.memory_space<vmem>>, vector<1x16xi32>,
      %get3A_198 = vector.shape_cast %get3A_197 : vector<1x16xi32> to vector<16xi32>
      %sub3A_199 = arith.subi %get3A_198, %broadcast_in_dim3A_31 : vector<16xi32>
      %lt3A_200 = arith.constant 0 : i32
      %lt3A_201 = vector.broadcast %lt3A_200 : i32 to vector<16xi32>
      %lt3A_202 = arith.cmpi slt, %sub3A_199, %lt3A_201 : vector<16xi32>
      %ge3A_203 = arith.constant 5120 : i32
      %ge3A_204 = vector.broadcast %ge3A_203 : i32 to vector<16xi32>
      %ge3A_205 = arith.cmpi sge, %sub3A_199, %ge3A_204 : vector<16xi32>
      %or3A_206 = arith.ori %lt3A_202, %ge3A_205 : vector<16xi1>
      %add3A_207 = arith.constant 5232 : i32
      %add3A_208 = vector.broadcast %add3A_207 : i32 to vector<16xi32>
      %add3A_209 = arith.addi %add3A_208, %iota3A : vector<16xi32>
      %select_n3A_210 = arith.select %or3A_206, %add3A_209, %sub3A_199 : vector<16xi1>, vector<16xi32>
      %swap3A_211 = arith.index_cast %scan3A_54 : i32 to index
      %swap3A_212 = arith.constant 112 : index
      %swap3A_213 = tpu.vector_load %arg9[%swap3A_211, %swap3A_212] {strides = array<i32>} : memref<160x128xi32, #tpu.memory_space<vmem>>, vector<1x16xi32>,
      %swap3A_214 = vector.shape_cast %swap3A_213 : vector<1x16xi32> to vector<16xi32>
      %swap3A_215 = vector.shape_cast %select_n3A_210 : vector<16xi32> to vector<1x16xi32>
      tpu.vector_store %arg9[%swap3A_211, %swap3A_212], %swap3A_215 {strides = array<i32>} : memref<160x128xi32, #tpu.memory_space<vmem>>, vector<1x16xi32>,
    }
    %scan3A_37 = arith.constant 160 : i32
    %mul3A_38 = arith.constant 320 : i32
    %mul3A_39 = arith.muli %arg1, %mul3A_38 : i32
    "tpu.region"() ({
      %run_scoped3A = tpu.sem_alloc : memref<!tpu.dma_semaphore, #tpu.memory_space<semaphore_mem>>
      %dma_start3A = arith.constant 0 : i32
      %dma_start3A_54 = tpu.memref_slice %arg11[%mul3A_39, %dma_start3A] : memref<5248x128xf32, #tpu.memory_space<vmem_shared>> -> memref<320x128xf32, #tpu.memory_space<vmem_shared>>
      tpu.enqueue_dma source(%arg5 : memref<320x128xf32, #tpu.memory_space<hbm>>) target(%dma_start3A_54 : memref<320x128xf32, #tpu.memory_space<vmem_shared>>) target_semaphore(%run_scoped3A : memref<!tpu.dma_semaphore, #tpu.memory_space<semaphore_mem>>)
      %dma_wait3A = arith.constant 0 : i32
      %dma_wait3A_55 = tpu.memref_slice %arg11[%mul3A_39, %dma_wait3A] : memref<5248x128xf32, #tpu.memory_space<vmem_shared>> -> memref<320x128xf32, #tpu.memory_space<vmem_shared>>
      tpu.wait_dma2 semaphore(%run_scoped3A : memref<!tpu.dma_semaphore, #tpu.memory_space<semaphore_mem>>) src(%arg5 : memref<320x128xf32, #tpu.memory_space<hbm>>) dst(%dma_wait3A_55 : memref<320x128xf32, #tpu.memory_space<vmem_shared>>)
      tpu.yield
    }) : () -> ()
    %barrier3A_40 = arith.constant 0 : index
    tpu.barrier barrier_id(%barrier3A_40)
    %scan3A_41 = arith.constant 0 : i32
    %scan3A_42 = arith.constant 0 : i32
    %scan3A_43 = arith.constant 160 : i32
    %scan3A_44 = arith.addi %scan3A_42, %scan3A_43 : i32
    %scan3A_45 = arith.constant 1 : i32
    scf.for %scan3A_54 = %scan3A_42 to %scan3A_44 step %scan3A_45  : i32 {
      %dma_start3A = arith.constant 0 : i32
      %dma_start3A_55 = tpu.memref_slice %arg7[%scan3A_54, %dma_start3A] : memref<160x128xi32, #tpu.memory_space<vmem>> -> memref<1x128xi32, #tpu.memory_space<vmem>>
      %dma_start3A_56 = tpu.memref_squeeze %dma_start3A_55 : memref<1x128xi32, #tpu.memory_space<vmem>> -> memref<128xi32, #tpu.memory_space<vmem>>
      %dma_start3A_57 = arith.constant 0 : i32
      %dma_start3A_58 = arith.constant 0 : i32
      %dma_start3A_59 = tpu.memref_slice %arg4[%dma_start3A_57, %dma_start3A_58] : memref<20000x128xf32, #tpu.memory_space<hbm>> -> memref<20000x128xf32, #tpu.memory_space<hbm>>
      tpu.enqueue_indirect_dma source(%dma_start3A_59 : memref<20000x128xf32, #tpu.memory_space<hbm>>) target(%arg10 : memref<128x128xf32, #tpu.memory_space<vmem>>) offsets(%dma_start3A_56 : memref<128xi32, #tpu.memory_space<vmem>>) semaphore(%arg12 : memref<!tpu.dma_semaphore, #tpu.memory_space<semaphore_mem>>)
      %dma_wait3A = arith.constant 0 : i32
      %dma_wait3A_60 = tpu.memref_slice %arg7[%scan3A_54, %dma_wait3A] : memref<160x128xi32, #tpu.memory_space<vmem>> -> memref<1x128xi32, #tpu.memory_space<vmem>>
      %dma_wait3A_61 = tpu.memref_squeeze %dma_wait3A_60 : memref<1x128xi32, #tpu.memory_space<vmem>> -> memref<128xi32, #tpu.memory_space<vmem>>
      %dma_wait3A_62 = arith.constant 0 : i32
      %dma_wait3A_63 = arith.constant 0 : i32
      %dma_wait3A_64 = tpu.memref_slice %arg4[%dma_wait3A_62, %dma_wait3A_63] : memref<20000x128xf32, #tpu.memory_space<hbm>> -> memref<20000x128xf32, #tpu.memory_space<hbm>>
      tpu.wait_indirect_dma semaphore(%arg12 : memref<!tpu.dma_semaphore, #tpu.memory_space<semaphore_mem>>) src(%dma_wait3A_64 : memref<20000x128xf32, #tpu.memory_space<hbm>>) dst(%arg10 : memref<128x128xf32, #tpu.memory_space<vmem>>)
      "tpu.region"() ({
        %run_scoped3A = tpu.sem_alloc : memref<!tpu.dma_semaphore, #tpu.memory_space<semaphore_mem>>
        %dma_start3A_65 = arith.constant 0 : i32
        %dma_start3A_66 = tpu.memref_slice %arg9[%scan3A_54, %dma_start3A_65] : memref<160x128xi32, #tpu.memory_space<vmem>> -> memref<1x128xi32, #tpu.memory_space<vmem>>
        %dma_start3A_67 = tpu.memref_squeeze %dma_start3A_66 : memref<1x128xi32, #tpu.memory_space<vmem>> -> memref<128xi32, #tpu.memory_space<vmem>>
        %dma_start3A_68 = arith.constant 0 : i32
        %dma_start3A_69 = arith.constant 0 : i32
        %dma_start3A_70 = tpu.memref_slice %arg11[%dma_start3A_68, %dma_start3A_69] : memref<5248x128xf32, #tpu.memory_space<vmem_shared>> -> memref<5248x128xf32, #tpu.memory_space<vmem_shared>>
        tpu.enqueue_indirect_dma source(%arg10 : memref<128x128xf32, #tpu.memory_space<vmem>>) target(%dma_start3A_70 : memref<5248x128xf32, #tpu.memory_space<vmem_shared>>) offsets(%dma_start3A_67 : memref<128xi32, #tpu.memory_space<vmem>>) semaphore(%run_scoped3A : memref<!tpu.dma_semaphore, #tpu.memory_space<semaphore_mem>>) {add = true}
        %dma_wait3A_71 = arith.constant 0 : i32
        %dma_wait3A_72 = tpu.memref_slice %arg9[%scan3A_54, %dma_wait3A_71] : memref<160x128xi32, #tpu.memory_space<vmem>> -> memref<1x128xi32, #tpu.memory_space<vmem>>
        %dma_wait3A_73 = tpu.memref_squeeze %dma_wait3A_72 : memref<1x128xi32, #tpu.memory_space<vmem>> -> memref<128xi32, #tpu.memory_space<vmem>>
        %dma_wait3A_74 = arith.constant 0 : i32
        %dma_wait3A_75 = arith.constant 0 : i32
        %dma_wait3A_76 = tpu.memref_slice %arg11[%dma_wait3A_74, %dma_wait3A_75] : memref<5248x128xf32, #tpu.memory_space<vmem_shared>> -> memref<5248x128xf32, #tpu.memory_space<vmem_shared>>
        tpu.wait_indirect_dma semaphore(%run_scoped3A : memref<!tpu.dma_semaphore, #tpu.memory_space<semaphore_mem>>) src(%arg10 : memref<128x128xf32, #tpu.memory_space<vmem>>) dst(%dma_wait3A_76 : memref<5248x128xf32, #tpu.memory_space<vmem_shared>>)
        tpu.yield
      }) : () -> ()
    }
    %scan3A_46 = arith.constant 160 : i32
    %barrier3A_47 = arith.constant 0 : index
    tpu.barrier barrier_id(%barrier3A_47)
    %mul3A_48 = arith.constant 320 : i32
    %mul3A_49 = arith.muli %arg1, %mul3A_48 : i32
    %mul3A_50 = arith.constant 320 : i32
    %mul3A_51 = arith.muli %arg1, %mul3A_50 : i32
    %add3A_52 = arith.constant 5120 : i32
    %add3A_53 = arith.addi %add3A_52, %mul3A_51 : i32
    "tpu.region"() ({
      %run_scoped3A = tpu.sem_alloc : memref<!tpu.dma_semaphore, #tpu.memory_space<semaphore_mem>>
      %dma_start3A = arith.constant 0 : i32
      %dma_start3A_54 = tpu.memref_slice %arg6[%arg0, %add3A_53, %dma_start3A] : memref<2x10240x128xf32, #tpu.memory_space<hbm>> -> memref<1x320x128xf32, #tpu.memory_space<hbm>>
      %dma_start3A_55 = tpu.memref_squeeze %dma_start3A_54 : memref<1x320x128xf32, #tpu.memory_space<hbm>> -> memref<320x128xf32, #tpu.memory_space<hbm>>
      %dma_start3A_56 = arith.constant 0 : i32
      %dma_start3A_57 = tpu.memref_slice %arg11[%mul3A_49, %dma_start3A_56] : memref<5248x128xf32, #tpu.memory_space<vmem_shared>> -> memref<320x128xf32, #tpu.memory_space<vmem_shared>>
      tpu.enqueue_dma source(%dma_start3A_57 : memref<320x128xf32, #tpu.memory_space<vmem_shared>>) target(%dma_start3A_55 : memref<320x128xf32, #tpu.memory_space<hbm>>) target_semaphore(%run_scoped3A : memref<!tpu.dma_semaphore, #tpu.memory_space<semaphore_mem>>)
      %dma_wait3A = arith.constant 0 : i32
      %dma_wait3A_58 = tpu.memref_slice %arg6[%arg0, %add3A_53, %dma_wait3A] : memref<2x10240x128xf32, #tpu.memory_space<hbm>> -> memref<1x320x128xf32, #tpu.memory_space<hbm>>
      %dma_wait3A_59 = tpu.memref_squeeze %dma_wait3A_58 : memref<1x320x128xf32, #tpu.memory_space<hbm>> -> memref<320x128xf32, #tpu.memory_space<hbm>>
      %dma_wait3A_60 = arith.constant 0 : i32
      %dma_wait3A_61 = tpu.memref_slice %arg11[%mul3A_49, %dma_wait3A_60] : memref<5248x128xf32, #tpu.memory_space<vmem_shared>> -> memref<320x128xf32, #tpu.memory_space<vmem_shared>>
      tpu.wait_dma2 semaphore(%run_scoped3A : memref<!tpu.dma_semaphore, #tpu.memory_space<semaphore_mem>>) src(%dma_wait3A_61 : memref<320x128xf32, #tpu.memory_space<vmem_shared>>) dst(%dma_wait3A_59 : memref<320x128xf32, #tpu.memory_space<hbm>>)
      tpu.yield
    }) : () -> ()
    return
  }
}

#map = affine_map<(d0, d1) -> (0, 0)>
#map1 = affine_map<(d0, d1) -> (0, 0, 0)>
module attributes {stable_mosaic.version = 14 : i64} {
  func.func @_scatter_body(%arg0: i32, %arg1: i32, %arg2: memref<2560x128xi32, #tpu.memory_space<hbm>>, %arg3: memref<2560x128xi32, #tpu.memory_space<hbm>>, %arg4: memref<20000x128xf32, #tpu.memory_space<hbm>>, %arg5: memref<320x128xf32, #tpu.memory_space<hbm>>, %arg6: memref<2x10240x128xf32, #tpu.memory_space<hbm>>, %arg7: memref<160x128xi32, #tpu.memory_space<vmem>>, %arg8: memref<160x128xi32, #tpu.memory_space<vmem>>, %arg9: memref<160x128xi32, #tpu.memory_space<vmem>>, %arg10: memref<128x128xf32, #tpu.memory_space<vmem>>, %arg11: memref<5248x128xf32, #tpu.memory_space<vmem_shared>>, %arg12: memref<!tpu.dma_semaphore, #tpu.memory_space<semaphore_mem>>) attributes {dimension_semantics = [#tpu.dimension_semantics<core_parallel>, #tpu.dimension_semantics<subcore_parallel>], iteration_bounds = array<i64: 2, 16>, scalar_prefetch = 0 : i64, scratch_operands = 6 : i64, tpu.core_type = #tpu.core_type<sc_vector_subcore>, window_params = [{transform_indices = #map}, {transform_indices = #map}, {transform_indices = #map}, {transform_indices = #map}, {transform_indices = #map1}]} {
    %mul3A = arith.constant 160 : i32
    %mul3A_0 = arith.muli %arg1, %mul3A : i32
    "tpu.region"() ({
      %run_scoped3A = tpu.sem_alloc : memref<!tpu.dma_semaphore, #tpu.memory_space<semaphore_mem>>
      %dma_start3A = arith.constant 0 : i32
      %dma_start3A_54 = tpu.memref_slice %arg2[%mul3A_0, %dma_start3A] : memref<2560x128xi32, #tpu.memory_space<hbm>> -> memref<160x128xi32, #tpu.memory_space<hbm>>
      %dma_start3A_55 = arith.constant 0 : i32
      %dma_start3A_56 = tpu.memref_slice %arg2[%mul3A_0, %dma_start3A_55] : memref<2560x128xi32, #tpu.memory_space<hbm>> -> memref<160x128xi32, #tpu.memory_space<hbm>>
      tpu.enqueue_dma source(%dma_start3A_56 : memref<160x128xi32, #tpu.memory_space<hbm>>) target(%arg7 : memref<160x128xi32, #tpu.memory_space<vmem>>) target_semaphore(%run_scoped3A : memref<!tpu.dma_semaphore, #tpu.memory_space<semaphore_mem>>)
      %dma_wait3A = arith.constant 0 : i32
      %dma_wait3A_57 = tpu.memref_slice %arg2[%mul3A_0, %dma_wait3A] : memref<2560x128xi32, #tpu.memory_space<hbm>> -> memref<160x128xi32, #tpu.memory_space<hbm>>
      %dma_wait3A_58 = arith.constant 0 : i32
      %dma_wait3A_59 = tpu.memref_slice %arg2[%mul3A_0, %dma_wait3A_58] : memref<2560x128xi32, #tpu.memory_space<hbm>> -> memref<160x128xi32, #tpu.memory_space<hbm>>
      tpu.wait_dma2 semaphore(%run_scoped3A : memref<!tpu.dma_semaphore, #tpu.memory_space<semaphore_mem>>) src(%dma_wait3A_59 : memref<160x128xi32, #tpu.memory_space<hbm>>) dst(%arg7 : memref<160x128xi32, #tpu.memory_space<vmem>>)
      tpu.yield
    }) : () -> ()
    "tpu.region"() ({
      %run_scoped3A = tpu.sem_alloc : memref<!tpu.dma_semaphore, #tpu.memory_space<semaphore_mem>>
      %dma_start3A = arith.constant 0 : i32
      %dma_start3A_54 = tpu.memref_slice %arg3[%mul3A_0, %dma_start3A] : memref<2560x128xi32, #tpu.memory_space<hbm>> -> memref<160x128xi32, #tpu.memory_space<hbm>>
      %dma_start3A_55 = arith.constant 0 : i32
      %dma_start3A_56 = tpu.memref_slice %arg3[%mul3A_0, %dma_start3A_55] : memref<2560x128xi32, #tpu.memory_space<hbm>> -> memref<160x128xi32, #tpu.memory_space<hbm>>
      tpu.enqueue_dma source(%dma_start3A_56 : memref<160x128xi32, #tpu.memory_space<hbm>>) target(%arg8 : memref<160x128xi32, #tpu.memory_space<vmem>>) target_semaphore(%run_scoped3A : memref<!tpu.dma_semaphore, #tpu.memory_space<semaphore_mem>>)
      %dma_wait3A = arith.constant 0 : i32
      %dma_wait3A_57 = tpu.memref_slice %arg3[%mul3A_0, %dma_wait3A] : memref<2560x128xi32, #tpu.memory_space<hbm>> -> memref<160x128xi32, #tpu.memory_space<hbm>>
      %dma_wait3A_58 = arith.constant 0 : i32
      %dma_wait3A_59 = tpu.memref_slice %arg3[%mul3A_0, %dma_wait3A_58] : memref<2560x128xi32, #tpu.memory_space<hbm>> -> memref<160x128xi32, #tpu.memory_space<hbm>>
      tpu.wait_dma2 semaphore(%run_scoped3A : memref<!tpu.dma_semaphore, #tpu.memory_space<semaphore_mem>>) src(%dma_wait3A_59 : memref<160x128xi32, #tpu.memory_space<hbm>>) dst(%arg8 : memref<160x128xi32, #tpu.memory_space<vmem>>)
      tpu.yield
    }) : () -> ()
    %mul3A_1 = arith.constant 10000 : i32
    %mul3A_2 = arith.muli %arg0, %mul3A_1 : i32
    %broadcast_in_dim3A = vector.broadcast %mul3A_2 : i32 to vector<16xi32>
    %scan3A = arith.constant 0 : i32
    %scan3A_3 = arith.constant 0 : i32
    %scan3A_4 = arith.constant 160 : i32
    %scan3A_5 = arith.addi %scan3A_3, %scan3A_4 : i32
    %scan3A_6 = arith.constant 1 : i32
    scf.for %scan3A_54 = %scan3A_3 to %scan3A_5 step %scan3A_6  : i32 {
      %get3A = arith.index_cast %scan3A_54 : i32 to index
      %get3A_55 = arith.constant 0 : index
      %get3A_56 = tpu.vector_load %arg7[%get3A, %get3A_55] {strides = array<i32>} : memref<160x128xi32, #tpu.memory_space<vmem>>, vector<1x16xi32>,
      %get3A_57 = vector.shape_cast %get3A_56 : vector<1x16xi32> to vector<16xi32>
      %add3A_58 = arith.addi %get3A_57, %broadcast_in_dim3A : vector<16xi32>
      %swap3A = arith.index_cast %scan3A_54 : i32 to index
      %swap3A_59 = arith.constant 0 : index
      %swap3A_60 = tpu.vector_load %arg7[%swap3A, %swap3A_59] {strides = array<i32>} : memref<160x128xi32, #tpu.memory_space<vmem>>, vector<1x16xi32>,
      %swap3A_61 = vector.shape_cast %swap3A_60 : vector<1x16xi32> to vector<16xi32>
      %swap3A_62 = vector.shape_cast %add3A_58 : vector<16xi32> to vector<1x16xi32>
      tpu.vector_store %arg7[%swap3A, %swap3A_59], %swap3A_62 {strides = array<i32>} : memref<160x128xi32, #tpu.memory_space<vmem>>, vector<1x16xi32>,
      %get3A_63 = arith.index_cast %scan3A_54 : i32 to index
      %get3A_64 = arith.constant 16 : index
      %get3A_65 = tpu.vector_load %arg7[%get3A_63, %get3A_64] {strides = array<i32>} : memref<160x128xi32, #tpu.memory_space<vmem>>, vector<1x16xi32>,
      %get3A_66 = vector.shape_cast %get3A_65 : vector<1x16xi32> to vector<16xi32>
      %add3A_67 = arith.addi %get3A_66, %broadcast_in_dim3A : vector<16xi32>
      %swap3A_68 = arith.index_cast %scan3A_54 : i32 to index
      %swap3A_69 = arith.constant 16 : index
      %swap3A_70 = tpu.vector_load %arg7[%swap3A_68, %swap3A_69] {strides = array<i32>} : memref<160x128xi32, #tpu.memory_space<vmem>>, vector<1x16xi32>,
      %swap3A_71 = vector.shape_cast %swap3A_70 : vector<1x16xi32> to vector<16xi32>
      %swap3A_72 = vector.shape_cast %add3A_67 : vector<16xi32> to vector<1x16xi32>
      tpu.vector_store %arg7[%swap3A_68, %swap3A_69], %swap3A_72 {strides = array<i32>} : memref<160x128xi32, #tpu.memory_space<vmem>>, vector<1x16xi32>,
      %get3A_73 = arith.index_cast %scan3A_54 : i32 to index
      %get3A_74 = arith.constant 32 : index
      %get3A_75 = tpu.vector_load %arg7[%get3A_73, %get3A_74] {strides = array<i32>} : memref<160x128xi32, #tpu.memory_space<vmem>>, vector<1x16xi32>,
      %get3A_76 = vector.shape_cast %get3A_75 : vector<1x16xi32> to vector<16xi32>
      %add3A_77 = arith.addi %get3A_76, %broadcast_in_dim3A : vector<16xi32>
      %swap3A_78 = arith.index_cast %scan3A_54 : i32 to index
      %swap3A_79 = arith.constant 32 : index
      %swap3A_80 = tpu.vector_load %arg7[%swap3A_78, %swap3A_79] {strides = array<i32>} : memref<160x128xi32, #tpu.memory_space<vmem>>, vector<1x16xi32>,
      %swap3A_81 = vector.shape_cast %swap3A_80 : vector<1x16xi32> to vector<16xi32>
      %swap3A_82 = vector.shape_cast %add3A_77 : vector<16xi32> to vector<1x16xi32>
      tpu.vector_store %arg7[%swap3A_78, %swap3A_79], %swap3A_82 {strides = array<i32>} : memref<160x128xi32, #tpu.memory_space<vmem>>, vector<1x16xi32>,
      %get3A_83 = arith.index_cast %scan3A_54 : i32 to index
      %get3A_84 = arith.constant 48 : index
      %get3A_85 = tpu.vector_load %arg7[%get3A_83, %get3A_84] {strides = array<i32>} : memref<160x128xi32, #tpu.memory_space<vmem>>, vector<1x16xi32>,
      %get3A_86 = vector.shape_cast %get3A_85 : vector<1x16xi32> to vector<16xi32>
      %add3A_87 = arith.addi %get3A_86, %broadcast_in_dim3A : vector<16xi32>
      %swap3A_88 = arith.index_cast %scan3A_54 : i32 to index
      %swap3A_89 = arith.constant 48 : index
      %swap3A_90 = tpu.vector_load %arg7[%swap3A_88, %swap3A_89] {strides = array<i32>} : memref<160x128xi32, #tpu.memory_space<vmem>>, vector<1x16xi32>,
      %swap3A_91 = vector.shape_cast %swap3A_90 : vector<1x16xi32> to vector<16xi32>
      %swap3A_92 = vector.shape_cast %add3A_87 : vector<16xi32> to vector<1x16xi32>
      tpu.vector_store %arg7[%swap3A_88, %swap3A_89], %swap3A_92 {strides = array<i32>} : memref<160x128xi32, #tpu.memory_space<vmem>>, vector<1x16xi32>,
      %get3A_93 = arith.index_cast %scan3A_54 : i32 to index
      %get3A_94 = arith.constant 64 : index
      %get3A_95 = tpu.vector_load %arg7[%get3A_93, %get3A_94] {strides = array<i32>} : memref<160x128xi32, #tpu.memory_space<vmem>>, vector<1x16xi32>,
      %get3A_96 = vector.shape_cast %get3A_95 : vector<1x16xi32> to vector<16xi32>
      %add3A_97 = arith.addi %get3A_96, %broadcast_in_dim3A : vector<16xi32>
      %swap3A_98 = arith.index_cast %scan3A_54 : i32 to index
      %swap3A_99 = arith.constant 64 : index
      %swap3A_100 = tpu.vector_load %arg7[%swap3A_98, %swap3A_99] {strides = array<i32>} : memref<160x128xi32, #tpu.memory_space<vmem>>, vector<1x16xi32>,
      %swap3A_101 = vector.shape_cast %swap3A_100 : vector<1x16xi32> to vector<16xi32>
      %swap3A_102 = vector.shape_cast %add3A_97 : vector<16xi32> to vector<1x16xi32>
      tpu.vector_store %arg7[%swap3A_98, %swap3A_99], %swap3A_102 {strides = array<i32>} : memref<160x128xi32, #tpu.memory_space<vmem>>, vector<1x16xi32>,
      %get3A_103 = arith.index_cast %scan3A_54 : i32 to index
      %get3A_104 = arith.constant 80 : index
      %get3A_105 = tpu.vector_load %arg7[%get3A_103, %get3A_104] {strides = array<i32>} : memref<160x128xi32, #tpu.memory_space<vmem>>, vector<1x16xi32>,
      %get3A_106 = vector.shape_cast %get3A_105 : vector<1x16xi32> to vector<16xi32>
      %add3A_107 = arith.addi %get3A_106, %broadcast_in_dim3A : vector<16xi32>
      %swap3A_108 = arith.index_cast %scan3A_54 : i32 to index
      %swap3A_109 = arith.constant 80 : index
      %swap3A_110 = tpu.vector_load %arg7[%swap3A_108, %swap3A_109] {strides = array<i32>} : memref<160x128xi32, #tpu.memory_space<vmem>>, vector<1x16xi32>,
      %swap3A_111 = vector.shape_cast %swap3A_110 : vector<1x16xi32> to vector<16xi32>
      %swap3A_112 = vector.shape_cast %add3A_107 : vector<16xi32> to vector<1x16xi32>
      tpu.vector_store %arg7[%swap3A_108, %swap3A_109], %swap3A_112 {strides = array<i32>} : memref<160x128xi32, #tpu.memory_space<vmem>>, vector<1x16xi32>,
      %get3A_113 = arith.index_cast %scan3A_54 : i32 to index
      %get3A_114 = arith.constant 96 : index
      %get3A_115 = tpu.vector_load %arg7[%get3A_113, %get3A_114] {strides = array<i32>} : memref<160x128xi32, #tpu.memory_space<vmem>>, vector<1x16xi32>,
      %get3A_116 = vector.shape_cast %get3A_115 : vector<1x16xi32> to vector<16xi32>
      %add3A_117 = arith.addi %get3A_116, %broadcast_in_dim3A : vector<16xi32>
      %swap3A_118 = arith.index_cast %scan3A_54 : i32 to index
      %swap3A_119 = arith.constant 96 : index
      %swap3A_120 = tpu.vector_load %arg7[%swap3A_118, %swap3A_119] {strides = array<i32>} : memref<160x128xi32, #tpu.memory_space<vmem>>, vector<1x16xi32>,
      %swap3A_121 = vector.shape_cast %swap3A_120 : vector<1x16xi32> to vector<16xi32>
      %swap3A_122 = vector.shape_cast %add3A_117 : vector<16xi32> to vector<1x16xi32>
      tpu.vector_store %arg7[%swap3A_118, %swap3A_119], %swap3A_122 {strides = array<i32>} : memref<160x128xi32, #tpu.memory_space<vmem>>, vector<1x16xi32>,
      %get3A_123 = arith.index_cast %scan3A_54 : i32 to index
      %get3A_124 = arith.constant 112 : index
      %get3A_125 = tpu.vector_load %arg7[%get3A_123, %get3A_124] {strides = array<i32>} : memref<160x128xi32, #tpu.memory_space<vmem>>, vector<1x16xi32>,
      %get3A_126 = vector.shape_cast %get3A_125 : vector<1x16xi32> to vector<16xi32>
      %add3A_127 = arith.addi %get3A_126, %broadcast_in_dim3A : vector<16xi32>
      %swap3A_128 = arith.index_cast %scan3A_54 : i32 to index
      %swap3A_129 = arith.constant 112 : index
      %swap3A_130 = tpu.vector_load %arg7[%swap3A_128, %swap3A_129] {strides = array<i32>} : memref<160x128xi32, #tpu.memory_space<vmem>>, vector<1x16xi32>,
      %swap3A_131 = vector.shape_cast %swap3A_130 : vector<1x16xi32> to vector<16xi32>
      %swap3A_132 = vector.shape_cast %add3A_127 : vector<16xi32> to vector<1x16xi32>
      tpu.vector_store %arg7[%swap3A_128, %swap3A_129], %swap3A_132 {strides = array<i32>} : memref<160x128xi32, #tpu.memory_space<vmem>>, vector<1x16xi32>,
    }
    %scan3A_7 = arith.constant 160 : i32
    %iota3A = tpu.iota {dimensions = array<i32: 0>} : vector<16xi32>
    %broadcast_in_dim3A_8 = arith.constant 0 : i32
    %broadcast_in_dim3A_9 = vector.broadcast %broadcast_in_dim3A_8 : i32 to vector<16xi32>
    %scan3A_10 = arith.constant 0 : i32
    %scan3A_11 = arith.constant 0 : i32
    %scan3A_12 = arith.constant 160 : i32
    %scan3A_13 = arith.addi %scan3A_11, %scan3A_12 : i32
    %scan3A_14 = arith.constant 1 : i32
    scf.for %scan3A_54 = %scan3A_11 to %scan3A_13 step %scan3A_14  : i32 {
      %get3A = arith.index_cast %scan3A_54 : i32 to index
      %get3A_55 = arith.constant 0 : index
      %get3A_56 = tpu.vector_load %arg8[%get3A, %get3A_55] {strides = array<i32>} : memref<160x128xi32, #tpu.memory_space<vmem>>, vector<1x16xi32>,
      %get3A_57 = vector.shape_cast %get3A_56 : vector<1x16xi32> to vector<16xi32>
      %sub3A = arith.subi %get3A_57, %broadcast_in_dim3A_9 : vector<16xi32>
      %lt3A = arith.constant 0 : i32
      %lt3A_58 = vector.broadcast %lt3A : i32 to vector<16xi32>
      %lt3A_59 = arith.cmpi slt, %sub3A, %lt3A_58 : vector<16xi32>
      %ge3A = arith.constant 5120 : i32
      %ge3A_60 = vector.broadcast %ge3A : i32 to vector<16xi32>
      %ge3A_61 = arith.cmpi sge, %sub3A, %ge3A_60 : vector<16xi32>
      %or3A = arith.ori %lt3A_59, %ge3A_61 : vector<16xi1>
      %add3A_62 = arith.constant 5120 : i32
      %add3A_63 = vector.broadcast %add3A_62 : i32 to vector<16xi32>
      %add3A_64 = arith.addi %add3A_63, %iota3A : vector<16xi32>
      %select_n3A = arith.select %or3A, %add3A_64, %sub3A : vector<16xi1>, vector<16xi32>
      %swap3A = arith.index_cast %scan3A_54 : i32 to index
      %swap3A_65 = arith.constant 0 : index
      %swap3A_66 = tpu.vector_load %arg9[%swap3A, %swap3A_65] {strides = array<i32>} : memref<160x128xi32, #tpu.memory_space<vmem>>, vector<1x16xi32>,
      %swap3A_67 = vector.shape_cast %swap3A_66 : vector<1x16xi32> to vector<16xi32>
      %swap3A_68 = vector.shape_cast %select_n3A : vector<16xi32> to vector<1x16xi32>
      tpu.vector_store %arg9[%swap3A, %swap3A_65], %swap3A_68 {strides = array<i32>} : memref<160x128xi32, #tpu.memory_space<vmem>>, vector<1x16xi32>,
      %get3A_69 = arith.index_cast %scan3A_54 : i32 to index
      %get3A_70 = arith.constant 16 : index
      %get3A_71 = tpu.vector_load %arg8[%get3A_69, %get3A_70] {strides = array<i32>} : memref<160x128xi32, #tpu.memory_space<vmem>>, vector<1x16xi32>,
      %get3A_72 = vector.shape_cast %get3A_71 : vector<1x16xi32> to vector<16xi32>
      %sub3A_73 = arith.subi %get3A_72, %broadcast_in_dim3A_9 : vector<16xi32>
      %lt3A_74 = arith.constant 0 : i32
      %lt3A_75 = vector.broadcast %lt3A_74 : i32 to vector<16xi32>
      %lt3A_76 = arith.cmpi slt, %sub3A_73, %lt3A_75 : vector<16xi32>
      %ge3A_77 = arith.constant 5120 : i32
      %ge3A_78 = vector.broadcast %ge3A_77 : i32 to vector<16xi32>
      %ge3A_79 = arith.cmpi sge, %sub3A_73, %ge3A_78 : vector<16xi32>
      %or3A_80 = arith.ori %lt3A_76, %ge3A_79 : vector<16xi1>
      %add3A_81 = arith.constant 5136 : i32
      %add3A_82 = vector.broadcast %add3A_81 : i32 to vector<16xi32>
      %add3A_83 = arith.addi %add3A_82, %iota3A : vector<16xi32>
      %select_n3A_84 = arith.select %or3A_80, %add3A_83, %sub3A_73 : vector<16xi1>, vector<16xi32>
      %swap3A_85 = arith.index_cast %scan3A_54 : i32 to index
      %swap3A_86 = arith.constant 16 : index
      %swap3A_87 = tpu.vector_load %arg9[%swap3A_85, %swap3A_86] {strides = array<i32>} : memref<160x128xi32, #tpu.memory_space<vmem>>, vector<1x16xi32>,
      %swap3A_88 = vector.shape_cast %swap3A_87 : vector<1x16xi32> to vector<16xi32>
      %swap3A_89 = vector.shape_cast %select_n3A_84 : vector<16xi32> to vector<1x16xi32>
      tpu.vector_store %arg9[%swap3A_85, %swap3A_86], %swap3A_89 {strides = array<i32>} : memref<160x128xi32, #tpu.memory_space<vmem>>, vector<1x16xi32>,
      %get3A_90 = arith.index_cast %scan3A_54 : i32 to index
      %get3A_91 = arith.constant 32 : index
      %get3A_92 = tpu.vector_load %arg8[%get3A_90, %get3A_91] {strides = array<i32>} : memref<160x128xi32, #tpu.memory_space<vmem>>, vector<1x16xi32>,
      %get3A_93 = vector.shape_cast %get3A_92 : vector<1x16xi32> to vector<16xi32>
      %sub3A_94 = arith.subi %get3A_93, %broadcast_in_dim3A_9 : vector<16xi32>
      %lt3A_95 = arith.constant 0 : i32
      %lt3A_96 = vector.broadcast %lt3A_95 : i32 to vector<16xi32>
      %lt3A_97 = arith.cmpi slt, %sub3A_94, %lt3A_96 : vector<16xi32>
      %ge3A_98 = arith.constant 5120 : i32
      %ge3A_99 = vector.broadcast %ge3A_98 : i32 to vector<16xi32>
      %ge3A_100 = arith.cmpi sge, %sub3A_94, %ge3A_99 : vector<16xi32>
      %or3A_101 = arith.ori %lt3A_97, %ge3A_100 : vector<16xi1>
      %add3A_102 = arith.constant 5152 : i32
      %add3A_103 = vector.broadcast %add3A_102 : i32 to vector<16xi32>
      %add3A_104 = arith.addi %add3A_103, %iota3A : vector<16xi32>
      %select_n3A_105 = arith.select %or3A_101, %add3A_104, %sub3A_94 : vector<16xi1>, vector<16xi32>
      %swap3A_106 = arith.index_cast %scan3A_54 : i32 to index
      %swap3A_107 = arith.constant 32 : index
      %swap3A_108 = tpu.vector_load %arg9[%swap3A_106, %swap3A_107] {strides = array<i32>} : memref<160x128xi32, #tpu.memory_space<vmem>>, vector<1x16xi32>,
      %swap3A_109 = vector.shape_cast %swap3A_108 : vector<1x16xi32> to vector<16xi32>
      %swap3A_110 = vector.shape_cast %select_n3A_105 : vector<16xi32> to vector<1x16xi32>
      tpu.vector_store %arg9[%swap3A_106, %swap3A_107], %swap3A_110 {strides = array<i32>} : memref<160x128xi32, #tpu.memory_space<vmem>>, vector<1x16xi32>,
      %get3A_111 = arith.index_cast %scan3A_54 : i32 to index
      %get3A_112 = arith.constant 48 : index
      %get3A_113 = tpu.vector_load %arg8[%get3A_111, %get3A_112] {strides = array<i32>} : memref<160x128xi32, #tpu.memory_space<vmem>>, vector<1x16xi32>,
      %get3A_114 = vector.shape_cast %get3A_113 : vector<1x16xi32> to vector<16xi32>
      %sub3A_115 = arith.subi %get3A_114, %broadcast_in_dim3A_9 : vector<16xi32>
      %lt3A_116 = arith.constant 0 : i32
      %lt3A_117 = vector.broadcast %lt3A_116 : i32 to vector<16xi32>
      %lt3A_118 = arith.cmpi slt, %sub3A_115, %lt3A_117 : vector<16xi32>
      %ge3A_119 = arith.constant 5120 : i32
      %ge3A_120 = vector.broadcast %ge3A_119 : i32 to vector<16xi32>
      %ge3A_121 = arith.cmpi sge, %sub3A_115, %ge3A_120 : vector<16xi32>
      %or3A_122 = arith.ori %lt3A_118, %ge3A_121 : vector<16xi1>
      %add3A_123 = arith.constant 5168 : i32
      %add3A_124 = vector.broadcast %add3A_123 : i32 to vector<16xi32>
      %add3A_125 = arith.addi %add3A_124, %iota3A : vector<16xi32>
      %select_n3A_126 = arith.select %or3A_122, %add3A_125, %sub3A_115 : vector<16xi1>, vector<16xi32>
      %swap3A_127 = arith.index_cast %scan3A_54 : i32 to index
      %swap3A_128 = arith.constant 48 : index
      %swap3A_129 = tpu.vector_load %arg9[%swap3A_127, %swap3A_128] {strides = array<i32>} : memref<160x128xi32, #tpu.memory_space<vmem>>, vector<1x16xi32>,
      %swap3A_130 = vector.shape_cast %swap3A_129 : vector<1x16xi32> to vector<16xi32>
      %swap3A_131 = vector.shape_cast %select_n3A_126 : vector<16xi32> to vector<1x16xi32>
      tpu.vector_store %arg9[%swap3A_127, %swap3A_128], %swap3A_131 {strides = array<i32>} : memref<160x128xi32, #tpu.memory_space<vmem>>, vector<1x16xi32>,
      %get3A_132 = arith.index_cast %scan3A_54 : i32 to index
      %get3A_133 = arith.constant 64 : index
      %get3A_134 = tpu.vector_load %arg8[%get3A_132, %get3A_133] {strides = array<i32>} : memref<160x128xi32, #tpu.memory_space<vmem>>, vector<1x16xi32>,
      %get3A_135 = vector.shape_cast %get3A_134 : vector<1x16xi32> to vector<16xi32>
      %sub3A_136 = arith.subi %get3A_135, %broadcast_in_dim3A_9 : vector<16xi32>
      %lt3A_137 = arith.constant 0 : i32
      %lt3A_138 = vector.broadcast %lt3A_137 : i32 to vector<16xi32>
      %lt3A_139 = arith.cmpi slt, %sub3A_136, %lt3A_138 : vector<16xi32>
      %ge3A_140 = arith.constant 5120 : i32
      %ge3A_141 = vector.broadcast %ge3A_140 : i32 to vector<16xi32>
      %ge3A_142 = arith.cmpi sge, %sub3A_136, %ge3A_141 : vector<16xi32>
      %or3A_143 = arith.ori %lt3A_139, %ge3A_142 : vector<16xi1>
      %add3A_144 = arith.constant 5184 : i32
      %add3A_145 = vector.broadcast %add3A_144 : i32 to vector<16xi32>
      %add3A_146 = arith.addi %add3A_145, %iota3A : vector<16xi32>
      %select_n3A_147 = arith.select %or3A_143, %add3A_146, %sub3A_136 : vector<16xi1>, vector<16xi32>
      %swap3A_148 = arith.index_cast %scan3A_54 : i32 to index
      %swap3A_149 = arith.constant 64 : index
      %swap3A_150 = tpu.vector_load %arg9[%swap3A_148, %swap3A_149] {strides = array<i32>} : memref<160x128xi32, #tpu.memory_space<vmem>>, vector<1x16xi32>,
      %swap3A_151 = vector.shape_cast %swap3A_150 : vector<1x16xi32> to vector<16xi32>
      %swap3A_152 = vector.shape_cast %select_n3A_147 : vector<16xi32> to vector<1x16xi32>
      tpu.vector_store %arg9[%swap3A_148, %swap3A_149], %swap3A_152 {strides = array<i32>} : memref<160x128xi32, #tpu.memory_space<vmem>>, vector<1x16xi32>,
      %get3A_153 = arith.index_cast %scan3A_54 : i32 to index
      %get3A_154 = arith.constant 80 : index
      %get3A_155 = tpu.vector_load %arg8[%get3A_153, %get3A_154] {strides = array<i32>} : memref<160x128xi32, #tpu.memory_space<vmem>>, vector<1x16xi32>,
      %get3A_156 = vector.shape_cast %get3A_155 : vector<1x16xi32> to vector<16xi32>
      %sub3A_157 = arith.subi %get3A_156, %broadcast_in_dim3A_9 : vector<16xi32>
      %lt3A_158 = arith.constant 0 : i32
      %lt3A_159 = vector.broadcast %lt3A_158 : i32 to vector<16xi32>
      %lt3A_160 = arith.cmpi slt, %sub3A_157, %lt3A_159 : vector<16xi32>
      %ge3A_161 = arith.constant 5120 : i32
      %ge3A_162 = vector.broadcast %ge3A_161 : i32 to vector<16xi32>
      %ge3A_163 = arith.cmpi sge, %sub3A_157, %ge3A_162 : vector<16xi32>
      %or3A_164 = arith.ori %lt3A_160, %ge3A_163 : vector<16xi1>
      %add3A_165 = arith.constant 5200 : i32
      %add3A_166 = vector.broadcast %add3A_165 : i32 to vector<16xi32>
      %add3A_167 = arith.addi %add3A_166, %iota3A : vector<16xi32>
      %select_n3A_168 = arith.select %or3A_164, %add3A_167, %sub3A_157 : vector<16xi1>, vector<16xi32>
      %swap3A_169 = arith.index_cast %scan3A_54 : i32 to index
      %swap3A_170 = arith.constant 80 : index
      %swap3A_171 = tpu.vector_load %arg9[%swap3A_169, %swap3A_170] {strides = array<i32>} : memref<160x128xi32, #tpu.memory_space<vmem>>, vector<1x16xi32>,
      %swap3A_172 = vector.shape_cast %swap3A_171 : vector<1x16xi32> to vector<16xi32>
      %swap3A_173 = vector.shape_cast %select_n3A_168 : vector<16xi32> to vector<1x16xi32>
      tpu.vector_store %arg9[%swap3A_169, %swap3A_170], %swap3A_173 {strides = array<i32>} : memref<160x128xi32, #tpu.memory_space<vmem>>, vector<1x16xi32>,
      %get3A_174 = arith.index_cast %scan3A_54 : i32 to index
      %get3A_175 = arith.constant 96 : index
      %get3A_176 = tpu.vector_load %arg8[%get3A_174, %get3A_175] {strides = array<i32>} : memref<160x128xi32, #tpu.memory_space<vmem>>, vector<1x16xi32>,
      %get3A_177 = vector.shape_cast %get3A_176 : vector<1x16xi32> to vector<16xi32>
      %sub3A_178 = arith.subi %get3A_177, %broadcast_in_dim3A_9 : vector<16xi32>
      %lt3A_179 = arith.constant 0 : i32
      %lt3A_180 = vector.broadcast %lt3A_179 : i32 to vector<16xi32>
      %lt3A_181 = arith.cmpi slt, %sub3A_178, %lt3A_180 : vector<16xi32>
      %ge3A_182 = arith.constant 5120 : i32
      %ge3A_183 = vector.broadcast %ge3A_182 : i32 to vector<16xi32>
      %ge3A_184 = arith.cmpi sge, %sub3A_178, %ge3A_183 : vector<16xi32>
      %or3A_185 = arith.ori %lt3A_181, %ge3A_184 : vector<16xi1>
      %add3A_186 = arith.constant 5216 : i32
      %add3A_187 = vector.broadcast %add3A_186 : i32 to vector<16xi32>
      %add3A_188 = arith.addi %add3A_187, %iota3A : vector<16xi32>
      %select_n3A_189 = arith.select %or3A_185, %add3A_188, %sub3A_178 : vector<16xi1>, vector<16xi32>
      %swap3A_190 = arith.index_cast %scan3A_54 : i32 to index
      %swap3A_191 = arith.constant 96 : index
      %swap3A_192 = tpu.vector_load %arg9[%swap3A_190, %swap3A_191] {strides = array<i32>} : memref<160x128xi32, #tpu.memory_space<vmem>>, vector<1x16xi32>,
      %swap3A_193 = vector.shape_cast %swap3A_192 : vector<1x16xi32> to vector<16xi32>
      %swap3A_194 = vector.shape_cast %select_n3A_189 : vector<16xi32> to vector<1x16xi32>
      tpu.vector_store %arg9[%swap3A_190, %swap3A_191], %swap3A_194 {strides = array<i32>} : memref<160x128xi32, #tpu.memory_space<vmem>>, vector<1x16xi32>,
      %get3A_195 = arith.index_cast %scan3A_54 : i32 to index
      %get3A_196 = arith.constant 112 : index
      %get3A_197 = tpu.vector_load %arg8[%get3A_195, %get3A_196] {strides = array<i32>} : memref<160x128xi32, #tpu.memory_space<vmem>>, vector<1x16xi32>,
      %get3A_198 = vector.shape_cast %get3A_197 : vector<1x16xi32> to vector<16xi32>
      %sub3A_199 = arith.subi %get3A_198, %broadcast_in_dim3A_9 : vector<16xi32>
      %lt3A_200 = arith.constant 0 : i32
      %lt3A_201 = vector.broadcast %lt3A_200 : i32 to vector<16xi32>
      %lt3A_202 = arith.cmpi slt, %sub3A_199, %lt3A_201 : vector<16xi32>
      %ge3A_203 = arith.constant 5120 : i32
      %ge3A_204 = vector.broadcast %ge3A_203 : i32 to vector<16xi32>
      %ge3A_205 = arith.cmpi sge, %sub3A_199, %ge3A_204 : vector<16xi32>
      %or3A_206 = arith.ori %lt3A_202, %ge3A_205 : vector<16xi1>
      %add3A_207 = arith.constant 5232 : i32
      %add3A_208 = vector.broadcast %add3A_207 : i32 to vector<16xi32>
      %add3A_209 = arith.addi %add3A_208, %iota3A : vector<16xi32>
      %select_n3A_210 = arith.select %or3A_206, %add3A_209, %sub3A_199 : vector<16xi1>, vector<16xi32>
      %swap3A_211 = arith.index_cast %scan3A_54 : i32 to index
      %swap3A_212 = arith.constant 112 : index
      %swap3A_213 = tpu.vector_load %arg9[%swap3A_211, %swap3A_212] {strides = array<i32>} : memref<160x128xi32, #tpu.memory_space<vmem>>, vector<1x16xi32>,
      %swap3A_214 = vector.shape_cast %swap3A_213 : vector<1x16xi32> to vector<16xi32>
      %swap3A_215 = vector.shape_cast %select_n3A_210 : vector<16xi32> to vector<1x16xi32>
      tpu.vector_store %arg9[%swap3A_211, %swap3A_212], %swap3A_215 {strides = array<i32>} : memref<160x128xi32, #tpu.memory_space<vmem>>, vector<1x16xi32>,
    }
    %scan3A_15 = arith.constant 160 : i32
    %mul3A_16 = arith.constant 320 : i32
    %mul3A_17 = arith.muli %arg1, %mul3A_16 : i32
    "tpu.region"() ({
      %run_scoped3A = tpu.sem_alloc : memref<!tpu.dma_semaphore, #tpu.memory_space<semaphore_mem>>
      %dma_start3A = arith.constant 0 : i32
      %dma_start3A_54 = tpu.memref_slice %arg11[%mul3A_17, %dma_start3A] : memref<5248x128xf32, #tpu.memory_space<vmem_shared>> -> memref<320x128xf32, #tpu.memory_space<vmem_shared>>
      tpu.enqueue_dma source(%arg5 : memref<320x128xf32, #tpu.memory_space<hbm>>) target(%dma_start3A_54 : memref<320x128xf32, #tpu.memory_space<vmem_shared>>) target_semaphore(%run_scoped3A : memref<!tpu.dma_semaphore, #tpu.memory_space<semaphore_mem>>)
      %dma_wait3A = arith.constant 0 : i32
      %dma_wait3A_55 = tpu.memref_slice %arg11[%mul3A_17, %dma_wait3A] : memref<5248x128xf32, #tpu.memory_space<vmem_shared>> -> memref<320x128xf32, #tpu.memory_space<vmem_shared>>
      tpu.wait_dma2 semaphore(%run_scoped3A : memref<!tpu.dma_semaphore, #tpu.memory_space<semaphore_mem>>) src(%arg5 : memref<320x128xf32, #tpu.memory_space<hbm>>) dst(%dma_wait3A_55 : memref<320x128xf32, #tpu.memory_space<vmem_shared>>)
      tpu.yield
    }) : () -> ()
    %barrier3A = arith.constant 0 : index
    tpu.barrier barrier_id(%barrier3A)
    %scan3A_18 = arith.constant 0 : i32
    %scan3A_19 = arith.constant 0 : i32
    %scan3A_20 = arith.constant 160 : i32
    %scan3A_21 = arith.addi %scan3A_19, %scan3A_20 : i32
    %scan3A_22 = arith.constant 1 : i32
    scf.for %scan3A_54 = %scan3A_19 to %scan3A_21 step %scan3A_22  : i32 {
      %dma_start3A = arith.constant 0 : i32
      %dma_start3A_55 = tpu.memref_slice %arg7[%scan3A_54, %dma_start3A] : memref<160x128xi32, #tpu.memory_space<vmem>> -> memref<1x128xi32, #tpu.memory_space<vmem>>
      %dma_start3A_56 = tpu.memref_squeeze %dma_start3A_55 : memref<1x128xi32, #tpu.memory_space<vmem>> -> memref<128xi32, #tpu.memory_space<vmem>>
      %dma_start3A_57 = arith.constant 0 : i32
      %dma_start3A_58 = arith.constant 0 : i32
      %dma_start3A_59 = tpu.memref_slice %arg4[%dma_start3A_57, %dma_start3A_58] : memref<20000x128xf32, #tpu.memory_space<hbm>> -> memref<20000x128xf32, #tpu.memory_space<hbm>>
      tpu.enqueue_indirect_dma source(%dma_start3A_59 : memref<20000x128xf32, #tpu.memory_space<hbm>>) target(%arg10 : memref<128x128xf32, #tpu.memory_space<vmem>>) offsets(%dma_start3A_56 : memref<128xi32, #tpu.memory_space<vmem>>) semaphore(%arg12 : memref<!tpu.dma_semaphore, #tpu.memory_space<semaphore_mem>>)
      %dma_wait3A = arith.constant 0 : i32
      %dma_wait3A_60 = tpu.memref_slice %arg7[%scan3A_54, %dma_wait3A] : memref<160x128xi32, #tpu.memory_space<vmem>> -> memref<1x128xi32, #tpu.memory_space<vmem>>
      %dma_wait3A_61 = tpu.memref_squeeze %dma_wait3A_60 : memref<1x128xi32, #tpu.memory_space<vmem>> -> memref<128xi32, #tpu.memory_space<vmem>>
      %dma_wait3A_62 = arith.constant 0 : i32
      %dma_wait3A_63 = arith.constant 0 : i32
      %dma_wait3A_64 = tpu.memref_slice %arg4[%dma_wait3A_62, %dma_wait3A_63] : memref<20000x128xf32, #tpu.memory_space<hbm>> -> memref<20000x128xf32, #tpu.memory_space<hbm>>
      tpu.wait_indirect_dma semaphore(%arg12 : memref<!tpu.dma_semaphore, #tpu.memory_space<semaphore_mem>>) src(%dma_wait3A_64 : memref<20000x128xf32, #tpu.memory_space<hbm>>) dst(%arg10 : memref<128x128xf32, #tpu.memory_space<vmem>>)
      "tpu.region"() ({
        %run_scoped3A = tpu.sem_alloc : memref<!tpu.dma_semaphore, #tpu.memory_space<semaphore_mem>>
        %dma_start3A_65 = arith.constant 0 : i32
        %dma_start3A_66 = tpu.memref_slice %arg9[%scan3A_54, %dma_start3A_65] : memref<160x128xi32, #tpu.memory_space<vmem>> -> memref<1x128xi32, #tpu.memory_space<vmem>>
        %dma_start3A_67 = tpu.memref_squeeze %dma_start3A_66 : memref<1x128xi32, #tpu.memory_space<vmem>> -> memref<128xi32, #tpu.memory_space<vmem>>
        %dma_start3A_68 = arith.constant 0 : i32
        %dma_start3A_69 = arith.constant 0 : i32
        %dma_start3A_70 = tpu.memref_slice %arg11[%dma_start3A_68, %dma_start3A_69] : memref<5248x128xf32, #tpu.memory_space<vmem_shared>> -> memref<5248x128xf32, #tpu.memory_space<vmem_shared>>
        tpu.enqueue_indirect_dma source(%arg10 : memref<128x128xf32, #tpu.memory_space<vmem>>) target(%dma_start3A_70 : memref<5248x128xf32, #tpu.memory_space<vmem_shared>>) offsets(%dma_start3A_67 : memref<128xi32, #tpu.memory_space<vmem>>) semaphore(%run_scoped3A : memref<!tpu.dma_semaphore, #tpu.memory_space<semaphore_mem>>) {add = true}
        %dma_wait3A_71 = arith.constant 0 : i32
        %dma_wait3A_72 = tpu.memref_slice %arg9[%scan3A_54, %dma_wait3A_71] : memref<160x128xi32, #tpu.memory_space<vmem>> -> memref<1x128xi32, #tpu.memory_space<vmem>>
        %dma_wait3A_73 = tpu.memref_squeeze %dma_wait3A_72 : memref<1x128xi32, #tpu.memory_space<vmem>> -> memref<128xi32, #tpu.memory_space<vmem>>
        %dma_wait3A_74 = arith.constant 0 : i32
        %dma_wait3A_75 = arith.constant 0 : i32
        %dma_wait3A_76 = tpu.memref_slice %arg11[%dma_wait3A_74, %dma_wait3A_75] : memref<5248x128xf32, #tpu.memory_space<vmem_shared>> -> memref<5248x128xf32, #tpu.memory_space<vmem_shared>>
        tpu.wait_indirect_dma semaphore(%run_scoped3A : memref<!tpu.dma_semaphore, #tpu.memory_space<semaphore_mem>>) src(%arg10 : memref<128x128xf32, #tpu.memory_space<vmem>>) dst(%dma_wait3A_76 : memref<5248x128xf32, #tpu.memory_space<vmem_shared>>)
        tpu.yield
      }) : () -> ()
    }
    %scan3A_23 = arith.constant 160 : i32
    %barrier3A_24 = arith.constant 0 : index
    tpu.barrier barrier_id(%barrier3A_24)
    %mul3A_25 = arith.constant 320 : i32
    %mul3A_26 = arith.muli %arg1, %mul3A_25 : i32
    %mul3A_27 = arith.constant 320 : i32
    %mul3A_28 = arith.muli %arg1, %mul3A_27 : i32
    %add3A = arith.constant 0 : i32
    %add3A_29 = arith.addi %add3A, %mul3A_28 : i32
    "tpu.region"() ({
      %run_scoped3A = tpu.sem_alloc : memref<!tpu.dma_semaphore, #tpu.memory_space<semaphore_mem>>
      %dma_start3A = arith.constant 0 : i32
      %dma_start3A_54 = tpu.memref_slice %arg6[%arg0, %add3A_29, %dma_start3A] : memref<2x10240x128xf32, #tpu.memory_space<hbm>> -> memref<1x320x128xf32, #tpu.memory_space<hbm>>
      %dma_start3A_55 = tpu.memref_squeeze %dma_start3A_54 : memref<1x320x128xf32, #tpu.memory_space<hbm>> -> memref<320x128xf32, #tpu.memory_space<hbm>>
      %dma_start3A_56 = arith.constant 0 : i32
      %dma_start3A_57 = tpu.memref_slice %arg11[%mul3A_26, %dma_start3A_56] : memref<5248x128xf32, #tpu.memory_space<vmem_shared>> -> memref<320x128xf32, #tpu.memory_space<vmem_shared>>
      tpu.enqueue_dma source(%dma_start3A_57 : memref<320x128xf32, #tpu.memory_space<vmem_shared>>) target(%dma_start3A_55 : memref<320x128xf32, #tpu.memory_space<hbm>>) target_semaphore(%run_scoped3A : memref<!tpu.dma_semaphore, #tpu.memory_space<semaphore_mem>>)
      %dma_wait3A = arith.constant 0 : i32
      %dma_wait3A_58 = tpu.memref_slice %arg6[%arg0, %add3A_29, %dma_wait3A] : memref<2x10240x128xf32, #tpu.memory_space<hbm>> -> memref<1x320x128xf32, #tpu.memory_space<hbm>>
      %dma_wait3A_59 = tpu.memref_squeeze %dma_wait3A_58 : memref<1x320x128xf32, #tpu.memory_space<hbm>> -> memref<320x128xf32, #tpu.memory_space<hbm>>
      %dma_wait3A_60 = arith.constant 0 : i32
      %dma_wait3A_61 = tpu.memref_slice %arg11[%mul3A_26, %dma_wait3A_60] : memref<5248x128xf32, #tpu.memory_space<vmem_shared>> -> memref<320x128xf32, #tpu.memory_space<vmem_shared>>
      tpu.wait_dma2 semaphore(%run_scoped3A : memref<!tpu.dma_semaphore, #tpu.memory_space<semaphore_mem>>) src(%dma_wait3A_61 : memref<320x128xf32, #tpu.memory_space<vmem_shared>>) dst(%dma_wait3A_59 : memref<320x128xf32, #tpu.memory_space<hbm>>)
      tpu.yield
    }) : () -> ()
    %broadcast_in_dim3A_30 = arith.constant 5120 : i32
    %broadcast_in_dim3A_31 = vector.broadcast %broadcast_in_dim3A_30 : i32 to vector<16xi32>
    %scan3A_32 = arith.constant 0 : i32
    %scan3A_33 = arith.constant 0 : i32
    %scan3A_34 = arith.constant 160 : i32
    %scan3A_35 = arith.addi %scan3A_33, %scan3A_34 : i32
    %scan3A_36 = arith.constant 1 : i32
    scf.for %scan3A_54 = %scan3A_33 to %scan3A_35 step %scan3A_36  : i32 {
      %get3A = arith.index_cast %scan3A_54 : i32 to index
      %get3A_55 = arith.constant 0 : index
      %get3A_56 = tpu.vector_load %arg8[%get3A, %get3A_55] {strides = array<i32>} : memref<160x128xi32, #tpu.memory_space<vmem>>, vector<1x16xi32>,
      %get3A_57 = vector.shape_cast %get3A_56 : vector<1x16xi32> to vector<16xi32>
      %sub3A = arith.subi %get3A_57, %broadcast_in_dim3A_31 : vector<16xi32>
      %lt3A = arith.constant 0 : i32
      %lt3A_58 = vector.broadcast %lt3A : i32 to vector<16xi32>
      %lt3A_59 = arith.cmpi slt, %sub3A, %lt3A_58 : vector<16xi32>
      %ge3A = arith.constant 5120 : i32
      %ge3A_60 = vector.broadcast %ge3A : i32 to vector<16xi32>
      %ge3A_61 = arith.cmpi sge, %sub3A, %ge3A_60 : vector<16xi32>
      %or3A = arith.ori %lt3A_59, %ge3A_61 : vector<16xi1>
      %add3A_62 = arith.constant 5120 : i32
      %add3A_63 = vector.broadcast %add3A_62 : i32 to vector<16xi32>
      %add3A_64 = arith.addi %add3A_63, %iota3A : vector<16xi32>
      %select_n3A = arith.select %or3A, %add3A_64, %sub3A : vector<16xi1>, vector<16xi32>
      %swap3A = arith.index_cast %scan3A_54 : i32 to index
      %swap3A_65 = arith.constant 0 : index
      %swap3A_66 = tpu.vector_load %arg9[%swap3A, %swap3A_65] {strides = array<i32>} : memref<160x128xi32, #tpu.memory_space<vmem>>, vector<1x16xi32>,
      %swap3A_67 = vector.shape_cast %swap3A_66 : vector<1x16xi32> to vector<16xi32>
      %swap3A_68 = vector.shape_cast %select_n3A : vector<16xi32> to vector<1x16xi32>
      tpu.vector_store %arg9[%swap3A, %swap3A_65], %swap3A_68 {strides = array<i32>} : memref<160x128xi32, #tpu.memory_space<vmem>>, vector<1x16xi32>,
      %get3A_69 = arith.index_cast %scan3A_54 : i32 to index
      %get3A_70 = arith.constant 16 : index
      %get3A_71 = tpu.vector_load %arg8[%get3A_69, %get3A_70] {strides = array<i32>} : memref<160x128xi32, #tpu.memory_space<vmem>>, vector<1x16xi32>,
      %get3A_72 = vector.shape_cast %get3A_71 : vector<1x16xi32> to vector<16xi32>
      %sub3A_73 = arith.subi %get3A_72, %broadcast_in_dim3A_31 : vector<16xi32>
      %lt3A_74 = arith.constant 0 : i32
      %lt3A_75 = vector.broadcast %lt3A_74 : i32 to vector<16xi32>
      %lt3A_76 = arith.cmpi slt, %sub3A_73, %lt3A_75 : vector<16xi32>
      %ge3A_77 = arith.constant 5120 : i32
      %ge3A_78 = vector.broadcast %ge3A_77 : i32 to vector<16xi32>
      %ge3A_79 = arith.cmpi sge, %sub3A_73, %ge3A_78 : vector<16xi32>
      %or3A_80 = arith.ori %lt3A_76, %ge3A_79 : vector<16xi1>
      %add3A_81 = arith.constant 5136 : i32
      %add3A_82 = vector.broadcast %add3A_81 : i32 to vector<16xi32>
      %add3A_83 = arith.addi %add3A_82, %iota3A : vector<16xi32>
      %select_n3A_84 = arith.select %or3A_80, %add3A_83, %sub3A_73 : vector<16xi1>, vector<16xi32>
      %swap3A_85 = arith.index_cast %scan3A_54 : i32 to index
      %swap3A_86 = arith.constant 16 : index
      %swap3A_87 = tpu.vector_load %arg9[%swap3A_85, %swap3A_86] {strides = array<i32>} : memref<160x128xi32, #tpu.memory_space<vmem>>, vector<1x16xi32>,
      %swap3A_88 = vector.shape_cast %swap3A_87 : vector<1x16xi32> to vector<16xi32>
      %swap3A_89 = vector.shape_cast %select_n3A_84 : vector<16xi32> to vector<1x16xi32>
      tpu.vector_store %arg9[%swap3A_85, %swap3A_86], %swap3A_89 {strides = array<i32>} : memref<160x128xi32, #tpu.memory_space<vmem>>, vector<1x16xi32>,
      %get3A_90 = arith.index_cast %scan3A_54 : i32 to index
      %get3A_91 = arith.constant 32 : index
      %get3A_92 = tpu.vector_load %arg8[%get3A_90, %get3A_91] {strides = array<i32>} : memref<160x128xi32, #tpu.memory_space<vmem>>, vector<1x16xi32>,
      %get3A_93 = vector.shape_cast %get3A_92 : vector<1x16xi32> to vector<16xi32>
      %sub3A_94 = arith.subi %get3A_93, %broadcast_in_dim3A_31 : vector<16xi32>
      %lt3A_95 = arith.constant 0 : i32
      %lt3A_96 = vector.broadcast %lt3A_95 : i32 to vector<16xi32>
      %lt3A_97 = arith.cmpi slt, %sub3A_94, %lt3A_96 : vector<16xi32>
      %ge3A_98 = arith.constant 5120 : i32
      %ge3A_99 = vector.broadcast %ge3A_98 : i32 to vector<16xi32>
      %ge3A_100 = arith.cmpi sge, %sub3A_94, %ge3A_99 : vector<16xi32>
      %or3A_101 = arith.ori %lt3A_97, %ge3A_100 : vector<16xi1>
      %add3A_102 = arith.constant 5152 : i32
      %add3A_103 = vector.broadcast %add3A_102 : i32 to vector<16xi32>
      %add3A_104 = arith.addi %add3A_103, %iota3A : vector<16xi32>
      %select_n3A_105 = arith.select %or3A_101, %add3A_104, %sub3A_94 : vector<16xi1>, vector<16xi32>
      %swap3A_106 = arith.index_cast %scan3A_54 : i32 to index
      %swap3A_107 = arith.constant 32 : index
      %swap3A_108 = tpu.vector_load %arg9[%swap3A_106, %swap3A_107] {strides = array<i32>} : memref<160x128xi32, #tpu.memory_space<vmem>>, vector<1x16xi32>,
      %swap3A_109 = vector.shape_cast %swap3A_108 : vector<1x16xi32> to vector<16xi32>
      %swap3A_110 = vector.shape_cast %select_n3A_105 : vector<16xi32> to vector<1x16xi32>
      tpu.vector_store %arg9[%swap3A_106, %swap3A_107], %swap3A_110 {strides = array<i32>} : memref<160x128xi32, #tpu.memory_space<vmem>>, vector<1x16xi32>,
      %get3A_111 = arith.index_cast %scan3A_54 : i32 to index
      %get3A_112 = arith.constant 48 : index
      %get3A_113 = tpu.vector_load %arg8[%get3A_111, %get3A_112] {strides = array<i32>} : memref<160x128xi32, #tpu.memory_space<vmem>>, vector<1x16xi32>,
      %get3A_114 = vector.shape_cast %get3A_113 : vector<1x16xi32> to vector<16xi32>
      %sub3A_115 = arith.subi %get3A_114, %broadcast_in_dim3A_31 : vector<16xi32>
      %lt3A_116 = arith.constant 0 : i32
      %lt3A_117 = vector.broadcast %lt3A_116 : i32 to vector<16xi32>
      %lt3A_118 = arith.cmpi slt, %sub3A_115, %lt3A_117 : vector<16xi32>
      %ge3A_119 = arith.constant 5120 : i32
      %ge3A_120 = vector.broadcast %ge3A_119 : i32 to vector<16xi32>
      %ge3A_121 = arith.cmpi sge, %sub3A_115, %ge3A_120 : vector<16xi32>
      %or3A_122 = arith.ori %lt3A_118, %ge3A_121 : vector<16xi1>
      %add3A_123 = arith.constant 5168 : i32
      %add3A_124 = vector.broadcast %add3A_123 : i32 to vector<16xi32>
      %add3A_125 = arith.addi %add3A_124, %iota3A : vector<16xi32>
      %select_n3A_126 = arith.select %or3A_122, %add3A_125, %sub3A_115 : vector<16xi1>, vector<16xi32>
      %swap3A_127 = arith.index_cast %scan3A_54 : i32 to index
      %swap3A_128 = arith.constant 48 : index
      %swap3A_129 = tpu.vector_load %arg9[%swap3A_127, %swap3A_128] {strides = array<i32>} : memref<160x128xi32, #tpu.memory_space<vmem>>, vector<1x16xi32>,
      %swap3A_130 = vector.shape_cast %swap3A_129 : vector<1x16xi32> to vector<16xi32>
      %swap3A_131 = vector.shape_cast %select_n3A_126 : vector<16xi32> to vector<1x16xi32>
      tpu.vector_store %arg9[%swap3A_127, %swap3A_128], %swap3A_131 {strides = array<i32>} : memref<160x128xi32, #tpu.memory_space<vmem>>, vector<1x16xi32>,
      %get3A_132 = arith.index_cast %scan3A_54 : i32 to index
      %get3A_133 = arith.constant 64 : index
      %get3A_134 = tpu.vector_load %arg8[%get3A_132, %get3A_133] {strides = array<i32>} : memref<160x128xi32, #tpu.memory_space<vmem>>, vector<1x16xi32>,
      %get3A_135 = vector.shape_cast %get3A_134 : vector<1x16xi32> to vector<16xi32>
      %sub3A_136 = arith.subi %get3A_135, %broadcast_in_dim3A_31 : vector<16xi32>
      %lt3A_137 = arith.constant 0 : i32
      %lt3A_138 = vector.broadcast %lt3A_137 : i32 to vector<16xi32>
      %lt3A_139 = arith.cmpi slt, %sub3A_136, %lt3A_138 : vector<16xi32>
      %ge3A_140 = arith.constant 5120 : i32
      %ge3A_141 = vector.broadcast %ge3A_140 : i32 to vector<16xi32>
      %ge3A_142 = arith.cmpi sge, %sub3A_136, %ge3A_141 : vector<16xi32>
      %or3A_143 = arith.ori %lt3A_139, %ge3A_142 : vector<16xi1>
      %add3A_144 = arith.constant 5184 : i32
      %add3A_145 = vector.broadcast %add3A_144 : i32 to vector<16xi32>
      %add3A_146 = arith.addi %add3A_145, %iota3A : vector<16xi32>
      %select_n3A_147 = arith.select %or3A_143, %add3A_146, %sub3A_136 : vector<16xi1>, vector<16xi32>
      %swap3A_148 = arith.index_cast %scan3A_54 : i32 to index
      %swap3A_149 = arith.constant 64 : index
      %swap3A_150 = tpu.vector_load %arg9[%swap3A_148, %swap3A_149] {strides = array<i32>} : memref<160x128xi32, #tpu.memory_space<vmem>>, vector<1x16xi32>,
      %swap3A_151 = vector.shape_cast %swap3A_150 : vector<1x16xi32> to vector<16xi32>
      %swap3A_152 = vector.shape_cast %select_n3A_147 : vector<16xi32> to vector<1x16xi32>
      tpu.vector_store %arg9[%swap3A_148, %swap3A_149], %swap3A_152 {strides = array<i32>} : memref<160x128xi32, #tpu.memory_space<vmem>>, vector<1x16xi32>,
      %get3A_153 = arith.index_cast %scan3A_54 : i32 to index
      %get3A_154 = arith.constant 80 : index
      %get3A_155 = tpu.vector_load %arg8[%get3A_153, %get3A_154] {strides = array<i32>} : memref<160x128xi32, #tpu.memory_space<vmem>>, vector<1x16xi32>,
      %get3A_156 = vector.shape_cast %get3A_155 : vector<1x16xi32> to vector<16xi32>
      %sub3A_157 = arith.subi %get3A_156, %broadcast_in_dim3A_31 : vector<16xi32>
      %lt3A_158 = arith.constant 0 : i32
      %lt3A_159 = vector.broadcast %lt3A_158 : i32 to vector<16xi32>
      %lt3A_160 = arith.cmpi slt, %sub3A_157, %lt3A_159 : vector<16xi32>
      %ge3A_161 = arith.constant 5120 : i32
      %ge3A_162 = vector.broadcast %ge3A_161 : i32 to vector<16xi32>
      %ge3A_163 = arith.cmpi sge, %sub3A_157, %ge3A_162 : vector<16xi32>
      %or3A_164 = arith.ori %lt3A_160, %ge3A_163 : vector<16xi1>
      %add3A_165 = arith.constant 5200 : i32
      %add3A_166 = vector.broadcast %add3A_165 : i32 to vector<16xi32>
      %add3A_167 = arith.addi %add3A_166, %iota3A : vector<16xi32>
      %select_n3A_168 = arith.select %or3A_164, %add3A_167, %sub3A_157 : vector<16xi1>, vector<16xi32>
      %swap3A_169 = arith.index_cast %scan3A_54 : i32 to index
      %swap3A_170 = arith.constant 80 : index
      %swap3A_171 = tpu.vector_load %arg9[%swap3A_169, %swap3A_170] {strides = array<i32>} : memref<160x128xi32, #tpu.memory_space<vmem>>, vector<1x16xi32>,
      %swap3A_172 = vector.shape_cast %swap3A_171 : vector<1x16xi32> to vector<16xi32>
      %swap3A_173 = vector.shape_cast %select_n3A_168 : vector<16xi32> to vector<1x16xi32>
      tpu.vector_store %arg9[%swap3A_169, %swap3A_170], %swap3A_173 {strides = array<i32>} : memref<160x128xi32, #tpu.memory_space<vmem>>, vector<1x16xi32>,
      %get3A_174 = arith.index_cast %scan3A_54 : i32 to index
      %get3A_175 = arith.constant 96 : index
      %get3A_176 = tpu.vector_load %arg8[%get3A_174, %get3A_175] {strides = array<i32>} : memref<160x128xi32, #tpu.memory_space<vmem>>, vector<1x16xi32>,
      %get3A_177 = vector.shape_cast %get3A_176 : vector<1x16xi32> to vector<16xi32>
      %sub3A_178 = arith.subi %get3A_177, %broadcast_in_dim3A_31 : vector<16xi32>
      %lt3A_179 = arith.constant 0 : i32
      %lt3A_180 = vector.broadcast %lt3A_179 : i32 to vector<16xi32>
      %lt3A_181 = arith.cmpi slt, %sub3A_178, %lt3A_180 : vector<16xi32>
      %ge3A_182 = arith.constant 5120 : i32
      %ge3A_183 = vector.broadcast %ge3A_182 : i32 to vector<16xi32>
      %ge3A_184 = arith.cmpi sge, %sub3A_178, %ge3A_183 : vector<16xi32>
      %or3A_185 = arith.ori %lt3A_181, %ge3A_184 : vector<16xi1>
      %add3A_186 = arith.constant 5216 : i32
      %add3A_187 = vector.broadcast %add3A_186 : i32 to vector<16xi32>
      %add3A_188 = arith.addi %add3A_187, %iota3A : vector<16xi32>
      %select_n3A_189 = arith.select %or3A_185, %add3A_188, %sub3A_178 : vector<16xi1>, vector<16xi32>
      %swap3A_190 = arith.index_cast %scan3A_54 : i32 to index
      %swap3A_191 = arith.constant 96 : index
      %swap3A_192 = tpu.vector_load %arg9[%swap3A_190, %swap3A_191] {strides = array<i32>} : memref<160x128xi32, #tpu.memory_space<vmem>>, vector<1x16xi32>,
      %swap3A_193 = vector.shape_cast %swap3A_192 : vector<1x16xi32> to vector<16xi32>
      %swap3A_194 = vector.shape_cast %select_n3A_189 : vector<16xi32> to vector<1x16xi32>
      tpu.vector_store %arg9[%swap3A_190, %swap3A_191], %swap3A_194 {strides = array<i32>} : memref<160x128xi32, #tpu.memory_space<vmem>>, vector<1x16xi32>,
      %get3A_195 = arith.index_cast %scan3A_54 : i32 to index
      %get3A_196 = arith.constant 112 : index
      %get3A_197 = tpu.vector_load %arg8[%get3A_195, %get3A_196] {strides = array<i32>} : memref<160x128xi32, #tpu.memory_space<vmem>>, vector<1x16xi32>,
      %get3A_198 = vector.shape_cast %get3A_197 : vector<1x16xi32> to vector<16xi32>
      %sub3A_199 = arith.subi %get3A_198, %broadcast_in_dim3A_31 : vector<16xi32>
      %lt3A_200 = arith.constant 0 : i32
      %lt3A_201 = vector.broadcast %lt3A_200 : i32 to vector<16xi32>
      %lt3A_202 = arith.cmpi slt, %sub3A_199, %lt3A_201 : vector<16xi32>
      %ge3A_203 = arith.constant 5120 : i32
      %ge3A_204 = vector.broadcast %ge3A_203 : i32 to vector<16xi32>
      %ge3A_205 = arith.cmpi sge, %sub3A_199, %ge3A_204 : vector<16xi32>
      %or3A_206 = arith.ori %lt3A_202, %ge3A_205 : vector<16xi1>
      %add3A_207 = arith.constant 5232 : i32
      %add3A_208 = vector.broadcast %add3A_207 : i32 to vector<16xi32>
      %add3A_209 = arith.addi %add3A_208, %iota3A : vector<16xi32>
      %select_n3A_210 = arith.select %or3A_206, %add3A_209, %sub3A_199 : vector<16xi1>, vector<16xi32>
      %swap3A_211 = arith.index_cast %scan3A_54 : i32 to index
      %swap3A_212 = arith.constant 112 : index
      %swap3A_213 = tpu.vector_load %arg9[%swap3A_211, %swap3A_212] {strides = array<i32>} : memref<160x128xi32, #tpu.memory_space<vmem>>, vector<1x16xi32>,
      %swap3A_214 = vector.shape_cast %swap3A_213 : vector<1x16xi32> to vector<16xi32>
      %swap3A_215 = vector.shape_cast %select_n3A_210 : vector<16xi32> to vector<1x16xi32>
      tpu.vector_store %arg9[%swap3A_211, %swap3A_212], %swap3A_215 {strides = array<i32>} : memref<160x128xi32, #tpu.memory_space<vmem>>, vector<1x16xi32>,
    }
    %scan3A_37 = arith.constant 160 : i32
    %mul3A_38 = arith.constant 320 : i32
    %mul3A_39 = arith.muli %arg1, %mul3A_38 : i32
    "tpu.region"() ({
      %run_scoped3A = tpu.sem_alloc : memref<!tpu.dma_semaphore, #tpu.memory_space<semaphore_mem>>
      %dma_start3A = arith.constant 0 : i32
      %dma_start3A_54 = tpu.memref_slice %arg11[%mul3A_39, %dma_start3A] : memref<5248x128xf32, #tpu.memory_space<vmem_shared>> -> memref<320x128xf32, #tpu.memory_space<vmem_shared>>
      tpu.enqueue_dma source(%arg5 : memref<320x128xf32, #tpu.memory_space<hbm>>) target(%dma_start3A_54 : memref<320x128xf32, #tpu.memory_space<vmem_shared>>) target_semaphore(%run_scoped3A : memref<!tpu.dma_semaphore, #tpu.memory_space<semaphore_mem>>)
      %dma_wait3A = arith.constant 0 : i32
      %dma_wait3A_55 = tpu.memref_slice %arg11[%mul3A_39, %dma_wait3A] : memref<5248x128xf32, #tpu.memory_space<vmem_shared>> -> memref<320x128xf32, #tpu.memory_space<vmem_shared>>
      tpu.wait_dma2 semaphore(%run_scoped3A : memref<!tpu.dma_semaphore, #tpu.memory_space<semaphore_mem>>) src(%arg5 : memref<320x128xf32, #tpu.memory_space<hbm>>) dst(%dma_wait3A_55 : memref<320x128xf32, #tpu.memory_space<vmem_shared>>)
      tpu.yield
    }) : () -> ()
    %barrier3A_40 = arith.constant 0 : index
    tpu.barrier barrier_id(%barrier3A_40)
    %scan3A_41 = arith.constant 0 : i32
    %scan3A_42 = arith.constant 0 : i32
    %scan3A_43 = arith.constant 160 : i32
    %scan3A_44 = arith.addi %scan3A_42, %scan3A_43 : i32
    %scan3A_45 = arith.constant 1 : i32
    scf.for %scan3A_54 = %scan3A_42 to %scan3A_44 step %scan3A_45  : i32 {
      %dma_start3A = arith.constant 0 : i32
      %dma_start3A_55 = tpu.memref_slice %arg7[%scan3A_54, %dma_start3A] : memref<160x128xi32, #tpu.memory_space<vmem>> -> memref<1x128xi32, #tpu.memory_space<vmem>>
      %dma_start3A_56 = tpu.memref_squeeze %dma_start3A_55 : memref<1x128xi32, #tpu.memory_space<vmem>> -> memref<128xi32, #tpu.memory_space<vmem>>
      %dma_start3A_57 = arith.constant 0 : i32
      %dma_start3A_58 = arith.constant 0 : i32
      %dma_start3A_59 = tpu.memref_slice %arg4[%dma_start3A_57, %dma_start3A_58] : memref<20000x128xf32, #tpu.memory_space<hbm>> -> memref<20000x128xf32, #tpu.memory_space<hbm>>
      tpu.enqueue_indirect_dma source(%dma_start3A_59 : memref<20000x128xf32, #tpu.memory_space<hbm>>) target(%arg10 : memref<128x128xf32, #tpu.memory_space<vmem>>) offsets(%dma_start3A_56 : memref<128xi32, #tpu.memory_space<vmem>>) semaphore(%arg12 : memref<!tpu.dma_semaphore, #tpu.memory_space<semaphore_mem>>)
      %dma_wait3A = arith.constant 0 : i32
      %dma_wait3A_60 = tpu.memref_slice %arg7[%scan3A_54, %dma_wait3A] : memref<160x128xi32, #tpu.memory_space<vmem>> -> memref<1x128xi32, #tpu.memory_space<vmem>>
      %dma_wait3A_61 = tpu.memref_squeeze %dma_wait3A_60 : memref<1x128xi32, #tpu.memory_space<vmem>> -> memref<128xi32, #tpu.memory_space<vmem>>
      %dma_wait3A_62 = arith.constant 0 : i32
      %dma_wait3A_63 = arith.constant 0 : i32
      %dma_wait3A_64 = tpu.memref_slice %arg4[%dma_wait3A_62, %dma_wait3A_63] : memref<20000x128xf32, #tpu.memory_space<hbm>> -> memref<20000x128xf32, #tpu.memory_space<hbm>>
      tpu.wait_indirect_dma semaphore(%arg12 : memref<!tpu.dma_semaphore, #tpu.memory_space<semaphore_mem>>) src(%dma_wait3A_64 : memref<20000x128xf32, #tpu.memory_space<hbm>>) dst(%arg10 : memref<128x128xf32, #tpu.memory_space<vmem>>)
      "tpu.region"() ({
        %run_scoped3A = tpu.sem_alloc : memref<!tpu.dma_semaphore, #tpu.memory_space<semaphore_mem>>
        %dma_start3A_65 = arith.constant 0 : i32
        %dma_start3A_66 = tpu.memref_slice %arg9[%scan3A_54, %dma_start3A_65] : memref<160x128xi32, #tpu.memory_space<vmem>> -> memref<1x128xi32, #tpu.memory_space<vmem>>
        %dma_start3A_67 = tpu.memref_squeeze %dma_start3A_66 : memref<1x128xi32, #tpu.memory_space<vmem>> -> memref<128xi32, #tpu.memory_space<vmem>>
        %dma_start3A_68 = arith.constant 0 : i32
        %dma_start3A_69 = arith.constant 0 : i32
        %dma_start3A_70 = tpu.memref_slice %arg11[%dma_start3A_68, %dma_start3A_69] : memref<5248x128xf32, #tpu.memory_space<vmem_shared>> -> memref<5248x128xf32, #tpu.memory_space<vmem_shared>>
        tpu.enqueue_indirect_dma source(%arg10 : memref<128x128xf32, #tpu.memory_space<vmem>>) target(%dma_start3A_70 : memref<5248x128xf32, #tpu.memory_space<vmem_shared>>) offsets(%dma_start3A_67 : memref<128xi32, #tpu.memory_space<vmem>>) semaphore(%run_scoped3A : memref<!tpu.dma_semaphore, #tpu.memory_space<semaphore_mem>>) {add = true}
        %dma_wait3A_71 = arith.constant 0 : i32
        %dma_wait3A_72 = tpu.memref_slice %arg9[%scan3A_54, %dma_wait3A_71] : memref<160x128xi32, #tpu.memory_space<vmem>> -> memref<1x128xi32, #tpu.memory_space<vmem>>
        %dma_wait3A_73 = tpu.memref_squeeze %dma_wait3A_72 : memref<1x128xi32, #tpu.memory_space<vmem>> -> memref<128xi32, #tpu.memory_space<vmem>>
        %dma_wait3A_74 = arith.constant 0 : i32
        %dma_wait3A_75 = arith.constant 0 : i32
        %dma_wait3A_76 = tpu.memref_slice %arg11[%dma_wait3A_74, %dma_wait3A_75] : memref<5248x128xf32, #tpu.memory_space<vmem_shared>> -> memref<5248x128xf32, #tpu.memory_space<vmem_shared>>
        tpu.wait_indirect_dma semaphore(%run_scoped3A : memref<!tpu.dma_semaphore, #tpu.memory_space<semaphore_mem>>) src(%arg10 : memref<128x128xf32, #tpu.memory_space<vmem>>) dst(%dma_wait3A_76 : memref<5248x128xf32, #tpu.memory_space<vmem_shared>>)
        tpu.yield
      }) : () -> ()
    }
    %scan3A_46 = arith.constant 160 : i32
    %barrier3A_47 = arith.constant 0 : index
    tpu.barrier barrier_id(%barrier3A_47)
    %mul3A_48 = arith.constant 320 : i32
    %mul3A_49 = arith.muli %arg1, %mul3A_48 : i32
    %mul3A_50 = arith.constant 320 : i32
    %mul3A_51 = arith.muli %arg1, %mul3A_50 : i32
    %add3A_52 = arith.constant 5120 : i32
    %add3A_53 = arith.addi %add3A_52, %mul3A_51 : i32
    "tpu.region"() ({
      %run_scoped3A = tpu.sem_alloc : memref<!tpu.dma_semaphore, #tpu.memory_space<semaphore_mem>>
      %dma_start3A = arith.constant 0 : i32
      %dma_start3A_54 = tpu.memref_slice %arg6[%arg0, %add3A_53, %dma_start3A] : memref<2x10240x128xf32, #tpu.memory_space<hbm>> -> memref<1x320x128xf32, #tpu.memory_space<hbm>>
      %dma_start3A_55 = tpu.memref_squeeze %dma_start3A_54 : memref<1x320x128xf32, #tpu.memory_space<hbm>> -> memref<320x128xf32, #tpu.memory_space<hbm>>
      %dma_start3A_56 = arith.constant 0 : i32
      %dma_start3A_57 = tpu.memref_slice %arg11[%mul3A_49, %dma_start3A_56] : memref<5248x128xf32, #tpu.memory_space<vmem_shared>> -> memref<320x128xf32, #tpu.memory_space<vmem_shared>>
      tpu.enqueue_dma source(%dma_start3A_57 : memref<320x128xf32, #tpu.memory_space<vmem_shared>>) target(%dma_start3A_55 : memref<320x128xf32, #tpu.memory_space<hbm>>) target_semaphore(%run_scoped3A : memref<!tpu.dma_semaphore, #tpu.memory_space<semaphore_mem>>)
      %dma_wait3A = arith.constant 0 : i32
      %dma_wait3A_58 = tpu.memref_slice %arg6[%arg0, %add3A_53, %dma_wait3A] : memref<2x10240x128xf32, #tpu.memory_space<hbm>> -> memref<1x320x128xf32, #tpu.memory_space<hbm>>
      %dma_wait3A_59 = tpu.memref_squeeze %dma_wait3A_58 : memref<1x320x128xf32, #tpu.memory_space<hbm>> -> memref<320x128xf32, #tpu.memory_space<hbm>>
      %dma_wait3A_60 = arith.constant 0 : i32
      %dma_wait3A_61 = tpu.memref_slice %arg11[%mul3A_49, %dma_wait3A_60] : memref<5248x128xf32, #tpu.memory_space<vmem_shared>> -> memref<320x128xf32, #tpu.memory_space<vmem_shared>>
      tpu.wait_dma2 semaphore(%run_scoped3A : memref<!tpu.dma_semaphore, #tpu.memory_space<semaphore_mem>>) src(%dma_wait3A_61 : memref<320x128xf32, #tpu.memory_space<vmem_shared>>) dst(%dma_wait3A_59 : memref<320x128xf32, #tpu.memory_space<hbm>>)
      tpu.yield
    }) : () -> ()
    return
  }
}

module attributes {stable_mosaic.version = 14 : i64} {
  func.func @_tc_first_body(%arg0: i32, %arg1: memref<400x128xf32, #tpu.memory_space<vmem>>, %arg2: memref<2x400x128xf32, #tpu.memory_space<vmem>>, %arg3: memref<128x256xf32, #tpu.memory_space<vmem>>, %arg4: memref<2x400x128xf32, #tpu.memory_space<vmem>>) attributes {dimension_semantics = [#tpu.dimension_semantics<arbitrary>], iteration_bounds = array<i64: 25>, scalar_prefetch = 0 : i64, scratch_operands = 0 : i64, tpu.core_type = #tpu.core_type<tc>, window_params = [{transform_indices = @transform_0, window_bounds = array<i64: 400, 128>}, {transform_indices = @transform_1, window_bounds = array<i64: 2, 400, 128>}, {pipeline_mode = #tpu.pipeline_mode<synchronous>, transform_indices = @transform_2, window_bounds = array<i64: 128, 256>}, {transform_indices = @transform_3, window_bounds = array<i64: 2, 400, 128>}]} {
    %get3A = arith.constant 0 : index
    %get3A_0 = arith.constant 0 : index
    %get3A_1 = arith.constant 0 : index
    %get3A_2 = vector.load %arg2[%get3A, %get3A_0, %get3A_1] : memref<2x400x128xf32, #tpu.memory_space<vmem>>, vector<1x400x1xf32>
    %get3A_3 = vector.shape_cast %get3A_2 : vector<1x400x1xf32> to vector<400x1xf32>
    %get3A_4 = arith.constant 1 : index
    %get3A_5 = arith.constant 0 : index
    %get3A_6 = arith.constant 0 : index
    %get3A_7 = vector.load %arg2[%get3A_4, %get3A_5, %get3A_6] : memref<2x400x128xf32, #tpu.memory_space<vmem>>, vector<1x400x1xf32>
    %get3A_8 = vector.shape_cast %get3A_7 : vector<1x400x1xf32> to vector<400x1xf32>
    %add3A = arith.addf %get3A_3, %get3A_8 : vector<400x1xf32>
    %add3A_9 = arith.constant 1.000000e+00 : f32
    %add3A_10 = vector.broadcast %add3A_9 : f32 to vector<400x1xf32>
    %add3A_11 = arith.addf %add3A, %add3A_10 : vector<400x1xf32>
    %rsqrt3A = math.rsqrt %add3A_11 : vector<400x1xf32>
    %get3A_12 = arith.constant 0 : index
    %get3A_13 = arith.constant 0 : index
    %get3A_14 = vector.load %arg1[%get3A_12, %get3A_13] : memref<400x128xf32, #tpu.memory_space<vmem>>, vector<400x128xf32>
    %get3A_15 = arith.constant 0 : index
    %get3A_16 = arith.constant 0 : index
    %get3A_17 = vector.load %arg3[%get3A_15, %get3A_16] : memref<128x256xf32, #tpu.memory_space<vmem>>, vector<128x256xf32>
    %dot_general3A = arith.constant dense<0.000000e+00> : vector<400x256xf32>
    %dot_general3A_18 = tpu.matmul %get3A_14, %get3A_17, %dot_general3A {dimension_numbers = #tpu.dot_dimension_numbers<[1], [0], [0], [1], [0, 0, 1, 1], [], []>, transpose_lhs_hint = false} : vector<400x128xf32>, vector<128x256xf32>, vector<400x256xf32> -> vector<400x256xf32>
    %mul3A = vector.broadcast %rsqrt3A : vector<400x1xf32> to vector<400x256xf32>
    %mul3A_19 = arith.mulf %dot_general3A_18, %mul3A : vector<400x256xf32>
    %slice3A = vector.extract_strided_slice %mul3A_19 {offsets = [0, 0], sizes = [400, 128], strides = [1, 1]} : vector<400x256xf32> to vector<400x128xf32>
    %swap3A = arith.constant 0 : index
    %swap3A_20 = arith.constant 0 : index
    %swap3A_21 = arith.constant 0 : index
    %swap3A_22 = vector.load %arg4[%swap3A, %swap3A_20, %swap3A_21] : memref<2x400x128xf32, #tpu.memory_space<vmem>>, vector<1x400x128xf32>
    %swap3A_23 = vector.shape_cast %swap3A_22 : vector<1x400x128xf32> to vector<400x128xf32>
    %swap3A_24 = vector.shape_cast %slice3A : vector<400x128xf32> to vector<1x400x128xf32>
    tpu.vector_store %arg4[%swap3A, %swap3A_20, %swap3A_21], %swap3A_24 {strides = array<i32>} : memref<2x400x128xf32, #tpu.memory_space<vmem>>, vector<1x400x128xf32>,
    %slice3A_25 = vector.extract_strided_slice %mul3A_19 {offsets = [0, 128], sizes = [400, 128], strides = [1, 1]} : vector<400x256xf32> to vector<400x128xf32>
    %swap3A_26 = arith.constant 1 : index
    %swap3A_27 = arith.constant 0 : index
    %swap3A_28 = arith.constant 0 : index
    %swap3A_29 = vector.load %arg4[%swap3A_26, %swap3A_27, %swap3A_28] : memref<2x400x128xf32, #tpu.memory_space<vmem>>, vector<1x400x128xf32>
    %swap3A_30 = vector.shape_cast %swap3A_29 : vector<1x400x128xf32> to vector<400x128xf32>
    %swap3A_31 = vector.shape_cast %slice3A_25 : vector<400x128xf32> to vector<1x400x128xf32>
    tpu.vector_store %arg4[%swap3A_26, %swap3A_27, %swap3A_28], %swap3A_31 {strides = array<i32>} : memref<2x400x128xf32, #tpu.memory_space<vmem>>, vector<1x400x128xf32>,
    return
  }
  func.func @transform_0(%arg0: i32) -> (i32, i32) {
    %c0_i32 = arith.constant 0 : i32
    %c0_i32_0 = arith.constant 0 : i32
    return %arg0, %c0_i32 : i32, i32
  }
  func.func @transform_1(%arg0: i32) -> (i32, i32, i32) {
    %c0_i32 = arith.constant 0 : i32
    %c0_i32_0 = arith.constant 0 : i32
    %c0_i32_1 = arith.constant 0 : i32
    return %c0_i32, %arg0, %c0_i32_0 : i32, i32, i32
  }
  func.func @transform_2(%arg0: i32) -> (i32, i32) {
    %c0_i32 = arith.constant 0 : i32
    %c0_i32_0 = arith.constant 0 : i32
    %c0_i32_1 = arith.constant 0 : i32
    return %c0_i32, %c0_i32_0 : i32, i32
  }
  func.func @transform_3(%arg0: i32) -> (i32, i32, i32) {
    %c0_i32 = arith.constant 0 : i32
    %c0_i32_0 = arith.constant 0 : i32
    %c0_i32_1 = arith.constant 0 : i32
    return %c0_i32, %arg0, %c0_i32_0 : i32, i32, i32
  }
}

module attributes {stable_mosaic.version = 14 : i64} {
  func.func @_tc_mid_body(%arg0: i32, %arg1: memref<2x400x128xf32, #tpu.memory_space<vmem>>, %arg2: memref<2x400x128xf32, #tpu.memory_space<vmem>>, %arg3: memref<2x400x128xf32, #tpu.memory_space<vmem>>, %arg4: memref<1x256xf32, #tpu.memory_space<vmem>>, %arg5: memref<256x256xf32, #tpu.memory_space<vmem>>, %arg6: memref<2x400x128xf32, #tpu.memory_space<vmem>>) attributes {dimension_semantics = [#tpu.dimension_semantics<arbitrary>], iteration_bounds = array<i64: 25>, scalar_prefetch = 0 : i64, scratch_operands = 0 : i64, tpu.core_type = #tpu.core_type<tc>, window_params = [{transform_indices = @transform_0, window_bounds = array<i64: 2, 400, 128>}, {transform_indices = @transform_1, window_bounds = array<i64: 2, 400, 128>}, {transform_indices = @transform_2, window_bounds = array<i64: 2, 400, 128>}, {pipeline_mode = #tpu.pipeline_mode<synchronous>, transform_indices = @transform_3, window_bounds = array<i64: 1, 256>}, {pipeline_mode = #tpu.pipeline_mode<synchronous>, transform_indices = @transform_4, window_bounds = array<i64: 256, 256>}, {transform_indices = @transform_5, window_bounds = array<i64: 2, 400, 128>}]} {
    %get3A = arith.constant 0 : index
    %get3A_0 = arith.constant 0 : index
    %get3A_1 = arith.constant 0 : index
    %get3A_2 = vector.load %arg1[%get3A, %get3A_0, %get3A_1] : memref<2x400x128xf32, #tpu.memory_space<vmem>>, vector<1x400x1xf32>
    %get3A_3 = vector.shape_cast %get3A_2 : vector<1x400x1xf32> to vector<400x1xf32>
    %get3A_4 = arith.constant 1 : index
    %get3A_5 = arith.constant 0 : index
    %get3A_6 = arith.constant 0 : index
    %get3A_7 = vector.load %arg1[%get3A_4, %get3A_5, %get3A_6] : memref<2x400x128xf32, #tpu.memory_space<vmem>>, vector<1x400x1xf32>
    %get3A_8 = vector.shape_cast %get3A_7 : vector<1x400x1xf32> to vector<400x1xf32>
    %add3A = arith.addf %get3A_3, %get3A_8 : vector<400x1xf32>
    %add3A_9 = arith.constant 1.000000e+00 : f32
    %add3A_10 = vector.broadcast %add3A_9 : f32 to vector<400x1xf32>
    %add3A_11 = arith.addf %add3A, %add3A_10 : vector<400x1xf32>
    %rsqrt3A = math.rsqrt %add3A_11 : vector<400x1xf32>
    %get3A_12 = arith.constant 0 : index
    %get3A_13 = arith.constant 0 : index
    %get3A_14 = arith.constant 0 : index
    %get3A_15 = vector.load %arg2[%get3A_12, %get3A_13, %get3A_14] : memref<2x400x128xf32, #tpu.memory_space<vmem>>, vector<1x400x128xf32>
    %get3A_16 = vector.shape_cast %get3A_15 : vector<1x400x128xf32> to vector<400x128xf32>
    %get3A_17 = arith.constant 0 : index
    %get3A_18 = arith.constant 0 : index
    %get3A_19 = arith.constant 0 : index
    %get3A_20 = vector.load %arg3[%get3A_17, %get3A_18, %get3A_19] : memref<2x400x128xf32, #tpu.memory_space<vmem>>, vector<1x400x128xf32>
    %get3A_21 = vector.shape_cast %get3A_20 : vector<1x400x128xf32> to vector<400x128xf32>
    %add3A_22 = arith.addf %get3A_16, %get3A_21 : vector<400x128xf32>
    %get3A_23 = arith.constant 1 : index
    %get3A_24 = arith.constant 0 : index
    %get3A_25 = arith.constant 0 : index
    %get3A_26 = vector.load %arg2[%get3A_23, %get3A_24, %get3A_25] : memref<2x400x128xf32, #tpu.memory_space<vmem>>, vector<1x400x128xf32>
    %get3A_27 = vector.shape_cast %get3A_26 : vector<1x400x128xf32> to vector<400x128xf32>
    %get3A_28 = arith.constant 1 : index
    %get3A_29 = arith.constant 0 : index
    %get3A_30 = arith.constant 0 : index
    %get3A_31 = vector.load %arg3[%get3A_28, %get3A_29, %get3A_30] : memref<2x400x128xf32, #tpu.memory_space<vmem>>, vector<1x400x128xf32>
    %get3A_32 = vector.shape_cast %get3A_31 : vector<1x400x128xf32> to vector<400x128xf32>
    %add3A_33 = arith.addf %get3A_27, %get3A_32 : vector<400x128xf32>
    %concatenate3A = tpu.concatenate %add3A_22, %add3A_33 in 1 : vector<400x128xf32>, vector<400x128xf32> -> vector<400x256xf32>
    %mul3A = vector.broadcast %rsqrt3A : vector<400x1xf32> to vector<400x256xf32>
    %mul3A_34 = arith.mulf %concatenate3A, %mul3A : vector<400x256xf32>
    %get3A_35 = arith.constant 0 : index
    %get3A_36 = arith.constant 0 : index
    %get3A_37 = vector.load %arg4[%get3A_35, %get3A_36] : memref<1x256xf32, #tpu.memory_space<vmem>>, vector<1x256xf32>
    %add3A_38 = vector.broadcast %get3A_37 : vector<1x256xf32> to vector<400x256xf32>
    %add3A_39 = arith.addf %mul3A_34, %add3A_38 : vector<400x256xf32>
    %max3A = arith.constant 0.000000e+00 : f32
    %max3A_40 = vector.broadcast %max3A : f32 to vector<400x256xf32>
    %max3A_41 = arith.maximumf %add3A_39, %max3A_40 : vector<400x256xf32>
    %get3A_42 = arith.constant 0 : index
    %get3A_43 = arith.constant 0 : index
    %get3A_44 = vector.load %arg5[%get3A_42, %get3A_43] : memref<256x256xf32, #tpu.memory_space<vmem>>, vector<256x256xf32>
    %dot_general3A = arith.constant dense<0.000000e+00> : vector<400x256xf32>
    %dot_general3A_45 = tpu.matmul %max3A_41, %get3A_44, %dot_general3A {dimension_numbers = #tpu.dot_dimension_numbers<[1], [0], [0], [1], [0, 0, 1, 1], [], []>, transpose_lhs_hint = false} : vector<400x256xf32>, vector<256x256xf32>, vector<400x256xf32> -> vector<400x256xf32>
    %mul3A_46 = vector.broadcast %rsqrt3A : vector<400x1xf32> to vector<400x256xf32>
    %mul3A_47 = arith.mulf %dot_general3A_45, %mul3A_46 : vector<400x256xf32>
    %slice3A = vector.extract_strided_slice %mul3A_47 {offsets = [0, 0], sizes = [400, 128], strides = [1, 1]} : vector<400x256xf32> to vector<400x128xf32>
    %swap3A = arith.constant 0 : index
    %swap3A_48 = arith.constant 0 : index
    %swap3A_49 = arith.constant 0 : index
    %swap3A_50 = vector.load %arg6[%swap3A, %swap3A_48, %swap3A_49] : memref<2x400x128xf32, #tpu.memory_space<vmem>>, vector<1x400x128xf32>
    %swap3A_51 = vector.shape_cast %swap3A_50 : vector<1x400x128xf32> to vector<400x128xf32>
    %swap3A_52 = vector.shape_cast %slice3A : vector<400x128xf32> to vector<1x400x128xf32>
    tpu.vector_store %arg6[%swap3A, %swap3A_48, %swap3A_49], %swap3A_52 {strides = array<i32>} : memref<2x400x128xf32, #tpu.memory_space<vmem>>, vector<1x400x128xf32>,
    %slice3A_53 = vector.extract_strided_slice %mul3A_47 {offsets = [0, 128], sizes = [400, 128], strides = [1, 1]} : vector<400x256xf32> to vector<400x128xf32>
    %swap3A_54 = arith.constant 1 : index
    %swap3A_55 = arith.constant 0 : index
    %swap3A_56 = arith.constant 0 : index
    %swap3A_57 = vector.load %arg6[%swap3A_54, %swap3A_55, %swap3A_56] : memref<2x400x128xf32, #tpu.memory_space<vmem>>, vector<1x400x128xf32>
    %swap3A_58 = vector.shape_cast %swap3A_57 : vector<1x400x128xf32> to vector<400x128xf32>
    %swap3A_59 = vector.shape_cast %slice3A_53 : vector<400x128xf32> to vector<1x400x128xf32>
    tpu.vector_store %arg6[%swap3A_54, %swap3A_55, %swap3A_56], %swap3A_59 {strides = array<i32>} : memref<2x400x128xf32, #tpu.memory_space<vmem>>, vector<1x400x128xf32>,
    return
  }
  func.func @transform_0(%arg0: i32) -> (i32, i32, i32) {
    %c0_i32 = arith.constant 0 : i32
    %c0_i32_0 = arith.constant 0 : i32
    %c0_i32_1 = arith.constant 0 : i32
    return %c0_i32, %arg0, %c0_i32_0 : i32, i32, i32
  }
  func.func @transform_1(%arg0: i32) -> (i32, i32, i32) {
    %c0_i32 = arith.constant 0 : i32
    %c0_i32_0 = arith.constant 0 : i32
    %c0_i32_1 = arith.constant 0 : i32
    return %c0_i32, %arg0, %c0_i32_0 : i32, i32, i32
  }
  func.func @transform_2(%arg0: i32) -> (i32, i32, i32) {
    %c0_i32 = arith.constant 0 : i32
    %c0_i32_0 = arith.constant 0 : i32
    %c0_i32_1 = arith.constant 0 : i32
    return %c0_i32, %arg0, %c0_i32_0 : i32, i32, i32
  }
  func.func @transform_3(%arg0: i32) -> (i32, i32) {
    %c0_i32 = arith.constant 0 : i32
    %c0_i32_0 = arith.constant 0 : i32
    %c0_i32_1 = arith.constant 0 : i32
    return %c0_i32, %c0_i32_0 : i32, i32
  }
  func.func @transform_4(%arg0: i32) -> (i32, i32) {
    %c0_i32 = arith.constant 0 : i32
    %c0_i32_0 = arith.constant 0 : i32
    %c0_i32_1 = arith.constant 0 : i32
    return %c0_i32, %c0_i32_0 : i32, i32
  }
  func.func @transform_5(%arg0: i32) -> (i32, i32, i32) {
    %c0_i32 = arith.constant 0 : i32
    %c0_i32_0 = arith.constant 0 : i32
    %c0_i32_1 = arith.constant 0 : i32
    return %c0_i32, %arg0, %c0_i32_0 : i32, i32, i32
  }
}

module attributes {stable_mosaic.version = 14 : i64} {
  func.func @_tc_mid_body(%arg0: i32, %arg1: memref<2x400x128xf32, #tpu.memory_space<vmem>>, %arg2: memref<2x400x128xf32, #tpu.memory_space<vmem>>, %arg3: memref<2x400x128xf32, #tpu.memory_space<vmem>>, %arg4: memref<1x256xf32, #tpu.memory_space<vmem>>, %arg5: memref<256x128xf32, #tpu.memory_space<vmem>>, %arg6: memref<400x128xf32, #tpu.memory_space<vmem>>) attributes {dimension_semantics = [#tpu.dimension_semantics<arbitrary>], iteration_bounds = array<i64: 25>, scalar_prefetch = 0 : i64, scratch_operands = 0 : i64, tpu.core_type = #tpu.core_type<tc>, window_params = [{transform_indices = @transform_0, window_bounds = array<i64: 2, 400, 128>}, {transform_indices = @transform_1, window_bounds = array<i64: 2, 400, 128>}, {transform_indices = @transform_2, window_bounds = array<i64: 2, 400, 128>}, {pipeline_mode = #tpu.pipeline_mode<synchronous>, transform_indices = @transform_3, window_bounds = array<i64: 1, 256>}, {pipeline_mode = #tpu.pipeline_mode<synchronous>, transform_indices = @transform_4, window_bounds = array<i64: 256, 128>}, {transform_indices = @transform_5, window_bounds = array<i64: 400, 128>}]} {
    %get3A = arith.constant 0 : index
    %get3A_0 = arith.constant 0 : index
    %get3A_1 = arith.constant 0 : index
    %get3A_2 = vector.load %arg1[%get3A, %get3A_0, %get3A_1] : memref<2x400x128xf32, #tpu.memory_space<vmem>>, vector<1x400x1xf32>
    %get3A_3 = vector.shape_cast %get3A_2 : vector<1x400x1xf32> to vector<400x1xf32>
    %get3A_4 = arith.constant 1 : index
    %get3A_5 = arith.constant 0 : index
    %get3A_6 = arith.constant 0 : index
    %get3A_7 = vector.load %arg1[%get3A_4, %get3A_5, %get3A_6] : memref<2x400x128xf32, #tpu.memory_space<vmem>>, vector<1x400x1xf32>
    %get3A_8 = vector.shape_cast %get3A_7 : vector<1x400x1xf32> to vector<400x1xf32>
    %add3A = arith.addf %get3A_3, %get3A_8 : vector<400x1xf32>
    %add3A_9 = arith.constant 1.000000e+00 : f32
    %add3A_10 = vector.broadcast %add3A_9 : f32 to vector<400x1xf32>
    %add3A_11 = arith.addf %add3A, %add3A_10 : vector<400x1xf32>
    %rsqrt3A = math.rsqrt %add3A_11 : vector<400x1xf32>
    %get3A_12 = arith.constant 0 : index
    %get3A_13 = arith.constant 0 : index
    %get3A_14 = arith.constant 0 : index
    %get3A_15 = vector.load %arg2[%get3A_12, %get3A_13, %get3A_14] : memref<2x400x128xf32, #tpu.memory_space<vmem>>, vector<1x400x128xf32>
    %get3A_16 = vector.shape_cast %get3A_15 : vector<1x400x128xf32> to vector<400x128xf32>
    %get3A_17 = arith.constant 0 : index
    %get3A_18 = arith.constant 0 : index
    %get3A_19 = arith.constant 0 : index
    %get3A_20 = vector.load %arg3[%get3A_17, %get3A_18, %get3A_19] : memref<2x400x128xf32, #tpu.memory_space<vmem>>, vector<1x400x128xf32>
    %get3A_21 = vector.shape_cast %get3A_20 : vector<1x400x128xf32> to vector<400x128xf32>
    %add3A_22 = arith.addf %get3A_16, %get3A_21 : vector<400x128xf32>
    %get3A_23 = arith.constant 1 : index
    %get3A_24 = arith.constant 0 : index
    %get3A_25 = arith.constant 0 : index
    %get3A_26 = vector.load %arg2[%get3A_23, %get3A_24, %get3A_25] : memref<2x400x128xf32, #tpu.memory_space<vmem>>, vector<1x400x128xf32>
    %get3A_27 = vector.shape_cast %get3A_26 : vector<1x400x128xf32> to vector<400x128xf32>
    %get3A_28 = arith.constant 1 : index
    %get3A_29 = arith.constant 0 : index
    %get3A_30 = arith.constant 0 : index
    %get3A_31 = vector.load %arg3[%get3A_28, %get3A_29, %get3A_30] : memref<2x400x128xf32, #tpu.memory_space<vmem>>, vector<1x400x128xf32>
    %get3A_32 = vector.shape_cast %get3A_31 : vector<1x400x128xf32> to vector<400x128xf32>
    %add3A_33 = arith.addf %get3A_27, %get3A_32 : vector<400x128xf32>
    %concatenate3A = tpu.concatenate %add3A_22, %add3A_33 in 1 : vector<400x128xf32>, vector<400x128xf32> -> vector<400x256xf32>
    %mul3A = vector.broadcast %rsqrt3A : vector<400x1xf32> to vector<400x256xf32>
    %mul3A_34 = arith.mulf %concatenate3A, %mul3A : vector<400x256xf32>
    %get3A_35 = arith.constant 0 : index
    %get3A_36 = arith.constant 0 : index
    %get3A_37 = vector.load %arg4[%get3A_35, %get3A_36] : memref<1x256xf32, #tpu.memory_space<vmem>>, vector<1x256xf32>
    %add3A_38 = vector.broadcast %get3A_37 : vector<1x256xf32> to vector<400x256xf32>
    %add3A_39 = arith.addf %mul3A_34, %add3A_38 : vector<400x256xf32>
    %max3A = arith.constant 0.000000e+00 : f32
    %max3A_40 = vector.broadcast %max3A : f32 to vector<400x256xf32>
    %max3A_41 = arith.maximumf %add3A_39, %max3A_40 : vector<400x256xf32>
    %get3A_42 = arith.constant 0 : index
    %get3A_43 = arith.constant 0 : index
    %get3A_44 = vector.load %arg5[%get3A_42, %get3A_43] : memref<256x128xf32, #tpu.memory_space<vmem>>, vector<256x128xf32>
    %dot_general3A = arith.constant dense<0.000000e+00> : vector<400x128xf32>
    %dot_general3A_45 = tpu.matmul %max3A_41, %get3A_44, %dot_general3A {dimension_numbers = #tpu.dot_dimension_numbers<[1], [0], [0], [1], [0, 0, 1, 1], [], []>, transpose_lhs_hint = false} : vector<400x256xf32>, vector<256x128xf32>, vector<400x128xf32> -> vector<400x128xf32>
    %mul3A_46 = vector.broadcast %rsqrt3A : vector<400x1xf32> to vector<400x128xf32>
    %mul3A_47 = arith.mulf %dot_general3A_45, %mul3A_46 : vector<400x128xf32>
    %swap3A = arith.constant 0 : index
    %swap3A_48 = arith.constant 0 : index
    %swap3A_49 = vector.load %arg6[%swap3A, %swap3A_48] : memref<400x128xf32, #tpu.memory_space<vmem>>, vector<400x128xf32>
    tpu.vector_store %arg6[%swap3A, %swap3A_48], %mul3A_47 {strides = array<i32>} : memref<400x128xf32, #tpu.memory_space<vmem>>, vector<400x128xf32>,
    return
  }
  func.func @transform_0(%arg0: i32) -> (i32, i32, i32) {
    %c0_i32 = arith.constant 0 : i32
    %c0_i32_0 = arith.constant 0 : i32
    %c0_i32_1 = arith.constant 0 : i32
    return %c0_i32, %arg0, %c0_i32_0 : i32, i32, i32
  }
  func.func @transform_1(%arg0: i32) -> (i32, i32, i32) {
    %c0_i32 = arith.constant 0 : i32
    %c0_i32_0 = arith.constant 0 : i32
    %c0_i32_1 = arith.constant 0 : i32
    return %c0_i32, %arg0, %c0_i32_0 : i32, i32, i32
  }
  func.func @transform_2(%arg0: i32) -> (i32, i32, i32) {
    %c0_i32 = arith.constant 0 : i32
    %c0_i32_0 = arith.constant 0 : i32
    %c0_i32_1 = arith.constant 0 : i32
    return %c0_i32, %arg0, %c0_i32_0 : i32, i32, i32
  }
  func.func @transform_3(%arg0: i32) -> (i32, i32) {
    %c0_i32 = arith.constant 0 : i32
    %c0_i32_0 = arith.constant 0 : i32
    %c0_i32_1 = arith.constant 0 : i32
    return %c0_i32, %c0_i32_0 : i32, i32
  }
  func.func @transform_4(%arg0: i32) -> (i32, i32) {
    %c0_i32 = arith.constant 0 : i32
    %c0_i32_0 = arith.constant 0 : i32
    %c0_i32_1 = arith.constant 0 : i32
    return %c0_i32, %c0_i32_0 : i32, i32
  }
  func.func @transform_5(%arg0: i32) -> (i32, i32) {
    %c0_i32 = arith.constant 0 : i32
    %c0_i32_0 = arith.constant 0 : i32
    return %arg0, %c0_i32 : i32, i32
  }
}

module attributes {stable_mosaic.version = 14 : i64} {
  func.func @_tc_last_body(%arg0: i32, %arg1: memref<2x400x128xf32, #tpu.memory_space<vmem>>, %arg2: memref<2x400x128xf32, #tpu.memory_space<vmem>>, %arg3: memref<400x128xf32, #tpu.memory_space<vmem>>, %arg4: memref<1x128xf32, #tpu.memory_space<vmem>>, %arg5: memref<1x400x128xf32, #tpu.memory_space<vmem>>) attributes {dimension_semantics = [#tpu.dimension_semantics<arbitrary>], iteration_bounds = array<i64: 25>, scalar_prefetch = 0 : i64, scratch_operands = 0 : i64, tpu.core_type = #tpu.core_type<tc>, window_params = [{transform_indices = @transform_0, window_bounds = array<i64: 2, 400, 128>}, {transform_indices = @transform_1, window_bounds = array<i64: 2, 400, 128>}, {transform_indices = @transform_2, window_bounds = array<i64: 400, 128>}, {pipeline_mode = #tpu.pipeline_mode<synchronous>, transform_indices = @transform_3, window_bounds = array<i64: 1, 128>}, {transform_indices = @transform_4, window_bounds = array<i64: 1, 400, 128>}]} {
    %get3A = arith.constant 0 : index
    %get3A_0 = arith.constant 0 : index
    %get3A_1 = arith.constant 0 : index
    %get3A_2 = vector.load %arg1[%get3A, %get3A_0, %get3A_1] : memref<2x400x128xf32, #tpu.memory_space<vmem>>, vector<1x400x1xf32>
    %get3A_3 = vector.shape_cast %get3A_2 : vector<1x400x1xf32> to vector<400x1xf32>
    %get3A_4 = arith.constant 1 : index
    %get3A_5 = arith.constant 0 : index
    %get3A_6 = arith.constant 0 : index
    %get3A_7 = vector.load %arg1[%get3A_4, %get3A_5, %get3A_6] : memref<2x400x128xf32, #tpu.memory_space<vmem>>, vector<1x400x1xf32>
    %get3A_8 = vector.shape_cast %get3A_7 : vector<1x400x1xf32> to vector<400x1xf32>
    %add3A = arith.addf %get3A_3, %get3A_8 : vector<400x1xf32>
    %add3A_9 = arith.constant 1.000000e+00 : f32
    %add3A_10 = vector.broadcast %add3A_9 : f32 to vector<400x1xf32>
    %add3A_11 = arith.addf %add3A, %add3A_10 : vector<400x1xf32>
    %rsqrt3A = math.rsqrt %add3A_11 : vector<400x1xf32>
    %get3A_12 = arith.constant 0 : index
    %get3A_13 = arith.constant 0 : index
    %get3A_14 = arith.constant 0 : index
    %get3A_15 = vector.load %arg2[%get3A_12, %get3A_13, %get3A_14] : memref<2x400x128xf32, #tpu.memory_space<vmem>>, vector<1x400x128xf32>
    %get3A_16 = vector.shape_cast %get3A_15 : vector<1x400x128xf32> to vector<400x128xf32>
    %get3A_17 = arith.constant 1 : index
    %get3A_18 = arith.constant 0 : index
    %get3A_19 = arith.constant 0 : index
    %get3A_20 = vector.load %arg2[%get3A_17, %get3A_18, %get3A_19] : memref<2x400x128xf32, #tpu.memory_space<vmem>>, vector<1x400x128xf32>
    %get3A_21 = vector.shape_cast %get3A_20 : vector<1x400x128xf32> to vector<400x128xf32>
    %add3A_22 = arith.addf %get3A_16, %get3A_21 : vector<400x128xf32>
    %get3A_23 = arith.constant 0 : index
    %get3A_24 = arith.constant 0 : index
    %get3A_25 = vector.load %arg3[%get3A_23, %get3A_24] : memref<400x128xf32, #tpu.memory_space<vmem>>, vector<400x128xf32>
    %add3A_26 = arith.addf %add3A_22, %get3A_25 : vector<400x128xf32>
    %mul3A = vector.broadcast %rsqrt3A : vector<400x1xf32> to vector<400x128xf32>
    %mul3A_27 = arith.mulf %add3A_26, %mul3A : vector<400x128xf32>
    %get3A_28 = arith.constant 0 : index
    %get3A_29 = arith.constant 0 : index
    %get3A_30 = vector.load %arg4[%get3A_28, %get3A_29] : memref<1x128xf32, #tpu.memory_space<vmem>>, vector<1x128xf32>
    %add3A_31 = vector.broadcast %get3A_30 : vector<1x128xf32> to vector<400x128xf32>
    %add3A_32 = arith.addf %mul3A_27, %add3A_31 : vector<400x128xf32>
    %max3A = arith.constant 0.000000e+00 : f32
    %max3A_33 = vector.broadcast %max3A : f32 to vector<400x128xf32>
    %max3A_34 = arith.maximumf %add3A_32, %max3A_33 : vector<400x128xf32>
    %swap3A = arith.constant 0 : index
    %swap3A_35 = arith.constant 0 : index
    %swap3A_36 = arith.constant 0 : index
    %swap3A_37 = vector.load %arg5[%swap3A, %swap3A_35, %swap3A_36] : memref<1x400x128xf32, #tpu.memory_space<vmem>>, vector<1x400x128xf32>
    %swap3A_38 = vector.shape_cast %swap3A_37 : vector<1x400x128xf32> to vector<400x128xf32>
    %swap3A_39 = vector.shape_cast %max3A_34 : vector<400x128xf32> to vector<1x400x128xf32>
    tpu.vector_store %arg5[%swap3A, %swap3A_35, %swap3A_36], %swap3A_39 {strides = array<i32>} : memref<1x400x128xf32, #tpu.memory_space<vmem>>, vector<1x400x128xf32>,
    return
  }
  func.func @transform_0(%arg0: i32) -> (i32, i32, i32) {
    %c0_i32 = arith.constant 0 : i32
    %c0_i32_0 = arith.constant 0 : i32
    %c0_i32_1 = arith.constant 0 : i32
    return %c0_i32, %arg0, %c0_i32_0 : i32, i32, i32
  }
  func.func @transform_1(%arg0: i32) -> (i32, i32, i32) {
    %c0_i32 = arith.constant 0 : i32
    %c0_i32_0 = arith.constant 0 : i32
    %c0_i32_1 = arith.constant 0 : i32
    return %c0_i32, %arg0, %c0_i32_0 : i32, i32, i32
  }
  func.func @transform_2(%arg0: i32) -> (i32, i32) {
    %c0_i32 = arith.constant 0 : i32
    %c0_i32_0 = arith.constant 0 : i32
    return %arg0, %c0_i32 : i32, i32
  }
  func.func @transform_3(%arg0: i32) -> (i32, i32) {
    %c0_i32 = arith.constant 0 : i32
    %c0_i32_0 = arith.constant 0 : i32
    %c0_i32_1 = arith.constant 0 : i32
    return %c0_i32, %c0_i32_0 : i32, i32
  }
  func.func @transform_4(%arg0: i32) -> (i32, i32, i32) {
    %c0_i32 = arith.constant 0 : i32
    %c0_i32_0 = arith.constant 0 : i32
    %c0_i32_1 = arith.constant 0 : i32
    return %c0_i32, %arg0, %c0_i32_0 : i32, i32, i32
  }
}

</mosaic_0001>

<sc_bundles>
// kernel: kernel.10.cloned.1.call-start
scs
__scs_entry_jumppad:
0x0: {  	(pc) =	sbr.rel $0x88, $3  }
0x1: {  	(tag) =	ssettag $0x0;
	lr =	simm.s32 $0x1  }
0x2: {  	[smem:$0x3F99] =	sst lr;
	_ =	strace $0xD0000000  }
0x3: {  	_ = 	snop  }
0x4: {  	_ = 	snop  }
0x5: {  	_ = 	snop  }
0x6: {  	_ = 	snop  }
0x7: {  	_ = 	snop  }
__scs_overlays_trampoline_lowered:
0x8: {  	[smem:$0x3FA8] =	sst s0  }
0x9: {  	[smem:$0x3FA9] =	sst s1  }
0xa: {  	[smem:$0x3FAA] =	sst s2  }
0xb: {  	[smem:$0x3FAB] =	sst s3  }
0xc: {  	[smem:$0x3FAC] =	sst s4  }
0xd: {  	[smem:$0x3FAD] =	sst s5  }
0xe: {  	[smem:$0x3FAE] =	sst s6  }
0xf: {  	[smem:$0x3FAF] =	sst s7  }
0x10: {  	[smem:$0x3FB0] =	sst s8  }
0x11: {  	[smem:$0x3FB1] =	sst s9;
	s0 =	simm.s32 @!p0 $0x0  }
0x12: {  	s1 =	sld [smem:$0x3F97];
	s0 =	simm.s32 @p0 $0x1  }
0x13: {  	[smem:$0x3FB2] =	sst s0;
	s0 =	simm.s32 @!p1 $0x0  }
0x14: {  	s2 =	sld [smem:$0x3F96];
	s0 =	simm.s32 @p1 $0x1  }
0x15: {  	[smem:$0x3FB3] =	sst s0;
	s0 =	simm.s32 @!p2 $0x0  }
0x16: {  	s3 =	sld [smem:$0x3FDB];
	s0 =	simm.s32 @p2 $0x1  }
0x17: {  	s4 =	simm.s32 $0x1BF5;
	[smem:$0x3FB5] =	sst s0  }
0x18: {  	s0 =	sld [smem:$0x3F98];
	_ =	swait.ge [sflag:s4], $0x0  }
0x19: {  	s7 =	sld [smem:$0x3F99]  }
0x1a: {  	s8 =	sadd.s32 $0xFFFFE003, lr  }
0x1b: {  	s9 =	sadd.s32 $0xFFFFFEF7, lr;
	s5 =	simm.s32 $0xFFFFFFFF;
	p2 =	slt.u32 s8, $0xFFFFF086  }
0x1c: {  	p1 =	slt.u32 s9, $0xF7A;
	s5 =	simm.s32 @!p2 $0x0  }
0x1d: {  	s5 =	simm.s32 @p1 $0x1;
	p0 =	seq.s32 s7, s2  }
0x1e: {  	s7 =	smul.u32 @!p0 $0xF7A, s2;
	p2 =	seq.s32 @!p0 s5, $0x0  }
0x1f: {  	s9 =	smul.u32 $0xF7A, s1;
	s8 =	simm.s32 @!p0 $0x1BF5;
	p2 =	por !p2, p0  }
0x20: {  	[sflag:s8] =	ssyncset.s32 @!p0 $0xFFFFF086;
	s6 =	sadd.s32 @!p0 s3, s7;
	s7 =	simm.s32 @!p0 $0x108  }
0x21: {  	s3 =	sadd.s32 s3, s9;
	s6 =	sadd.s32 @!p0 $0x88, s6;
	s7 =	simm.s32 @p2 $0x1082  }
0x22: {  	[simem:s7], [sflag:s8] =	dma.local @!p0 [hbm:s6], $0xF7A  }
0x23: {  	s9 =	sor.u32 $0xD0000000, s2;
	s6 =	simm.s32 $0x108;
	_ =	swait.ge @!p0 [sflag:s8], $0x0  }
0x24: {  	s3 =	sadd.s32 $0x88, s3;
	s6 =	simm.s32 @!p1 $0x1082;
	[sflag:s4] =	ssyncset.s32 $0xFFFFF086  }
0x25: {  	[simem:s6], [sflag:s4] =	dma.local [hbm:s3], $0xF7A  }
0x26: {  	[smem:$0x3F99] =	sst s1;
	(tag) =	ssettag s2;
	_ =	strace s9  }
0x27: {  	s1 =	sld [smem:$0x3FA9]  }
0x28: {  	s2 =	sld [smem:$0x3FAA]  }
0x29: {  	s4 =	sld [smem:$0x3FAC]  }
0x2a: {  	p0 =	seq.s32 s5, $0x0;
	s5 =	sld [smem:$0x3FAD]  }
0x2b: {  	s6 =	sld [smem:$0x3FAE]  }
0x2c: {  	s7 =	sld [smem:$0x3FAF]  }
0x2d: {  	s3 =	simm.s32 $0x108;
	s8 =	sld [smem:$0x3FB0]  }
0x2e: {  	s3 =	simm.s32 @!p0 $0x1082;
	s9 =	sld [smem:$0x3FB1]  }
0x2f: {  	lr =	sadd.s32 s0, s3;
	s0 =	sld [smem:$0x3FA8]  }
0x30: {  	s3 =	sld [smem:$0x3FAB]  }
0x31: {  	[smem:$0x3FB4] =	sst s10  }
0x32: {  	s10 =	sld [smem:$0x3FB2];
	_ =	sdelay $0x3  }
0x33: {  	p0 =	seq.s32 s10, $0x1;
	s10 =	sld [smem:$0x3FB4];
	_ =	sdelay $0x3  }
0x34: {  	[smem:$0x3FB4] =	sst s10  }
0x35: {  	s10 =	sld [smem:$0x3FB3];
	_ =	sdelay $0x3  }
0x36: {  	p1 =	seq.s32 s10, $0x1;
	s10 =	sld [smem:$0x3FB4];
	_ =	sdelay $0x3  }
0x37: {  	[smem:$0x3FB4] =	sst s10  }
0x38: {  	s10 =	sld [smem:$0x3FB5]  }
0x39: {  	_ = 	snop;
	(pc) =	sbr.ind lr, $3  }
0x3a: {  	_ = 	snop  }
0x3b: {  	_ = 	snop  }
0x3c: {  	p2 =	seq.s32 s10, $0x1;
	s10 =	sld [smem:$0x3FB4]  }
0x3d: {  	_ =	shalt  }
0x3e: {  	_ =	shalt  }
0x3f: {  	_ =	shalt  }
0x40: {  	_ =	shalt  }
0x41: {  	_ =	shalt  }
0x42: {  	_ =	shalt  }
0x43: {  	_ =	shalt  }
0x44: {  	_ =	shalt  }
0x45: {  	_ =	shalt  }
0x46: {  	_ =	shalt  }
0x47: {  	_ =	shalt  }
0x48: {  	_ =	shalt  }
0x49: {  	_ =	shalt  }
0x4a: {  	_ =	shalt  }
0x4b: {  	_ =	shalt  }
0x4c: {  	_ =	shalt  }
0x4d: {  	_ =	shalt  }
0x4e: {  	_ =	shalt  }
0x4f: {  	_ =	shalt  }
0x50: {  	_ =	shalt  }
0x51: {  	_ =	shalt  }
0x52: {  	_ =	shalt  }
0x53: {  	_ =	shalt  }
0x54: {  	_ =	shalt  }
0x55: {  	_ =	shalt  }
0x56: {  	_ =	shalt  }
0x57: {  	_ =	shalt  }
0x58: {  	_ =	shalt  }
0x59: {  	_ =	shalt  }
0x5a: {  	_ =	shalt  }
0x5b: {  	_ =	shalt  }
0x5c: {  	_ =	shalt  }
0x5d: {  	_ =	shalt  }
0x5e: {  	_ =	shalt  }
0x5f: {  	_ =	shalt  }
0x60: {  	_ =	shalt  }
0x61: {  	_ =	shalt  }
0x62: {  	_ =	shalt  }
0x63: {  	_ =	shalt  }
0x64: {  	_ =	shalt  }
0x65: {  	_ =	shalt  }
0x66: {  	_ =	shalt  }
0x67: {  	_ =	shalt  }
0x68: {  	_ =	shalt  }
0x69: {  	_ =	shalt  }
0x6a: {  	_ =	shalt  }
0x6b: {  	_ =	shalt  }
0x6c: {  	_ =	shalt  }
0x6d: {  	_ =	shalt  }
0x6e: {  	_ =	shalt  }
0x6f: {  	_ =	shalt  }
0x70: {  	_ =	shalt  }
0x71: {  	_ =	shalt  }
0x72: {  	_ =	shalt  }
0x73: {  	_ =	shalt  }
0x74: {  	_ =	shalt  }
0x75: {  	_ =	shalt  }
0x76: {  	_ =	shalt  }
0x77: {  	_ =	shalt  }
0x78: {  	_ =	shalt  }
0x79: {  	_ =	shalt  }
0x7a: {  	_ =	shalt  }
0x7b: {  	_ =	shalt  }
0x7c: {  	_ =	shalt  }
0x7d: {  	_ =	shalt  }
0x7e: {  	_ =	shalt  }
0x7f: {  	_ =	shalt  }
0x80: {  	_ =	shalt  }
0x81: {  	_ =	shalt  }
0x82: {  	_ =	shalt  }
0x83: {  	_ =	shalt  }
0x84: {  	_ =	shalt  }
0x85: {  	_ =	shalt  }
0x86: {  	_ =	shalt  }
0x87: {  	_ =	shalt  }
.Lfunc_end0:
.L_simem_size_0:
called_computation_lowered:
.L_overlay_start_0:
0x88: {  	s2 =	sld [smem:$0x3FD9]  }
0x89: {  	s3 =	sld [smem:$0x3FFE];
	_ =	sdelay $0x1  }
0x8a: {  	s1 =	srdreg.scid  }
0x8b: {  	s0 =	sand.u32 $0x1, s1  }
0x8c: {  	s17 =	sshll.u32 s0, $0xA;
	s2 =	sadd.s32 s3, s2  }
0x8d: {  	s2 =	sadd.s32 s2, s17  }
0x8e: {  	[smem:$0x3FC0] =	sst s2  }
0x8f: {  	_ = 	snop  }
0x90: {  	s2 =	sld [smem:$0x3FD0];
	(tm) =	ssettm $0x1  }
0x91: {  	s18 =	sld [smem:$0x3FFB];
	_ =	sdelay $0x3  }
0x92: {  	_ =	strace s18  }
0x93: {  	s3 =	sld [smem:$0x3FFC];
	_ =	sdelay $0x3  }
0x94: {  	_ =	strace s3  }
0x95: {  	s3 =	sld [smem:$0x3FFD];
	_ =	sdelay $0x3  }
0x96: {  	_ =	strace s3  }
0x97: {  	_ =	strace $0x8FFFFFFF  }
0x98: {  	s19 =	sld [smem:$0x3FDB];
	_ =	sdelay $0x1  }
0x99: {  	s4 =	simm.s32 $_scs_section_size  }
0x9a: {  	s5 =	simm.s32 $_size__tile_overlayer_lowered;
	s6 =	simm.s32 $_tile_overlayer_lowered  }
0x9b: {  	s22 =	simm.s32 $0x1BFF;
	s21 =	sshll.u32 s6, $0x1;
	s3 =	sadd.s32 s4, s19  }
0x9c: {  	s7 =	simm.s32 $0x0;
	s20 =	sshll.u32 s5, $0x1;
	s5 =	sadd.s32 s21, s3  }
0x9d: {  	[timem:s7], [sflag:s22] =	dma.local [hbm:s5], s20  }
0x9e: {  	_ =	swait.ge [sflag:s22], s20  }
0x9f: {  	s4 =	ssub.s32 $0x0, s20;
	[sflag:s22] =	ssyncset.done $0x0  }
0xa0: {  	[sflag:s22] =	ssyncadd.s32 s4;
	_ =	sdelay $0x1  }
0xa1: {  	s23 =	simm.s32 $0x1B8B  }
0xa2: {  	_ =	swait.ge [sflag:s23], $0x1  }
0xa3: {  	[sflag:s23] =	ssyncset.done $0x0  }
0xa4: {  	s25 =	simm.s32 $0x1B8E;
	s24 =	sld [smem:$0x3FFE];
	[sflag:s23] =	ssyncadd.s32 $0xFFFFFFFF  }
0xa5: {  	s26 =	simm.s32 $execute0_lowered;
	[smem:$0x3FD2] =	sst s25  }
0xa6: {  	s5 =	sshll.u32 s26, $0x1;
	_ =	strace $0x80000046;
	[dreg:$0x1] =	wrdreg $0xFFFFFFFF  }
0xa7: {  	s28 =	simm.s32 $_size_execute0_lowered;
	s3 =	sadd.s32 s3, s5;
	[dreg:$0x0] =	wrdreg $0x0  }
0xa8: {  	s5 =	sshll.u32 s28, $0x1;
	[dreg:$0x2] =	wrdreg s3  }
0xa9: {  	[dreg:$0x3] =	wrdreg s5  }
0xaa: {  	[dreg:$0x4] =	wrdreg $0xC0  }
0xab: {  	_ =	task [dreg:s7], $0x5FFFF  }
0xac: {  	[dreg:$0x1] =	wrdreg $0xFFFFFFFF  }
0xad: {  	[dreg:$0x0] =	wrdreg $0x60  }
0xae: {  	[dreg:$0x2] =	wrdreg s24  }
0xaf: {  	[dreg:$0x3] =	wrdreg s2  }
0xb0: {  	[dreg:$0x4] =	wrdreg $0x90000  }
0xb1: {  	[dreg:$0x5] =	wrdreg $0x9  }
0xb2: {  	_ =	task.clear_ibuf [dreg:s7], $0x6FFFF;
	_ =	strace $0x90000046  }
0xb3: {  	s29 =	simm.s32 $0x9;
	_ =	strace $0x80000048  }
0xb4: {  	_ =	swait.ge [sflag:s29], $0x1  }
0xb5: {  	[sflag:s29] =	ssyncadd.s32 $0xFFFFFFFF  }
0xb6: {  	_ =	strace $0x90000048  }
0xb7: {  	_ =	sfence  }
0xb8: {  	s30 =	sld [smem:$0x0];
	_ =	sdelay $0x2  }
0xb9: {  	s31 =	sshll.u32 s1, $0xD;
	s1 =	sshrl.u32 s1, $0x2  }
0xba: {  	s3 =	sand.u32 $0x4000, s31;
	s1 =	sadd.s32 s1, s30  }
0xbb: {  	s0 =	sor.u32 s3, s0;
	s1 =	sshll.u32 s1, $0x11  }
0xbc: {  	s0 =	sor.u32 s1, s0  }
0xbd: {  	s0 =	sadd.s32 $0x8F2B, s0  }
0xbe: {  	[sflag:s0] =	ssyncadd.remote.s32 $0x1  }
0xbf: {  	_ =	sfence.sel $0xFFFF  }
0xc0: {  	[dreg:$0x0] =	wrdreg $0xFFFFFFFF;
	(pc) =	sbr.abs _section_cstart, $3  }
0xc1: {  	[dreg:$0x1] =	wrdreg $0xFFFFFFFF  }
0xc2: {  	_ =	task.clear_ibuf [dreg:s7], $0x2FFFF;
	_ =	strace $0x9FFFFFFF  }
0xc3: {  	(tm) =	ssettm $0x7FFFFFFF  }
tec
execute0_lowered:
.L_overlay_start_1:
0x0: {  	(tag) =	ssettag $0x1  }
0x1: {  	s6 =	rddreg [dreg:$0x0]  }
0x2: {  	s2 =	rddreg [dreg:$0x1]  }
0x3: {  	s0 =	srdreg.scid;
	s3 =	rddreg [dreg:$0x2]  }
0x4: {  	s4 =	simm.s32 $0x0;
	s14 =	simm.s32 $0x80;
	s5 =	sand.u32 $0x1, s0  }
0x5: {  	s15 =	simm.s32 $0x0;
	s0 =	stileid.u32;
	s8 =	smul.u32 $0x140000, s5  }
0x6: {  	[smem:$0x7FF] =	sst s4;
	s1 =	sshll.u32 s5, $0x4;
	s9 =	smul.u32 $0xA000, s0  }
0x7: {  	s31 =	ssub.s32 $0x2, s5;
	s10 =	smul.u32 $0x28000, s0;
	s5 =	sadd.s32 $0x17200, s6  }
0x8: {  	s12 =	sshll.u32 s0, $0x6;
	s1 =	sor.u32 s0, s1;
	s11 =	sshrl.u32 s31, $0x1  }
0x9: {  	s12 =	sor.u32 $0x1C01, s12;
	s7 =	smul.u32 $0x500, s1;
	s1 =	rddreg [dreg:$0x3]  }
0xa: {  	_ =	strace $0x80000047;
	s8 =	sadd.s32 s9, s8;
	s9 =	ssub.s32 s31, s11  }
0xb: {  	v7 =	vlaneseq.u32;
	s10 =	sshrl.u32 s10, $0x2;
	s11 =	simm.s32 $0x5000;
	s8 =	sshrl.u32 s8, $0x3  }
0xc: {  	v0 =	vor.u32 $0x1400, v7;
	v1 =	vor.u32 $0x1410, v7;
	s13 =	sadd.s32 s10, s3;
	s9 =	smax.u32 s9, $0x1;
	s10 =	simm.s32 $0x1  }
0xd: {  	v2 =	vor.u32 $0x1420, v7;
	v3 =	vor.u32 $0x1430, v7;
	v4 =	vor.u32 $0x1440, v7;
	s7 =	sadd.s32 s7, s6;
	s8 =	sadd.s32 s8, s6;
	s13 =	sshrl.u32 s13, $0x3  }
0xe: {  	v5 =	vor.u32 $0x1450, v7;
	v6 =	vor.u32 $0x1460, v7;
	v7 =	vor.u32 $0x1470, v7;
	s6 =	sadd.s32 $0xD200, s7;
	s7 =	sadd.s32 $0x18600, s8;
	s8 =	sadd.s32 $0x2C600, s8  }
.LBB2_1:
0xf: {  	[tilespmem:s4], [sflag:$0x1] =	stream.linear.gather [hbm4b:s6+s4], $0x2800, $0x38;
	[tilespmem:$0x13400] =	vst v63  }
0x10: {  	_ =	swait.ge [sflag:s10], $0x2800  }
0x11: {  	[sflag:s10] =	ssyncset.done $0x0  }
0x12: {  	[sflag:s10] =	ssyncadd.s32 $0xFFFFD800  }
0x13: {  	[tilespmem:s11], [sflag:$0x1] =	stream.linear.gather [hbm4b:s2+s4], $0x4000, $0x38;
	[tilespmem:$0x13400] =	vst v63  }
0x14: {  	_ =	swait.ge [sflag:s10], $0x4000  }
0x15: {  	[sflag:s10] =	ssyncset.done $0x0  }
0x16: {  	s17 =	simm.s32 $0x0;
	[sflag:s10] =	ssyncadd.s32 $0xFFFFC000  }
0x17: {  	v10 =	vld [tilespmem:s17+$0x70]  }
0x18: {  	v14 =	vld [tilespmem:s17+$0x0]  }
0x19: {  	v13 =	vld [tilespmem:s17+$0x10]  }
0x1a: {  	v12 =	vld [tilespmem:s17+$0x20]  }
0x1b: {  	v11 =	vld [tilespmem:s17+$0x30]  }
0x1c: {  	v9 =	vld [tilespmem:s17+$0x40];
	vm0 =	vgt.u32 v10, $0x13FF  }
0x1d: {  	v8 =	vld [tilespmem:s17+$0x50];
	vm1 =	vgt.u32 v14, $0x13FF;
	v15 =	vsel vm0, v7, v10  }
0x1e: {  	s16 =	simm.s32 $0x80;
	s18 =	simm.s32 $0x400;
	v10 =	vld [tilespmem:s17+$0x60];
	v14 =	vsel vm1, v0, v14;
	vm0 =	vgt.u32 v13, $0x13FF;
	[tilespmem:s17+$0x2870] =	vst v15  }
.LBB2_2:
0x1f: {  	p0 =	sne.s32 s18, $0x9E00;
	v15 =	vld [tilespmem:s16+$0x70];
	[tilespmem:s17+$0x2800] =	vst v14;
	v13 =	vsel vm0, v1, v13;
	vm0 =	vgt.u32 v12, $0x13FF  }
0x20: {  	v14 =	vld [tilespmem:s16+$0x0];
	[tilespmem:s17+$0x2810] =	vst v13;
	v12 =	vsel vm0, v2, v12;
	vm0 =	vgt.u32 v11, $0x13FF  }
0x21: {  	v13 =	vld [tilespmem:s16+$0x10];
	[tilespmem:s17+$0x2820] =	vst v12;
	v11 =	vsel vm0, v3, v11;
	vm0 =	vgt.u32 v9, $0x13FF  }
.Ltmp0:
0x22: {  	v12 =	vld [tilespmem:s16+$0x20];
	[tilespmem:s17+$0x2830] =	vst v11;
	v9 =	vsel vm0, v4, v9;
	vm0 =	vgt.u32 v8, $0x13FF;
	(pc) =	sbr.rel @p0 .LBB2_2-.Ltmp0, $4  }
0x23: {  	v11 =	vld [tilespmem:s16+$0x30];
	[tilespmem:s17+$0x2840] =	vst v9;
	v8 =	vsel vm0, v5, v8;
	vm0 =	vgt.u32 v10, $0x13FF  }
0x24: {  	v9 =	vld [tilespmem:s16+$0x40];
	vm1 =	vgt.u32 v15, $0x13FF;
	[tilespmem:s17+$0x2850] =	vst v8;
	v10 =	vsel vm0, v6, v10  }
0x25: {  	vm0 =	vgt.u32 v14, $0x13FF;
	v8 =	vld [tilespmem:s16+$0x50];
	v15 =	vsel vm1, v7, v15;
	[tilespmem:s17+$0x2860] =	vst v10;
	s17 =	smov.u32 s16  }
0x26: {  	s16 =	sshra.s32 s18, $0x2;
	s18 =	sadd.s32 $0x200, s18;
	v14 =	vsel vm0, v0, v14;
	vm0 =	vgt.u32 v13, $0x13FF;
	v10 =	vld [tilespmem:s17+$0x60];
	[tilespmem:s17+$0x2870] =	vst v15  }
0x27: {  	v15 =	vld [tilespmem:s16+$0x70];
	[tilespmem:s17+$0x2800] =	vst v14;
	v13 =	vsel vm0, v1, v13;
	vm4 =	vgt.u32 v12, $0x13FF  }
0x28: {  	v14 =	vld [tilespmem:s16+$0x0];
	[tilespmem:s17+$0x2810] =	vst v13;
	v12 =	vsel vm4, v2, v12;
	vm5 =	vgt.u32 v11, $0x13FF  }
0x29: {  	v13 =	vld [tilespmem:s16+$0x10];
	[tilespmem:s17+$0x2820] =	vst v12;
	v11 =	vsel vm5, v3, v11;
	vm6 =	vgt.u32 v9, $0x13FF  }
0x2a: {  	v12 =	vld [tilespmem:s16+$0x20];
	[tilespmem:s17+$0x2830] =	vst v11;
	v9 =	vsel vm6, v4, v9;
	vm7 =	vgt.u32 v8, $0x13FF  }
0x2b: {  	v11 =	vld [tilespmem:s16+$0x30];
	[tilespmem:s17+$0x2840] =	vst v9;
	v8 =	vsel vm7, v5, v8;
	vm8 =	vgt.u32 v10, $0x13FF  }
0x2c: {  	v9 =	vld [tilespmem:s16+$0x40];
	[tilespmem:s17+$0x2850] =	vst v8;
	v8 =	vsel vm8, v6, v10;
	vm9 =	vgt.u32 v15, $0x13FF  }
0x2d: {  	v62 =	vld [tilespmem:s16+$0x50];
	[tilespmem:s17+$0x2860] =	vst v8;
	vm1 =	vgt.u32 v14, $0x13FF;
	v8 =	vsel vm9, v7, v15  }
0x2e: {  	v63 =	vld [tilespmem:s16+$0x60];
	v14 =	vsel vm1, v0, v14;
	vm10 =	vgt.u32 v13, $0x13FF;
	[tilespmem:s16+$0x2870] =	vst v8  }
0x2f: {  	[tilespmem:s16+$0x2800] =	vst v14;
	v8 =	vsel vm10, v1, v13;
	vm11 =	vgt.u32 v12, $0x13FF  }
0x30: {  	[tilespmem:s16+$0x2810] =	vst v8;
	v8 =	vsel vm11, v2, v12;
	vm12 =	vgt.u32 v11, $0x13FF  }
0x31: {  	[tilespmem:s16+$0x2820] =	vst v8;
	v8 =	vsel vm12, v3, v11;
	vm13 =	vgt.u32 v9, $0x13FF  }
0x32: {  	[tilespmem:s16+$0x2830] =	vst v8;
	v8 =	vsel vm13, v4, v9;
	vm14 =	vgt.u32 v62, $0x13FF  }
0x33: {  	[tilespmem:s16+$0x2840] =	vst v8;
	v8 =	vsel vm14, v5, v62;
	vm15 =	vgt.u32 v63, $0x13FF  }
0x34: {  	[tilespmem:s16+$0x2850] =	vst v8;
	v8 =	vsel vm15, v6, v63  }
0x35: {  	[tilespmem:s16+$0x2860] =	vst v8  }
0x36: {  	[spmem:s13], [sflag:s12] =	dma.local [hbm:s5], $0x1400  }
0x37: {  	_ =	swait.ge [sflag:s10], $0x1400  }
0x38: {  	[sflag:s10] =	ssyncset.done $0x0  }
0x39: {  	[sflag:s10] =	ssyncadd.s32 $0xFFFFEC00  }
0x3a: {  	s31 =	simm.s32 $0x2800;
	[bflag:$0x0] =	sbarrier.arrive $0xFFFF  }
0x3b: {  	[spmem:s3] =	stream.indirect.scatter.add.f32 [tilespmem:s11], [sflag:$0x1], $0x80, s31, s14, $0xb8;
	[tilespmem:$0x13400] =	vst v63  }
0x3c: {  	s16 =	simm.s32 $0x200;
	_ =	swait.ge [sflag:s10], $0x4000  }
.LBB2_4:
0x3d: {  	s17 =	sshra.s32 s16, $0x2;
	[sflag:s10] =	ssyncset.done $0x0;
	p0 =	sne.s32 s16, $0x9E00  }
.Ltmp1:
0x3e: {  	s17 =	sadd.s32 $0x2800, s17;
	[sflag:s10] =	ssyncadd.s32 $0xFFFFC000;
	(pc) =	sbr.rel @p0 .LBB2_4-.Ltmp1, $3  }
0x3f: {  	[spmem:s3] =	stream.indirect.scatter.add.f32 [tilespmem:s11], [sflag:$0x1], $0x80, s17, s14, $0xb8;
	[tilespmem:$0x13400] =	vst v63  }
0x40: {  	s16 =	sadd.s32 $0x200, s16;
	_ =	sdelay $0x1  }
0x41: {  	_ =	swait.ge [sflag:s10], $0x4000  }
0x42: {  	[sflag:s10] =	ssyncset.done $0x0  }
0x43: {  	[sflag:s10] =	ssyncadd.s32 $0xFFFFC000  }
0x44: {  	[bflag:$0x0] =	sbarrier.arrive $0xFFFF  }
0x45: {  	[hbm:s7], [sflag:s12] =	dma.local [spmem:s13], $0x1400  }
0x46: {  	_ =	swait.ge [sflag:s10], $0x1400  }
0x47: {  	[sflag:s10] =	ssyncset.done $0x0  }
0x48: {  	s17 =	simm.s32 $0x0;
	[sflag:s10] =	ssyncadd.s32 $0xFFFFEC00  }
0x49: {  	v8 =	vld [tilespmem:s17+$0x70]  }
0x4a: {  	v10 =	vld [tilespmem:s17+$0x10]  }
0x4b: {  	v12 =	vld [tilespmem:s17+$0x30];
	_ =	sdelay $0x1  }
0x4c: {  	v9 =	vld [tilespmem:s17+$0x0]  }
0x4d: {  	v11 =	vld [tilespmem:s17+$0x20]  }
0x4e: {  	v13 =	vld [tilespmem:s17+$0x40];
	v14 =	vadd.s32 $0xFFFFD800, v8;
	v8 =	vadd.s32 $0xFFFFEC00, v8;
	v16 =	vadd.s32 $0xFFFFD800, v10  }
0x4f: {  	v15 =	vld [tilespmem:s17+$0x50];
	v10 =	vadd.s32 $0xFFFFEC00, v10;
	v18 =	vadd.s32 $0xFFFFD800, v12;
	vm0 =	vlt.u32 v14, $0xFFFFEC00  }
0x50: {  	v12 =	vadd.s32 $0xFFFFEC00, v12;
	v14 =	vld [tilespmem:s17+$0x60];
	vm1 =	vlt.u32 v16, $0xFFFFEC00;
	v8 =	vsel vm0, v7, v8  }
0x51: {  	vm3 =	vlt.u32 v18, $0xFFFFEC00;
	v10 =	vsel vm1, v1, v10;
	[tilespmem:s17+$0x2870] =	vst v8;
	v8 =	vadd.s32 $0xFFFFD800, v9  }
0x52: {  	s16 =	simm.s32 $0x80;
	vm0 =	vlt.u32 v8, $0xFFFFEC00;
	v8 =	vadd.s32 $0xFFFFEC00, v9;
	v9 =	vadd.s32 $0xFFFFD800, v11  }
0x53: {  	v63 =	vsel vm3, v3, v12;
	v17 =	vld [tilespmem:s16+$0x70];
	v11 =	vadd.s32 $0xFFFFEC00, v11;
	vm2 =	vlt.u32 v9, $0xFFFFEC00  }
0x54: {  	v16 =	vld [tilespmem:s16+$0x0];
	v9 =	vadd.s32 $0xFFFFD800, v13;
	v20 =	vsel vm0, v0, v8;
	v13 =	vadd.s32 $0xFFFFEC00, v13  }
0x55: {  	v19 =	vld [tilespmem:s16+$0x10];
	vm0 =	vlt.u32 v9, $0xFFFFEC00;
	v9 =	vadd.s32 $0xFFFFD800, v15;
	v62 =	vadd.s32 $0xFFFFD800, v14  }
0x56: {  	v18 =	vld [tilespmem:s16+$0x20];
	v15 =	vadd.s32 $0xFFFFEC00, v15;
	v14 =	vadd.s32 $0xFFFFEC00, v14;
	v11 =	vsel vm2, v2, v11  }
0x57: {  	v8 =	vld [tilespmem:s16+$0x30];
	[tilespmem:s17+$0x2800] =	vst v20;
	vm4 =	vlt.u32 v9, $0xFFFFEC00;
	vm1 =	vlt.u32 v62, $0xFFFFEC00;
	v21 =	vsel vm0, v4, v13  }
0x58: {  	v9 =	vld [tilespmem:s16+$0x40];
	[tilespmem:s17+$0x2810] =	vst v10;
	v22 =	vsel vm4, v5, v15;
	v12 =	vsel vm1, v6, v14;
	v13 =	vadd.s32 $0xFFFFD800, v17  }
0x59: {  	v10 =	vld [tilespmem:s16+$0x50];
	[tilespmem:s17+$0x2820] =	vst v11;
	v14 =	vadd.s32 $0xFFFFD800, v16;
	v15 =	vadd.s32 $0xFFFFEC00, v17;
	vm1 =	vlt.u32 v13, $0xFFFFEC00  }
0x5a: {  	v11 =	vld [tilespmem:s16+$0x60];
	[tilespmem:s17+$0x2830] =	vst v63;
	vm0 =	vlt.u32 v14, $0xFFFFEC00;
	v14 =	vadd.s32 $0xFFFFD800, v19;
	v15 =	vsel vm1, v7, v15  }
0x5b: {  	v13 =	vadd.s32 $0xFFFFEC00, v16;
	v16 =	vadd.s32 $0xFFFFD800, v18;
	vm1 =	vlt.u32 v14, $0xFFFFEC00;
	[tilespmem:s16+$0x2870] =	vst v15  }
0x5c: {  	v14 =	vadd.s32 $0xFFFFEC00, v19;
	vm2 =	vlt.u32 v16, $0xFFFFEC00;
	v16 =	vadd.s32 $0xFFFFD800, v8;
	[tilespmem:s17+$0x2840] =	vst v21  }
0x5d: {  	s18 =	simm.s32 $0x100;
	s19 =	simm.s32 $0x600;
	v15 =	vadd.s32 $0xFFFFEC00, v18;
	vm3 =	vlt.u32 v16, $0xFFFFEC00;
	v16 =	vadd.s32 $0xFFFFD800, v9;
	[tilespmem:s17+$0x2850] =	vst v22  }
.LBB2_6:
0x5e: {  	p0 =	sne.s32 s19, $0x9E00;
	v17 =	vld [tilespmem:s18+$0x70];
	v18 =	vadd.s32 $0xFFFFEC00, v8;
	vm4 =	vlt.u32 v16, $0xFFFFEC00;
	v8 =	vadd.s32 $0xFFFFD800, v10;
	[tilespmem:s17+$0x2860] =	vst v12;
	s17 =	smov.u32 s16;
	s16 =	smov.u32 s18  }
0x5f: {  	v9 =	vadd.s32 $0xFFFFEC00, v9;
	v16 =	vld [tilespmem:s16+$0x0];
	vm5 =	vlt.u32 v8, $0xFFFFEC00;
	v8 =	vadd.s32 $0xFFFFD800, v11  }
0x60: {  	v10 =	vadd.s32 $0xFFFFEC00, v10;
	v11 =	vadd.s32 $0xFFFFEC00, v11;
	v19 =	vld [tilespmem:s16+$0x10];
	vm6 =	vlt.u32 v8, $0xFFFFEC00  }
0x61: {  	v12 =	vsel vm0, v0, v13;
	v13 =	vsel vm1, v1, v14;
	v14 =	vsel vm2, v2, v15;
	v20 =	vld [tilespmem:s16+$0x20]  }
0x62: {  	v15 =	vsel vm3, v3, v18;
	v18 =	vsel vm4, v4, v9;
	v21 =	vsel vm5, v5, v10;
	v8 =	vld [tilespmem:s16+$0x30];
	[tilespmem:s17+$0x2800] =	vst v12  }
0x63: {  	v12 =	vsel vm6, v6, v11;
	v9 =	vld [tilespmem:s16+$0x40];
	v22 =	vadd.s32 $0xFFFFD800, v17;
	[tilespmem:s17+$0x2810] =	vst v13  }
.Ltmp2:
0x64: {  	v13 =	vadd.s32 $0xFFFFEC00, v17;
	v11 =	vadd.s32 $0xFFFFD800, v16;
	v10 =	vld [tilespmem:s16+$0x50];
	vm1 =	vlt.u32 v22, $0xFFFFEC00;
	[tilespmem:s17+$0x2820] =	vst v14;
	(pc) =	sbr.rel @p0 .LBB2_6-.Ltmp2, $4  }
0x65: {  	vm0 =	vlt.u32 v11, $0xFFFFEC00;
	v14 =	vadd.s32 $0xFFFFD800, v19;
	v11 =	vld [tilespmem:s16+$0x60];
	v17 =	vsel vm1, v7, v13;
	[tilespmem:s17+$0x2830] =	vst v15  }
0x66: {  	v13 =	vadd.s32 $0xFFFFEC00, v16;
	vm1 =	vlt.u32 v14, $0xFFFFEC00;
	v15 =	vadd.s32 $0xFFFFD800, v20;
	[tilespmem:s16+$0x2870] =	vst v17  }
0x67: {  	v14 =	vadd.s32 $0xFFFFEC00, v19;
	vm2 =	vlt.u32 v15, $0xFFFFEC00;
	v16 =	vadd.s32 $0xFFFFD800, v8;
	[tilespmem:s17+$0x2840] =	vst v18  }
0x68: {  	s18 =	sshra.s32 s19, $0x2;
	s19 =	sadd.s32 $0x200, s19;
	v15 =	vadd.s32 $0xFFFFEC00, v20;
	vm3 =	vlt.u32 v16, $0xFFFFEC00;
	v16 =	vadd.s32 $0xFFFFD800, v9;
	[tilespmem:s17+$0x2850] =	vst v21  }
0x69: {  	v17 =	vld [tilespmem:s18+$0x70];
	[tilespmem:s17+$0x2860] =	vst v12  }
0x6a: {  	v13 =	vsel vm0, v0, v13;
	v8 =	vadd.s32 $0xFFFFEC00, v8;
	v12 =	vld [tilespmem:s18+$0x0]  }
0x6b: {  	vm5 =	vlt.u32 v16, $0xFFFFEC00;
	v42 =	vadd.s32 $0xFFFFD800, v10;
	v14 =	vsel vm1, v1, v14;
	v18 =	vld [tilespmem:s18+$0x10]  }
0x6c: {  	v9 =	vadd.s32 $0xFFFFEC00, v9;
	v45 =	vadd.s32 $0xFFFFEC00, v10;
	v47 =	vsel vm2, v2, v15;
	v19 =	vld [tilespmem:s18+$0x20]  }
0x6d: {  	v20 =	vld [tilespmem:s18+$0x30];
	[tilespmem:s16+$0x2800] =	vst v13;
	vm6 =	vlt.u32 v42, $0xFFFFEC00;
	v44 =	vadd.s32 $0xFFFFD800, v11;
	v46 =	vadd.s32 $0xFFFFEC00, v11  }
0x6e: {  	v8 =	vsel vm3, v3, v8;
	v9 =	vsel vm5, v4, v9;
	v43 =	vld [tilespmem:s18+$0x40];
	[tilespmem:s16+$0x2810] =	vst v14;
	v49 =	vadd.s32 $0xFFFFD800, v17  }
0x6f: {  	vm7 =	vlt.u32 v44, $0xFFFFEC00;
	v48 =	vld [tilespmem:s18+$0x50];
	[tilespmem:s16+$0x2820] =	vst v47;
	v50 =	vadd.s32 $0xFFFFEC00, v17;
	vm8 =	vlt.u32 v49, $0xFFFFEC00  }
0x70: {  	v10 =	vsel vm6, v5, v45;
	v51 =	vld [tilespmem:s18+$0x60];
	[tilespmem:s16+$0x2830] =	vst v8;
	v8 =	vsel vm7, v6, v46;
	v14 =	vsel vm8, v7, v50  }
0x71: {  	v52 =	vadd.s32 $0xFFFFD800, v12;
	v53 =	vadd.s32 $0xFFFFD800, v18;
	v12 =	vadd.s32 $0xFFFFEC00, v12;
	[tilespmem:s18+$0x2870] =	vst v14  }
0x72: {  	v54 =	vadd.s32 $0xFFFFD800, v19;
	v55 =	vadd.s32 $0xFFFFEC00, v18;
	v56 =	vadd.s32 $0xFFFFD800, v20;
	[tilespmem:s16+$0x2840] =	vst v9  }
0x73: {  	v57 =	vadd.s32 $0xFFFFEC00, v19;
	v59 =	vadd.s32 $0xFFFFEC00, v20;
	vm9 =	vlt.u32 v52, $0xFFFFEC00;
	[tilespmem:s16+$0x2850] =	vst v10  }
0x74: {  	vm10 =	vlt.u32 v53, $0xFFFFEC00;
	vm11 =	vlt.u32 v54, $0xFFFFEC00;
	[tilespmem:s16+$0x2860] =	vst v8;
	v8 =	vsel vm9, v0, v12  }
0x75: {  	vm12 =	vlt.u32 v56, $0xFFFFEC00;
	v58 =	vadd.s32 $0xFFFFD800, v43;
	v9 =	vsel vm10, v1, v55;
	[tilespmem:s18+$0x2800] =	vst v8  }
0x76: {  	v60 =	vadd.s32 $0xFFFFEC00, v43;
	vm13 =	vlt.u32 v58, $0xFFFFEC00;
	v10 =	vsel vm11, v2, v57;
	[tilespmem:s18+$0x2810] =	vst v9  }
0x77: {  	v62 =	vadd.s32 $0xFFFFEC00, v48;
	v8 =	vadd.s32 $0xFFFFD800, v48;
	[tilespmem:s18+$0x2820] =	vst v10;
	v9 =	vsel vm13, v4, v60  }
0x78: {  	v61 =	vadd.s32 $0xFFFFD800, v51;
	vm14 =	vlt.u32 v8, $0xFFFFEC00;
	v8 =	vsel vm12, v3, v59;
	[tilespmem:s18+$0x2840] =	vst v9  }
0x79: {  	vm15 =	vlt.u32 v61, $0xFFFFEC00;
	[tilespmem:s18+$0x2830] =	vst v8;
	v8 =	vadd.s32 $0xFFFFEC00, v51;
	v63 =	vsel vm14, v5, v62  }
0x7a: {  	v8 =	vsel vm15, v6, v8;
	[tilespmem:s18+$0x2850] =	vst v63  }
0x7b: {  	[tilespmem:s18+$0x2860] =	vst v8  }
0x7c: {  	[spmem:s13], [sflag:s12] =	dma.local [hbm:s5], $0x1400  }
0x7d: {  	_ =	swait.ge [sflag:s10], $0x1400  }
0x7e: {  	[sflag:s10] =	ssyncset.done $0x0  }
0x7f: {  	[sflag:s10] =	ssyncadd.s32 $0xFFFFEC00  }
0x80: {  	s31 =	simm.s32 $0x2800;
	[bflag:$0x0] =	sbarrier.arrive $0xFFFF  }
0x81: {  	[spmem:s3] =	stream.indirect.scatter.add.f32 [tilespmem:s11], [sflag:$0x1], $0x80, s31, s14, $0xb8;
	[tilespmem:$0x13400] =	vst v63  }
0x82: {  	s16 =	simm.s32 $0x200;
	_ =	swait.ge [sflag:s10], $0x4000  }
.LBB2_8:
0x83: {  	s17 =	sshra.s32 s16, $0x2;
	[sflag:s10] =	ssyncset.done $0x0;
	p0 =	sne.s32 s16, $0x9E00  }
.Ltmp3:
0x84: {  	s17 =	sadd.s32 $0x2800, s17;
	[sflag:s10] =	ssyncadd.s32 $0xFFFFC000;
	(pc) =	sbr.rel @p0 .LBB2_8-.Ltmp3, $3  }
0x85: {  	[spmem:s3] =	stream.indirect.scatter.add.f32 [tilespmem:s11], [sflag:$0x1], $0x80, s17, s14, $0xb8;
	[tilespmem:$0x13400] =	vst v63  }
0x86: {  	s16 =	sadd.s32 $0x200, s16;
	_ =	sdelay $0x1  }
0x87: {  	_ =	swait.ge [sflag:s10], $0x4000  }
0x88: {  	[sflag:s10] =	ssyncset.done $0x0;
	s15 =	sadd.s32 $0x1, s15  }
0x89: {  	[sflag:s10] =	ssyncadd.s32 $0xFFFFC000;
	p0 =	sne.s32 s15, s9  }
.Ltmp4:
0x8a: {  	[bflag:$0x0] =	sbarrier.arrive $0xFFFF;
	(pc) =	sbr.rel @p0 .LBB2_1-.Ltmp4, $4  }
0x8b: {  	[hbm:s8], [sflag:s12] =	dma.local [spmem:s13], $0x1400  }
0x8c: {  	_ =	swait.ge [sflag:s10], $0x1400  }
0x8d: {  	[sflag:s10] =	ssyncset.done $0x0  }
0x8e: {  	[sflag:s10] =	ssyncadd.s32 $0xFFFFEC00  }
0x8f: {  	_ =	sfence.sel $0x180000  }
0x90: {  	[bflag:$0x0] =	sbarrier.arrive $0xFFFF  }
0x91: {  	p0 =	sne.s32 s0, $0x0;
	_ =	strace $0x90000047  }
0x92: {  	s0 =	sadd.s32 @!p0 $0x100000, s1;
	[bflag:$0x2] =	sbarrier.arrive $0xFFFF  }
0x93: {  	[sflag:s0] =	ssyncadd.tile.s32 @!p0 $0x1;
	_ =	shalt  }
.Lfunc_end2:
_tile_overlayer_lowered:
.L_overlay_start_2:
0x94: {  	(tag) =	ssettag $0x2  }
0x95: {  	s0 =	rddreg [dreg:$0x0];
	s2 =	stileid.u32  }
0x96: {  	s1 =	rddreg [dreg:$0x1];
	p0 =	sne.s32 s2, $0x0  }
0x97: {  	s3 =	rddreg [dreg:$0x2];
	[bflag:$0x3] =	sbarrier.arrive $0xFFFF;
	s2 =	simm.s32 @!p0 $0x1C01  }
0x98: {  	[timem:s3], [sflag:s2] =	dma.local @!p0 [hbm:s0], s1  }
0x99: {  	s0 =	simm.s32 @!p0 $0x1  }
0x9a: {  	_ =	swait.ge @!p0 [sflag:s0], s1  }
0x9b: {  	s1 =	ssub.s32 @!p0 $0x0, s1;
	[sflag:s0] =	ssyncset.done @!p0 $0x0  }
0x9c: {  	[sflag:s0] =	ssyncadd.s32 @!p0 s1  }
0x9d: {  	[bflag:$0x3] =	sbarrier.arrive $0xFFFF  }
0x9e: {  	_ =	shalt  }

// kernel: kernel.13.cloned.1.call-start
scs
__scs_entry_jumppad:
0x0: {  	(pc) =	sbr.rel $0x88, $3  }
0x1: {  	(tag) =	ssettag $0x0;
	lr =	simm.s32 $0x1  }
0x2: {  	[smem:$0x3F99] =	sst lr;
	_ =	strace $0xD0000000  }
0x3: {  	_ = 	snop  }
0x4: {  	_ = 	snop  }
0x5: {  	_ = 	snop  }
0x6: {  	_ = 	snop  }
0x7: {  	_ = 	snop  }
__scs_overlays_trampoline_lowered:
0x8: {  	[smem:$0x3FA8] =	sst s0  }
0x9: {  	[smem:$0x3FA9] =	sst s1  }
0xa: {  	[smem:$0x3FAA] =	sst s2  }
0xb: {  	[smem:$0x3FAB] =	sst s3  }
0xc: {  	[smem:$0x3FAC] =	sst s4  }
0xd: {  	[smem:$0x3FAD] =	sst s5  }
0xe: {  	[smem:$0x3FAE] =	sst s6  }
0xf: {  	[smem:$0x3FAF] =	sst s7  }
0x10: {  	[smem:$0x3FB0] =	sst s8  }
0x11: {  	[smem:$0x3FB1] =	sst s9;
	s0 =	simm.s32 @!p0 $0x0  }
0x12: {  	s1 =	sld [smem:$0x3F97];
	s0 =	simm.s32 @p0 $0x1  }
0x13: {  	[smem:$0x3FB2] =	sst s0;
	s0 =	simm.s32 @!p1 $0x0  }
0x14: {  	s2 =	sld [smem:$0x3F96];
	s0 =	simm.s32 @p1 $0x1  }
0x15: {  	[smem:$0x3FB3] =	sst s0;
	s0 =	simm.s32 @!p2 $0x0  }
0x16: {  	s3 =	sld [smem:$0x3FDB];
	s0 =	simm.s32 @p2 $0x1  }
0x17: {  	s4 =	simm.s32 $0x1BF5;
	[smem:$0x3FB5] =	sst s0  }
0x18: {  	s0 =	sld [smem:$0x3F98];
	_ =	swait.ge [sflag:s4], $0x0  }
0x19: {  	s7 =	sld [smem:$0x3F99]  }
0x1a: {  	s8 =	sadd.s32 $0xFFFFE003, lr  }
0x1b: {  	s9 =	sadd.s32 $0xFFFFFEF7, lr;
	s5 =	simm.s32 $0xFFFFFFFF;
	p2 =	slt.u32 s8, $0xFFFFF086  }
0x1c: {  	p1 =	slt.u32 s9, $0xF7A;
	s5 =	simm.s32 @!p2 $0x0  }
0x1d: {  	s5 =	simm.s32 @p1 $0x1;
	p0 =	seq.s32 s7, s2  }
0x1e: {  	s7 =	smul.u32 @!p0 $0xF7A, s2;
	p2 =	seq.s32 @!p0 s5, $0x0  }
0x1f: {  	s9 =	smul.u32 $0xF7A, s1;
	s8 =	simm.s32 @!p0 $0x1BF5;
	p2 =	por !p2, p0  }
0x20: {  	[sflag:s8] =	ssyncset.s32 @!p0 $0xFFFFF086;
	s6 =	sadd.s32 @!p0 s3, s7;
	s7 =	simm.s32 @!p0 $0x108  }
0x21: {  	s3 =	sadd.s32 s3, s9;
	s6 =	sadd.s32 @!p0 $0x88, s6;
	s7 =	simm.s32 @p2 $0x1082  }
0x22: {  	[simem:s7], [sflag:s8] =	dma.local @!p0 [hbm:s6], $0xF7A  }
0x23: {  	s9 =	sor.u32 $0xD0000000, s2;
	s6 =	simm.s32 $0x108;
	_ =	swait.ge @!p0 [sflag:s8], $0x0  }
0x24: {  	s3 =	sadd.s32 $0x88, s3;
	s6 =	simm.s32 @!p1 $0x1082;
	[sflag:s4] =	ssyncset.s32 $0xFFFFF086  }
0x25: {  	[simem:s6], [sflag:s4] =	dma.local [hbm:s3], $0xF7A  }
0x26: {  	[smem:$0x3F99] =	sst s1;
	(tag) =	ssettag s2;
	_ =	strace s9  }
0x27: {  	s1 =	sld [smem:$0x3FA9]  }
0x28: {  	s2 =	sld [smem:$0x3FAA]  }
0x29: {  	s4 =	sld [smem:$0x3FAC]  }
0x2a: {  	p0 =	seq.s32 s5, $0x0;
	s5 =	sld [smem:$0x3FAD]  }
0x2b: {  	s6 =	sld [smem:$0x3FAE]  }
0x2c: {  	s7 =	sld [smem:$0x3FAF]  }
0x2d: {  	s3 =	simm.s32 $0x108;
	s8 =	sld [smem:$0x3FB0]  }
0x2e: {  	s3 =	simm.s32 @!p0 $0x1082;
	s9 =	sld [smem:$0x3FB1]  }
0x2f: {  	lr =	sadd.s32 s0, s3;
	s0 =	sld [smem:$0x3FA8]  }
0x30: {  	s3 =	sld [smem:$0x3FAB]  }
0x31: {  	[smem:$0x3FB4] =	sst s10  }
0x32: {  	s10 =	sld [smem:$0x3FB2];
	_ =	sdelay $0x3  }
0x33: {  	p0 =	seq.s32 s10, $0x1;
	s10 =	sld [smem:$0x3FB4];
	_ =	sdelay $0x3  }
0x34: {  	[smem:$0x3FB4] =	sst s10  }
0x35: {  	s10 =	sld [smem:$0x3FB3];
	_ =	sdelay $0x3  }
0x36: {  	p1 =	seq.s32 s10, $0x1;
	s10 =	sld [smem:$0x3FB4];
	_ =	sdelay $0x3  }
0x37: {  	[smem:$0x3FB4] =	sst s10  }
0x38: {  	s10 =	sld [smem:$0x3FB5]  }
0x39: {  	_ = 	snop;
	(pc) =	sbr.ind lr, $3  }
0x3a: {  	_ = 	snop  }
0x3b: {  	_ = 	snop  }
0x3c: {  	p2 =	seq.s32 s10, $0x1;
	s10 =	sld [smem:$0x3FB4]  }
0x3d: {  	_ =	shalt  }
0x3e: {  	_ =	shalt  }
0x3f: {  	_ =	shalt  }
0x40: {  	_ =	shalt  }
0x41: {  	_ =	shalt  }
0x42: {  	_ =	shalt  }
0x43: {  	_ =	shalt  }
0x44: {  	_ =	shalt  }
0x45: {  	_ =	shalt  }
0x46: {  	_ =	shalt  }
0x47: {  	_ =	shalt  }
0x48: {  	_ =	shalt  }
0x49: {  	_ =	shalt  }
0x4a: {  	_ =	shalt  }
0x4b: {  	_ =	shalt  }
0x4c: {  	_ =	shalt  }
0x4d: {  	_ =	shalt  }
0x4e: {  	_ =	shalt  }
0x4f: {  	_ =	shalt  }
0x50: {  	_ =	shalt  }
0x51: {  	_ =	shalt  }
0x52: {  	_ =	shalt  }
0x53: {  	_ =	shalt  }
0x54: {  	_ =	shalt  }
0x55: {  	_ =	shalt  }
0x56: {  	_ =	shalt  }
0x57: {  	_ =	shalt  }
0x58: {  	_ =	shalt  }
0x59: {  	_ =	shalt  }
0x5a: {  	_ =	shalt  }
0x5b: {  	_ =	shalt  }
0x5c: {  	_ =	shalt  }
0x5d: {  	_ =	shalt  }
0x5e: {  	_ =	shalt  }
0x5f: {  	_ =	shalt  }
0x60: {  	_ =	shalt  }
0x61: {  	_ =	shalt  }
0x62: {  	_ =	shalt  }
0x63: {  	_ =	shalt  }
0x64: {  	_ =	shalt  }
0x65: {  	_ =	shalt  }
0x66: {  	_ =	shalt  }
0x67: {  	_ =	shalt  }
0x68: {  	_ =	shalt  }
0x69: {  	_ =	shalt  }
0x6a: {  	_ =	shalt  }
0x6b: {  	_ =	shalt  }
0x6c: {  	_ =	shalt  }
0x6d: {  	_ =	shalt  }
0x6e: {  	_ =	shalt  }
0x6f: {  	_ =	shalt  }
0x70: {  	_ =	shalt  }
0x71: {  	_ =	shalt  }
0x72: {  	_ =	shalt  }
0x73: {  	_ =	shalt  }
0x74: {  	_ =	shalt  }
0x75: {  	_ =	shalt  }
0x76: {  	_ =	shalt  }
0x77: {  	_ =	shalt  }
0x78: {  	_ =	shalt  }
0x79: {  	_ =	shalt  }
0x7a: {  	_ =	shalt  }
0x7b: {  	_ =	shalt  }
0x7c: {  	_ =	shalt  }
0x7d: {  	_ =	shalt  }
0x7e: {  	_ =	shalt  }
0x7f: {  	_ =	shalt  }
0x80: {  	_ =	shalt  }
0x81: {  	_ =	shalt  }
0x82: {  	_ =	shalt  }
0x83: {  	_ =	shalt  }
0x84: {  	_ =	shalt  }
0x85: {  	_ =	shalt  }
0x86: {  	_ =	shalt  }
0x87: {  	_ =	shalt  }
.Lfunc_end0:
.L_simem_size_0:
called_computation.1_lowered:
.L_overlay_start_0:
0x88: {  	s2 =	sld [smem:$0x3FD9]  }
0x89: {  	s3 =	sld [smem:$0x3FFE];
	_ =	sdelay $0x1  }
0x8a: {  	s1 =	srdreg.scid  }
0x8b: {  	s0 =	sand.u32 $0x1, s1  }
0x8c: {  	s16 =	sshll.u32 s0, $0xA;
	s2 =	sadd.s32 s3, s2  }
0x8d: {  	s2 =	sadd.s32 s2, s16  }
0x8e: {  	[smem:$0x3FC0] =	sst s2  }
0x8f: {  	_ = 	snop  }
0x90: {  	(tm) =	ssettm $0x1  }
0x91: {  	s17 =	sld [smem:$0x3FFB];
	_ =	sdelay $0x3  }
0x92: {  	_ =	strace s17  }
0x93: {  	s2 =	sld [smem:$0x3FFC];
	_ =	sdelay $0x3  }
0x94: {  	_ =	strace s2  }
0x95: {  	s2 =	sld [smem:$0x3FFD];
	_ =	sdelay $0x3  }
0x96: {  	_ =	strace s2  }
0x97: {  	_ =	strace $0x8FFFFFFF  }
0x98: {  	s18 =	sld [smem:$0x3FDB];
	_ =	sdelay $0x1  }
0x99: {  	s19 =	simm.s32 $_scs_section_size  }
0x9a: {  	s4 =	simm.s32 $_size__tile_overlayer_lowered;
	s5 =	simm.s32 $_tile_overlayer_lowered  }
0x9b: {  	s22 =	simm.s32 $0x1BFF;
	s21 =	sshll.u32 s5, $0x1;
	s2 =	sadd.s32 s19, s18  }
0x9c: {  	s6 =	simm.s32 $0x0;
	s20 =	sshll.u32 s4, $0x1;
	s4 =	sadd.s32 s21, s2  }
0x9d: {  	[timem:s6], [sflag:s22] =	dma.local [hbm:s4], s20  }
0x9e: {  	_ =	swait.ge [sflag:s22], s20  }
0x9f: {  	s3 =	ssub.s32 $0x0, s20;
	[sflag:s22] =	ssyncset.done $0x0  }
0xa0: {  	[sflag:s22] =	ssyncadd.s32 s3;
	_ =	sdelay $0x1  }
0xa1: {  	s23 =	simm.s32 $0x1B8B  }
0xa2: {  	_ =	swait.ge [sflag:s23], $0x1  }
0xa3: {  	[sflag:s23] =	ssyncset.done $0x0  }
0xa4: {  	s25 =	simm.s32 $0x1B8E;
	s24 =	sld [smem:$0x3FFE];
	[sflag:s23] =	ssyncadd.s32 $0xFFFFFFFF  }
0xa5: {  	s26 =	simm.s32 $execute0_lowered;
	[smem:$0x3FD2] =	sst s25  }
0xa6: {  	s4 =	sshll.u32 s26, $0x1;
	_ =	strace $0x80000049;
	[dreg:$0x1] =	wrdreg $0xFFFFFFFF  }
0xa7: {  	s28 =	simm.s32 $_size_execute0_lowered;
	s2 =	sadd.s32 s2, s4;
	[dreg:$0x0] =	wrdreg $0x0  }
0xa8: {  	s4 =	sshll.u32 s28, $0x1;
	[dreg:$0x2] =	wrdreg s2  }
0xa9: {  	[dreg:$0x3] =	wrdreg s4  }
0xaa: {  	[dreg:$0x4] =	wrdreg $0xC0  }
0xab: {  	_ =	task [dreg:s6], $0x5FFFF  }
0xac: {  	[dreg:$0x1] =	wrdreg $0xFFFFFFFF  }
0xad: {  	[dreg:$0x0] =	wrdreg $0x60  }
0xae: {  	[dreg:$0x2] =	wrdreg s24  }
0xaf: {  	[dreg:$0x3] =	wrdreg $0x130000  }
0xb0: {  	[dreg:$0x4] =	wrdreg $0x9  }
0xb1: {  	_ =	task.clear_ibuf [dreg:s6], $0x5FFFF;
	_ =	strace $0x90000049  }
0xb2: {  	s29 =	simm.s32 $0x9;
	_ =	strace $0x8000004B  }
0xb3: {  	_ =	swait.ge [sflag:s29], $0x1  }
0xb4: {  	[sflag:s29] =	ssyncadd.s32 $0xFFFFFFFF  }
0xb5: {  	_ =	strace $0x9000004B  }
0xb6: {  	_ =	sfence  }
0xb7: {  	s30 =	sld [smem:$0x0];
	_ =	sdelay $0x2  }
0xb8: {  	s31 =	sshll.u32 s1, $0xD;
	s1 =	sshrl.u32 s1, $0x2  }
0xb9: {  	s3 =	sand.u32 $0x4000, s31;
	s1 =	sadd.s32 s1, s30  }
0xba: {  	s0 =	sor.u32 s3, s0;
	s1 =	sshll.u32 s1, $0x11  }
0xbb: {  	s0 =	sor.u32 s1, s0  }
0xbc: {  	s0 =	sadd.s32 $0x8F2B, s0  }
0xbd: {  	[sflag:s0] =	ssyncadd.remote.s32 $0x1  }
0xbe: {  	_ =	sfence.sel $0xFFFF  }
0xbf: {  	[dreg:$0x0] =	wrdreg $0xFFFFFFFF;
	(pc) =	sbr.abs _section_cstart, $3  }
0xc0: {  	[dreg:$0x1] =	wrdreg $0xFFFFFFFF  }
0xc1: {  	_ =	task.clear_ibuf [dreg:s6], $0x2FFFF;
	_ =	strace $0x9FFFFFFF  }
0xc2: {  	(tm) =	ssettm $0x7FFFFFFF  }
0xc3: {  	_ =	shalt  }
tec
execute0_lowered:
.L_overlay_start_1:
0x0: {  	(tag) =	ssettag $0x1  }
0x1: {  	s6 =	rddreg [dreg:$0x0]  }
0x2: {  	s0 =	stileid.u32;
	s1 =	srdreg.scid  }
0x3: {  	s2 =	rddreg [dreg:$0x1];
	s3 =	simm.s32 $0x0;
	s15 =	simm.s32 $0x80  }
0x4: {  	s16 =	simm.s32 $0xF000;
	s17 =	simm.s32 $0x1;
	s4 =	smul.u32 $0xA00, s0  }
0x5: {  	s8 =	sand.u32 $0x1, s1;
	s1 =	rddreg [dreg:$0x2];
	s7 =	smul.u32 $0xA000, s0  }
0x6: {  	s18 =	simm.s32 $0x0;
	[smem:$0x7FF] =	sst s3;
	s11 =	smul.u32 $0x28000, s0  }
0x7: {  	s31 =	sshll.u32 s0, $0x6;
	s5 =	smul.u32 $0x140000, s8;
	_ =	strace $0x8000004A  }
0x8: {  	s10 =	ssub.s32 $0x2, s8;
	s13 =	smul.u32 $0x2710, s8;
	s9 =	sadd.s32 s4, s6  }
0x9: {  	s4 =	sadd.s32 $0x18600, s6;
	s30 =	sshrl.u32 s10, $0x1;
	s11 =	sshrl.u32 s11, $0x2  }
0xa: {  	s5 =	sadd.s32 s7, s5;
	s10 =	ssub.s32 s10, s30;
	s14 =	sadd.s32 s11, s2  }
0xb: {  	v8 =	vlaneseq.u32;
	v0 =	vmov s13;
	s11 =	simm.s32 $0x2;
	s13 =	sor.u32 $0x1C02, s31;
	s7 =	sshrl.u32 s5, $0x3  }
0xc: {  	v1 =	vor.u32 $0x1400, v8;
	v2 =	vor.u32 $0x1410, v8;
	s5 =	sadd.s32 $0x17200, s6;
	s10 =	smax.u32 s10, $0x1;
	s14 =	sshrl.u32 s14, $0x3  }
0xd: {  	v3 =	vor.u32 $0x1420, v8;
	v4 =	vor.u32 $0x1430, v8;
	v5 =	vor.u32 $0x1440, v8;
	s12 =	sadd.s32 s7, s6;
	s6 =	sadd.s32 $0x3200, s9;
	s7 =	sadd.s32 $0xD200, s9  }
0xe: {  	v6 =	vor.u32 $0x1450, v8;
	v7 =	vor.u32 $0x1460, v8;
	v8 =	vor.u32 $0x1470, v8;
	s8 =	sadd.s32 $0xB6800, s12;
	s9 =	sadd.s32 $0xCA800, s12;
	s12 =	simm.s32 $0x5000  }
.LBB2_1:
0xf: {  	[tilespmem:s3], [sflag:$0x2] =	stream.linear.gather [hbm4b:s6+s3], $0x5000, $0x38;
	[tilespmem:$0x1D400] =	vst v63  }
0x10: {  	_ =	swait.ge [sflag:s11], $0x5000  }
0x11: {  	[sflag:s11] =	ssyncset.done $0x0  }
0x12: {  	[sflag:s11] =	ssyncadd.s32 $0xFFFFB000  }
0x13: {  	[tilespmem:s12], [sflag:$0x2] =	stream.linear.gather [hbm4b:s7+s3], $0x5000, $0x38;
	[tilespmem:$0x1D400] =	vst v63  }
0x14: {  	_ =	swait.ge [sflag:s11], $0x5000  }
0x15: {  	[sflag:s11] =	ssyncset.done $0x0  }
0x16: {  	s19 =	simm.s32 $0x0;
	[sflag:s11] =	ssyncadd.s32 $0xFFFFB000  }
0x17: {  	v11 =	vld [tilespmem:s19+$0x0]  }
0x18: {  	v13 =	vld [tilespmem:s19+$0x10]  }
0x19: {  	v12 =	vld [tilespmem:s19+$0x20]  }
0x1a: {  	v10 =	vld [tilespmem:s19+$0x30]  }
0x1b: {  	v9 =	vld [tilespmem:s19+$0x40]  }
0x1c: {  	v14 =	vadd.s32 v0, v11;
	v11 =	vld [tilespmem:s19+$0x50]  }
0x1d: {  	s20 =	simm.s32 $0x200;
	[tilespmem:s19+$0x0] =	vst v14;
	v14 =	vadd.s32 v0, v13;
	v13 =	vld [tilespmem:s19+$0x60]  }
.LBB2_2:
0x1e: {  	s21 =	sshra.s32 s20, $0x2;
	p0 =	sne.s32 s20, $0x13E00;
	[tilespmem:s19+$0x10] =	vst v14;
	v12 =	vadd.s32 v0, v12;
	v14 =	vld [tilespmem:s19+$0x70]  }
0x1f: {  	v15 =	vld [tilespmem:s21+$0x0];
	[tilespmem:s19+$0x20] =	vst v12;
	v10 =	vadd.s32 v0, v10  }
0x20: {  	v16 =	vld [tilespmem:s21+$0x10];
	[tilespmem:s19+$0x30] =	vst v10;
	v9 =	vadd.s32 v0, v9  }
.Ltmp0:
0x21: {  	v12 =	vld [tilespmem:s21+$0x20];
	[tilespmem:s19+$0x40] =	vst v9;
	v9 =	vadd.s32 v0, v11;
	(pc) =	sbr.rel @p0 .LBB2_2-.Ltmp0, $4  }
0x22: {  	v10 =	vld [tilespmem:s21+$0x30];
	[tilespmem:s19+$0x50] =	vst v9;
	v11 =	vadd.s32 v0, v13  }
0x23: {  	v9 =	vld [tilespmem:s21+$0x40];
	[tilespmem:s19+$0x60] =	vst v11;
	v13 =	vadd.s32 v0, v14  }
0x24: {  	v14 =	vadd.s32 v0, v15;
	v11 =	vld [tilespmem:s21+$0x50];
	[tilespmem:s19+$0x70] =	vst v13;
	s19 =	smov.u32 s21  }
0x25: {  	s20 =	sadd.s32 $0x200, s20;
	[tilespmem:s19+$0x0] =	vst v14;
	v14 =	vadd.s32 v0, v16;
	v13 =	vld [tilespmem:s19+$0x60]  }
0x26: {  	[tilespmem:s19+$0x10] =	vst v14;
	v12 =	vadd.s32 v0, v12;
	v14 =	vld [tilespmem:s19+$0x70]  }
0x27: {  	[tilespmem:s19+$0x20] =	vst v12;
	v10 =	vadd.s32 v0, v10  }
0x28: {  	[tilespmem:s19+$0x30] =	vst v10;
	v9 =	vadd.s32 v0, v9  }
0x29: {  	[tilespmem:s19+$0x40] =	vst v9;
	v9 =	vadd.s32 v0, v11  }
0x2a: {  	[tilespmem:s19+$0x50] =	vst v9;
	v9 =	vadd.s32 v0, v13  }
0x2b: {  	[tilespmem:s19+$0x60] =	vst v9;
	v9 =	vadd.s32 v0, v14  }
0x2c: {  	s20 =	simm.s32 $0x0;
	[tilespmem:s19+$0x70] =	vst v9  }
0x2d: {  	v11 =	vld [tilespmem:s20+$0x5070]  }
0x2e: {  	v15 =	vld [tilespmem:s20+$0x5000]  }
0x2f: {  	v14 =	vld [tilespmem:s20+$0x5010]  }
0x30: {  	v13 =	vld [tilespmem:s20+$0x5020]  }
0x31: {  	v12 =	vld [tilespmem:s20+$0x5030]  }
0x32: {  	v10 =	vld [tilespmem:s20+$0x5040];
	vm0 =	vgt.u32 v11, $0x13FF  }
0x33: {  	v9 =	vld [tilespmem:s20+$0x5050];
	vm1 =	vgt.u32 v15, $0x13FF;
	v16 =	vsel vm0, v8, v11  }
0x34: {  	s21 =	simm.s32 $0x400;
	s19 =	simm.s32 $0x80;
	v11 =	vld [tilespmem:s20+$0x5060];
	v15 =	vsel vm1, v1, v15;
	vm0 =	vgt.u32 v14, $0x13FF;
	[tilespmem:s20+$0xA070] =	vst v16  }
.LBB2_4:
0x35: {  	p0 =	sne.s32 s21, $0x13E00;
	v16 =	vld [tilespmem:s19+$0x5070];
	[tilespmem:s20+$0xA000] =	vst v15;
	v14 =	vsel vm0, v2, v14;
	vm0 =	vgt.u32 v13, $0x13FF  }
0x36: {  	v15 =	vld [tilespmem:s19+$0x5000];
	[tilespmem:s20+$0xA010] =	vst v14;
	v13 =	vsel vm0, v3, v13;
	vm0 =	vgt.u32 v12, $0x13FF  }
0x37: {  	v14 =	vld [tilespmem:s19+$0x5010];
	[tilespmem:s20+$0xA020] =	vst v13;
	v12 =	vsel vm0, v4, v12;
	vm0 =	vgt.u32 v10, $0x13FF  }
.Ltmp1:
0x38: {  	v13 =	vld [tilespmem:s19+$0x5020];
	[tilespmem:s20+$0xA030] =	vst v12;
	v10 =	vsel vm0, v5, v10;
	vm0 =	vgt.u32 v9, $0x13FF;
	(pc) =	sbr.rel @p0 .LBB2_4-.Ltmp1, $4  }
0x39: {  	v12 =	vld [tilespmem:s19+$0x5030];
	[tilespmem:s20+$0xA040] =	vst v10;
	v9 =	vsel vm0, v6, v9;
	vm0 =	vgt.u32 v11, $0x13FF  }
0x3a: {  	v10 =	vld [tilespmem:s19+$0x5040];
	vm1 =	vgt.u32 v16, $0x13FF;
	[tilespmem:s20+$0xA050] =	vst v9;
	v11 =	vsel vm0, v7, v11  }
0x3b: {  	vm0 =	vgt.u32 v15, $0x13FF;
	v9 =	vld [tilespmem:s19+$0x5050];
	v16 =	vsel vm1, v8, v16;
	[tilespmem:s20+$0xA060] =	vst v11;
	s20 =	smov.u32 s19  }
0x3c: {  	s19 =	sshra.s32 s21, $0x2;
	s21 =	sadd.s32 $0x200, s21;
	v15 =	vsel vm0, v1, v15;
	vm0 =	vgt.u32 v14, $0x13FF;
	v11 =	vld [tilespmem:s20+$0x5060];
	[tilespmem:s20+$0xA070] =	vst v16  }
0x3d: {  	v16 =	vld [tilespmem:s19+$0x5070];
	[tilespmem:s20+$0xA000] =	vst v15;
	v14 =	vsel vm0, v2, v14;
	vm4 =	vgt.u32 v13, $0x13FF  }
0x3e: {  	v15 =	vld [tilespmem:s19+$0x5000];
	[tilespmem:s20+$0xA010] =	vst v14;
	v13 =	vsel vm4, v3, v13;
	vm5 =	vgt.u32 v12, $0x13FF  }
0x3f: {  	v14 =	vld [tilespmem:s19+$0x5010];
	[tilespmem:s20+$0xA020] =	vst v13;
	v12 =	vsel vm5, v4, v12;
	vm6 =	vgt.u32 v10, $0x13FF  }
0x40: {  	v13 =	vld [tilespmem:s19+$0x5020];
	[tilespmem:s20+$0xA030] =	vst v12;
	v10 =	vsel vm6, v5, v10;
	vm7 =	vgt.u32 v9, $0x13FF  }
0x41: {  	v12 =	vld [tilespmem:s19+$0x5030];
	[tilespmem:s20+$0xA040] =	vst v10;
	v9 =	vsel vm7, v6, v9;
	vm8 =	vgt.u32 v11, $0x13FF  }
0x42: {  	v10 =	vld [tilespmem:s19+$0x5040];
	[tilespmem:s20+$0xA050] =	vst v9;
	v9 =	vsel vm8, v7, v11;
	vm9 =	vgt.u32 v16, $0x13FF  }
0x43: {  	v11 =	vld [tilespmem:s19+$0x5050];
	[tilespmem:s20+$0xA060] =	vst v9;
	vm1 =	vgt.u32 v15, $0x13FF;
	v9 =	vsel vm9, v8, v16  }
0x44: {  	v63 =	vld [tilespmem:s19+$0x5060];
	v15 =	vsel vm1, v1, v15;
	vm10 =	vgt.u32 v14, $0x13FF;
	[tilespmem:s19+$0xA070] =	vst v9  }
0x45: {  	[tilespmem:s19+$0xA000] =	vst v15;
	v9 =	vsel vm10, v2, v14;
	vm11 =	vgt.u32 v13, $0x13FF  }
0x46: {  	[tilespmem:s19+$0xA010] =	vst v9;
	v9 =	vsel vm11, v3, v13;
	vm12 =	vgt.u32 v12, $0x13FF  }
0x47: {  	[tilespmem:s19+$0xA020] =	vst v9;
	v9 =	vsel vm12, v4, v12;
	vm13 =	vgt.u32 v10, $0x13FF  }
0x48: {  	[tilespmem:s19+$0xA030] =	vst v9;
	v9 =	vsel vm13, v5, v10;
	vm14 =	vgt.u32 v11, $0x13FF  }
0x49: {  	[tilespmem:s19+$0xA040] =	vst v9;
	v9 =	vsel vm14, v6, v11;
	vm15 =	vgt.u32 v63, $0x13FF  }
0x4a: {  	[tilespmem:s19+$0xA050] =	vst v9;
	v9 =	vsel vm15, v7, v63  }
0x4b: {  	[tilespmem:s19+$0xA060] =	vst v9  }
0x4c: {  	[spmem:s14], [sflag:s13] =	dma.local [hbm:s5], $0x1400  }
0x4d: {  	_ =	swait.ge [sflag:s11], $0x1400  }
0x4e: {  	[sflag:s11] =	ssyncset.done $0x0  }
0x4f: {  	[sflag:s11] =	ssyncadd.s32 $0xFFFFEC00  }
0x50: {  	s30 =	simm.s32 $0x0;
	[bflag:$0x0] =	sbarrier.arrive $0xFFFF  }
0x51: {  	[tilespmem:s16], [sflag:$0x1] =	stream.indirect.gather [hbm4b:s4+s15], $0x80, s30, s15, $0xb8;
	[tilespmem:$0x1D400] =	vst v63  }
0x52: {  	_ =	swait.ge [sflag:s17], $0x4000  }
0x53: {  	[sflag:s17] =	ssyncset.done $0x0  }
0x54: {  	s31 =	simm.s32 $0xA000;
	[sflag:s17] =	ssyncadd.s32 $0xFFFFC000  }
0x55: {  	[spmem:s2] =	stream.indirect.scatter.add.f32 [tilespmem:s16], [sflag:$0x2], $0x80, s31, s15, $0xb8;
	[tilespmem:$0x1D400] =	vst v63  }
0x56: {  	_ =	swait.ge [sflag:s11], $0x4000  }
0x57: {  	s20 =	simm.s32 $0x400;
	s19 =	simm.s32 $0x200;
	[sflag:s11] =	ssyncset.done $0x0  }
.LBB2_6:
0x58: {  	s21 =	sshra.s32 s19, $0x2  }
0x59: {  	[sflag:s11] =	ssyncadd.s32 $0xFFFFC000;
	s19 =	smov.u32 s20;
	s22 =	sadd.s32 $0x200, s20  }
0x5a: {  	[tilespmem:s16], [sflag:$0x1] =	stream.indirect.gather [hbm4b:s4+s15], $0x80, s21, s15, $0xb8;
	[tilespmem:$0x1D400] =	vst v63  }
0x5b: {  	p0 =	sne.s32 s20, $0x13E00;
	_ =	swait.ge [sflag:s17], $0x4000  }
.Ltmp2:
0x5c: {  	[sflag:s17] =	ssyncset.done $0x0;
	(pc) =	sbr.rel @p0 .LBB2_6-.Ltmp2, $4  }
0x5d: {  	s20 =	sadd.s32 $0xA000, s21;
	[sflag:s17] =	ssyncadd.s32 $0xFFFFC000  }
0x5e: {  	[spmem:s2] =	stream.indirect.scatter.add.f32 [tilespmem:s16], [sflag:$0x2], $0x80, s20, s15, $0xb8;
	[tilespmem:$0x1D400] =	vst v63  }
0x5f: {  	_ =	swait.ge [sflag:s11], $0x4000  }
0x60: {  	s20 =	smov.u32 s22;
	[sflag:s11] =	ssyncset.done $0x0  }
0x61: {  	s19 =	sshra.s32 s19, $0x2;
	[sflag:s11] =	ssyncadd.s32 $0xFFFFC000  }
0x62: {  	[tilespmem:s16], [sflag:$0x1] =	stream.indirect.gather [hbm4b:s4+s15], $0x80, s19, s15, $0xb8;
	[tilespmem:$0x1D400] =	vst v63  }
0x63: {  	_ =	swait.ge [sflag:s17], $0x4000  }
0x64: {  	[sflag:s17] =	ssyncset.done $0x0  }
0x65: {  	s19 =	sadd.s32 $0xA000, s19;
	[sflag:s17] =	ssyncadd.s32 $0xFFFFC000  }
0x66: {  	[spmem:s2] =	stream.indirect.scatter.add.f32 [tilespmem:s16], [sflag:$0x2], $0x80, s19, s15, $0xb8;
	[tilespmem:$0x1D400] =	vst v63  }
0x67: {  	_ =	swait.ge [sflag:s11], $0x4000  }
0x68: {  	[sflag:s11] =	ssyncset.done $0x0  }
0x69: {  	[sflag:s11] =	ssyncadd.s32 $0xFFFFC000  }
0x6a: {  	[bflag:$0x0] =	sbarrier.arrive $0xFFFF  }
0x6b: {  	[hbm:s8], [sflag:s13] =	dma.local [spmem:s14], $0x1400  }
0x6c: {  	_ =	swait.ge [sflag:s11], $0x1400  }
0x6d: {  	[sflag:s11] =	ssyncset.done $0x0  }
0x6e: {  	s20 =	simm.s32 $0x0;
	[sflag:s11] =	ssyncadd.s32 $0xFFFFEC00  }
0x6f: {  	v9 =	vld [tilespmem:s20+$0x5070]  }
0x70: {  	v11 =	vld [tilespmem:s20+$0x5010]  }
0x71: {  	v13 =	vld [tilespmem:s20+$0x5030];
	_ =	sdelay $0x1  }
0x72: {  	v10 =	vld [tilespmem:s20+$0x5000]  }
0x73: {  	v12 =	vld [tilespmem:s20+$0x5020]  }
0x74: {  	v14 =	vld [tilespmem:s20+$0x5040];
	v15 =	vadd.s32 $0xFFFFD800, v9;
	v9 =	vadd.s32 $0xFFFFEC00, v9;
	v17 =	vadd.s32 $0xFFFFD800, v11  }
0x75: {  	v16 =	vld [tilespmem:s20+$0x5050];
	v11 =	vadd.s32 $0xFFFFEC00, v11;
	v19 =	vadd.s32 $0xFFFFD800, v13;
	vm0 =	vlt.u32 v15, $0xFFFFEC00  }
0x76: {  	v13 =	vadd.s32 $0xFFFFEC00, v13;
	v15 =	vld [tilespmem:s20+$0x5060];
	vm1 =	vlt.u32 v17, $0xFFFFEC00;
	v9 =	vsel vm0, v8, v9  }
0x77: {  	vm3 =	vlt.u32 v19, $0xFFFFEC00;
	v11 =	vsel vm1, v2, v11;
	[tilespmem:s20+$0xA070] =	vst v9;
	v9 =	vadd.s32 $0xFFFFD800, v10  }
0x78: {  	s19 =	simm.s32 $0x80;
	vm0 =	vlt.u32 v9, $0xFFFFEC00;
	v9 =	vadd.s32 $0xFFFFEC00, v10;
	v10 =	vadd.s32 $0xFFFFD800, v12  }
0x79: {  	v63 =	vsel vm3, v4, v13;
	v18 =	vld [tilespmem:s19+$0x5070];
	v12 =	vadd.s32 $0xFFFFEC00, v12;
	vm2 =	vlt.u32 v10, $0xFFFFEC00  }
0x7a: {  	v17 =	vld [tilespmem:s19+$0x5000];
	v10 =	vadd.s32 $0xFFFFD800, v14;
	v21 =	vsel vm0, v1, v9;
	v14 =	vadd.s32 $0xFFFFEC00, v14  }
0x7b: {  	v20 =	vld [tilespmem:s19+$0x5010];
	vm0 =	vlt.u32 v10, $0xFFFFEC00;
	v10 =	vadd.s32 $0xFFFFD800, v16;
	v62 =	vadd.s32 $0xFFFFD800, v15  }
0x7c: {  	v19 =	vld [tilespmem:s19+$0x5020];
	v16 =	vadd.s32 $0xFFFFEC00, v16;
	v15 =	vadd.s32 $0xFFFFEC00, v15;
	v12 =	vsel vm2, v3, v12  }
0x7d: {  	v9 =	vld [tilespmem:s19+$0x5030];
	[tilespmem:s20+$0xA000] =	vst v21;
	vm4 =	vlt.u32 v10, $0xFFFFEC00;
	vm1 =	vlt.u32 v62, $0xFFFFEC00;
	v22 =	vsel vm0, v5, v14  }
0x7e: {  	v10 =	vld [tilespmem:s19+$0x5040];
	[tilespmem:s20+$0xA010] =	vst v11;
	v23 =	vsel vm4, v6, v16;
	v13 =	vsel vm1, v7, v15;
	v14 =	vadd.s32 $0xFFFFD800, v18  }
0x7f: {  	v11 =	vld [tilespmem:s19+$0x5050];
	[tilespmem:s20+$0xA020] =	vst v12;
	v15 =	vadd.s32 $0xFFFFD800, v17;
	v16 =	vadd.s32 $0xFFFFEC00, v18;
	vm1 =	vlt.u32 v14, $0xFFFFEC00  }
0x80: {  	v12 =	vld [tilespmem:s19+$0x5060];
	[tilespmem:s20+$0xA030] =	vst v63;
	vm0 =	vlt.u32 v15, $0xFFFFEC00;
	v15 =	vadd.s32 $0xFFFFD800, v20;
	v16 =	vsel vm1, v8, v16  }
0x81: {  	v14 =	vadd.s32 $0xFFFFEC00, v17;
	v17 =	vadd.s32 $0xFFFFD800, v19;
	vm1 =	vlt.u32 v15, $0xFFFFEC00;
	[tilespmem:s19+$0xA070] =	vst v16  }
0x82: {  	v15 =	vadd.s32 $0xFFFFEC00, v20;
	vm2 =	vlt.u32 v17, $0xFFFFEC00;
	v17 =	vadd.s32 $0xFFFFD800, v9;
	[tilespmem:s20+$0xA040] =	vst v22  }
0x83: {  	s21 =	simm.s32 $0x100;
	s22 =	simm.s32 $0x600;
	v16 =	vadd.s32 $0xFFFFEC00, v19;
	vm3 =	vlt.u32 v17, $0xFFFFEC00;
	v17 =	vadd.s32 $0xFFFFD800, v10;
	[tilespmem:s20+$0xA050] =	vst v23  }
.LBB2_8:
0x84: {  	p0 =	sne.s32 s22, $0x13E00;
	v18 =	vld [tilespmem:s21+$0x5070];
	v19 =	vadd.s32 $0xFFFFEC00, v9;
	vm4 =	vlt.u32 v17, $0xFFFFEC00;
	v9 =	vadd.s32 $0xFFFFD800, v11;
	[tilespmem:s20+$0xA060] =	vst v13;
	s20 =	smov.u32 s19;
	s19 =	smov.u32 s21  }
0x85: {  	v10 =	vadd.s32 $0xFFFFEC00, v10;
	v17 =	vld [tilespmem:s19+$0x5000];
	vm5 =	vlt.u32 v9, $0xFFFFEC00;
	v9 =	vadd.s32 $0xFFFFD800, v12  }
0x86: {  	v11 =	vadd.s32 $0xFFFFEC00, v11;
	v12 =	vadd.s32 $0xFFFFEC00, v12;
	v20 =	vld [tilespmem:s19+$0x5010];
	vm6 =	vlt.u32 v9, $0xFFFFEC00  }
0x87: {  	v13 =	vsel vm0, v1, v14;
	v14 =	vsel vm1, v2, v15;
	v15 =	vsel vm2, v3, v16;
	v21 =	vld [tilespmem:s19+$0x5020]  }
0x88: {  	v16 =	vsel vm3, v4, v19;
	v19 =	vsel vm4, v5, v10;
	v22 =	vsel vm5, v6, v11;
	v9 =	vld [tilespmem:s19+$0x5030];
	[tilespmem:s20+$0xA000] =	vst v13  }
0x89: {  	v13 =	vsel vm6, v7, v12;
	v10 =	vld [tilespmem:s19+$0x5040];
	v23 =	vadd.s32 $0xFFFFD800, v18;
	[tilespmem:s20+$0xA010] =	vst v14  }
.Ltmp3:
0x8a: {  	v14 =	vadd.s32 $0xFFFFEC00, v18;
	v12 =	vadd.s32 $0xFFFFD800, v17;
	v11 =	vld [tilespmem:s19+$0x5050];
	vm1 =	vlt.u32 v23, $0xFFFFEC00;
	[tilespmem:s20+$0xA020] =	vst v15;
	(pc) =	sbr.rel @p0 .LBB2_8-.Ltmp3, $4  }
0x8b: {  	vm0 =	vlt.u32 v12, $0xFFFFEC00;
	v15 =	vadd.s32 $0xFFFFD800, v20;
	v12 =	vld [tilespmem:s19+$0x5060];
	v18 =	vsel vm1, v8, v14;
	[tilespmem:s20+$0xA030] =	vst v16  }
0x8c: {  	v14 =	vadd.s32 $0xFFFFEC00, v17;
	vm1 =	vlt.u32 v15, $0xFFFFEC00;
	v16 =	vadd.s32 $0xFFFFD800, v21;
	[tilespmem:s19+$0xA070] =	vst v18  }
0x8d: {  	v15 =	vadd.s32 $0xFFFFEC00, v20;
	vm2 =	vlt.u32 v16, $0xFFFFEC00;
	v17 =	vadd.s32 $0xFFFFD800, v9;
	[tilespmem:s20+$0xA040] =	vst v19  }
0x8e: {  	s21 =	sshra.s32 s22, $0x2;
	s22 =	sadd.s32 $0x200, s22;
	v16 =	vadd.s32 $0xFFFFEC00, v21;
	vm3 =	vlt.u32 v17, $0xFFFFEC00;
	v17 =	vadd.s32 $0xFFFFD800, v10;
	[tilespmem:s20+$0xA050] =	vst v22  }
0x8f: {  	v18 =	vld [tilespmem:s21+$0x5070];
	[tilespmem:s20+$0xA060] =	vst v13  }
0x90: {  	v14 =	vsel vm0, v1, v14;
	v9 =	vadd.s32 $0xFFFFEC00, v9;
	v13 =	vld [tilespmem:s21+$0x5000]  }
0x91: {  	vm5 =	vlt.u32 v17, $0xFFFFEC00;
	v48 =	vadd.s32 $0xFFFFD800, v11;
	v15 =	vsel vm1, v2, v15;
	v19 =	vld [tilespmem:s21+$0x5010]  }
0x92: {  	v10 =	vadd.s32 $0xFFFFEC00, v10;
	v11 =	vadd.s32 $0xFFFFEC00, v11;
	v52 =	vsel vm2, v3, v16;
	v20 =	vld [tilespmem:s21+$0x5020]  }
0x93: {  	v21 =	vld [tilespmem:s21+$0x5030];
	[tilespmem:s19+$0xA000] =	vst v14;
	vm6 =	vlt.u32 v48, $0xFFFFEC00;
	v50 =	vadd.s32 $0xFFFFD800, v12;
	v51 =	vadd.s32 $0xFFFFEC00, v12  }
0x94: {  	v9 =	vsel vm3, v4, v9;
	v10 =	vsel vm5, v5, v10;
	v49 =	vld [tilespmem:s21+$0x5040];
	[tilespmem:s19+$0xA010] =	vst v15;
	v54 =	vadd.s32 $0xFFFFD800, v18  }
0x95: {  	vm7 =	vlt.u32 v50, $0xFFFFEC00;
	v53 =	vld [tilespmem:s21+$0x5050];
	[tilespmem:s19+$0xA020] =	vst v52;
	v55 =	vadd.s32 $0xFFFFEC00, v18;
	vm8 =	vlt.u32 v54, $0xFFFFEC00  }
0x96: {  	v11 =	vsel vm6, v6, v11;
	v56 =	vld [tilespmem:s21+$0x5060];
	[tilespmem:s19+$0xA030] =	vst v9;
	v9 =	vsel vm7, v7, v51;
	v15 =	vsel vm8, v8, v55  }
0x97: {  	v57 =	vadd.s32 $0xFFFFD800, v13;
	v58 =	vadd.s32 $0xFFFFD800, v19;
	v13 =	vadd.s32 $0xFFFFEC00, v13;
	[tilespmem:s21+$0xA070] =	vst v15  }
0x98: {  	v59 =	vadd.s32 $0xFFFFD800, v20;
	v60 =	vadd.s32 $0xFFFFD800, v21;
	v62 =	vadd.s32 $0xFFFFEC00, v21;
	[tilespmem:s19+$0xA040] =	vst v10  }
0x99: {  	vm9 =	vlt.u32 v57, $0xFFFFEC00;
	vm10 =	vlt.u32 v58, $0xFFFFEC00;
	vm11 =	vlt.u32 v59, $0xFFFFEC00;
	[tilespmem:s19+$0xA050] =	vst v11  }
0x9a: {  	vm12 =	vlt.u32 v60, $0xFFFFEC00;
	v10 =	vadd.s32 $0xFFFFEC00, v19;
	[tilespmem:s19+$0xA060] =	vst v9;
	v9 =	vsel vm9, v1, v13  }
0x9b: {  	v61 =	vadd.s32 $0xFFFFD800, v49;
	v11 =	vadd.s32 $0xFFFFEC00, v20;
	v10 =	vsel vm10, v2, v10;
	[tilespmem:s21+$0xA000] =	vst v9  }
0x9c: {  	vm13 =	vlt.u32 v61, $0xFFFFEC00;
	v9 =	vadd.s32 $0xFFFFD800, v53;
	v11 =	vsel vm11, v3, v11;
	[tilespmem:s21+$0xA010] =	vst v10  }
0x9d: {  	v10 =	vadd.s32 $0xFFFFEC00, v49;
	vm14 =	vlt.u32 v9, $0xFFFFEC00;
	v9 =	vsel vm12, v4, v62;
	[tilespmem:s21+$0xA020] =	vst v11  }
0x9e: {  	v63 =	vadd.s32 $0xFFFFEC00, v53;
	v11 =	vadd.s32 $0xFFFFD800, v56;
	v10 =	vsel vm13, v5, v10;
	[tilespmem:s21+$0xA030] =	vst v9  }
0x9f: {  	v9 =	vadd.s32 $0xFFFFEC00, v56;
	vm15 =	vlt.u32 v11, $0xFFFFEC00;
	v11 =	vsel vm14, v6, v63;
	[tilespmem:s21+$0xA040] =	vst v10  }
0xa0: {  	v9 =	vsel vm15, v7, v9;
	[tilespmem:s21+$0xA050] =	vst v11  }
0xa1: {  	[tilespmem:s21+$0xA060] =	vst v9  }
0xa2: {  	[spmem:s14], [sflag:s13] =	dma.local [hbm:s5], $0x1400  }
0xa3: {  	_ =	swait.ge [sflag:s11], $0x1400  }
0xa4: {  	[sflag:s11] =	ssyncset.done $0x0  }
0xa5: {  	[sflag:s11] =	ssyncadd.s32 $0xFFFFEC00  }
0xa6: {  	s30 =	simm.s32 $0x0;
	[bflag:$0x0] =	sbarrier.arrive $0xFFFF  }
0xa7: {  	[tilespmem:s16], [sflag:$0x1] =	stream.indirect.gather [hbm4b:s4+s15], $0x80, s30, s15, $0xb8;
	[tilespmem:$0x1D400] =	vst v63  }
0xa8: {  	_ =	swait.ge [sflag:s17], $0x4000  }
0xa9: {  	[sflag:s17] =	ssyncset.done $0x0  }
0xaa: {  	s31 =	simm.s32 $0xA000;
	[sflag:s17] =	ssyncadd.s32 $0xFFFFC000  }
0xab: {  	[spmem:s2] =	stream.indirect.scatter.add.f32 [tilespmem:s16], [sflag:$0x2], $0x80, s31, s15, $0xb8;
	[tilespmem:$0x1D400] =	vst v63  }
0xac: {  	_ =	swait.ge [sflag:s11], $0x4000  }
0xad: {  	s20 =	simm.s32 $0x400;
	s19 =	simm.s32 $0x200;
	[sflag:s11] =	ssyncset.done $0x0  }
.LBB2_10:
0xae: {  	s21 =	sshra.s32 s19, $0x2  }
0xaf: {  	[sflag:s11] =	ssyncadd.s32 $0xFFFFC000;
	s19 =	smov.u32 s20;
	s22 =	sadd.s32 $0x200, s20  }
0xb0: {  	[tilespmem:s16], [sflag:$0x1] =	stream.indirect.gather [hbm4b:s4+s15], $0x80, s21, s15, $0xb8;
	[tilespmem:$0x1D400] =	vst v63  }
0xb1: {  	p0 =	sne.s32 s20, $0x13E00;
	_ =	swait.ge [sflag:s17], $0x4000  }
.Ltmp4:
0xb2: {  	[sflag:s17] =	ssyncset.done $0x0;
	(pc) =	sbr.rel @p0 .LBB2_10-.Ltmp4, $4  }
0xb3: {  	s20 =	sadd.s32 $0xA000, s21;
	[sflag:s17] =	ssyncadd.s32 $0xFFFFC000  }
0xb4: {  	[spmem:s2] =	stream.indirect.scatter.add.f32 [tilespmem:s16], [sflag:$0x2], $0x80, s20, s15, $0xb8;
	[tilespmem:$0x1D400] =	vst v63  }
0xb5: {  	_ =	swait.ge [sflag:s11], $0x4000  }
0xb6: {  	s20 =	smov.u32 s22;
	[sflag:s11] =	ssyncset.done $0x0  }
0xb7: {  	s19 =	sshra.s32 s19, $0x2;
	[sflag:s11] =	ssyncadd.s32 $0xFFFFC000  }
0xb8: {  	[tilespmem:s16], [sflag:$0x1] =	stream.indirect.gather [hbm4b:s4+s15], $0x80, s19, s15, $0xb8;
	[tilespmem:$0x1D400] =	vst v63  }
0xb9: {  	_ =	swait.ge [sflag:s17], $0x4000  }
0xba: {  	[sflag:s17] =	ssyncset.done $0x0  }
0xbb: {  	s19 =	sadd.s32 $0xA000, s19;
	[sflag:s17] =	ssyncadd.s32 $0xFFFFC000  }
0xbc: {  	[spmem:s2] =	stream.indirect.scatter.add.f32 [tilespmem:s16], [sflag:$0x2], $0x80, s19, s15, $0xb8;
	[tilespmem:$0x1D400] =	vst v63  }
0xbd: {  	_ =	swait.ge [sflag:s11], $0x4000  }
0xbe: {  	s18 =	sadd.s32 $0x1, s18;
	[sflag:s11] =	ssyncset.done $0x0  }
0xbf: {  	p0 =	sne.s32 s18, s10;
	[sflag:s11] =	ssyncadd.s32 $0xFFFFC000  }
.Ltmp5:
0xc0: {  	[bflag:$0x0] =	sbarrier.arrive $0xFFFF;
	(pc) =	sbr.rel @p0 .LBB2_1-.Ltmp5, $4  }
0xc1: {  	[hbm:s9], [sflag:s13] =	dma.local [spmem:s14], $0x1400  }
0xc2: {  	_ =	swait.ge [sflag:s11], $0x1400  }
0xc3: {  	[sflag:s11] =	ssyncset.done $0x0  }
0xc4: {  	[sflag:s11] =	ssyncadd.s32 $0xFFFFEC00  }
0xc5: {  	_ =	sfence.sel $0x180000  }
0xc6: {  	[bflag:$0x0] =	sbarrier.arrive $0xFFFF  }
0xc7: {  	p0 =	sne.s32 s0, $0x0;
	_ =	strace $0x9000004A  }
0xc8: {  	s0 =	sadd.s32 @!p0 $0x100000, s1;
	[bflag:$0x2] =	sbarrier.arrive $0xFFFF  }
0xc9: {  	[sflag:s0] =	ssyncadd.tile.s32 @!p0 $0x1;
	_ =	shalt  }
.Lfunc_end2:
_tile_overlayer_lowered:
.L_overlay_start_2:
0xca: {  	(tag) =	ssettag $0x2  }
0xcb: {  	s0 =	rddreg [dreg:$0x0];
	s2 =	stileid.u32  }
0xcc: {  	s1 =	rddreg [dreg:$0x1];
	p0 =	sne.s32 s2, $0x0  }
0xcd: {  	s3 =	rddreg [dreg:$0x2];
	[bflag:$0x3] =	sbarrier.arrive $0xFFFF;
	s2 =	simm.s32 @!p0 $0x1C02  }
0xce: {  	[timem:s3], [sflag:s2] =	dma.local @!p0 [hbm:s0], s1  }
0xcf: {  	s0 =	simm.s32 @!p0 $0x2  }
0xd0: {  	_ =	swait.ge @!p0 [sflag:s0], s1  }
0xd1: {  	s1 =	ssub.s32 @!p0 $0x0, s1;
	[sflag:s0] =	ssyncset.done @!p0 $0x0  }
0xd2: {  	[sflag:s0] =	ssyncadd.s32 @!p0 s1  }
0xd3: {  	[bflag:$0x3] =	sbarrier.arrive $0xFFFF  }
0xd4: {  	_ =	shalt  }

// kernel: kernel.16.cloned.1.call-start
scs
__scs_entry_jumppad:
0x0: {  	(pc) =	sbr.rel $0x88, $3  }
0x1: {  	(tag) =	ssettag $0x0;
	lr =	simm.s32 $0x1  }
0x2: {  	[smem:$0x3F99] =	sst lr;
	_ =	strace $0xD0000000  }
0x3: {  	_ = 	snop  }
0x4: {  	_ = 	snop  }
0x5: {  	_ = 	snop  }
0x6: {  	_ = 	snop  }
0x7: {  	_ = 	snop  }
__scs_overlays_trampoline_lowered:
0x8: {  	[smem:$0x3FA8] =	sst s0  }
0x9: {  	[smem:$0x3FA9] =	sst s1  }
0xa: {  	[smem:$0x3FAA] =	sst s2  }
0xb: {  	[smem:$0x3FAB] =	sst s3  }
0xc: {  	[smem:$0x3FAC] =	sst s4  }
0xd: {  	[smem:$0x3FAD] =	sst s5  }
0xe: {  	[smem:$0x3FAE] =	sst s6  }
0xf: {  	[smem:$0x3FAF] =	sst s7  }
0x10: {  	[smem:$0x3FB0] =	sst s8  }
0x11: {  	[smem:$0x3FB1] =	sst s9;
	s0 =	simm.s32 @!p0 $0x0  }
0x12: {  	s1 =	sld [smem:$0x3F97];
	s0 =	simm.s32 @p0 $0x1  }
0x13: {  	[smem:$0x3FB2] =	sst s0;
	s0 =	simm.s32 @!p1 $0x0  }
0x14: {  	s2 =	sld [smem:$0x3F96];
	s0 =	simm.s32 @p1 $0x1  }
0x15: {  	[smem:$0x3FB3] =	sst s0;
	s0 =	simm.s32 @!p2 $0x0  }
0x16: {  	s3 =	sld [smem:$0x3FDB];
	s0 =	simm.s32 @p2 $0x1  }
0x17: {  	s4 =	simm.s32 $0x1BF5;
	[smem:$0x3FB5] =	sst s0  }
0x18: {  	s0 =	sld [smem:$0x3F98];
	_ =	swait.ge [sflag:s4], $0x0  }
0x19: {  	s7 =	sld [smem:$0x3F99]  }
0x1a: {  	s8 =	sadd.s32 $0xFFFFE003, lr  }
0x1b: {  	s9 =	sadd.s32 $0xFFFFFEF7, lr;
	s5 =	simm.s32 $0xFFFFFFFF;
	p2 =	slt.u32 s8, $0xFFFFF086  }
0x1c: {  	p1 =	slt.u32 s9, $0xF7A;
	s5 =	simm.s32 @!p2 $0x0  }
0x1d: {  	s5 =	simm.s32 @p1 $0x1;
	p0 =	seq.s32 s7, s2  }
0x1e: {  	s7 =	smul.u32 @!p0 $0xF7A, s2;
	p2 =	seq.s32 @!p0 s5, $0x0  }
0x1f: {  	s9 =	smul.u32 $0xF7A, s1;
	s8 =	simm.s32 @!p0 $0x1BF5;
	p2 =	por !p2, p0  }
0x20: {  	[sflag:s8] =	ssyncset.s32 @!p0 $0xFFFFF086;
	s6 =	sadd.s32 @!p0 s3, s7;
	s7 =	simm.s32 @!p0 $0x108  }
0x21: {  	s3 =	sadd.s32 s3, s9;
	s6 =	sadd.s32 @!p0 $0x88, s6;
	s7 =	simm.s32 @p2 $0x1082  }
0x22: {  	[simem:s7], [sflag:s8] =	dma.local @!p0 [hbm:s6], $0xF7A  }
0x23: {  	s9 =	sor.u32 $0xD0000000, s2;
	s6 =	simm.s32 $0x108;
	_ =	swait.ge @!p0 [sflag:s8], $0x0  }
0x24: {  	s3 =	sadd.s32 $0x88, s3;
	s6 =	simm.s32 @!p1 $0x1082;
	[sflag:s4] =	ssyncset.s32 $0xFFFFF086  }
0x25: {  	[simem:s6], [sflag:s4] =	dma.local [hbm:s3], $0xF7A  }
0x26: {  	[smem:$0x3F99] =	sst s1;
	(tag) =	ssettag s2;
	_ =	strace s9  }
0x27: {  	s1 =	sld [smem:$0x3FA9]  }
0x28: {  	s2 =	sld [smem:$0x3FAA]  }
0x29: {  	s4 =	sld [smem:$0x3FAC]  }
0x2a: {  	p0 =	seq.s32 s5, $0x0;
	s5 =	sld [smem:$0x3FAD]  }
0x2b: {  	s6 =	sld [smem:$0x3FAE]  }
0x2c: {  	s7 =	sld [smem:$0x3FAF]  }
0x2d: {  	s3 =	simm.s32 $0x108;
	s8 =	sld [smem:$0x3FB0]  }
0x2e: {  	s3 =	simm.s32 @!p0 $0x1082;
	s9 =	sld [smem:$0x3FB1]  }
0x2f: {  	lr =	sadd.s32 s0, s3;
	s0 =	sld [smem:$0x3FA8]  }
0x30: {  	s3 =	sld [smem:$0x3FAB]  }
0x31: {  	[smem:$0x3FB4] =	sst s10  }
0x32: {  	s10 =	sld [smem:$0x3FB2];
	_ =	sdelay $0x3  }
0x33: {  	p0 =	seq.s32 s10, $0x1;
	s10 =	sld [smem:$0x3FB4];
	_ =	sdelay $0x3  }
0x34: {  	[smem:$0x3FB4] =	sst s10  }
0x35: {  	s10 =	sld [smem:$0x3FB3];
	_ =	sdelay $0x3  }
0x36: {  	p1 =	seq.s32 s10, $0x1;
	s10 =	sld [smem:$0x3FB4];
	_ =	sdelay $0x3  }
0x37: {  	[smem:$0x3FB4] =	sst s10  }
0x38: {  	s10 =	sld [smem:$0x3FB5]  }
0x39: {  	_ = 	snop;
	(pc) =	sbr.ind lr, $3  }
0x3a: {  	_ = 	snop  }
0x3b: {  	_ = 	snop  }
0x3c: {  	p2 =	seq.s32 s10, $0x1;
	s10 =	sld [smem:$0x3FB4]  }
0x3d: {  	_ =	shalt  }
0x3e: {  	_ =	shalt  }
0x3f: {  	_ =	shalt  }
0x40: {  	_ =	shalt  }
0x41: {  	_ =	shalt  }
0x42: {  	_ =	shalt  }
0x43: {  	_ =	shalt  }
0x44: {  	_ =	shalt  }
0x45: {  	_ =	shalt  }
0x46: {  	_ =	shalt  }
0x47: {  	_ =	shalt  }
0x48: {  	_ =	shalt  }
0x49: {  	_ =	shalt  }
0x4a: {  	_ =	shalt  }
0x4b: {  	_ =	shalt  }
0x4c: {  	_ =	shalt  }
0x4d: {  	_ =	shalt  }
0x4e: {  	_ =	shalt  }
0x4f: {  	_ =	shalt  }
0x50: {  	_ =	shalt  }
0x51: {  	_ =	shalt  }
0x52: {  	_ =	shalt  }
0x53: {  	_ =	shalt  }
0x54: {  	_ =	shalt  }
0x55: {  	_ =	shalt  }
0x56: {  	_ =	shalt  }
0x57: {  	_ =	shalt  }
0x58: {  	_ =	shalt  }
0x59: {  	_ =	shalt  }
0x5a: {  	_ =	shalt  }
0x5b: {  	_ =	shalt  }
0x5c: {  	_ =	shalt  }
0x5d: {  	_ =	shalt  }
0x5e: {  	_ =	shalt  }
0x5f: {  	_ =	shalt  }
0x60: {  	_ =	shalt  }
0x61: {  	_ =	shalt  }
0x62: {  	_ =	shalt  }
0x63: {  	_ =	shalt  }
0x64: {  	_ =	shalt  }
0x65: {  	_ =	shalt  }
0x66: {  	_ =	shalt  }
0x67: {  	_ =	shalt  }
0x68: {  	_ =	shalt  }
0x69: {  	_ =	shalt  }
0x6a: {  	_ =	shalt  }
0x6b: {  	_ =	shalt  }
0x6c: {  	_ =	shalt  }
0x6d: {  	_ =	shalt  }
0x6e: {  	_ =	shalt  }
0x6f: {  	_ =	shalt  }
0x70: {  	_ =	shalt  }
0x71: {  	_ =	shalt  }
0x72: {  	_ =	shalt  }
0x73: {  	_ =	shalt  }
0x74: {  	_ =	shalt  }
0x75: {  	_ =	shalt  }
0x76: {  	_ =	shalt  }
0x77: {  	_ =	shalt  }
0x78: {  	_ =	shalt  }
0x79: {  	_ =	shalt  }
0x7a: {  	_ =	shalt  }
0x7b: {  	_ =	shalt  }
0x7c: {  	_ =	shalt  }
0x7d: {  	_ =	shalt  }
0x7e: {  	_ =	shalt  }
0x7f: {  	_ =	shalt  }
0x80: {  	_ =	shalt  }
0x81: {  	_ =	shalt  }
0x82: {  	_ =	shalt  }
0x83: {  	_ =	shalt  }
0x84: {  	_ =	shalt  }
0x85: {  	_ =	shalt  }
0x86: {  	_ =	shalt  }
0x87: {  	_ =	shalt  }
.Lfunc_end0:
.L_simem_size_0:
called_computation.2_lowered:
.L_overlay_start_0:
0x88: {  	s2 =	sld [smem:$0x3FD9]  }
0x89: {  	s3 =	sld [smem:$0x3FFE];
	_ =	sdelay $0x1  }
0x8a: {  	s1 =	srdreg.scid  }
0x8b: {  	s0 =	sand.u32 $0x1, s1  }
0x8c: {  	s16 =	sshll.u32 s0, $0xA;
	s2 =	sadd.s32 s3, s2  }
0x8d: {  	s2 =	sadd.s32 s2, s16  }
0x8e: {  	[smem:$0x3FC0] =	sst s2  }
0x8f: {  	_ = 	snop  }
0x90: {  	(tm) =	ssettm $0x1  }
0x91: {  	s17 =	sld [smem:$0x3FFB];
	_ =	sdelay $0x3  }
0x92: {  	_ =	strace s17  }
0x93: {  	s2 =	sld [smem:$0x3FFC];
	_ =	sdelay $0x3  }
0x94: {  	_ =	strace s2  }
0x95: {  	s2 =	sld [smem:$0x3FFD];
	_ =	sdelay $0x3  }
0x96: {  	_ =	strace s2  }
0x97: {  	_ =	strace $0x8FFFFFFF  }
0x98: {  	s18 =	sld [smem:$0x3FDB];
	_ =	sdelay $0x1  }
0x99: {  	s19 =	simm.s32 $_scs_section_size  }
0x9a: {  	s4 =	simm.s32 $_size__tile_overlayer_lowered;
	s5 =	simm.s32 $_tile_overlayer_lowered  }
0x9b: {  	s22 =	simm.s32 $0x1BFF;
	s21 =	sshll.u32 s5, $0x1;
	s2 =	sadd.s32 s19, s18  }
0x9c: {  	s6 =	simm.s32 $0x0;
	s20 =	sshll.u32 s4, $0x1;
	s4 =	sadd.s32 s21, s2  }
0x9d: {  	[timem:s6], [sflag:s22] =	dma.local [hbm:s4], s20  }
0x9e: {  	_ =	swait.ge [sflag:s22], s20  }
0x9f: {  	s3 =	ssub.s32 $0x0, s20;
	[sflag:s22] =	ssyncset.done $0x0  }
0xa0: {  	[sflag:s22] =	ssyncadd.s32 s3;
	_ =	sdelay $0x1  }
0xa1: {  	s23 =	simm.s32 $0x1B8B  }
0xa2: {  	_ =	swait.ge [sflag:s23], $0x1  }
0xa3: {  	[sflag:s23] =	ssyncset.done $0x0  }
0xa4: {  	s25 =	simm.s32 $0x1B8E;
	s24 =	sld [smem:$0x3FFE];
	[sflag:s23] =	ssyncadd.s32 $0xFFFFFFFF  }
0xa5: {  	s26 =	simm.s32 $execute0_lowered;
	[smem:$0x3FD2] =	sst s25  }
0xa6: {  	s4 =	sshll.u32 s26, $0x1;
	_ =	strace $0x8000004C;
	[dreg:$0x1] =	wrdreg $0xFFFFFFFF  }
0xa7: {  	s28 =	simm.s32 $_size_execute0_lowered;
	s2 =	sadd.s32 s2, s4;
	[dreg:$0x0] =	wrdreg $0x0  }
0xa8: {  	s4 =	sshll.u32 s28, $0x1;
	[dreg:$0x2] =	wrdreg s2  }
0xa9: {  	[dreg:$0x3] =	wrdreg s4  }
0xaa: {  	[dreg:$0x4] =	wrdreg $0xC0  }
0xab: {  	_ =	task [dreg:s6], $0x5FFFF  }
0xac: {  	[dreg:$0x1] =	wrdreg $0xFFFFFFFF  }
0xad: {  	[dreg:$0x0] =	wrdreg $0x60  }
0xae: {  	[dreg:$0x2] =	wrdreg s24  }
0xaf: {  	[dreg:$0x3] =	wrdreg $0x130000  }
0xb0: {  	[dreg:$0x4] =	wrdreg $0x9  }
0xb1: {  	_ =	task.clear_ibuf [dreg:s6], $0x5FFFF;
	_ =	strace $0x9000004C  }
0xb2: {  	s29 =	simm.s32 $0x9;
	_ =	strace $0x8000004E  }
0xb3: {  	_ =	swait.ge [sflag:s29], $0x1  }
0xb4: {  	[sflag:s29] =	ssyncadd.s32 $0xFFFFFFFF  }
0xb5: {  	_ =	strace $0x9000004E  }
0xb6: {  	_ =	sfence  }
0xb7: {  	s30 =	sld [smem:$0x0];
	_ =	sdelay $0x2  }
0xb8: {  	s31 =	sshll.u32 s1, $0xD;
	s1 =	sshrl.u32 s1, $0x2  }
0xb9: {  	s3 =	sand.u32 $0x4000, s31;
	s1 =	sadd.s32 s1, s30  }
0xba: {  	s0 =	sor.u32 s3, s0;
	s1 =	sshll.u32 s1, $0x11  }
0xbb: {  	s0 =	sor.u32 s1, s0  }
0xbc: {  	s0 =	sadd.s32 $0x8F2B, s0  }
0xbd: {  	[sflag:s0] =	ssyncadd.remote.s32 $0x1  }
0xbe: {  	_ =	sfence.sel $0xFFFF  }
0xbf: {  	[dreg:$0x0] =	wrdreg $0xFFFFFFFF;
	(pc) =	sbr.abs _section_cstart, $3  }
0xc0: {  	[dreg:$0x1] =	wrdreg $0xFFFFFFFF  }
0xc1: {  	_ =	task.clear_ibuf [dreg:s6], $0x2FFFF;
	_ =	strace $0x9FFFFFFF  }
0xc2: {  	(tm) =	ssettm $0x7FFFFFFF  }
0xc3: {  	_ =	shalt  }
tec
execute0_lowered:
.L_overlay_start_1:
0x0: {  	(tag) =	ssettag $0x1  }
0x1: {  	s6 =	rddreg [dreg:$0x0]  }
0x2: {  	s0 =	stileid.u32;
	s1 =	srdreg.scid  }
0x3: {  	s2 =	rddreg [dreg:$0x1];
	s3 =	simm.s32 $0x0;
	s15 =	simm.s32 $0x80  }
0x4: {  	s16 =	simm.s32 $0xF000;
	s17 =	simm.s32 $0x1;
	s4 =	smul.u32 $0xA00, s0  }
0x5: {  	s8 =	sand.u32 $0x1, s1;
	s1 =	rddreg [dreg:$0x2];
	s7 =	smul.u32 $0xA000, s0  }
0x6: {  	s18 =	simm.s32 $0x0;
	[smem:$0x7FF] =	sst s3;
	s11 =	smul.u32 $0x28000, s0  }
0x7: {  	s31 =	sshll.u32 s0, $0x6;
	s5 =	smul.u32 $0x140000, s8;
	_ =	strace $0x8000004D  }
0x8: {  	s10 =	ssub.s32 $0x2, s8;
	s13 =	smul.u32 $0x2710, s8;
	s9 =	sadd.s32 s4, s6  }
0x9: {  	s4 =	sadd.s32 $0x18600, s6;
	s30 =	sshrl.u32 s10, $0x1;
	s11 =	sshrl.u32 s11, $0x2  }
0xa: {  	s5 =	sadd.s32 s7, s5;
	s10 =	ssub.s32 s10, s30;
	s14 =	sadd.s32 s11, s2  }
0xb: {  	v8 =	vlaneseq.u32;
	v0 =	vmov s13;
	s11 =	simm.s32 $0x2;
	s13 =	sor.u32 $0x1C02, s31;
	s7 =	sshrl.u32 s5, $0x3  }
0xc: {  	v1 =	vor.u32 $0x1400, v8;
	v2 =	vor.u32 $0x1410, v8;
	s5 =	sadd.s32 $0x17200, s6;
	s10 =	smax.u32 s10, $0x1;
	s14 =	sshrl.u32 s14, $0x3  }
0xd: {  	v3 =	vor.u32 $0x1420, v8;
	v4 =	vor.u32 $0x1430, v8;
	v5 =	vor.u32 $0x1440, v8;
	s12 =	sadd.s32 s7, s6;
	s6 =	sadd.s32 $0x3200, s9;
	s7 =	sadd.s32 $0xD200, s9  }
0xe: {  	v6 =	vor.u32 $0x1450, v8;
	v7 =	vor.u32 $0x1460, v8;
	v8 =	vor.u32 $0x1470, v8;
	s8 =	sadd.s32 $0x66800, s12;
	s9 =	sadd.s32 $0x7A800, s12;
	s12 =	simm.s32 $0x5000  }
.LBB2_1:
0xf: {  	[tilespmem:s3], [sflag:$0x2] =	stream.linear.gather [hbm4b:s6+s3], $0x5000, $0x38;
	[tilespmem:$0x1D400] =	vst v63  }
0x10: {  	_ =	swait.ge [sflag:s11], $0x5000  }
0x11: {  	[sflag:s11] =	ssyncset.done $0x0  }
0x12: {  	[sflag:s11] =	ssyncadd.s32 $0xFFFFB000  }
0x13: {  	[tilespmem:s12], [sflag:$0x2] =	stream.linear.gather [hbm4b:s7+s3], $0x5000, $0x38;
	[tilespmem:$0x1D400] =	vst v63  }
0x14: {  	_ =	swait.ge [sflag:s11], $0x5000  }
0x15: {  	[sflag:s11] =	ssyncset.done $0x0  }
0x16: {  	s19 =	simm.s32 $0x0;
	[sflag:s11] =	ssyncadd.s32 $0xFFFFB000  }
0x17: {  	v11 =	vld [tilespmem:s19+$0x0]  }
0x18: {  	v13 =	vld [tilespmem:s19+$0x10]  }
0x19: {  	v12 =	vld [tilespmem:s19+$0x20]  }
0x1a: {  	v10 =	vld [tilespmem:s19+$0x30]  }
0x1b: {  	v9 =	vld [tilespmem:s19+$0x40]  }
0x1c: {  	v14 =	vadd.s32 v0, v11;
	v11 =	vld [tilespmem:s19+$0x50]  }
0x1d: {  	s20 =	simm.s32 $0x200;
	[tilespmem:s19+$0x0] =	vst v14;
	v14 =	vadd.s32 v0, v13;
	v13 =	vld [tilespmem:s19+$0x60]  }
.LBB2_2:
0x1e: {  	s21 =	sshra.s32 s20, $0x2;
	p0 =	sne.s32 s20, $0x13E00;
	[tilespmem:s19+$0x10] =	vst v14;
	v12 =	vadd.s32 v0, v12;
	v14 =	vld [tilespmem:s19+$0x70]  }
0x1f: {  	v15 =	vld [tilespmem:s21+$0x0];
	[tilespmem:s19+$0x20] =	vst v12;
	v10 =	vadd.s32 v0, v10  }
0x20: {  	v16 =	vld [tilespmem:s21+$0x10];
	[tilespmem:s19+$0x30] =	vst v10;
	v9 =	vadd.s32 v0, v9  }
.Ltmp0:
0x21: {  	v12 =	vld [tilespmem:s21+$0x20];
	[tilespmem:s19+$0x40] =	vst v9;
	v9 =	vadd.s32 v0, v11;
	(pc) =	sbr.rel @p0 .LBB2_2-.Ltmp0, $4  }
0x22: {  	v10 =	vld [tilespmem:s21+$0x30];
	[tilespmem:s19+$0x50] =	vst v9;
	v11 =	vadd.s32 v0, v13  }
0x23: {  	v9 =	vld [tilespmem:s21+$0x40];
	[tilespmem:s19+$0x60] =	vst v11;
	v13 =	vadd.s32 v0, v14  }
0x24: {  	v14 =	vadd.s32 v0, v15;
	v11 =	vld [tilespmem:s21+$0x50];
	[tilespmem:s19+$0x70] =	vst v13;
	s19 =	smov.u32 s21  }
0x25: {  	s20 =	sadd.s32 $0x200, s20;
	[tilespmem:s19+$0x0] =	vst v14;
	v14 =	vadd.s32 v0, v16;
	v13 =	vld [tilespmem:s19+$0x60]  }
0x26: {  	[tilespmem:s19+$0x10] =	vst v14;
	v12 =	vadd.s32 v0, v12;
	v14 =	vld [tilespmem:s19+$0x70]  }
0x27: {  	[tilespmem:s19+$0x20] =	vst v12;
	v10 =	vadd.s32 v0, v10  }
0x28: {  	[tilespmem:s19+$0x30] =	vst v10;
	v9 =	vadd.s32 v0, v9  }
0x29: {  	[tilespmem:s19+$0x40] =	vst v9;
	v9 =	vadd.s32 v0, v11  }
0x2a: {  	[tilespmem:s19+$0x50] =	vst v9;
	v9 =	vadd.s32 v0, v13  }
0x2b: {  	[tilespmem:s19+$0x60] =	vst v9;
	v9 =	vadd.s32 v0, v14  }
0x2c: {  	s20 =	simm.s32 $0x0;
	[tilespmem:s19+$0x70] =	vst v9  }
0x2d: {  	v11 =	vld [tilespmem:s20+$0x5070]  }
0x2e: {  	v15 =	vld [tilespmem:s20+$0x5000]  }
0x2f: {  	v14 =	vld [tilespmem:s20+$0x5010]  }
0x30: {  	v13 =	vld [tilespmem:s20+$0x5020]  }
0x31: {  	v12 =	vld [tilespmem:s20+$0x5030]  }
0x32: {  	v10 =	vld [tilespmem:s20+$0x5040];
	vm0 =	vgt.u32 v11, $0x13FF  }
0x33: {  	v9 =	vld [tilespmem:s20+$0x5050];
	vm1 =	vgt.u32 v15, $0x13FF;
	v16 =	vsel vm0, v8, v11  }
0x34: {  	s21 =	simm.s32 $0x400;
	s19 =	simm.s32 $0x80;
	v11 =	vld [tilespmem:s20+$0x5060];
	v15 =	vsel vm1, v1, v15;
	vm0 =	vgt.u32 v14, $0x13FF;
	[tilespmem:s20+$0xA070] =	vst v16  }
.LBB2_4:
0x35: {  	p0 =	sne.s32 s21, $0x13E00;
	v16 =	vld [tilespmem:s19+$0x5070];
	[tilespmem:s20+$0xA000] =	vst v15;
	v14 =	vsel vm0, v2, v14;
	vm0 =	vgt.u32 v13, $0x13FF  }
0x36: {  	v15 =	vld [tilespmem:s19+$0x5000];
	[tilespmem:s20+$0xA010] =	vst v14;
	v13 =	vsel vm0, v3, v13;
	vm0 =	vgt.u32 v12, $0x13FF  }
0x37: {  	v14 =	vld [tilespmem:s19+$0x5010];
	[tilespmem:s20+$0xA020] =	vst v13;
	v12 =	vsel vm0, v4, v12;
	vm0 =	vgt.u32 v10, $0x13FF  }
.Ltmp1:
0x38: {  	v13 =	vld [tilespmem:s19+$0x5020];
	[tilespmem:s20+$0xA030] =	vst v12;
	v10 =	vsel vm0, v5, v10;
	vm0 =	vgt.u32 v9, $0x13FF;
	(pc) =	sbr.rel @p0 .LBB2_4-.Ltmp1, $4  }
0x39: {  	v12 =	vld [tilespmem:s19+$0x5030];
	[tilespmem:s20+$0xA040] =	vst v10;
	v9 =	vsel vm0, v6, v9;
	vm0 =	vgt.u32 v11, $0x13FF  }
0x3a: {  	v10 =	vld [tilespmem:s19+$0x5040];
	vm1 =	vgt.u32 v16, $0x13FF;
	[tilespmem:s20+$0xA050] =	vst v9;
	v11 =	vsel vm0, v7, v11  }
0x3b: {  	vm0 =	vgt.u32 v15, $0x13FF;
	v9 =	vld [tilespmem:s19+$0x5050];
	v16 =	vsel vm1, v8, v16;
	[tilespmem:s20+$0xA060] =	vst v11;
	s20 =	smov.u32 s19  }
0x3c: {  	s19 =	sshra.s32 s21, $0x2;
	s21 =	sadd.s32 $0x200, s21;
	v15 =	vsel vm0, v1, v15;
	vm0 =	vgt.u32 v14, $0x13FF;
	v11 =	vld [tilespmem:s20+$0x5060];
	[tilespmem:s20+$0xA070] =	vst v16  }
0x3d: {  	v16 =	vld [tilespmem:s19+$0x5070];
	[tilespmem:s20+$0xA000] =	vst v15;
	v14 =	vsel vm0, v2, v14;
	vm4 =	vgt.u32 v13, $0x13FF  }
0x3e: {  	v15 =	vld [tilespmem:s19+$0x5000];
	[tilespmem:s20+$0xA010] =	vst v14;
	v13 =	vsel vm4, v3, v13;
	vm5 =	vgt.u32 v12, $0x13FF  }
0x3f: {  	v14 =	vld [tilespmem:s19+$0x5010];
	[tilespmem:s20+$0xA020] =	vst v13;
	v12 =	vsel vm5, v4, v12;
	vm6 =	vgt.u32 v10, $0x13FF  }
0x40: {  	v13 =	vld [tilespmem:s19+$0x5020];
	[tilespmem:s20+$0xA030] =	vst v12;
	v10 =	vsel vm6, v5, v10;
	vm7 =	vgt.u32 v9, $0x13FF  }
0x41: {  	v12 =	vld [tilespmem:s19+$0x5030];
	[tilespmem:s20+$0xA040] =	vst v10;
	v9 =	vsel vm7, v6, v9;
	vm8 =	vgt.u32 v11, $0x13FF  }
0x42: {  	v10 =	vld [tilespmem:s19+$0x5040];
	[tilespmem:s20+$0xA050] =	vst v9;
	v9 =	vsel vm8, v7, v11;
	vm9 =	vgt.u32 v16, $0x13FF  }
0x43: {  	v11 =	vld [tilespmem:s19+$0x5050];
	[tilespmem:s20+$0xA060] =	vst v9;
	vm1 =	vgt.u32 v15, $0x13FF;
	v9 =	vsel vm9, v8, v16  }
0x44: {  	v63 =	vld [tilespmem:s19+$0x5060];
	v15 =	vsel vm1, v1, v15;
	vm10 =	vgt.u32 v14, $0x13FF;
	[tilespmem:s19+$0xA070] =	vst v9  }
0x45: {  	[tilespmem:s19+$0xA000] =	vst v15;
	v9 =	vsel vm10, v2, v14;
	vm11 =	vgt.u32 v13, $0x13FF  }
0x46: {  	[tilespmem:s19+$0xA010] =	vst v9;
	v9 =	vsel vm11, v3, v13;
	vm12 =	vgt.u32 v12, $0x13FF  }
0x47: {  	[tilespmem:s19+$0xA020] =	vst v9;
	v9 =	vsel vm12, v4, v12;
	vm13 =	vgt.u32 v10, $0x13FF  }
0x48: {  	[tilespmem:s19+$0xA030] =	vst v9;
	v9 =	vsel vm13, v5, v10;
	vm14 =	vgt.u32 v11, $0x13FF  }
0x49: {  	[tilespmem:s19+$0xA040] =	vst v9;
	v9 =	vsel vm14, v6, v11;
	vm15 =	vgt.u32 v63, $0x13FF  }
0x4a: {  	[tilespmem:s19+$0xA050] =	vst v9;
	v9 =	vsel vm15, v7, v63  }
0x4b: {  	[tilespmem:s19+$0xA060] =	vst v9  }
0x4c: {  	[spmem:s14], [sflag:s13] =	dma.local [hbm:s5], $0x1400  }
0x4d: {  	_ =	swait.ge [sflag:s11], $0x1400  }
0x4e: {  	[sflag:s11] =	ssyncset.done $0x0  }
0x4f: {  	[sflag:s11] =	ssyncadd.s32 $0xFFFFEC00  }
0x50: {  	s30 =	simm.s32 $0x0;
	[bflag:$0x0] =	sbarrier.arrive $0xFFFF  }
0x51: {  	[tilespmem:s16], [sflag:$0x1] =	stream.indirect.gather [hbm4b:s4+s15], $0x80, s30, s15, $0xb8;
	[tilespmem:$0x1D400] =	vst v63  }
0x52: {  	_ =	swait.ge [sflag:s17], $0x4000  }
0x53: {  	[sflag:s17] =	ssyncset.done $0x0  }
0x54: {  	s31 =	simm.s32 $0xA000;
	[sflag:s17] =	ssyncadd.s32 $0xFFFFC000  }
0x55: {  	[spmem:s2] =	stream.indirect.scatter.add.f32 [tilespmem:s16], [sflag:$0x2], $0x80, s31, s15, $0xb8;
	[tilespmem:$0x1D400] =	vst v63  }
0x56: {  	_ =	swait.ge [sflag:s11], $0x4000  }
0x57: {  	s20 =	simm.s32 $0x400;
	s19 =	simm.s32 $0x200;
	[sflag:s11] =	ssyncset.done $0x0  }
.LBB2_6:
0x58: {  	s21 =	sshra.s32 s19, $0x2  }
0x59: {  	[sflag:s11] =	ssyncadd.s32 $0xFFFFC000;
	s19 =	smov.u32 s20;
	s22 =	sadd.s32 $0x200, s20  }
0x5a: {  	[tilespmem:s16], [sflag:$0x1] =	stream.indirect.gather [hbm4b:s4+s15], $0x80, s21, s15, $0xb8;
	[tilespmem:$0x1D400] =	vst v63  }
0x5b: {  	p0 =	sne.s32 s20, $0x13E00;
	_ =	swait.ge [sflag:s17], $0x4000  }
.Ltmp2:
0x5c: {  	[sflag:s17] =	ssyncset.done $0x0;
	(pc) =	sbr.rel @p0 .LBB2_6-.Ltmp2, $4  }
0x5d: {  	s20 =	sadd.s32 $0xA000, s21;
	[sflag:s17] =	ssyncadd.s32 $0xFFFFC000  }
0x5e: {  	[spmem:s2] =	stream.indirect.scatter.add.f32 [tilespmem:s16], [sflag:$0x2], $0x80, s20, s15, $0xb8;
	[tilespmem:$0x1D400] =	vst v63  }
0x5f: {  	_ =	swait.ge [sflag:s11], $0x4000  }
0x60: {  	s20 =	smov.u32 s22;
	[sflag:s11] =	ssyncset.done $0x0  }
0x61: {  	s19 =	sshra.s32 s19, $0x2;
	[sflag:s11] =	ssyncadd.s32 $0xFFFFC000  }
0x62: {  	[tilespmem:s16], [sflag:$0x1] =	stream.indirect.gather [hbm4b:s4+s15], $0x80, s19, s15, $0xb8;
	[tilespmem:$0x1D400] =	vst v63  }
0x63: {  	_ =	swait.ge [sflag:s17], $0x4000  }
0x64: {  	[sflag:s17] =	ssyncset.done $0x0  }
0x65: {  	s19 =	sadd.s32 $0xA000, s19;
	[sflag:s17] =	ssyncadd.s32 $0xFFFFC000  }
0x66: {  	[spmem:s2] =	stream.indirect.scatter.add.f32 [tilespmem:s16], [sflag:$0x2], $0x80, s19, s15, $0xb8;
	[tilespmem:$0x1D400] =	vst v63  }
0x67: {  	_ =	swait.ge [sflag:s11], $0x4000  }
0x68: {  	[sflag:s11] =	ssyncset.done $0x0  }
0x69: {  	[sflag:s11] =	ssyncadd.s32 $0xFFFFC000  }
0x6a: {  	[bflag:$0x0] =	sbarrier.arrive $0xFFFF  }
0x6b: {  	[hbm:s8], [sflag:s13] =	dma.local [spmem:s14], $0x1400  }
0x6c: {  	_ =	swait.ge [sflag:s11], $0x1400  }
0x6d: {  	[sflag:s11] =	ssyncset.done $0x0  }
0x6e: {  	s20 =	simm.s32 $0x0;
	[sflag:s11] =	ssyncadd.s32 $0xFFFFEC00  }
0x6f: {  	v9 =	vld [tilespmem:s20+$0x5070]  }
0x70: {  	v11 =	vld [tilespmem:s20+$0x5010]  }
0x71: {  	v13 =	vld [tilespmem:s20+$0x5030];
	_ =	sdelay $0x1  }
0x72: {  	v10 =	vld [tilespmem:s20+$0x5000]  }
0x73: {  	v12 =	vld [tilespmem:s20+$0x5020]  }
0x74: {  	v14 =	vld [tilespmem:s20+$0x5040];
	v15 =	vadd.s32 $0xFFFFD800, v9;
	v9 =	vadd.s32 $0xFFFFEC00, v9;
	v17 =	vadd.s32 $0xFFFFD800, v11  }
0x75: {  	v16 =	vld [tilespmem:s20+$0x5050];
	v11 =	vadd.s32 $0xFFFFEC00, v11;
	v19 =	vadd.s32 $0xFFFFD800, v13;
	vm0 =	vlt.u32 v15, $0xFFFFEC00  }
0x76: {  	v13 =	vadd.s32 $0xFFFFEC00, v13;
	v15 =	vld [tilespmem:s20+$0x5060];
	vm1 =	vlt.u32 v17, $0xFFFFEC00;
	v9 =	vsel vm0, v8, v9  }
0x77: {  	vm3 =	vlt.u32 v19, $0xFFFFEC00;
	v11 =	vsel vm1, v2, v11;
	[tilespmem:s20+$0xA070] =	vst v9;
	v9 =	vadd.s32 $0xFFFFD800, v10  }
0x78: {  	s19 =	simm.s32 $0x80;
	vm0 =	vlt.u32 v9, $0xFFFFEC00;
	v9 =	vadd.s32 $0xFFFFEC00, v10;
	v10 =	vadd.s32 $0xFFFFD800, v12  }
0x79: {  	v63 =	vsel vm3, v4, v13;
	v18 =	vld [tilespmem:s19+$0x5070];
	v12 =	vadd.s32 $0xFFFFEC00, v12;
	vm2 =	vlt.u32 v10, $0xFFFFEC00  }
0x7a: {  	v17 =	vld [tilespmem:s19+$0x5000];
	v10 =	vadd.s32 $0xFFFFD800, v14;
	v21 =	vsel vm0, v1, v9;
	v14 =	vadd.s32 $0xFFFFEC00, v14  }
0x7b: {  	v20 =	vld [tilespmem:s19+$0x5010];
	vm0 =	vlt.u32 v10, $0xFFFFEC00;
	v10 =	vadd.s32 $0xFFFFD800, v16;
	v62 =	vadd.s32 $0xFFFFD800, v15  }
0x7c: {  	v19 =	vld [tilespmem:s19+$0x5020];
	v16 =	vadd.s32 $0xFFFFEC00, v16;
	v15 =	vadd.s32 $0xFFFFEC00, v15;
	v12 =	vsel vm2, v3, v12  }
0x7d: {  	v9 =	vld [tilespmem:s19+$0x5030];
	[tilespmem:s20+$0xA000] =	vst v21;
	vm4 =	vlt.u32 v10, $0xFFFFEC00;
	vm1 =	vlt.u32 v62, $0xFFFFEC00;
	v22 =	vsel vm0, v5, v14  }
0x7e: {  	v10 =	vld [tilespmem:s19+$0x5040];
	[tilespmem:s20+$0xA010] =	vst v11;
	v23 =	vsel vm4, v6, v16;
	v13 =	vsel vm1, v7, v15;
	v14 =	vadd.s32 $0xFFFFD800, v18  }
0x7f: {  	v11 =	vld [tilespmem:s19+$0x5050];
	[tilespmem:s20+$0xA020] =	vst v12;
	v15 =	vadd.s32 $0xFFFFD800, v17;
	v16 =	vadd.s32 $0xFFFFEC00, v18;
	vm1 =	vlt.u32 v14, $0xFFFFEC00  }
0x80: {  	v12 =	vld [tilespmem:s19+$0x5060];
	[tilespmem:s20+$0xA030] =	vst v63;
	vm0 =	vlt.u32 v15, $0xFFFFEC00;
	v15 =	vadd.s32 $0xFFFFD800, v20;
	v16 =	vsel vm1, v8, v16  }
0x81: {  	v14 =	vadd.s32 $0xFFFFEC00, v17;
	v17 =	vadd.s32 $0xFFFFD800, v19;
	vm1 =	vlt.u32 v15, $0xFFFFEC00;
	[tilespmem:s19+$0xA070] =	vst v16  }
0x82: {  	v15 =	vadd.s32 $0xFFFFEC00, v20;
	vm2 =	vlt.u32 v17, $0xFFFFEC00;
	v17 =	vadd.s32 $0xFFFFD800, v9;
	[tilespmem:s20+$0xA040] =	vst v22  }
0x83: {  	s21 =	simm.s32 $0x100;
	s22 =	simm.s32 $0x600;
	v16 =	vadd.s32 $0xFFFFEC00, v19;
	vm3 =	vlt.u32 v17, $0xFFFFEC00;
	v17 =	vadd.s32 $0xFFFFD800, v10;
	[tilespmem:s20+$0xA050] =	vst v23  }
.LBB2_8:
0x84: {  	p0 =	sne.s32 s22, $0x13E00;
	v18 =	vld [tilespmem:s21+$0x5070];
	v19 =	vadd.s32 $0xFFFFEC00, v9;
	vm4 =	vlt.u32 v17, $0xFFFFEC00;
	v9 =	vadd.s32 $0xFFFFD800, v11;
	[tilespmem:s20+$0xA060] =	vst v13;
	s20 =	smov.u32 s19;
	s19 =	smov.u32 s21  }
0x85: {  	v10 =	vadd.s32 $0xFFFFEC00, v10;
	v17 =	vld [tilespmem:s19+$0x5000];
	vm5 =	vlt.u32 v9, $0xFFFFEC00;
	v9 =	vadd.s32 $0xFFFFD800, v12  }
0x86: {  	v11 =	vadd.s32 $0xFFFFEC00, v11;
	v12 =	vadd.s32 $0xFFFFEC00, v12;
	v20 =	vld [tilespmem:s19+$0x5010];
	vm6 =	vlt.u32 v9, $0xFFFFEC00  }
0x87: {  	v13 =	vsel vm0, v1, v14;
	v14 =	vsel vm1, v2, v15;
	v15 =	vsel vm2, v3, v16;
	v21 =	vld [tilespmem:s19+$0x5020]  }
0x88: {  	v16 =	vsel vm3, v4, v19;
	v19 =	vsel vm4, v5, v10;
	v22 =	vsel vm5, v6, v11;
	v9 =	vld [tilespmem:s19+$0x5030];
	[tilespmem:s20+$0xA000] =	vst v13  }
0x89: {  	v13 =	vsel vm6, v7, v12;
	v10 =	vld [tilespmem:s19+$0x5040];
	v23 =	vadd.s32 $0xFFFFD800, v18;
	[tilespmem:s20+$0xA010] =	vst v14  }
.Ltmp3:
0x8a: {  	v14 =	vadd.s32 $0xFFFFEC00, v18;
	v12 =	vadd.s32 $0xFFFFD800, v17;
	v11 =	vld [tilespmem:s19+$0x5050];
	vm1 =	vlt.u32 v23, $0xFFFFEC00;
	[tilespmem:s20+$0xA020] =	vst v15;
	(pc) =	sbr.rel @p0 .LBB2_8-.Ltmp3, $4  }
0x8b: {  	vm0 =	vlt.u32 v12, $0xFFFFEC00;
	v15 =	vadd.s32 $0xFFFFD800, v20;
	v12 =	vld [tilespmem:s19+$0x5060];
	v18 =	vsel vm1, v8, v14;
	[tilespmem:s20+$0xA030] =	vst v16  }
0x8c: {  	v14 =	vadd.s32 $0xFFFFEC00, v17;
	vm1 =	vlt.u32 v15, $0xFFFFEC00;
	v16 =	vadd.s32 $0xFFFFD800, v21;
	[tilespmem:s19+$0xA070] =	vst v18  }
0x8d: {  	v15 =	vadd.s32 $0xFFFFEC00, v20;
	vm2 =	vlt.u32 v16, $0xFFFFEC00;
	v17 =	vadd.s32 $0xFFFFD800, v9;
	[tilespmem:s20+$0xA040] =	vst v19  }
0x8e: {  	s21 =	sshra.s32 s22, $0x2;
	s22 =	sadd.s32 $0x200, s22;
	v16 =	vadd.s32 $0xFFFFEC00, v21;
	vm3 =	vlt.u32 v17, $0xFFFFEC00;
	v17 =	vadd.s32 $0xFFFFD800, v10;
	[tilespmem:s20+$0xA050] =	vst v22  }
0x8f: {  	v18 =	vld [tilespmem:s21+$0x5070];
	[tilespmem:s20+$0xA060] =	vst v13  }
0x90: {  	v14 =	vsel vm0, v1, v14;
	v9 =	vadd.s32 $0xFFFFEC00, v9;
	v13 =	vld [tilespmem:s21+$0x5000]  }
0x91: {  	vm5 =	vlt.u32 v17, $0xFFFFEC00;
	v48 =	vadd.s32 $0xFFFFD800, v11;
	v15 =	vsel vm1, v2, v15;
	v19 =	vld [tilespmem:s21+$0x5010]  }
0x92: {  	v10 =	vadd.s32 $0xFFFFEC00, v10;
	v11 =	vadd.s32 $0xFFFFEC00, v11;
	v52 =	vsel vm2, v3, v16;
	v20 =	vld [tilespmem:s21+$0x5020]  }
0x93: {  	v21 =	vld [tilespmem:s21+$0x5030];
	[tilespmem:s19+$0xA000] =	vst v14;
	vm6 =	vlt.u32 v48, $0xFFFFEC00;
	v50 =	vadd.s32 $0xFFFFD800, v12;
	v51 =	vadd.s32 $0xFFFFEC00, v12  }
0x94: {  	v9 =	vsel vm3, v4, v9;
	v10 =	vsel vm5, v5, v10;
	v49 =	vld [tilespmem:s21+$0x5040];
	[tilespmem:s19+$0xA010] =	vst v15;
	v54 =	vadd.s32 $0xFFFFD800, v18  }
0x95: {  	vm7 =	vlt.u32 v50, $0xFFFFEC00;
	v53 =	vld [tilespmem:s21+$0x5050];
	[tilespmem:s19+$0xA020] =	vst v52;
	v55 =	vadd.s32 $0xFFFFEC00, v18;
	vm8 =	vlt.u32 v54, $0xFFFFEC00  }
0x96: {  	v11 =	vsel vm6, v6, v11;
	v56 =	vld [tilespmem:s21+$0x5060];
	[tilespmem:s19+$0xA030] =	vst v9;
	v9 =	vsel vm7, v7, v51;
	v15 =	vsel vm8, v8, v55  }
0x97: {  	v57 =	vadd.s32 $0xFFFFD800, v13;
	v58 =	vadd.s32 $0xFFFFD800, v19;
	v13 =	vadd.s32 $0xFFFFEC00, v13;
	[tilespmem:s21+$0xA070] =	vst v15  }
0x98: {  	v59 =	vadd.s32 $0xFFFFD800, v20;
	v60 =	vadd.s32 $0xFFFFD800, v21;
	v62 =	vadd.s32 $0xFFFFEC00, v21;
	[tilespmem:s19+$0xA040] =	vst v10  }
0x99: {  	vm9 =	vlt.u32 v57, $0xFFFFEC00;
	vm10 =	vlt.u32 v58, $0xFFFFEC00;
	vm11 =	vlt.u32 v59, $0xFFFFEC00;
	[tilespmem:s19+$0xA050] =	vst v11  }
0x9a: {  	vm12 =	vlt.u32 v60, $0xFFFFEC00;
	v10 =	vadd.s32 $0xFFFFEC00, v19;
	[tilespmem:s19+$0xA060] =	vst v9;
	v9 =	vsel vm9, v1, v13  }
0x9b: {  	v61 =	vadd.s32 $0xFFFFD800, v49;
	v11 =	vadd.s32 $0xFFFFEC00, v20;
	v10 =	vsel vm10, v2, v10;
	[tilespmem:s21+$0xA000] =	vst v9  }
0x9c: {  	vm13 =	vlt.u32 v61, $0xFFFFEC00;
	v9 =	vadd.s32 $0xFFFFD800, v53;
	v11 =	vsel vm11, v3, v11;
	[tilespmem:s21+$0xA010] =	vst v10  }
0x9d: {  	v10 =	vadd.s32 $0xFFFFEC00, v49;
	vm14 =	vlt.u32 v9, $0xFFFFEC00;
	v9 =	vsel vm12, v4, v62;
	[tilespmem:s21+$0xA020] =	vst v11  }
0x9e: {  	v63 =	vadd.s32 $0xFFFFEC00, v53;
	v11 =	vadd.s32 $0xFFFFD800, v56;
	v10 =	vsel vm13, v5, v10;
	[tilespmem:s21+$0xA030] =	vst v9  }
0x9f: {  	v9 =	vadd.s32 $0xFFFFEC00, v56;
	vm15 =	vlt.u32 v11, $0xFFFFEC00;
	v11 =	vsel vm14, v6, v63;
	[tilespmem:s21+$0xA040] =	vst v10  }
0xa0: {  	v9 =	vsel vm15, v7, v9;
	[tilespmem:s21+$0xA050] =	vst v11  }
0xa1: {  	[tilespmem:s21+$0xA060] =	vst v9  }
0xa2: {  	[spmem:s14], [sflag:s13] =	dma.local [hbm:s5], $0x1400  }
0xa3: {  	_ =	swait.ge [sflag:s11], $0x1400  }
0xa4: {  	[sflag:s11] =	ssyncset.done $0x0  }
0xa5: {  	[sflag:s11] =	ssyncadd.s32 $0xFFFFEC00  }
0xa6: {  	s30 =	simm.s32 $0x0;
	[bflag:$0x0] =	sbarrier.arrive $0xFFFF  }
0xa7: {  	[tilespmem:s16], [sflag:$0x1] =	stream.indirect.gather [hbm4b:s4+s15], $0x80, s30, s15, $0xb8;
	[tilespmem:$0x1D400] =	vst v63  }
0xa8: {  	_ =	swait.ge [sflag:s17], $0x4000  }
0xa9: {  	[sflag:s17] =	ssyncset.done $0x0  }
0xaa: {  	s31 =	simm.s32 $0xA000;
	[sflag:s17] =	ssyncadd.s32 $0xFFFFC000  }
0xab: {  	[spmem:s2] =	stream.indirect.scatter.add.f32 [tilespmem:s16], [sflag:$0x2], $0x80, s31, s15, $0xb8;
	[tilespmem:$0x1D400] =	vst v63  }
0xac: {  	_ =	swait.ge [sflag:s11], $0x4000  }
0xad: {  	s20 =	simm.s32 $0x400;
	s19 =	simm.s32 $0x200;
	[sflag:s11] =	ssyncset.done $0x0  }
.LBB2_10:
0xae: {  	s21 =	sshra.s32 s19, $0x2  }
0xaf: {  	[sflag:s11] =	ssyncadd.s32 $0xFFFFC000;
	s19 =	smov.u32 s20;
	s22 =	sadd.s32 $0x200, s20  }
0xb0: {  	[tilespmem:s16], [sflag:$0x1] =	stream.indirect.gather [hbm4b:s4+s15], $0x80, s21, s15, $0xb8;
	[tilespmem:$0x1D400] =	vst v63  }
0xb1: {  	p0 =	sne.s32 s20, $0x13E00;
	_ =	swait.ge [sflag:s17], $0x4000  }
.Ltmp4:
0xb2: {  	[sflag:s17] =	ssyncset.done $0x0;
	(pc) =	sbr.rel @p0 .LBB2_10-.Ltmp4, $4  }
0xb3: {  	s20 =	sadd.s32 $0xA000, s21;
	[sflag:s17] =	ssyncadd.s32 $0xFFFFC000  }
0xb4: {  	[spmem:s2] =	stream.indirect.scatter.add.f32 [tilespmem:s16], [sflag:$0x2], $0x80, s20, s15, $0xb8;
	[tilespmem:$0x1D400] =	vst v63  }
0xb5: {  	_ =	swait.ge [sflag:s11], $0x4000  }
0xb6: {  	s20 =	smov.u32 s22;
	[sflag:s11] =	ssyncset.done $0x0  }
0xb7: {  	s19 =	sshra.s32 s19, $0x2;
	[sflag:s11] =	ssyncadd.s32 $0xFFFFC000  }
0xb8: {  	[tilespmem:s16], [sflag:$0x1] =	stream.indirect.gather [hbm4b:s4+s15], $0x80, s19, s15, $0xb8;
	[tilespmem:$0x1D400] =	vst v63  }
0xb9: {  	_ =	swait.ge [sflag:s17], $0x4000  }
0xba: {  	[sflag:s17] =	ssyncset.done $0x0  }
0xbb: {  	s19 =	sadd.s32 $0xA000, s19;
	[sflag:s17] =	ssyncadd.s32 $0xFFFFC000  }
0xbc: {  	[spmem:s2] =	stream.indirect.scatter.add.f32 [tilespmem:s16], [sflag:$0x2], $0x80, s19, s15, $0xb8;
	[tilespmem:$0x1D400] =	vst v63  }
0xbd: {  	_ =	swait.ge [sflag:s11], $0x4000  }
0xbe: {  	s18 =	sadd.s32 $0x1, s18;
	[sflag:s11] =	ssyncset.done $0x0  }
0xbf: {  	p0 =	sne.s32 s18, s10;
	[sflag:s11] =	ssyncadd.s32 $0xFFFFC000  }
.Ltmp5:
0xc0: {  	[bflag:$0x0] =	sbarrier.arrive $0xFFFF;
	(pc) =	sbr.rel @p0 .LBB2_1-.Ltmp5, $4  }
0xc1: {  	[hbm:s9], [sflag:s13] =	dma.local [spmem:s14], $0x1400  }
0xc2: {  	_ =	swait.ge [sflag:s11], $0x1400  }
0xc3: {  	[sflag:s11] =	ssyncset.done $0x0  }
0xc4: {  	[sflag:s11] =	ssyncadd.s32 $0xFFFFEC00  }
0xc5: {  	_ =	sfence.sel $0x180000  }
0xc6: {  	[bflag:$0x0] =	sbarrier.arrive $0xFFFF  }
0xc7: {  	p0 =	sne.s32 s0, $0x0;
	_ =	strace $0x9000004D  }
0xc8: {  	s0 =	sadd.s32 @!p0 $0x100000, s1;
	[bflag:$0x2] =	sbarrier.arrive $0xFFFF  }
0xc9: {  	[sflag:s0] =	ssyncadd.tile.s32 @!p0 $0x1;
	_ =	shalt  }
.Lfunc_end2:
_tile_overlayer_lowered:
.L_overlay_start_2:
0xca: {  	(tag) =	ssettag $0x2  }
0xcb: {  	s0 =	rddreg [dreg:$0x0];
	s2 =	stileid.u32  }
0xcc: {  	s1 =	rddreg [dreg:$0x1];
	p0 =	sne.s32 s2, $0x0  }
0xcd: {  	s3 =	rddreg [dreg:$0x2];
	[bflag:$0x3] =	sbarrier.arrive $0xFFFF;
	s2 =	simm.s32 @!p0 $0x1C02  }
0xce: {  	[timem:s3], [sflag:s2] =	dma.local @!p0 [hbm:s0], s1  }
0xcf: {  	s0 =	simm.s32 @!p0 $0x2  }
0xd0: {  	_ =	swait.ge @!p0 [sflag:s0], s1  }
0xd1: {  	s1 =	ssub.s32 @!p0 $0x0, s1;
	[sflag:s0] =	ssyncset.done @!p0 $0x0  }
0xd2: {  	[sflag:s0] =	ssyncadd.s32 @!p0 s1  }
0xd3: {  	[bflag:$0x3] =	sbarrier.arrive $0xFFFF  }
0xd4: {  	_ =	shalt  }

// kernel: kernel.19.cloned.1.call-start
scs
__scs_entry_jumppad:
0x0: {  	(pc) =	sbr.rel $0x88, $3  }
0x1: {  	(tag) =	ssettag $0x0;
	lr =	simm.s32 $0x1  }
0x2: {  	[smem:$0x3F99] =	sst lr;
	_ =	strace $0xD0000000  }
0x3: {  	_ = 	snop  }
0x4: {  	_ = 	snop  }
0x5: {  	_ = 	snop  }
0x6: {  	_ = 	snop  }
0x7: {  	_ = 	snop  }
__scs_overlays_trampoline_lowered:
0x8: {  	[smem:$0x3FA8] =	sst s0  }
0x9: {  	[smem:$0x3FA9] =	sst s1  }
0xa: {  	[smem:$0x3FAA] =	sst s2  }
0xb: {  	[smem:$0x3FAB] =	sst s3  }
0xc: {  	[smem:$0x3FAC] =	sst s4  }
0xd: {  	[smem:$0x3FAD] =	sst s5  }
0xe: {  	[smem:$0x3FAE] =	sst s6  }
0xf: {  	[smem:$0x3FAF] =	sst s7  }
0x10: {  	[smem:$0x3FB0] =	sst s8  }
0x11: {  	[smem:$0x3FB1] =	sst s9;
	s0 =	simm.s32 @!p0 $0x0  }
0x12: {  	s1 =	sld [smem:$0x3F97];
	s0 =	simm.s32 @p0 $0x1  }
0x13: {  	[smem:$0x3FB2] =	sst s0;
	s0 =	simm.s32 @!p1 $0x0  }
0x14: {  	s2 =	sld [smem:$0x3F96];
	s0 =	simm.s32 @p1 $0x1  }
0x15: {  	[smem:$0x3FB3] =	sst s0;
	s0 =	simm.s32 @!p2 $0x0  }
0x16: {  	s3 =	sld [smem:$0x3FDB];
	s0 =	simm.s32 @p2 $0x1  }
0x17: {  	s4 =	simm.s32 $0x1BF5;
	[smem:$0x3FB5] =	sst s0  }
0x18: {  	s0 =	sld [smem:$0x3F98];
	_ =	swait.ge [sflag:s4], $0x0  }
0x19: {  	s7 =	sld [smem:$0x3F99]  }
0x1a: {  	s8 =	sadd.s32 $0xFFFFE003, lr  }
0x1b: {  	s9 =	sadd.s32 $0xFFFFFEF7, lr;
	s5 =	simm.s32 $0xFFFFFFFF;
	p2 =	slt.u32 s8, $0xFFFFF086  }
0x1c: {  	p1 =	slt.u32 s9, $0xF7A;
	s5 =	simm.s32 @!p2 $0x0  }
0x1d: {  	s5 =	simm.s32 @p1 $0x1;
	p0 =	seq.s32 s7, s2  }
0x1e: {  	s7 =	smul.u32 @!p0 $0xF7A, s2;
	p2 =	seq.s32 @!p0 s5, $0x0  }
0x1f: {  	s9 =	smul.u32 $0xF7A, s1;
	s8 =	simm.s32 @!p0 $0x1BF5;
	p2 =	por !p2, p0  }
0x20: {  	[sflag:s8] =	ssyncset.s32 @!p0 $0xFFFFF086;
	s6 =	sadd.s32 @!p0 s3, s7;
	s7 =	simm.s32 @!p0 $0x108  }
0x21: {  	s3 =	sadd.s32 s3, s9;
	s6 =	sadd.s32 @!p0 $0x88, s6;
	s7 =	simm.s32 @p2 $0x1082  }
0x22: {  	[simem:s7], [sflag:s8] =	dma.local @!p0 [hbm:s6], $0xF7A  }
0x23: {  	s9 =	sor.u32 $0xD0000000, s2;
	s6 =	simm.s32 $0x108;
	_ =	swait.ge @!p0 [sflag:s8], $0x0  }
0x24: {  	s3 =	sadd.s32 $0x88, s3;
	s6 =	simm.s32 @!p1 $0x1082;
	[sflag:s4] =	ssyncset.s32 $0xFFFFF086  }
0x25: {  	[simem:s6], [sflag:s4] =	dma.local [hbm:s3], $0xF7A  }
0x26: {  	[smem:$0x3F99] =	sst s1;
	(tag) =	ssettag s2;
	_ =	strace s9  }
0x27: {  	s1 =	sld [smem:$0x3FA9]  }
0x28: {  	s2 =	sld [smem:$0x3FAA]  }
0x29: {  	s4 =	sld [smem:$0x3FAC]  }
0x2a: {  	p0 =	seq.s32 s5, $0x0;
	s5 =	sld [smem:$0x3FAD]  }
0x2b: {  	s6 =	sld [smem:$0x3FAE]  }
0x2c: {  	s7 =	sld [smem:$0x3FAF]  }
0x2d: {  	s3 =	simm.s32 $0x108;
	s8 =	sld [smem:$0x3FB0]  }
0x2e: {  	s3 =	simm.s32 @!p0 $0x1082;
	s9 =	sld [smem:$0x3FB1]  }
0x2f: {  	lr =	sadd.s32 s0, s3;
	s0 =	sld [smem:$0x3FA8]  }
0x30: {  	s3 =	sld [smem:$0x3FAB]  }
0x31: {  	[smem:$0x3FB4] =	sst s10  }
0x32: {  	s10 =	sld [smem:$0x3FB2];
	_ =	sdelay $0x3  }
0x33: {  	p0 =	seq.s32 s10, $0x1;
	s10 =	sld [smem:$0x3FB4];
	_ =	sdelay $0x3  }
0x34: {  	[smem:$0x3FB4] =	sst s10  }
0x35: {  	s10 =	sld [smem:$0x3FB3];
	_ =	sdelay $0x3  }
0x36: {  	p1 =	seq.s32 s10, $0x1;
	s10 =	sld [smem:$0x3FB4];
	_ =	sdelay $0x3  }
0x37: {  	[smem:$0x3FB4] =	sst s10  }
0x38: {  	s10 =	sld [smem:$0x3FB5]  }
0x39: {  	_ = 	snop;
	(pc) =	sbr.ind lr, $3  }
0x3a: {  	_ = 	snop  }
0x3b: {  	_ = 	snop  }
0x3c: {  	p2 =	seq.s32 s10, $0x1;
	s10 =	sld [smem:$0x3FB4]  }
0x3d: {  	_ =	shalt  }
0x3e: {  	_ =	shalt  }
0x3f: {  	_ =	shalt  }
0x40: {  	_ =	shalt  }
0x41: {  	_ =	shalt  }
0x42: {  	_ =	shalt  }
0x43: {  	_ =	shalt  }
0x44: {  	_ =	shalt  }
0x45: {  	_ =	shalt  }
0x46: {  	_ =	shalt  }
0x47: {  	_ =	shalt  }
0x48: {  	_ =	shalt  }
0x49: {  	_ =	shalt  }
0x4a: {  	_ =	shalt  }
0x4b: {  	_ =	shalt  }
0x4c: {  	_ =	shalt  }
0x4d: {  	_ =	shalt  }
0x4e: {  	_ =	shalt  }
0x4f: {  	_ =	shalt  }
0x50: {  	_ =	shalt  }
0x51: {  	_ =	shalt  }
0x52: {  	_ =	shalt  }
0x53: {  	_ =	shalt  }
0x54: {  	_ =	shalt  }
0x55: {  	_ =	shalt  }
0x56: {  	_ =	shalt  }
0x57: {  	_ =	shalt  }
0x58: {  	_ =	shalt  }
0x59: {  	_ =	shalt  }
0x5a: {  	_ =	shalt  }
0x5b: {  	_ =	shalt  }
0x5c: {  	_ =	shalt  }
0x5d: {  	_ =	shalt  }
0x5e: {  	_ =	shalt  }
0x5f: {  	_ =	shalt  }
0x60: {  	_ =	shalt  }
0x61: {  	_ =	shalt  }
0x62: {  	_ =	shalt  }
0x63: {  	_ =	shalt  }
0x64: {  	_ =	shalt  }
0x65: {  	_ =	shalt  }
0x66: {  	_ =	shalt  }
0x67: {  	_ =	shalt  }
0x68: {  	_ =	shalt  }
0x69: {  	_ =	shalt  }
0x6a: {  	_ =	shalt  }
0x6b: {  	_ =	shalt  }
0x6c: {  	_ =	shalt  }
0x6d: {  	_ =	shalt  }
0x6e: {  	_ =	shalt  }
0x6f: {  	_ =	shalt  }
0x70: {  	_ =	shalt  }
0x71: {  	_ =	shalt  }
0x72: {  	_ =	shalt  }
0x73: {  	_ =	shalt  }
0x74: {  	_ =	shalt  }
0x75: {  	_ =	shalt  }
0x76: {  	_ =	shalt  }
0x77: {  	_ =	shalt  }
0x78: {  	_ =	shalt  }
0x79: {  	_ =	shalt  }
0x7a: {  	_ =	shalt  }
0x7b: {  	_ =	shalt  }
0x7c: {  	_ =	shalt  }
0x7d: {  	_ =	shalt  }
0x7e: {  	_ =	shalt  }
0x7f: {  	_ =	shalt  }
0x80: {  	_ =	shalt  }
0x81: {  	_ =	shalt  }
0x82: {  	_ =	shalt  }
0x83: {  	_ =	shalt  }
0x84: {  	_ =	shalt  }
0x85: {  	_ =	shalt  }
0x86: {  	_ =	shalt  }
0x87: {  	_ =	shalt  }
.Lfunc_end0:
.L_simem_size_0:
called_computation.3_lowered:
.L_overlay_start_0:
0x88: {  	s2 =	sld [smem:$0x3FD9]  }
0x89: {  	s3 =	sld [smem:$0x3FFE];
	_ =	sdelay $0x1  }
0x8a: {  	s1 =	srdreg.scid  }
0x8b: {  	s0 =	sand.u32 $0x1, s1  }
0x8c: {  	s17 =	sshll.u32 s0, $0xA;
	s2 =	sadd.s32 s3, s2  }
0x8d: {  	s2 =	sadd.s32 s2, s17  }
0x8e: {  	[smem:$0x3FC0] =	sst s2  }
0x8f: {  	_ = 	snop  }
0x90: {  	s2 =	sld [smem:$0x3FD0];
	(tm) =	ssettm $0x1  }
0x91: {  	s18 =	sld [smem:$0x3FFB];
	_ =	sdelay $0x3  }
0x92: {  	_ =	strace s18  }
0x93: {  	s3 =	sld [smem:$0x3FFC];
	_ =	sdelay $0x3  }
0x94: {  	_ =	strace s3  }
0x95: {  	s3 =	sld [smem:$0x3FFD];
	_ =	sdelay $0x3  }
0x96: {  	_ =	strace s3  }
0x97: {  	_ =	strace $0x8FFFFFFF  }
0x98: {  	s19 =	sld [smem:$0x3FDB];
	_ =	sdelay $0x1  }
0x99: {  	s4 =	simm.s32 $_scs_section_size  }
0x9a: {  	s5 =	simm.s32 $_size__tile_overlayer_lowered;
	s6 =	simm.s32 $_tile_overlayer_lowered  }
0x9b: {  	s22 =	simm.s32 $0x1BFF;
	s21 =	sshll.u32 s6, $0x1;
	s3 =	sadd.s32 s4, s19  }
0x9c: {  	s7 =	simm.s32 $0x0;
	s20 =	sshll.u32 s5, $0x1;
	s5 =	sadd.s32 s21, s3  }
0x9d: {  	[timem:s7], [sflag:s22] =	dma.local [hbm:s5], s20  }
0x9e: {  	_ =	swait.ge [sflag:s22], s20  }
0x9f: {  	s4 =	ssub.s32 $0x0, s20;
	[sflag:s22] =	ssyncset.done $0x0  }
0xa0: {  	[sflag:s22] =	ssyncadd.s32 s4;
	_ =	sdelay $0x1  }
0xa1: {  	s23 =	simm.s32 $0x1B8B  }
0xa2: {  	_ =	swait.ge [sflag:s23], $0x1  }
0xa3: {  	[sflag:s23] =	ssyncset.done $0x0  }
0xa4: {  	s25 =	simm.s32 $0x1B8E;
	s24 =	sld [smem:$0x3FFE];
	[sflag:s23] =	ssyncadd.s32 $0xFFFFFFFF  }
0xa5: {  	s26 =	simm.s32 $execute0_lowered;
	[smem:$0x3FD2] =	sst s25  }
0xa6: {  	s5 =	sshll.u32 s26, $0x1;
	_ =	strace $0x8000004F;
	[dreg:$0x1] =	wrdreg $0xFFFFFFFF  }
0xa7: {  	s28 =	simm.s32 $_size_execute0_lowered;
	s3 =	sadd.s32 s3, s5;
	[dreg:$0x0] =	wrdreg $0x0  }
0xa8: {  	s5 =	sshll.u32 s28, $0x1;
	[dreg:$0x2] =	wrdreg s3  }
0xa9: {  	[dreg:$0x3] =	wrdreg s5  }
0xaa: {  	[dreg:$0x4] =	wrdreg $0xC0  }
0xab: {  	_ =	task [dreg:s7], $0x5FFFF  }
0xac: {  	[dreg:$0x1] =	wrdreg $0xFFFFFFFF  }
0xad: {  	[dreg:$0x0] =	wrdreg $0x60  }
0xae: {  	[dreg:$0x2] =	wrdreg s24  }
0xaf: {  	[dreg:$0x3] =	wrdreg s2  }
0xb0: {  	[dreg:$0x4] =	wrdreg $0xB8000  }
0xb1: {  	[dreg:$0x5] =	wrdreg $0x9  }
0xb2: {  	_ =	task.clear_ibuf [dreg:s7], $0x6FFFF;
	_ =	strace $0x9000004F  }
0xb3: {  	s29 =	simm.s32 $0x9;
	_ =	strace $0x80000051  }
0xb4: {  	_ =	swait.ge [sflag:s29], $0x1  }
0xb5: {  	[sflag:s29] =	ssyncadd.s32 $0xFFFFFFFF  }
0xb6: {  	_ =	strace $0x90000051  }
0xb7: {  	_ =	sfence  }
0xb8: {  	s30 =	sld [smem:$0x0];
	_ =	sdelay $0x2  }
0xb9: {  	s31 =	sshll.u32 s1, $0xD;
	s1 =	sshrl.u32 s1, $0x2  }
0xba: {  	s3 =	sand.u32 $0x4000, s31;
	s1 =	sadd.s32 s1, s30  }
0xbb: {  	s0 =	sor.u32 s3, s0;
	s1 =	sshll.u32 s1, $0x11  }
0xbc: {  	s0 =	sor.u32 s1, s0  }
0xbd: {  	s0 =	sadd.s32 $0x8F2B, s0  }
0xbe: {  	[sflag:s0] =	ssyncadd.remote.s32 $0x1  }
0xbf: {  	_ =	sfence.sel $0xFFFF  }
0xc0: {  	[dreg:$0x0] =	wrdreg $0xFFFFFFFF;
	(pc) =	sbr.abs _section_cstart, $3  }
0xc1: {  	[dreg:$0x1] =	wrdreg $0xFFFFFFFF  }
0xc2: {  	_ =	task.clear_ibuf [dreg:s7], $0x2FFFF;
	_ =	strace $0x9FFFFFFF  }
0xc3: {  	(tm) =	ssettm $0x7FFFFFFF  }
tec
execute0_lowered:
.L_overlay_start_1:
0x0: {  	(tag) =	ssettag $0x1  }
0x1: {  	s6 =	rddreg [dreg:$0x0]  }
0x2: {  	s2 =	rddreg [dreg:$0x1]  }
0x3: {  	s0 =	srdreg.scid;
	s3 =	rddreg [dreg:$0x2]  }
0x4: {  	s4 =	simm.s32 $0x0;
	s15 =	simm.s32 $0x80;
	s16 =	simm.s32 $0x7800  }
0x5: {  	s17 =	simm.s32 $0x1;
	s5 =	sand.u32 $0x1, s0;
	s0 =	stileid.u32  }
0x6: {  	s18 =	simm.s32 $0x0;
	[smem:$0x7FF] =	sst s4;
	s8 =	smul.u32 $0x140000, s5  }
0x7: {  	s1 =	sshll.u32 s5, $0x4;
	s9 =	smul.u32 $0xA000, s0;
	s30 =	ssub.s32 $0x2, s5  }
0x8: {  	s10 =	smul.u32 $0x28000, s0;
	s5 =	sadd.s32 $0x17200, s6;
	s13 =	sshll.u32 s0, $0x6  }
0x9: {  	s1 =	sor.u32 s0, s1;
	s11 =	sshrl.u32 s30, $0x1;
	s13 =	sor.u32 $0x1C02, s13  }
0xa: {  	s7 =	smul.u32 $0x500, s1;
	s1 =	rddreg [dreg:$0x3];
	_ =	strace $0x80000050  }
0xb: {  	s8 =	sadd.s32 s9, s8;
	s11 =	ssub.s32 s30, s11;
	s31 =	sshrl.u32 s10, $0x2  }
0xc: {  	v7 =	vlaneseq.u32;
	s8 =	sshrl.u32 s8, $0x3;
	s14 =	sadd.s32 s31, s3;
	s10 =	smax.u32 s11, $0x1  }
0xd: {  	v0 =	vor.u32 $0x1400, v7;
	v1 =	vor.u32 $0x1410, v7;
	s11 =	simm.s32 $0x2;
	s7 =	sadd.s32 s7, s6;
	s12 =	sadd.s32 s8, s6  }
0xe: {  	v2 =	vor.u32 $0x1420, v7;
	v3 =	vor.u32 $0x1430, v7;
	v4 =	vor.u32 $0x1440, v7;
	s14 =	sshrl.u32 s14, $0x3;
	s6 =	sadd.s32 $0x3200, s7;
	s7 =	sadd.s32 $0xD200, s7  }
0xf: {  	v5 =	vor.u32 $0x1450, v7;
	v6 =	vor.u32 $0x1460, v7;
	v7 =	vor.u32 $0x1470, v7;
	s8 =	sadd.s32 $0x18600, s12;
	s9 =	sadd.s32 $0x2C600, s12;
	s12 =	simm.s32 $0x2800  }
.LBB2_1:
0x10: {  	[tilespmem:s4], [sflag:$0x2] =	stream.linear.gather [hbm4b:s6+s4], $0x2800, $0x38;
	[tilespmem:$0x15C00] =	vst v63  }
0x11: {  	_ =	swait.ge [sflag:s11], $0x2800  }
0x12: {  	[sflag:s11] =	ssyncset.done $0x0  }
0x13: {  	[sflag:s11] =	ssyncadd.s32 $0xFFFFD800  }
0x14: {  	[tilespmem:s12], [sflag:$0x2] =	stream.linear.gather [hbm4b:s7+s4], $0x2800, $0x38;
	[tilespmem:$0x15C00] =	vst v63  }
0x15: {  	_ =	swait.ge [sflag:s11], $0x2800  }
0x16: {  	[sflag:s11] =	ssyncset.done $0x0  }
0x17: {  	s20 =	simm.s32 $0x0;
	[sflag:s11] =	ssyncadd.s32 $0xFFFFD800  }
0x18: {  	v10 =	vld [tilespmem:s20+$0x2870]  }
0x19: {  	v14 =	vld [tilespmem:s20+$0x2800]  }
0x1a: {  	v13 =	vld [tilespmem:s20+$0x2810]  }
0x1b: {  	v12 =	vld [tilespmem:s20+$0x2820]  }
0x1c: {  	v11 =	vld [tilespmem:s20+$0x2830]  }
0x1d: {  	v9 =	vld [tilespmem:s20+$0x2840];
	vm0 =	vgt.u32 v10, $0x13FF  }
0x1e: {  	v8 =	vld [tilespmem:s20+$0x2850];
	vm1 =	vgt.u32 v14, $0x13FF;
	v15 =	vsel vm0, v7, v10  }
0x1f: {  	s19 =	simm.s32 $0x80;
	s21 =	simm.s32 $0x400;
	v10 =	vld [tilespmem:s20+$0x2860];
	v14 =	vsel vm1, v0, v14;
	vm0 =	vgt.u32 v13, $0x13FF;
	[tilespmem:s20+$0x5070] =	vst v15  }
.LBB2_2:
0x20: {  	p0 =	sne.s32 s21, $0x9E00;
	v15 =	vld [tilespmem:s19+$0x2870];
	[tilespmem:s20+$0x5000] =	vst v14;
	v13 =	vsel vm0, v1, v13;
	vm0 =	vgt.u32 v12, $0x13FF  }
0x21: {  	v14 =	vld [tilespmem:s19+$0x2800];
	[tilespmem:s20+$0x5010] =	vst v13;
	v12 =	vsel vm0, v2, v12;
	vm0 =	vgt.u32 v11, $0x13FF  }
0x22: {  	v13 =	vld [tilespmem:s19+$0x2810];
	[tilespmem:s20+$0x5020] =	vst v12;
	v11 =	vsel vm0, v3, v11;
	vm0 =	vgt.u32 v9, $0x13FF  }
.Ltmp0:
0x23: {  	v12 =	vld [tilespmem:s19+$0x2820];
	[tilespmem:s20+$0x5030] =	vst v11;
	v9 =	vsel vm0, v4, v9;
	vm0 =	vgt.u32 v8, $0x13FF;
	(pc) =	sbr.rel @p0 .LBB2_2-.Ltmp0, $4  }
0x24: {  	v11 =	vld [tilespmem:s19+$0x2830];
	[tilespmem:s20+$0x5040] =	vst v9;
	v8 =	vsel vm0, v5, v8;
	vm0 =	vgt.u32 v10, $0x13FF  }
0x25: {  	v9 =	vld [tilespmem:s19+$0x2840];
	vm1 =	vgt.u32 v15, $0x13FF;
	[tilespmem:s20+$0x5050] =	vst v8;
	v10 =	vsel vm0, v6, v10  }
0x26: {  	vm0 =	vgt.u32 v14, $0x13FF;
	v8 =	vld [tilespmem:s19+$0x2850];
	v15 =	vsel vm1, v7, v15;
	[tilespmem:s20+$0x5060] =	vst v10;
	s20 =	smov.u32 s19  }
0x27: {  	s19 =	sshra.s32 s21, $0x2;
	s21 =	sadd.s32 $0x200, s21;
	v14 =	vsel vm0, v0, v14;
	vm0 =	vgt.u32 v13, $0x13FF;
	v10 =	vld [tilespmem:s20+$0x2860];
	[tilespmem:s20+$0x5070] =	vst v15  }
0x28: {  	v15 =	vld [tilespmem:s19+$0x2870];
	[tilespmem:s20+$0x5000] =	vst v14;
	v13 =	vsel vm0, v1, v13;
	vm4 =	vgt.u32 v12, $0x13FF  }
0x29: {  	v14 =	vld [tilespmem:s19+$0x2800];
	[tilespmem:s20+$0x5010] =	vst v13;
	v12 =	vsel vm4, v2, v12;
	vm5 =	vgt.u32 v11, $0x13FF  }
0x2a: {  	v13 =	vld [tilespmem:s19+$0x2810];
	[tilespmem:s20+$0x5020] =	vst v12;
	v11 =	vsel vm5, v3, v11;
	vm6 =	vgt.u32 v9, $0x13FF  }
0x2b: {  	v12 =	vld [tilespmem:s19+$0x2820];
	[tilespmem:s20+$0x5030] =	vst v11;
	v9 =	vsel vm6, v4, v9;
	vm7 =	vgt.u32 v8, $0x13FF  }
0x2c: {  	v11 =	vld [tilespmem:s19+$0x2830];
	[tilespmem:s20+$0x5040] =	vst v9;
	v8 =	vsel vm7, v5, v8;
	vm8 =	vgt.u32 v10, $0x13FF  }
0x2d: {  	v9 =	vld [tilespmem:s19+$0x2840];
	[tilespmem:s20+$0x5050] =	vst v8;
	v8 =	vsel vm8, v6, v10;
	vm9 =	vgt.u32 v15, $0x13FF  }
0x2e: {  	v62 =	vld [tilespmem:s19+$0x2850];
	[tilespmem:s20+$0x5060] =	vst v8;
	vm1 =	vgt.u32 v14, $0x13FF;
	v8 =	vsel vm9, v7, v15  }
0x2f: {  	v63 =	vld [tilespmem:s19+$0x2860];
	v14 =	vsel vm1, v0, v14;
	vm10 =	vgt.u32 v13, $0x13FF;
	[tilespmem:s19+$0x5070] =	vst v8  }
0x30: {  	[tilespmem:s19+$0x5000] =	vst v14;
	v8 =	vsel vm10, v1, v13;
	vm11 =	vgt.u32 v12, $0x13FF  }
0x31: {  	[tilespmem:s19+$0x5010] =	vst v8;
	v8 =	vsel vm11, v2, v12;
	vm12 =	vgt.u32 v11, $0x13FF  }
0x32: {  	[tilespmem:s19+$0x5020] =	vst v8;
	v8 =	vsel vm12, v3, v11;
	vm13 =	vgt.u32 v9, $0x13FF  }
0x33: {  	[tilespmem:s19+$0x5030] =	vst v8;
	v8 =	vsel vm13, v4, v9;
	vm14 =	vgt.u32 v62, $0x13FF  }
0x34: {  	[tilespmem:s19+$0x5040] =	vst v8;
	v8 =	vsel vm14, v5, v62;
	vm15 =	vgt.u32 v63, $0x13FF  }
0x35: {  	[tilespmem:s19+$0x5050] =	vst v8;
	v8 =	vsel vm15, v6, v63  }
0x36: {  	[tilespmem:s19+$0x5060] =	vst v8  }
0x37: {  	[spmem:s14], [sflag:s13] =	dma.local [hbm:s5], $0x1400  }
0x38: {  	_ =	swait.ge [sflag:s11], $0x1400  }
0x39: {  	[sflag:s11] =	ssyncset.done $0x0  }
0x3a: {  	[sflag:s11] =	ssyncadd.s32 $0xFFFFEC00  }
0x3b: {  	s30 =	simm.s32 $0x0;
	[bflag:$0x0] =	sbarrier.arrive $0xFFFF  }
0x3c: {  	[tilespmem:s16], [sflag:$0x1] =	stream.indirect.gather [hbm4b:s2+s15], $0x80, s30, s15, $0xb8;
	[tilespmem:$0x15C00] =	vst v63  }
0x3d: {  	_ =	swait.ge [sflag:s17], $0x4000  }
0x3e: {  	[sflag:s17] =	ssyncset.done $0x0  }
0x3f: {  	s31 =	simm.s32 $0x5000;
	[sflag:s17] =	ssyncadd.s32 $0xFFFFC000  }
0x40: {  	[spmem:s3] =	stream.indirect.scatter.add.f32 [tilespmem:s16], [sflag:$0x2], $0x80, s31, s15, $0xb8;
	[tilespmem:$0x15C00] =	vst v63  }
0x41: {  	_ =	swait.ge [sflag:s11], $0x4000  }
0x42: {  	s20 =	simm.s32 $0x400;
	s19 =	simm.s32 $0x200;
	[sflag:s11] =	ssyncset.done $0x0  }
.LBB2_4:
0x43: {  	s21 =	sshra.s32 s19, $0x2  }
0x44: {  	[sflag:s11] =	ssyncadd.s32 $0xFFFFC000;
	s19 =	smov.u32 s20;
	s22 =	sadd.s32 $0x200, s20  }
0x45: {  	[tilespmem:s16], [sflag:$0x1] =	stream.indirect.gather [hbm4b:s2+s15], $0x80, s21, s15, $0xb8;
	[tilespmem:$0x15C00] =	vst v63  }
0x46: {  	p0 =	sne.s32 s20, $0x9E00;
	_ =	swait.ge [sflag:s17], $0x4000  }
.Ltmp1:
0x47: {  	[sflag:s17] =	ssyncset.done $0x0;
	(pc) =	sbr.rel @p0 .LBB2_4-.Ltmp1, $4  }
0x48: {  	s20 =	sadd.s32 $0x5000, s21;
	[sflag:s17] =	ssyncadd.s32 $0xFFFFC000  }
0x49: {  	[spmem:s3] =	stream.indirect.scatter.add.f32 [tilespmem:s16], [sflag:$0x2], $0x80, s20, s15, $0xb8;
	[tilespmem:$0x15C00] =	vst v63  }
0x4a: {  	_ =	swait.ge [sflag:s11], $0x4000  }
0x4b: {  	s20 =	smov.u32 s22;
	[sflag:s11] =	ssyncset.done $0x0  }
0x4c: {  	s19 =	sshra.s32 s19, $0x2;
	[sflag:s11] =	ssyncadd.s32 $0xFFFFC000  }
0x4d: {  	[tilespmem:s16], [sflag:$0x1] =	stream.indirect.gather [hbm4b:s2+s15], $0x80, s19, s15, $0xb8;
	[tilespmem:$0x15C00] =	vst v63  }
0x4e: {  	_ =	swait.ge [sflag:s17], $0x4000  }
0x4f: {  	[sflag:s17] =	ssyncset.done $0x0  }
0x50: {  	s19 =	sadd.s32 $0x5000, s19;
	[sflag:s17] =	ssyncadd.s32 $0xFFFFC000  }
0x51: {  	[spmem:s3] =	stream.indirect.scatter.add.f32 [tilespmem:s16], [sflag:$0x2], $0x80, s19, s15, $0xb8;
	[tilespmem:$0x15C00] =	vst v63  }
0x52: {  	_ =	swait.ge [sflag:s11], $0x4000  }
0x53: {  	[sflag:s11] =	ssyncset.done $0x0  }
0x54: {  	[sflag:s11] =	ssyncadd.s32 $0xFFFFC000  }
0x55: {  	[bflag:$0x0] =	sbarrier.arrive $0xFFFF  }
0x56: {  	[hbm:s8], [sflag:s13] =	dma.local [spmem:s14], $0x1400  }
0x57: {  	_ =	swait.ge [sflag:s11], $0x1400  }
0x58: {  	[sflag:s11] =	ssyncset.done $0x0  }
0x59: {  	s20 =	simm.s32 $0x0;
	[sflag:s11] =	ssyncadd.s32 $0xFFFFEC00  }
0x5a: {  	v8 =	vld [tilespmem:s20+$0x2870]  }
0x5b: {  	v10 =	vld [tilespmem:s20+$0x2810]  }
0x5c: {  	v12 =	vld [tilespmem:s20+$0x2830];
	_ =	sdelay $0x1  }
0x5d: {  	v9 =	vld [tilespmem:s20+$0x2800]  }
0x5e: {  	v11 =	vld [tilespmem:s20+$0x2820]  }
0x5f: {  	v13 =	vld [tilespmem:s20+$0x2840];
	v14 =	vadd.s32 $0xFFFFD800, v8;
	v8 =	vadd.s32 $0xFFFFEC00, v8;
	v16 =	vadd.s32 $0xFFFFD800, v10  }
0x60: {  	v15 =	vld [tilespmem:s20+$0x2850];
	v10 =	vadd.s32 $0xFFFFEC00, v10;
	v18 =	vadd.s32 $0xFFFFD800, v12;
	vm0 =	vlt.u32 v14, $0xFFFFEC00  }
0x61: {  	v12 =	vadd.s32 $0xFFFFEC00, v12;
	v14 =	vld [tilespmem:s20+$0x2860];
	vm1 =	vlt.u32 v16, $0xFFFFEC00;
	v8 =	vsel vm0, v7, v8  }
0x62: {  	vm3 =	vlt.u32 v18, $0xFFFFEC00;
	v10 =	vsel vm1, v1, v10;
	[tilespmem:s20+$0x5070] =	vst v8;
	v8 =	vadd.s32 $0xFFFFD800, v9  }
0x63: {  	s19 =	simm.s32 $0x80;
	vm0 =	vlt.u32 v8, $0xFFFFEC00;
	v8 =	vadd.s32 $0xFFFFEC00, v9;
	v9 =	vadd.s32 $0xFFFFD800, v11  }
0x64: {  	v63 =	vsel vm3, v3, v12;
	v17 =	vld [tilespmem:s19+$0x2870];
	v11 =	vadd.s32 $0xFFFFEC00, v11;
	vm2 =	vlt.u32 v9, $0xFFFFEC00  }
0x65: {  	v16 =	vld [tilespmem:s19+$0x2800];
	v9 =	vadd.s32 $0xFFFFD800, v13;
	v20 =	vsel vm0, v0, v8;
	v13 =	vadd.s32 $0xFFFFEC00, v13  }
0x66: {  	v19 =	vld [tilespmem:s19+$0x2810];
	vm0 =	vlt.u32 v9, $0xFFFFEC00;
	v9 =	vadd.s32 $0xFFFFD800, v15;
	v62 =	vadd.s32 $0xFFFFD800, v14  }
0x67: {  	v18 =	vld [tilespmem:s19+$0x2820];
	v15 =	vadd.s32 $0xFFFFEC00, v15;
	v14 =	vadd.s32 $0xFFFFEC00, v14;
	v11 =	vsel vm2, v2, v11  }
0x68: {  	v8 =	vld [tilespmem:s19+$0x2830];
	[tilespmem:s20+$0x5000] =	vst v20;
	vm4 =	vlt.u32 v9, $0xFFFFEC00;
	vm1 =	vlt.u32 v62, $0xFFFFEC00;
	v21 =	vsel vm0, v4, v13  }
0x69: {  	v9 =	vld [tilespmem:s19+$0x2840];
	[tilespmem:s20+$0x5010] =	vst v10;
	v22 =	vsel vm4, v5, v15;
	v12 =	vsel vm1, v6, v14;
	v13 =	vadd.s32 $0xFFFFD800, v17  }
0x6a: {  	v10 =	vld [tilespmem:s19+$0x2850];
	[tilespmem:s20+$0x5020] =	vst v11;
	v14 =	vadd.s32 $0xFFFFD800, v16;
	v15 =	vadd.s32 $0xFFFFEC00, v17;
	vm1 =	vlt.u32 v13, $0xFFFFEC00  }
0x6b: {  	v11 =	vld [tilespmem:s19+$0x2860];
	[tilespmem:s20+$0x5030] =	vst v63;
	vm0 =	vlt.u32 v14, $0xFFFFEC00;
	v14 =	vadd.s32 $0xFFFFD800, v19;
	v15 =	vsel vm1, v7, v15  }
0x6c: {  	v13 =	vadd.s32 $0xFFFFEC00, v16;
	v16 =	vadd.s32 $0xFFFFD800, v18;
	vm1 =	vlt.u32 v14, $0xFFFFEC00;
	[tilespmem:s19+$0x5070] =	vst v15  }
0x6d: {  	v14 =	vadd.s32 $0xFFFFEC00, v19;
	vm2 =	vlt.u32 v16, $0xFFFFEC00;
	v16 =	vadd.s32 $0xFFFFD800, v8;
	[tilespmem:s20+$0x5040] =	vst v21  }
0x6e: {  	s21 =	simm.s32 $0x100;
	s22 =	simm.s32 $0x600;
	v15 =	vadd.s32 $0xFFFFEC00, v18;
	vm3 =	vlt.u32 v16, $0xFFFFEC00;
	v16 =	vadd.s32 $0xFFFFD800, v9;
	[tilespmem:s20+$0x5050] =	vst v22  }
.LBB2_6:
0x6f: {  	p0 =	sne.s32 s22, $0x9E00;
	v17 =	vld [tilespmem:s21+$0x2870];
	v18 =	vadd.s32 $0xFFFFEC00, v8;
	vm4 =	vlt.u32 v16, $0xFFFFEC00;
	v8 =	vadd.s32 $0xFFFFD800, v10;
	[tilespmem:s20+$0x5060] =	vst v12;
	s20 =	smov.u32 s19;
	s19 =	smov.u32 s21  }
0x70: {  	v9 =	vadd.s32 $0xFFFFEC00, v9;
	v16 =	vld [tilespmem:s19+$0x2800];
	vm5 =	vlt.u32 v8, $0xFFFFEC00;
	v8 =	vadd.s32 $0xFFFFD800, v11  }
0x71: {  	v10 =	vadd.s32 $0xFFFFEC00, v10;
	v11 =	vadd.s32 $0xFFFFEC00, v11;
	v19 =	vld [tilespmem:s19+$0x2810];
	vm6 =	vlt.u32 v8, $0xFFFFEC00  }
0x72: {  	v12 =	vsel vm0, v0, v13;
	v13 =	vsel vm1, v1, v14;
	v14 =	vsel vm2, v2, v15;
	v20 =	vld [tilespmem:s19+$0x2820]  }
0x73: {  	v15 =	vsel vm3, v3, v18;
	v18 =	vsel vm4, v4, v9;
	v21 =	vsel vm5, v5, v10;
	v8 =	vld [tilespmem:s19+$0x2830];
	[tilespmem:s20+$0x5000] =	vst v12  }
0x74: {  	v12 =	vsel vm6, v6, v11;
	v9 =	vld [tilespmem:s19+$0x2840];
	v22 =	vadd.s32 $0xFFFFD800, v17;
	[tilespmem:s20+$0x5010] =	vst v13  }
.Ltmp2:
0x75: {  	v13 =	vadd.s32 $0xFFFFEC00, v17;
	v11 =	vadd.s32 $0xFFFFD800, v16;
	v10 =	vld [tilespmem:s19+$0x2850];
	vm1 =	vlt.u32 v22, $0xFFFFEC00;
	[tilespmem:s20+$0x5020] =	vst v14;
	(pc) =	sbr.rel @p0 .LBB2_6-.Ltmp2, $4  }
0x76: {  	vm0 =	vlt.u32 v11, $0xFFFFEC00;
	v14 =	vadd.s32 $0xFFFFD800, v19;
	v11 =	vld [tilespmem:s19+$0x2860];
	v17 =	vsel vm1, v7, v13;
	[tilespmem:s20+$0x5030] =	vst v15  }
0x77: {  	v13 =	vadd.s32 $0xFFFFEC00, v16;
	vm1 =	vlt.u32 v14, $0xFFFFEC00;
	v15 =	vadd.s32 $0xFFFFD800, v20;
	[tilespmem:s19+$0x5070] =	vst v17  }
0x78: {  	v14 =	vadd.s32 $0xFFFFEC00, v19;
	vm2 =	vlt.u32 v15, $0xFFFFEC00;
	v16 =	vadd.s32 $0xFFFFD800, v8;
	[tilespmem:s20+$0x5040] =	vst v18  }
0x79: {  	s21 =	sshra.s32 s22, $0x2;
	s22 =	sadd.s32 $0x200, s22;
	v15 =	vadd.s32 $0xFFFFEC00, v20;
	vm3 =	vlt.u32 v16, $0xFFFFEC00;
	v16 =	vadd.s32 $0xFFFFD800, v9;
	[tilespmem:s20+$0x5050] =	vst v21  }
0x7a: {  	v17 =	vld [tilespmem:s21+$0x2870];
	[tilespmem:s20+$0x5060] =	vst v12  }
0x7b: {  	v13 =	vsel vm0, v0, v13;
	v8 =	vadd.s32 $0xFFFFEC00, v8;
	v12 =	vld [tilespmem:s21+$0x2800]  }
0x7c: {  	vm5 =	vlt.u32 v16, $0xFFFFEC00;
	v42 =	vadd.s32 $0xFFFFD800, v10;
	v14 =	vsel vm1, v1, v14;
	v18 =	vld [tilespmem:s21+$0x2810]  }
0x7d: {  	v9 =	vadd.s32 $0xFFFFEC00, v9;
	v45 =	vadd.s32 $0xFFFFEC00, v10;
	v47 =	vsel vm2, v2, v15;
	v19 =	vld [tilespmem:s21+$0x2820]  }
0x7e: {  	v20 =	vld [tilespmem:s21+$0x2830];
	[tilespmem:s19+$0x5000] =	vst v13;
	vm6 =	vlt.u32 v42, $0xFFFFEC00;
	v44 =	vadd.s32 $0xFFFFD800, v11;
	v46 =	vadd.s32 $0xFFFFEC00, v11  }
0x7f: {  	v8 =	vsel vm3, v3, v8;
	v9 =	vsel vm5, v4, v9;
	v43 =	vld [tilespmem:s21+$0x2840];
	[tilespmem:s19+$0x5010] =	vst v14;
	v49 =	vadd.s32 $0xFFFFD800, v17  }
0x80: {  	vm7 =	vlt.u32 v44, $0xFFFFEC00;
	v48 =	vld [tilespmem:s21+$0x2850];
	[tilespmem:s19+$0x5020] =	vst v47;
	v50 =	vadd.s32 $0xFFFFEC00, v17;
	vm8 =	vlt.u32 v49, $0xFFFFEC00  }
0x81: {  	v10 =	vsel vm6, v5, v45;
	v51 =	vld [tilespmem:s21+$0x2860];
	[tilespmem:s19+$0x5030] =	vst v8;
	v8 =	vsel vm7, v6, v46;
	v14 =	vsel vm8, v7, v50  }
0x82: {  	v52 =	vadd.s32 $0xFFFFD800, v12;
	v53 =	vadd.s32 $0xFFFFD800, v18;
	v12 =	vadd.s32 $0xFFFFEC00, v12;
	[tilespmem:s21+$0x5070] =	vst v14  }
0x83: {  	v54 =	vadd.s32 $0xFFFFD800, v19;
	v55 =	vadd.s32 $0xFFFFEC00, v18;
	v56 =	vadd.s32 $0xFFFFD800, v20;
	[tilespmem:s19+$0x5040] =	vst v9  }
0x84: {  	v57 =	vadd.s32 $0xFFFFEC00, v19;
	v59 =	vadd.s32 $0xFFFFEC00, v20;
	vm9 =	vlt.u32 v52, $0xFFFFEC00;
	[tilespmem:s19+$0x5050] =	vst v10  }
0x85: {  	vm10 =	vlt.u32 v53, $0xFFFFEC00;
	vm11 =	vlt.u32 v54, $0xFFFFEC00;
	[tilespmem:s19+$0x5060] =	vst v8;
	v8 =	vsel vm9, v0, v12  }
0x86: {  	vm12 =	vlt.u32 v56, $0xFFFFEC00;
	v58 =	vadd.s32 $0xFFFFD800, v43;
	v9 =	vsel vm10, v1, v55;
	[tilespmem:s21+$0x5000] =	vst v8  }
0x87: {  	v60 =	vadd.s32 $0xFFFFEC00, v43;
	vm13 =	vlt.u32 v58, $0xFFFFEC00;
	v10 =	vsel vm11, v2, v57;
	[tilespmem:s21+$0x5010] =	vst v9  }
0x88: {  	v62 =	vadd.s32 $0xFFFFEC00, v48;
	v8 =	vadd.s32 $0xFFFFD800, v48;
	[tilespmem:s21+$0x5020] =	vst v10;
	v9 =	vsel vm13, v4, v60  }
0x89: {  	v61 =	vadd.s32 $0xFFFFD800, v51;
	vm14 =	vlt.u32 v8, $0xFFFFEC00;
	v8 =	vsel vm12, v3, v59;
	[tilespmem:s21+$0x5040] =	vst v9  }
0x8a: {  	vm15 =	vlt.u32 v61, $0xFFFFEC00;
	[tilespmem:s21+$0x5030] =	vst v8;
	v8 =	vadd.s32 $0xFFFFEC00, v51;
	v63 =	vsel vm14, v5, v62  }
0x8b: {  	v8 =	vsel vm15, v6, v8;
	[tilespmem:s21+$0x5050] =	vst v63  }
0x8c: {  	[tilespmem:s21+$0x5060] =	vst v8  }
0x8d: {  	[spmem:s14], [sflag:s13] =	dma.local [hbm:s5], $0x1400  }
0x8e: {  	_ =	swait.ge [sflag:s11], $0x1400  }
0x8f: {  	[sflag:s11] =	ssyncset.done $0x0  }
0x90: {  	[sflag:s11] =	ssyncadd.s32 $0xFFFFEC00  }
0x91: {  	s30 =	simm.s32 $0x0;
	[bflag:$0x0] =	sbarrier.arrive $0xFFFF  }
0x92: {  	[tilespmem:s16], [sflag:$0x1] =	stream.indirect.gather [hbm4b:s2+s15], $0x80, s30, s15, $0xb8;
	[tilespmem:$0x15C00] =	vst v63  }
0x93: {  	_ =	swait.ge [sflag:s17], $0x4000  }
0x94: {  	[sflag:s17] =	ssyncset.done $0x0  }
0x95: {  	s31 =	simm.s32 $0x5000;
	[sflag:s17] =	ssyncadd.s32 $0xFFFFC000  }
0x96: {  	[spmem:s3] =	stream.indirect.scatter.add.f32 [tilespmem:s16], [sflag:$0x2], $0x80, s31, s15, $0xb8;
	[tilespmem:$0x15C00] =	vst v63  }
0x97: {  	_ =	swait.ge [sflag:s11], $0x4000  }
0x98: {  	s20 =	simm.s32 $0x400;
	s19 =	simm.s32 $0x200;
	[sflag:s11] =	ssyncset.done $0x0  }
.LBB2_8:
0x99: {  	s21 =	sshra.s32 s19, $0x2  }
0x9a: {  	[sflag:s11] =	ssyncadd.s32 $0xFFFFC000;
	s19 =	smov.u32 s20;
	s22 =	sadd.s32 $0x200, s20  }
0x9b: {  	[tilespmem:s16], [sflag:$0x1] =	stream.indirect.gather [hbm4b:s2+s15], $0x80, s21, s15, $0xb8;
	[tilespmem:$0x15C00] =	vst v63  }
0x9c: {  	p0 =	sne.s32 s20, $0x9E00;
	_ =	swait.ge [sflag:s17], $0x4000  }
.Ltmp3:
0x9d: {  	[sflag:s17] =	ssyncset.done $0x0;
	(pc) =	sbr.rel @p0 .LBB2_8-.Ltmp3, $4  }
0x9e: {  	s20 =	sadd.s32 $0x5000, s21;
	[sflag:s17] =	ssyncadd.s32 $0xFFFFC000  }
0x9f: {  	[spmem:s3] =	stream.indirect.scatter.add.f32 [tilespmem:s16], [sflag:$0x2], $0x80, s20, s15, $0xb8;
	[tilespmem:$0x15C00] =	vst v63  }
0xa0: {  	_ =	swait.ge [sflag:s11], $0x4000  }
0xa1: {  	s20 =	smov.u32 s22;
	[sflag:s11] =	ssyncset.done $0x0  }
0xa2: {  	s19 =	sshra.s32 s19, $0x2;
	[sflag:s11] =	ssyncadd.s32 $0xFFFFC000  }
0xa3: {  	[tilespmem:s16], [sflag:$0x1] =	stream.indirect.gather [hbm4b:s2+s15], $0x80, s19, s15, $0xb8;
	[tilespmem:$0x15C00] =	vst v63  }
0xa4: {  	_ =	swait.ge [sflag:s17], $0x4000  }
0xa5: {  	[sflag:s17] =	ssyncset.done $0x0  }
0xa6: {  	s19 =	sadd.s32 $0x5000, s19;
	[sflag:s17] =	ssyncadd.s32 $0xFFFFC000  }
0xa7: {  	[spmem:s3] =	stream.indirect.scatter.add.f32 [tilespmem:s16], [sflag:$0x2], $0x80, s19, s15, $0xb8;
	[tilespmem:$0x15C00] =	vst v63  }
0xa8: {  	_ =	swait.ge [sflag:s11], $0x4000  }
0xa9: {  	s18 =	sadd.s32 $0x1, s18;
	[sflag:s11] =	ssyncset.done $0x0  }
0xaa: {  	p0 =	sne.s32 s18, s10;
	[sflag:s11] =	ssyncadd.s32 $0xFFFFC000  }
.Ltmp4:
0xab: {  	[bflag:$0x0] =	sbarrier.arrive $0xFFFF;
	(pc) =	sbr.rel @p0 .LBB2_1-.Ltmp4, $4  }
0xac: {  	[hbm:s9], [sflag:s13] =	dma.local [spmem:s14], $0x1400  }
0xad: {  	_ =	swait.ge [sflag:s11], $0x1400  }
0xae: {  	[sflag:s11] =	ssyncset.done $0x0  }
0xaf: {  	[sflag:s11] =	ssyncadd.s32 $0xFFFFEC00  }
0xb0: {  	_ =	sfence.sel $0x180000  }
0xb1: {  	[bflag:$0x0] =	sbarrier.arrive $0xFFFF  }
0xb2: {  	p0 =	sne.s32 s0, $0x0;
	_ =	strace $0x90000050  }
0xb3: {  	s0 =	sadd.s32 @!p0 $0x100000, s1;
	[bflag:$0x2] =	sbarrier.arrive $0xFFFF  }
0xb4: {  	[sflag:s0] =	ssyncadd.tile.s32 @!p0 $0x1;
	_ =	shalt  }
.Lfunc_end2:
_tile_overlayer_lowered:
.L_overlay_start_2:
0xb5: {  	(tag) =	ssettag $0x2  }
0xb6: {  	s0 =	rddreg [dreg:$0x0];
	s2 =	stileid.u32  }
0xb7: {  	s1 =	rddreg [dreg:$0x1];
	p0 =	sne.s32 s2, $0x0  }
0xb8: {  	s3 =	rddreg [dreg:$0x2];
	[bflag:$0x3] =	sbarrier.arrive $0xFFFF;
	s2 =	simm.s32 @!p0 $0x1C02  }
0xb9: {  	[timem:s3], [sflag:s2] =	dma.local @!p0 [hbm:s0], s1  }
0xba: {  	s0 =	simm.s32 @!p0 $0x2  }
0xbb: {  	_ =	swait.ge @!p0 [sflag:s0], s1  }
0xbc: {  	s1 =	ssub.s32 @!p0 $0x0, s1;
	[sflag:s0] =	ssyncset.done @!p0 $0x0  }
0xbd: {  	[sflag:s0] =	ssyncadd.s32 @!p0 s1  }
0xbe: {  	[bflag:$0x3] =	sbarrier.arrive $0xFFFF  }
0xbf: {  	_ =	shalt  }

</sc_bundles>
